<compile_context>
chip_gen: v7x
topology: tpu7x:2x2x1
jax: 0.10.2.dev20260603
libtpu: 0.0.44.dev20260713+nightly
codegen_flags: <defaults>
</compile_context>

<pallas_src>
import functools

import jax
import jax.numpy as jnp
from jax import lax
from jax.experimental import pallas as pl
from jax.experimental.pallas import tpu as pltpu
from jax.experimental.pallas import tpu_sc as plsc

H = 256
HH = 128
CE = 512
CHUNK = 128
NTILES = 32


def _silu(x):
    return x * jax.nn.sigmoid(x)


def _node_pre_kernel(nf_ref, w1_ref, b1_ref, alo_ref, ahi_ref, blo_ref,
                     bhi_ref):
    nf = nf_ref[...].astype(jnp.bfloat16)
    w = w1_ref[...].astype(jnp.bfloat16)
    a = jnp.dot(nf, w[0], preferred_element_type=jnp.float32) + b1_ref[...]
    b = jnp.dot(nf, w[1], preferred_element_type=jnp.float32)
    alo_ref[...] = a[:, :HH]
    ahi_ref[...] = a[:, HH:]
    blo_ref[...] = b[:, :HH]
    bhi_ref[...] = b[:, HH:]


def _node_pre(nf, w12, b1, bn):
    n = nf.shape[0]
    grid = n // bn
    outs = [jax.ShapeDtypeStruct((n, HH), jnp.float32)] * 4
    return pl.pallas_call(
        _node_pre_kernel,
        grid=(grid,),
        in_specs=[
            pl.BlockSpec((bn, H), lambda i: (i, 0)),
            pl.BlockSpec((2, H, H), lambda i: (0, 0, 0)),
            pl.BlockSpec((1, H), lambda i: (0, 0)),
        ],
        out_specs=[pl.BlockSpec((bn, HH), lambda i: (i, 0))] * 4,
        out_shape=outs,
    )(nf, w12, b1)


K2C = 64


def _make_gather_kernel(n_pad, e_pad):
    per_tile = e_pad // NTILES
    n_chunks = per_tile // K2C
    mesh = plsc.VectorSubcoreMesh(core_axis_name="c", subcore_axis_name="s")

    @functools.partial(
        pl.kernel,
        out_type=[
            jax.ShapeDtypeStruct((e_pad, HH), jnp.float32),
            jax.ShapeDtypeStruct((e_pad, HH), jnp.float32),
            jax.ShapeDtypeStruct((e_pad * 8,), jnp.float32),
            jax.ShapeDtypeStruct((e_pad,), jnp.float32),
        ],
        mesh=mesh,
        compiler_params=pltpu.CompilerParams(needs_layout_passes=False,
                                             use_tc_tiling_on_sc=False),
        scratch_types=(
            [pltpu.VMEM((K2C, HH), jnp.float32)] * 8 +
            [pltpu.VMEM((K2C,), jnp.int32)] * 4 +
            [pltpu.VMEM((n_pad,), jnp.float32)] * 3 +
            [pltpu.VMEM((K2C,), jnp.float32)] * 2 +
            [pltpu.VMEM((K2C * 8,), jnp.float32)] * 2 +
            [pltpu.SemaphoreType.DMA] * 20
        ),
    )
    def k2(alo_hbm, ahi_hbm, blo_hbm, bhi_hbm, row_hbm, col_hbm,
           px_hbm, py_hbm, pz_hbm,
           slo_hbm, shi_hbm, d4_hbm, dist_hbm,
           arl0, arh0, brl0, brh0, arl1, arh1, brl1, brh1,
           rowi0, coli0, rowi1, coli1, px, py, pz, db0, db1, d4b0, d4b1,
           sir0, sic0, sir1, sic1,
           sg00, sg01, sg02, sg03, sg10, sg11, sg12, sg13,
           sw00, sw01, sw02, sw03, sw10, sw11, sw12, sw13):
        wid = lax.axis_index("s") * 2 + lax.axis_index("c")
        pltpu.sync_copy(px_hbm, px)
        pltpu.sync_copy(py_hbm, py)
        pltpu.sync_copy(pz_hbm, pz)
        arl = (arl0, arl1)
        arh = (arh0, arh1)
        brl = (brl0, brl1)
        brh = (brh0, brh1)
        rowi = (rowi0, rowi1)
        coli = (coli0, coli1)
        db = (db0, db1)
        d4b = (d4b0, d4b1)
        sir = (sir0, sir1)
        sic = (sic0, sic1)
        sg = ((sg00, sg01, sg02, sg03), (sg10, sg11, sg12, sg13))
        sw = ((sw00, sw01, sw02, sw03), (sw10, sw11, sw12, sw13))
        zero16 = jnp.zeros((16,), jnp.float32)
        lane = lax.iota(jnp.int32, 16)

        def _zero(i, _):
            d4b0[pl.ds(i * 16, 16)] = zero16
            d4b1[pl.ds(i * 16, 16)] = zero16
            return 0

        lax.fori_loop(0, K2C * 8 // 16, _zero, 0)

        def base_of(g):
            return wid * per_tile + g * K2C

        def issue_idx(g, p):
            base = base_of(g)
            pltpu.async_copy(row_hbm.at[pl.ds(base, K2C)], rowi[p], sir[p])
            pltpu.async_copy(col_hbm.at[pl.ds(base, K2C)], coli[p], sic[p])

        def wait_idx(g, p):
            base = base_of(g)
            pltpu.make_async_copy(row_hbm.at[pl.ds(base, K2C)], rowi[p],
                                  sir[p]).wait()
            pltpu.make_async_copy(col_hbm.at[pl.ds(base, K2C)], coli[p],
                                  sic[p]).wait()

        def issue_gather(p):
            pltpu.async_copy(alo_hbm.at[rowi[p]], arl[p], sg[p][0])
            pltpu.async_copy(ahi_hbm.at[rowi[p]], arh[p], sg[p][1])
            pltpu.async_copy(blo_hbm.at[coli[p]], brl[p], sg[p][2])
            pltpu.async_copy(bhi_hbm.at[coli[p]], brh[p], sg[p][3])

        def wait_gather(p):
            pltpu.make_async_copy(alo_hbm.at[rowi[p]], arl[p], sg[p][0]).wait()
            pltpu.make_async_copy(ahi_hbm.at[rowi[p]], arh[p], sg[p][1]).wait()
            pltpu.make_async_copy(blo_hbm.at[coli[p]], brl[p], sg[p][2]).wait()
            pltpu.make_async_copy(bhi_hbm.at[coli[p]], brh[p], sg[p][3]).wait()

        def issue_writes(g, p):
            base = base_of(g)
            pltpu.async_copy(arl[p], slo_hbm.at[pl.ds(base, K2C), :], sw[p][0])
            pltpu.async_copy(arh[p], shi_hbm.at[pl.ds(base, K2C), :], sw[p][1])
            pltpu.async_copy(d4b[p], d4_hbm.at[pl.ds(base * 8, K2C * 8)],
                             sw[p][2])
            pltpu.async_copy(db[p], dist_hbm.at[pl.ds(base, K2C)], sw[p][3])

        def wait_writes(g, p):
            base = base_of(g)
            pltpu.make_async_copy(arl[p], slo_hbm.at[pl.ds(base, K2C), :],
                                  sw[p][0]).wait()
            pltpu.make_async_copy(arh[p], shi_hbm.at[pl.ds(base, K2C), :],
                                  sw[p][1]).wait()
            pltpu.make_async_copy(d4b[p], d4_hbm.at[pl.ds(base * 8, K2C * 8)],
                                  sw[p][2]).wait()
            pltpu.make_async_copy(db[p], dist_hbm.at[pl.ds(base, K2C)],
                                  sw[p][3]).wait()

        def pos_compute(p):
            for j in range(K2C // 16):
                r16 = rowi[p][pl.ds(j * 16, 16)]
                c16 = coli[p][pl.ds(j * 16, 16)]
                dx = (plsc.load_gather(px, [r16]) - plsc.load_gather(px, [c16]))
                dy = (plsc.load_gather(py, [r16]) - plsc.load_gather(py, [c16]))
                dz = (plsc.load_gather(pz, [r16]) - plsc.load_gather(pz, [c16]))
                db[p][pl.ds(j * 16, 16)] = dx * dx + dy * dy + dz * dz
                flat = lane * 8 + (j * 16) * 8
                plsc.store_scatter(d4b[p], [flat], dx)
                plsc.store_scatter(d4b[p], [flat + 1], dy)
                plsc.store_scatter(d4b[p], [flat + 2], dz)

        def add_rows(p):
            def add_row(r, _):
                for f in range(HH // 16):
                    sl = pl.ds(f * 16, 16)
                    arl[p][r, sl] = arl[p][r, sl] + brl[p][r, sl]
                    arh[p][r, sl] = arh[p][r, sl] + brh[p][r, sl]
                return 0

            lax.fori_loop(0, K2C, add_row, 0)

        issue_idx(0, 0)
        issue_idx(1, 1)
        wait_idx(0, 0)
        issue_gather(0)

        def body(g2, _):
            for p in range(2):
                g = g2 * 2 + p
                q = 1 - p
                pos_compute(p)
                if p == 0:
                    wait_idx(g + 1, q)

                    @pl.when(g2 > 0)
                    def _():
                        wait_writes(g - 1, q)

                    issue_gather(q)
                else:
                    @pl.when(g2 < n_chunks // 2 - 1)
                    def _():
                        wait_idx(g + 1, q)
                        wait_writes(g - 1, q)
                        issue_gather(q)
                wait_gather(p)
                add_rows(p)

                @pl.when(g2 < n_chunks // 2 - 1)
                def _():
                    issue_idx(g + 2, p)

                issue_writes(g, p)
            return 0

        lax.fori_loop(0, n_chunks // 2, body, 0)
        wait_writes(n_chunks - 2, 0)
        wait_writes(n_chunks - 1, 1)

    return k2


def _edge_kernel(slo_ref, shi_ref, eaT_ref, w1c_ref, w2_ref, b2_ref,
                 pw1_ref, pb1_ref, pw2_ref, pb2_ref,
                 mlo_ref, mhi_ref, pb_ref):
    bf = jnp.bfloat16
    s = jnp.concatenate([slo_ref[...], shi_ref[...]], axis=1)
    ea_proj = lax.dot_general(eaT_ref[...].astype(bf),
                              w1c_ref[...].astype(bf),
                              (((0,), (0,)), ((), ())),
                              preferred_element_type=jnp.float32)
    h1 = _silu(s + ea_proj)
    msg = _silu(jnp.dot(h1.astype(bf), w2_ref[...].astype(bf),
                        preferred_element_type=jnp.float32) + b2_ref[...])
    ph = _silu(jnp.dot(msg.astype(bf), pw1_ref[...].astype(bf),
                       preferred_element_type=jnp.float32) + pb1_ref[...])
    p = jnp.dot(ph.astype(bf), pw2_ref[...].astype(bf),
                preferred_element_type=jnp.float32) + pb2_ref[0, 0]
    mlo_ref[...] = msg[:, :HH]
    mhi_ref[...] = msg[:, HH:]
    pb_ref[...] = jnp.broadcast_to(p, (p.shape[0], HH))


def _edge_mlp(slo, shi, eaT, w1c, w2, b2, pw1, pb1, pw2, pb2):
    E = slo.shape[0]
    grid = E // CE
    return pl.pallas_call(
        _edge_kernel,
        grid=(grid,),
        in_specs=[
            pl.BlockSpec((CE, HH), lambda i: (i, 0)),
            pl.BlockSpec((CE, HH), lambda i: (i, 0)),
            pl.BlockSpec((24, CE), lambda i: (0, i)),
            pl.BlockSpec((24, H), lambda i: (0, 0)),
            pl.BlockSpec((H, H), lambda i: (0, 0)),
            pl.BlockSpec((1, H), lambda i: (0, 0)),
            pl.BlockSpec((H, H), lambda i: (0, 0)),
            pl.BlockSpec((1, H), lambda i: (0, 0)),
            pl.BlockSpec((H, 1), lambda i: (0, 0)),
            pl.BlockSpec((1, 1), lambda i: (0, 0), memory_space=pltpu.SMEM),
        ],
        out_specs=[
            pl.BlockSpec((CE, HH), lambda i: (i, 0)),
            pl.BlockSpec((CE, HH), lambda i: (i, 0)),
            pl.BlockSpec((CE, HH), lambda i: (i, 0)),
        ],
        out_shape=[
            jax.ShapeDtypeStruct((E, HH), jnp.float32),
            jax.ShapeDtypeStruct((E, HH), jnp.float32),
            jax.ShapeDtypeStruct((E, HH), jnp.float32),
        ],
    )(slo, shi, eaT, w1c, w2, b2, pw1, pb1, pw2, pb2)


K4C = 64


def _make_scatter_kernel(n_pad, e_pad):
    per_tile = e_pad // 16
    n_chunks = per_tile // K4C
    rows_per_tile = n_pad // 16
    np16 = n_pad // 16
    prow_per_tile = np16 // 16
    mesh = plsc.VectorSubcoreMesh(core_axis_name="c", subcore_axis_name="s")

    @functools.partial(
        pl.kernel,
        out_type=[
            jax.ShapeDtypeStruct((n_pad, HH), jnp.float32),
            jax.ShapeDtypeStruct((n_pad, HH), jnp.float32),
            jax.ShapeDtypeStruct((np16, HH), jnp.float32),
        ],
        mesh=mesh,
        compiler_params=pltpu.CompilerParams(needs_layout_passes=False,
                                             use_tc_tiling_on_sc=False),
        scratch_types=[
            pltpu.VMEM((K4C, HH), jnp.float32),
            pltpu.VMEM((K4C, HH), jnp.float32),
            pltpu.VMEM((K4C, 16), jnp.float32),
            pltpu.VMEM((K4C, 16), jnp.float32),
            pltpu.VMEM((K4C * 8,), jnp.float32),
            pltpu.VMEM((K4C * 8,), jnp.float32),
            pltpu.VMEM((K4C,), jnp.int32),
            pltpu.VMEM((K4C,), jnp.int32),
            pltpu.VMEM((K4C,), jnp.int32),
            pltpu.VMEM((K4C,), jnp.int32),
            pltpu.VMEM((K4C, HH), jnp.float32),
            pltpu.VMEM_SHARED((n_pad, HH), jnp.float32),
            pltpu.VMEM_SHARED((n_pad // 16, HH), jnp.float32),
            pltpu.SemaphoreType.DMA,
            pltpu.SemaphoreType.DMA,
            pltpu.SemaphoreType.DMA,
            pltpu.SemaphoreType.DMA,
            pltpu.SemaphoreType.DMA,
            pltpu.SemaphoreType.DMA,
            pltpu.SemaphoreType.DMA,
            pltpu.SemaphoreType.DMA,
        ],
    )
    def k4(mlo_hbm, mhi_hbm, pb_hbm, d4_hbm, row_hbm, zero_hbm,
           out0_hbm, out1_hbm, outp_hbm,
           m0, m1, pb0, pb1, d40, d41, r0, r1, ri, pri, upd, accm, accp,
           sm0, sm1, sp0, sp1, sd0, sd1, sr0, sr1):
        cid = lax.axis_index("c")
        sid = lax.axis_index("s")
        mb = (m0, m1)
        pbb = (pb0, pb1)
        d4b = (d40, d41)
        rb = (r0, r1)
        sems_m = (sm0, sm1)
        sems_p = (sp0, sp1)
        sems_d = (sd0, sd1)
        sems_r = (sr0, sr1)
        rbase = sid * rows_per_tile
        rall = pl.ds(rbase, rows_per_tile)
        pltpu.sync_copy(zero_hbm.at[rall, :], accm.at[rall, :])
        pltpu.sync_copy(zero_hbm.at[pl.ds(sid * prow_per_tile, prow_per_tile), :],
                        accp.at[pl.ds(sid * prow_per_tile, prow_per_tile), :])
        zero16 = jnp.zeros((16,), jnp.float32)
        one16 = jnp.ones((16,), jnp.float32)
        lane = lax.iota(jnp.int32, 16)

        def _zupd(i, _):
            for f in range(HH // 16):
                upd[i, pl.ds(f * 16, 16)] = zero16
            return 0

        lax.fori_loop(0, K4C, _zupd, 0)
        plsc.subcore_barrier()

        def _issue(g, p2):
            base = sid * per_tile + g * K4C

            @pl.when(cid == 0)
            def _():
                pltpu.async_copy(mlo_hbm.at[pl.ds(base, K4C), :],
                                 mb[p2], sems_m[p2])
                pltpu.async_copy(pb_hbm.at[pl.ds(base, K4C), pl.ds(0, 16)],
                                 pbb[p2], sems_p[p2])
                pltpu.async_copy(d4_hbm.at[pl.ds(base * 8, K4C * 8)],
                                 d4b[p2], sems_d[p2])

            @pl.when(cid == 1)
            def _():
                pltpu.async_copy(mhi_hbm.at[pl.ds(base, K4C), :],
                                 mb[p2], sems_m[p2])

            pltpu.async_copy(row_hbm.at[pl.ds(base, K4C)], rb[p2],
                             sems_r[p2])

        def _wait(g, p2):
            base = sid * per_tile + g * K4C
            pltpu.make_async_copy(mlo_hbm.at[pl.ds(base, K4C), :],
                                  mb[p2], sems_m[p2]).wait()
            pltpu.make_async_copy(row_hbm.at[pl.ds(base, K4C)], rb[p2],
                                  sems_r[p2]).wait()

            @pl.when(cid == 0)
            def _():
                pltpu.make_async_copy(pb_hbm.at[pl.ds(base, K4C), pl.ds(0, 16)],
                                      pbb[p2], sems_p[p2]).wait()
                pltpu.make_async_copy(d4_hbm.at[pl.ds(base * 8, K4C * 8)],
                                      d4b[p2], sems_d[p2]).wait()

        _issue(0, 0)

        def body(g2, _):
            for p2 in range(2):
                g = g2 * 2 + p2
                _wait(g, p2)
                if p2 == 0:
                    _issue(g + 1, 1)
                else:
                    @pl.when(g2 < n_chunks // 2 - 1)
                    def _():
                        _issue(g + 1, 0)
                for f in range(K4C // 16):
                    sl = pl.ds(f * 16, 16)
                    ri[sl] = rb[p2][sl]
                pltpu.sync_copy(mb[p2], accm.at[ri], add=True)

                @pl.when(cid == 0)
                def _():
                    zero_i = jnp.zeros((16,), jnp.int32)
                    for j in range(K4C // 16):
                        e16 = lane + (j * 16)
                        r16 = rb[p2][pl.ds(j * 16, 16)]
                        pri[pl.ds(j * 16, 16)] = r16 >> 4
                        ln = (r16 & 15) * 8
                        p16 = plsc.load_gather(pbb[p2], [e16, zero_i])
                        for c in range(3):
                            d16 = plsc.load_gather(d4b[p2], [e16 * 8 + c])
                            plsc.store_scatter(upd, [e16, ln + c], p16 * d16)
                        plsc.store_scatter(upd, [e16, ln + 3], one16)
                    pltpu.sync_copy(upd, accp.at[pri], add=True)
                    for j in range(K4C // 16):
                        e16 = lane + (j * 16)
                        r16 = rb[p2][pl.ds(j * 16, 16)]
                        ln = (r16 & 15) * 8
                        for c in range(4):
                            plsc.store_scatter(upd, [e16, ln + c], zero16)
            return 0

        lax.fori_loop(0, n_chunks // 2, body, 0)
        plsc.subcore_barrier()

        @pl.when(cid == 0)
        def _():
            pltpu.sync_copy(accm.at[rall, :], out0_hbm.at[rall, :])
            psl = pl.ds(sid * prow_per_tile, prow_per_tile)
            pltpu.sync_copy(accp.at[psl, :], outp_hbm.at[psl, :])

        @pl.when(cid == 1)
        def _():
            pltpu.sync_copy(accm.at[rall, :], out1_hbm.at[rall, :])

    return k4


def _node_post_kernel(nf_ref, a0_ref, a1_ref, ap_ref, posp_ref, velp_ref,
                      nfw1_ref, nfb1_ref, nfw2_ref, nfb2_ref,
                      vw1_ref, vb1_ref, vw2_ref, vb2_ref,
                      newf_ref, newp_ref):
    bf = jnp.bfloat16
    bn = nf_ref.shape[0]
    nf = nf_ref[...]
    apk = ap_ref[...]
    io_r = lax.broadcasted_iota(jnp.int32, (bn, bn // 16), 0) // 16
    io_c = lax.broadcasted_iota(jnp.int32, (bn, bn // 16), 1)
    sel = (io_r == io_c).astype(bf)
    rep = jnp.dot(sel, apk.astype(bf), preferred_element_type=jnp.float32)
    li = lax.broadcasted_iota(jnp.int32, (bn, HH), 1)
    ni = lax.broadcasted_iota(jnp.int32, (bn, HH), 0)
    cmask = (li == (ni % 16) * 8 + 3).astype(jnp.float32)
    ones_col = jnp.ones((HH, 1), bf)
    cnt_col = jnp.dot((rep * cmask).astype(bf), ones_col,
                      preferred_element_type=jnp.float32)
    cnt = jnp.maximum(cnt_col, 1.0)

    magg = jnp.concatenate([a0_ref[...], a1_ref[...]], axis=1) / cnt
    nfw = nfw1_ref[...].astype(bf)
    nf2_w1 = (jnp.dot(nf.astype(bf), nfw[0], preferred_element_type=jnp.float32)
              + jnp.dot(magg.astype(bf), nfw[1],
                        preferred_element_type=jnp.float32))
    hh = _silu(nf2_w1 + nfb1_ref[...])
    newf_ref[...] = jnp.dot(hh.astype(bf), nfw2_ref[...].astype(bf),
                            preferred_element_type=jnp.float32) + nfb2_ref[...]

    vh = _silu(jnp.dot(nf.astype(bf), vw1_ref[...].astype(bf),
                       preferred_element_type=jnp.float32) + vb1_ref[...])
    vf = jnp.dot(vh.astype(bf), vw2_ref[...].astype(bf),
                 preferred_element_type=jnp.float32) + vb2_ref[0, 0]
    tmask = (li // 8 == ni % 16).astype(jnp.float32)
    selT = (io_r == io_c).astype(bf).T
    vf_p = jnp.dot(selT, (vf * tmask).astype(bf),
                   preferred_element_type=jnp.float32)
    inv_p = jnp.dot(selT, (tmask / cnt).astype(bf),
                    preferred_element_type=jnp.float32)
    newp_ref[...] = posp_ref[...] + apk * inv_p + vf_p * velp_ref[...]


def _node_post(nf, a0, a1, accp, posp, velp, nfW1, nfb1, nfW2, nfb2,
               vW1, vb1, vW2, vb2, bn):
    n = nf.shape[0]
    grid = n // bn
    nfW1s = nfW1.reshape(2, H, H)
    return pl.pallas_call(
        _node_post_kernel,
        grid=(grid,),
        in_specs=[
            pl.BlockSpec((bn, H), lambda i: (i, 0)),
            pl.BlockSpec((bn, HH), lambda i: (i, 0)),
            pl.BlockSpec((bn, HH), lambda i: (i, 0)),
            pl.BlockSpec((bn // 16, HH), lambda i: (i, 0)),
            pl.BlockSpec((bn // 16, HH), lambda i: (i, 0)),
            pl.BlockSpec((bn // 16, HH), lambda i: (i, 0)),
            pl.BlockSpec((2, H, H), lambda i: (0, 0, 0)),
            pl.BlockSpec((1, H), lambda i: (0, 0)),
            pl.BlockSpec((H, H), lambda i: (0, 0)),
            pl.BlockSpec((1, H), lambda i: (0, 0)),
            pl.BlockSpec((H, H), lambda i: (0, 0)),
            pl.BlockSpec((1, H), lambda i: (0, 0)),
            pl.BlockSpec((H, 1), lambda i: (0, 0)),
            pl.BlockSpec((1, 1), lambda i: (0, 0), memory_space=pltpu.SMEM),
        ],
        out_specs=[
            pl.BlockSpec((bn, H), lambda i: (i, 0)),
            pl.BlockSpec((bn // 16, HH), lambda i: (i, 0)),
        ],
        out_shape=[
            jax.ShapeDtypeStruct((n, H), jnp.float32),
            jax.ShapeDtypeStruct((n // 16, HH), jnp.float32),
        ],
    )(nf, a0, a1, accp, posp, velp, nfW1s, nfb1, nfW2, nfb2,
      vW1, vb1, vW2, vb2)


def kernel(node_feat, node_pos, node_vel, edge_index, edge_attr, msg_W1,
           msg_b1, msg_W2, msg_b2, pos_W1, pos_b1, pos_W2, pos_b2, nf_W1,
           nf_b1, nf_W2, nf_b2, vel_W1, vel_b1, vel_W2, vel_b2):
    n = node_feat.shape[0]
    e = edge_index.shape[1]
    row = edge_index[0]
    col = edge_index[1]

    bn = 256
    n_pad = ((n + bn - 1) // bn) * bn
    step = NTILES * CHUNK
    e_pad = ((e + step - 1) // step) * step
    nfp = jnp.pad(node_feat, ((0, n_pad - n), (0, 0)))
    rowp = jnp.concatenate([row, jnp.full((e_pad - e,), n, jnp.int32)])
    colp = jnp.concatenate([col, jnp.full((e_pad - e,), n, jnp.int32)])

    w12 = jnp.stack([msg_W1[:H], msg_W1[H:2 * H]])
    alo, ahi, blo, bhi = _node_pre(nfp, w12, msg_b1[None, :], bn)

    posp = jnp.pad(node_pos, ((0, n_pad - n), (0, 0)))
    k2 = _make_gather_kernel(n_pad, e_pad)
    slo, shi, d4f, distE = k2(alo, ahi, blo, bhi, rowp, colp,
                              posp[:, 0], posp[:, 1], posp[:, 2])

    eaT = jnp.concatenate([
        jnp.pad(edge_attr.T, ((0, 0), (0, e_pad - e))),
        distE[None, :],
        jnp.zeros((7, e_pad), jnp.float32),
    ])
    w1c2 = jnp.concatenate([msg_W1[2 * H:2 * H + 17],
                            jnp.zeros((7, H), jnp.float32)])
    mlo, mhi, p_b = _edge_mlp(slo, shi, eaT, w1c2,
                              msg_W2, msg_b2[None, :], pos_W1,
                              pos_b1[None, :], pos_W2, pos_b2.reshape(1, 1))

    k4 = _make_scatter_kernel(n_pad, e_pad)
    zeros_acc = jnp.zeros((n_pad, HH), jnp.float32)
    a0, a1, accp = k4(mlo, mhi, p_b, d4f, rowp, zeros_acc)

    pos8 = jnp.pad(node_pos, ((0, n_pad - n), (0, 5))).reshape(n_pad // 16, HH)
    vel8 = jnp.pad(node_vel, ((0, n_pad - n), (0, 5))).reshape(n_pad // 16, HH)
    newf, newpP = _node_post(nfp, a0, a1, accp, pos8, vel8,
                             nf_W1, nf_b1[None, :], nf_W2, nf_b2[None, :],
                             vel_W1, vel_b1[None, :], vel_W2,
                             vel_b2.reshape(1, 1), bn)
    newp = newpP.reshape(n_pad, 8)[:n, :3]
    return (newf[:n], newp)

# --- scband reference (transcript-rebuilt; emitter-appended) ---
"""Pipeline reference for scband-egnn-layer-62414464745612 (READ-ONLY COPY).

The authoritative reference and input builder live on the scoring server;
editing this copy changes nothing except your own understanding.
"""

import jax, jax.numpy as jnp
import numpy as np

N = 10000
E = 160000
H = 256
EA = 16

def _lin_init(key, fan_in, fan_out):
    kw, kb = jax.random.split(key)
    bound = 1.0 / np.sqrt(fan_in)
    W = jax.random.uniform(kw, (fan_in, fan_out), minval=-bound, maxval=bound, dtype=jnp.float32)
    b = jax.random.uniform(kb, (fan_out,), minval=-bound, maxval=bound, dtype=jnp.float32)
    return W, b

def _mlp(x, W1, b1, W2, b2, last_act=False):
    h = jax.nn.silu(x @ W1 + b1)
    o = h @ W2 + b2
    return jax.nn.silu(o) if last_act else o

def _seg_mean(src, idx, n):
    s = jax.ops.segment_sum(src, idx, num_segments=n)
    c = jax.ops.segment_sum(jnp.ones((src.shape[0], 1), dtype=src.dtype), idx, num_segments=n)
    return s / jnp.clip(c, 1.0)

def setup_inputs(seed: int = 0):
    key = jax.random.key(seed)
    ks = jax.random.split(key, 16)
    inp = {}
    inp['node_feat'] = jax.random.normal(ks[0], (N, H), dtype=jnp.float32)
    inp['node_pos'] = jax.random.normal(ks[1], (N, 3), dtype=jnp.float32)
    inp['node_vel'] = jax.random.normal(ks[2], (N, 3), dtype=jnp.float32)
    inp['edge_index'] = jax.random.randint(ks[3], (2, E), 0, N, dtype=jnp.int32)
    inp['edge_attr'] = jax.random.normal(ks[4], (E, EA), dtype=jnp.float32)
    inp['msg_W1'], inp['msg_b1'] = _lin_init(ks[5], 2 * H + EA + 1, H)
    inp['msg_W2'], inp['msg_b2'] = _lin_init(ks[6], H, H)
    inp['pos_W1'], inp['pos_b1'] = _lin_init(ks[7], H, H)
    inp['pos_W2'], inp['pos_b2'] = _lin_init(ks[8], H, 1)
    inp['nf_W1'], inp['nf_b1'] = _lin_init(ks[9], 2 * H, H)
    inp['nf_W2'], inp['nf_b2'] = _lin_init(ks[10], H, H)
    inp['vel_W1'], inp['vel_b1'] = _lin_init(ks[11], H, H)
    inp['vel_W2'], inp['vel_b2'] = _lin_init(ks[12], H, 1)
    return inp

def reference(node_feat, node_pos, node_vel, edge_index, edge_attr, msg_W1, msg_b1, msg_W2, msg_b2, pos_W1, pos_b1, pos_W2, pos_b2, nf_W1, nf_b1, nf_W2, nf_b2, vel_W1, vel_b1, vel_W2, vel_b2):
    row = edge_index[0]
    col = edge_index[1]
    diff_pos = node_pos[row] - node_pos[col]
    dist = jnp.sum(diff_pos * diff_pos, axis=-1, keepdims=True)
    msg = jnp.concatenate([node_feat[row], node_feat[col], edge_attr, dist], axis=-1)
    msg = _mlp(msg, msg_W1, msg_b1, msg_W2, msg_b2, last_act=True)
    diff_pos = diff_pos * _mlp(msg, pos_W1, pos_b1, pos_W2, pos_b2)
    n = node_feat.shape[0]
    pos_agg = _seg_mean(diff_pos, row, n)
    msg_agg = _seg_mean(msg, row, n)
    new_pos = node_pos + pos_agg + _mlp(node_feat, vel_W1, vel_b1, vel_W2, vel_b2) * node_vel
    nf = jnp.concatenate([node_feat, msg_agg], axis=-1)
    new_feat = _mlp(nf, nf_W1, nf_b1, nf_W2, nf_b2)
    return (new_feat, new_pos)

if __name__ == "__main__":
    import jax
    _d = setup_inputs()
    print(jax.jit(kernel)(*tuple(_d.values())))

</pallas_src>

<mosaic_0001>
#map = affine_map<(d0, d1) -> (0, 0)>
#map1 = affine_map<(d0, d1) -> (0)>
module attributes {stable_mosaic.version = 14 : i64} {
  func.func @k2(%arg0: i32, %arg1: i32, %arg2: memref<10240x128xf32, #tpu.memory_space<hbm>>, %arg3: memref<10240x128xf32, #tpu.memory_space<hbm>>, %arg4: memref<10240x128xf32, #tpu.memory_space<hbm>>, %arg5: memref<10240x128xf32, #tpu.memory_space<hbm>>, %arg6: memref<163840xi32, #tpu.memory_space<hbm>>, %arg7: memref<163840xi32, #tpu.memory_space<hbm>>, %arg8: memref<10240xf32, #tpu.memory_space<hbm>>, %arg9: memref<10240xf32, #tpu.memory_space<hbm>>, %arg10: memref<10240xf32, #tpu.memory_space<hbm>>, %arg11: memref<163840x128xf32, #tpu.memory_space<hbm>>, %arg12: memref<163840x128xf32, #tpu.memory_space<hbm>>, %arg13: memref<1310720xf32, #tpu.memory_space<hbm>>, %arg14: memref<163840xf32, #tpu.memory_space<hbm>>, %arg15: memref<64x128xf32, #tpu.memory_space<vmem>>, %arg16: memref<64x128xf32, #tpu.memory_space<vmem>>, %arg17: memref<64x128xf32, #tpu.memory_space<vmem>>, %arg18: memref<64x128xf32, #tpu.memory_space<vmem>>, %arg19: memref<64x128xf32, #tpu.memory_space<vmem>>, %arg20: memref<64x128xf32, #tpu.memory_space<vmem>>, %arg21: memref<64x128xf32, #tpu.memory_space<vmem>>, %arg22: memref<64x128xf32, #tpu.memory_space<vmem>>, %arg23: memref<64xi32, #tpu.memory_space<vmem>>, %arg24: memref<64xi32, #tpu.memory_space<vmem>>, %arg25: memref<64xi32, #tpu.memory_space<vmem>>, %arg26: memref<64xi32, #tpu.memory_space<vmem>>, %arg27: memref<10240xf32, #tpu.memory_space<vmem>>, %arg28: memref<10240xf32, #tpu.memory_space<vmem>>, %arg29: memref<10240xf32, #tpu.memory_space<vmem>>, %arg30: memref<64xf32, #tpu.memory_space<vmem>>, %arg31: memref<64xf32, #tpu.memory_space<vmem>>, %arg32: memref<512xf32, #tpu.memory_space<vmem>>, %arg33: memref<512xf32, #tpu.memory_space<vmem>>, %arg34: memref<!tpu.dma_semaphore, #tpu.memory_space<semaphore_mem>>, %arg35: memref<!tpu.dma_semaphore, #tpu.memory_space<semaphore_mem>>, %arg36: memref<!tpu.dma_semaphore, #tpu.memory_space<semaphore_mem>>, %arg37: memref<!tpu.dma_semaphore, #tpu.memory_space<semaphore_mem>>, %arg38: memref<!tpu.dma_semaphore, #tpu.memory_space<semaphore_mem>>, %arg39: memref<!tpu.dma_semaphore, #tpu.memory_space<semaphore_mem>>, %arg40: memref<!tpu.dma_semaphore, #tpu.memory_space<semaphore_mem>>, %arg41: memref<!tpu.dma_semaphore, #tpu.memory_space<semaphore_mem>>, %arg42: memref<!tpu.dma_semaphore, #tpu.memory_space<semaphore_mem>>, %arg43: memref<!tpu.dma_semaphore, #tpu.memory_space<semaphore_mem>>, %arg44: memref<!tpu.dma_semaphore, #tpu.memory_space<semaphore_mem>>, %arg45: memref<!tpu.dma_semaphore, #tpu.memory_space<semaphore_mem>>, %arg46: memref<!tpu.dma_semaphore, #tpu.memory_space<semaphore_mem>>, %arg47: memref<!tpu.dma_semaphore, #tpu.memory_space<semaphore_mem>>, %arg48: memref<!tpu.dma_semaphore, #tpu.memory_space<semaphore_mem>>, %arg49: memref<!tpu.dma_semaphore, #tpu.memory_space<semaphore_mem>>, %arg50: memref<!tpu.dma_semaphore, #tpu.memory_space<semaphore_mem>>, %arg51: memref<!tpu.dma_semaphore, #tpu.memory_space<semaphore_mem>>, %arg52: memref<!tpu.dma_semaphore, #tpu.memory_space<semaphore_mem>>, %arg53: memref<!tpu.dma_semaphore, #tpu.memory_space<semaphore_mem>>) attributes {dimension_semantics = [#tpu.dimension_semantics<core_parallel>, #tpu.dimension_semantics<subcore_parallel>], iteration_bounds = array<i64: 2, 16>, scalar_prefetch = 0 : i64, scratch_operands = 39 : i64, tpu.core_type = #tpu.core_type<sc_vector_subcore>, window_params = [{transform_indices = #map}, {transform_indices = #map}, {transform_indices = #map}, {transform_indices = #map}, {transform_indices = #map1}, {transform_indices = #map1}, {transform_indices = #map1}, {transform_indices = #map1}, {transform_indices = #map1}, {transform_indices = #map}, {transform_indices = #map}, {transform_indices = #map1}, {transform_indices = #map1}]} {
    %mul3A = arith.constant 2 : i32
    %mul3A_0 = arith.muli %arg1, %mul3A : i32
    %add3A = arith.addi %mul3A_0, %arg0 : i32
    "tpu.region"() ({
      %run_scoped3A = tpu.sem_alloc : memref<!tpu.dma_semaphore, #tpu.memory_space<semaphore_mem>>
      tpu.enqueue_dma source(%arg8 : memref<10240xf32, #tpu.memory_space<hbm>>) target(%arg27 : memref<10240xf32, #tpu.memory_space<vmem>>) target_semaphore(%run_scoped3A : memref<!tpu.dma_semaphore, #tpu.memory_space<semaphore_mem>>)
      tpu.wait_dma2 semaphore(%run_scoped3A : memref<!tpu.dma_semaphore, #tpu.memory_space<semaphore_mem>>) src(%arg8 : memref<10240xf32, #tpu.memory_space<hbm>>) dst(%arg27 : memref<10240xf32, #tpu.memory_space<vmem>>)
      tpu.yield
    }) : () -> ()
    "tpu.region"() ({
      %run_scoped3A = tpu.sem_alloc : memref<!tpu.dma_semaphore, #tpu.memory_space<semaphore_mem>>
      tpu.enqueue_dma source(%arg9 : memref<10240xf32, #tpu.memory_space<hbm>>) target(%arg28 : memref<10240xf32, #tpu.memory_space<vmem>>) target_semaphore(%run_scoped3A : memref<!tpu.dma_semaphore, #tpu.memory_space<semaphore_mem>>)
      tpu.wait_dma2 semaphore(%run_scoped3A : memref<!tpu.dma_semaphore, #tpu.memory_space<semaphore_mem>>) src(%arg9 : memref<10240xf32, #tpu.memory_space<hbm>>) dst(%arg28 : memref<10240xf32, #tpu.memory_space<vmem>>)
      tpu.yield
    }) : () -> ()
    "tpu.region"() ({
      %run_scoped3A = tpu.sem_alloc : memref<!tpu.dma_semaphore, #tpu.memory_space<semaphore_mem>>
      tpu.enqueue_dma source(%arg10 : memref<10240xf32, #tpu.memory_space<hbm>>) target(%arg29 : memref<10240xf32, #tpu.memory_space<vmem>>) target_semaphore(%run_scoped3A : memref<!tpu.dma_semaphore, #tpu.memory_space<semaphore_mem>>)
      tpu.wait_dma2 semaphore(%run_scoped3A : memref<!tpu.dma_semaphore, #tpu.memory_space<semaphore_mem>>) src(%arg10 : memref<10240xf32, #tpu.memory_space<hbm>>) dst(%arg29 : memref<10240xf32, #tpu.memory_space<vmem>>)
      tpu.yield
    }) : () -> ()
    %broadcast_in_dim3A = arith.constant 0.000000e+00 : f32
    %broadcast_in_dim3A_1 = vector.broadcast %broadcast_in_dim3A : f32 to vector<16xf32>
    %iota3A = tpu.iota {dimensions = array<i32: 0>} : vector<16xi32>
    %scan3A = arith.constant 0 : i32
    %scan3A_2 = arith.constant 0 : i32
    %scan3A_3 = arith.constant 32 : i32
    %scan3A_4 = arith.addi %scan3A_2, %scan3A_3 : i32
    %scan3A_5 = arith.constant 1 : i32
    %scan3A_6 = scf.for %scan3A_85 = %scan3A_2 to %scan3A_4 step %scan3A_5 iter_args(%scan3A_86 = %scan3A) -> (i32)  : i32 {
      %mul3A_87 = arith.constant 16 : i32
      %mul3A_88 = arith.muli %scan3A_85, %mul3A_87 : i32
      %swap3A = arith.index_cast %mul3A_88 : i32 to index
      %swap3A_89 = tpu.vector_load %arg32[%swap3A] {strides = array<i32>} : memref<512xf32, #tpu.memory_space<vmem>>, vector<16xf32>,
      tpu.vector_store %arg32[%swap3A], %broadcast_in_dim3A_1 {strides = array<i32>} : memref<512xf32, #tpu.memory_space<vmem>>, vector<16xf32>,
      %mul3A_90 = arith.constant 16 : i32
      %mul3A_91 = arith.muli %scan3A_85, %mul3A_90 : i32
      %swap3A_92 = arith.index_cast %mul3A_91 : i32 to index
      %swap3A_93 = tpu.vector_load %arg33[%swap3A_92] {strides = array<i32>} : memref<512xf32, #tpu.memory_space<vmem>>, vector<16xf32>,
      tpu.vector_store %arg33[%swap3A_92], %broadcast_in_dim3A_1 {strides = array<i32>} : memref<512xf32, #tpu.memory_space<vmem>>, vector<16xf32>,
      %scan3A_94 = arith.constant 0 : i32
      scf.yield %scan3A_94 : i32
    }
    %scan3A_7 = arith.constant 32 : i32
    %mul3A_8 = arith.constant 5120 : i32
    %mul3A_9 = arith.muli %add3A, %mul3A_8 : i32
    %add3A_10 = arith.constant 0 : i32
    %add3A_11 = arith.addi %mul3A_9, %add3A_10 : i32
    %dma_start3A = tpu.memref_slice %arg6[%add3A_11] : memref<163840xi32, #tpu.memory_space<hbm>> -> memref<64xi32, #tpu.memory_space<hbm>>
    %dma_start3A_12 = tpu.memref_slice %arg6[%add3A_11] : memref<163840xi32, #tpu.memory_space<hbm>> -> memref<64xi32, #tpu.memory_space<hbm>>
    tpu.enqueue_dma source(%dma_start3A_12 : memref<64xi32, #tpu.memory_space<hbm>>) target(%arg23 : memref<64xi32, #tpu.memory_space<vmem>>) target_semaphore(%arg34 : memref<!tpu.dma_semaphore, #tpu.memory_space<semaphore_mem>>)
    %dma_start3A_13 = tpu.memref_slice %arg7[%add3A_11] : memref<163840xi32, #tpu.memory_space<hbm>> -> memref<64xi32, #tpu.memory_space<hbm>>
    %dma_start3A_14 = tpu.memref_slice %arg7[%add3A_11] : memref<163840xi32, #tpu.memory_space<hbm>> -> memref<64xi32, #tpu.memory_space<hbm>>
    tpu.enqueue_dma source(%dma_start3A_14 : memref<64xi32, #tpu.memory_space<hbm>>) target(%arg24 : memref<64xi32, #tpu.memory_space<vmem>>) target_semaphore(%arg35 : memref<!tpu.dma_semaphore, #tpu.memory_space<semaphore_mem>>)
    %mul3A_15 = arith.constant 5120 : i32
    %mul3A_16 = arith.muli %add3A, %mul3A_15 : i32
    %add3A_17 = arith.constant 64 : i32
    %add3A_18 = arith.addi %mul3A_16, %add3A_17 : i32
    %dma_start3A_19 = tpu.memref_slice %arg6[%add3A_18] : memref<163840xi32, #tpu.memory_space<hbm>> -> memref<64xi32, #tpu.memory_space<hbm>>
    %dma_start3A_20 = tpu.memref_slice %arg6[%add3A_18] : memref<163840xi32, #tpu.memory_space<hbm>> -> memref<64xi32, #tpu.memory_space<hbm>>
    tpu.enqueue_dma source(%dma_start3A_20 : memref<64xi32, #tpu.memory_space<hbm>>) target(%arg25 : memref<64xi32, #tpu.memory_space<vmem>>) target_semaphore(%arg36 : memref<!tpu.dma_semaphore, #tpu.memory_space<semaphore_mem>>)
    %dma_start3A_21 = tpu.memref_slice %arg7[%add3A_18] : memref<163840xi32, #tpu.memory_space<hbm>> -> memref<64xi32, #tpu.memory_space<hbm>>
    %dma_start3A_22 = tpu.memref_slice %arg7[%add3A_18] : memref<163840xi32, #tpu.memory_space<hbm>> -> memref<64xi32, #tpu.memory_space<hbm>>
    tpu.enqueue_dma source(%dma_start3A_22 : memref<64xi32, #tpu.memory_space<hbm>>) target(%arg26 : memref<64xi32, #tpu.memory_space<vmem>>) target_semaphore(%arg37 : memref<!tpu.dma_semaphore, #tpu.memory_space<semaphore_mem>>)
    %mul3A_23 = arith.constant 5120 : i32
    %mul3A_24 = arith.muli %add3A, %mul3A_23 : i32
    %add3A_25 = arith.constant 0 : i32
    %add3A_26 = arith.addi %mul3A_24, %add3A_25 : i32
    %dma_wait3A = tpu.memref_slice %arg6[%add3A_26] : memref<163840xi32, #tpu.memory_space<hbm>> -> memref<64xi32, #tpu.memory_space<hbm>>
    %dma_wait3A_27 = tpu.memref_slice %arg6[%add3A_26] : memref<163840xi32, #tpu.memory_space<hbm>> -> memref<64xi32, #tpu.memory_space<hbm>>
    tpu.wait_dma2 semaphore(%arg34 : memref<!tpu.dma_semaphore, #tpu.memory_space<semaphore_mem>>) src(%dma_wait3A_27 : memref<64xi32, #tpu.memory_space<hbm>>) dst(%arg23 : memref<64xi32, #tpu.memory_space<vmem>>)
    %dma_wait3A_28 = tpu.memref_slice %arg7[%add3A_26] : memref<163840xi32, #tpu.memory_space<hbm>> -> memref<64xi32, #tpu.memory_space<hbm>>
    %dma_wait3A_29 = tpu.memref_slice %arg7[%add3A_26] : memref<163840xi32, #tpu.memory_space<hbm>> -> memref<64xi32, #tpu.memory_space<hbm>>
    tpu.wait_dma2 semaphore(%arg35 : memref<!tpu.dma_semaphore, #tpu.memory_space<semaphore_mem>>) src(%dma_wait3A_29 : memref<64xi32, #tpu.memory_space<hbm>>) dst(%arg24 : memref<64xi32, #tpu.memory_space<vmem>>)
    %dma_start3A_30 = arith.constant 0 : i32
    %dma_start3A_31 = arith.constant 0 : i32
    %dma_start3A_32 = tpu.memref_slice %arg2[%dma_start3A_30, %dma_start3A_31] : memref<10240x128xf32, #tpu.memory_space<hbm>> -> memref<10240x128xf32, #tpu.memory_space<hbm>>
    tpu.enqueue_indirect_dma source(%dma_start3A_32 : memref<10240x128xf32, #tpu.memory_space<hbm>>) target(%arg15 : memref<64x128xf32, #tpu.memory_space<vmem>>) offsets(%arg23 : memref<64xi32, #tpu.memory_space<vmem>>) semaphore(%arg38 : memref<!tpu.dma_semaphore, #tpu.memory_space<semaphore_mem>>)
    %dma_start3A_33 = arith.constant 0 : i32
    %dma_start3A_34 = arith.constant 0 : i32
    %dma_start3A_35 = tpu.memref_slice %arg3[%dma_start3A_33, %dma_start3A_34] : memref<10240x128xf32, #tpu.memory_space<hbm>> -> memref<10240x128xf32, #tpu.memory_space<hbm>>
    tpu.enqueue_indirect_dma source(%dma_start3A_35 : memref<10240x128xf32, #tpu.memory_space<hbm>>) target(%arg16 : memref<64x128xf32, #tpu.memory_space<vmem>>) offsets(%arg23 : memref<64xi32, #tpu.memory_space<vmem>>) semaphore(%arg39 : memref<!tpu.dma_semaphore, #tpu.memory_space<semaphore_mem>>)
    %dma_start3A_36 = arith.constant 0 : i32
    %dma_start3A_37 = arith.constant 0 : i32
    %dma_start3A_38 = tpu.memref_slice %arg4[%dma_start3A_36, %dma_start3A_37] : memref<10240x128xf32, #tpu.memory_space<hbm>> -> memref<10240x128xf32, #tpu.memory_space<hbm>>
    tpu.enqueue_indirect_dma source(%dma_start3A_38 : memref<10240x128xf32, #tpu.memory_space<hbm>>) target(%arg17 : memref<64x128xf32, #tpu.memory_space<vmem>>) offsets(%arg24 : memref<64xi32, #tpu.memory_space<vmem>>) semaphore(%arg40 : memref<!tpu.dma_semaphore, #tpu.memory_space<semaphore_mem>>)
    %dma_start3A_39 = arith.constant 0 : i32
    %dma_start3A_40 = arith.constant 0 : i32
    %dma_start3A_41 = tpu.memref_slice %arg5[%dma_start3A_39, %dma_start3A_40] : memref<10240x128xf32, #tpu.memory_space<hbm>> -> memref<10240x128xf32, #tpu.memory_space<hbm>>
    tpu.enqueue_indirect_dma source(%dma_start3A_41 : memref<10240x128xf32, #tpu.memory_space<hbm>>) target(%arg18 : memref<64x128xf32, #tpu.memory_space<vmem>>) offsets(%arg24 : memref<64xi32, #tpu.memory_space<vmem>>) semaphore(%arg41 : memref<!tpu.dma_semaphore, #tpu.memory_space<semaphore_mem>>)
    %scan3A_42 = arith.constant 0 : i32
    %scan3A_43 = arith.constant 0 : i32
    %scan3A_44 = arith.constant 40 : i32
    %scan3A_45 = arith.addi %scan3A_43, %scan3A_44 : i32
    %scan3A_46 = arith.constant 1 : i32
    %scan3A_47 = scf.for %scan3A_85 = %scan3A_43 to %scan3A_45 step %scan3A_46 iter_args(%scan3A_86 = %scan3A_42) -> (i32)  : i32 {
      %mul3A_87 = arith.constant 2 : i32
      %mul3A_88 = arith.muli %scan3A_85, %mul3A_87 : i32
      %add3A_89 = arith.constant 0 : i32
      %add3A_90 = arith.addi %mul3A_88, %add3A_89 : i32
      %get3A = arith.constant 0 : index
      %get3A_91 = tpu.vector_load %arg23[%get3A] {strides = array<i32>} : memref<64xi32, #tpu.memory_space<vmem>>, vector<16xi32>,
      %get3A_92 = arith.constant 0 : index
      %get3A_93 = tpu.vector_load %arg24[%get3A_92] {strides = array<i32>} : memref<64xi32, #tpu.memory_space<vmem>>, vector<16xi32>,
      %gather3A = tpu.vector_load_idx %arg27[%get3A_91] : memref<10240xf32, #tpu.memory_space<vmem>>[vector<16xi32>], vector<16xf32>,
      %gather3A_94 = tpu.vector_load_idx %arg27[%get3A_93] : memref<10240xf32, #tpu.memory_space<vmem>>[vector<16xi32>], vector<16xf32>,
      %sub3A = arith.subf %gather3A, %gather3A_94 : vector<16xf32>
      %gather3A_95 = tpu.vector_load_idx %arg28[%get3A_91] : memref<10240xf32, #tpu.memory_space<vmem>>[vector<16xi32>], vector<16xf32>,
      %gather3A_96 = tpu.vector_load_idx %arg28[%get3A_93] : memref<10240xf32, #tpu.memory_space<vmem>>[vector<16xi32>], vector<16xf32>,
      %sub3A_97 = arith.subf %gather3A_95, %gather3A_96 : vector<16xf32>
      %gather3A_98 = tpu.vector_load_idx %arg29[%get3A_91] : memref<10240xf32, #tpu.memory_space<vmem>>[vector<16xi32>], vector<16xf32>,
      %gather3A_99 = tpu.vector_load_idx %arg29[%get3A_93] : memref<10240xf32, #tpu.memory_space<vmem>>[vector<16xi32>], vector<16xf32>,
      %sub3A_100 = arith.subf %gather3A_98, %gather3A_99 : vector<16xf32>
      %mul3A_101 = arith.mulf %sub3A, %sub3A : vector<16xf32>
      %mul3A_102 = arith.mulf %sub3A_97, %sub3A_97 : vector<16xf32>
      %add3A_103 = arith.addf %mul3A_101, %mul3A_102 : vector<16xf32>
      %mul3A_104 = arith.mulf %sub3A_100, %sub3A_100 : vector<16xf32>
      %add3A_105 = arith.addf %add3A_103, %mul3A_104 : vector<16xf32>
      %swap3A = arith.constant 0 : index
      %swap3A_106 = tpu.vector_load %arg30[%swap3A] {strides = array<i32>} : memref<64xf32, #tpu.memory_space<vmem>>, vector<16xf32>,
      tpu.vector_store %arg30[%swap3A], %add3A_105 {strides = array<i32>} : memref<64xf32, #tpu.memory_space<vmem>>, vector<16xf32>,
      %mul3A_107 = arith.constant 8 : i32
      %mul3A_108 = vector.broadcast %mul3A_107 : i32 to vector<16xi32>
      %mul3A_109 = arith.muli %iota3A, %mul3A_108 : vector<16xi32>
      %add3A_110 = arith.constant 0 : i32
      %add3A_111 = vector.broadcast %add3A_110 : i32 to vector<16xi32>
      %add3A_112 = arith.addi %mul3A_109, %add3A_111 : vector<16xi32>
      tpu.vector_store_idx %arg32[%add3A_112], %sub3A : memref<512xf32, #tpu.memory_space<vmem>>[vector<16xi32>], vector<16xf32>,
      %add3A_113 = arith.constant 1 : i32
      %add3A_114 = vector.broadcast %add3A_113 : i32 to vector<16xi32>
      %add3A_115 = arith.addi %add3A_112, %add3A_114 : vector<16xi32>
      tpu.vector_store_idx %arg32[%add3A_115], %sub3A_97 : memref<512xf32, #tpu.memory_space<vmem>>[vector<16xi32>], vector<16xf32>,
      %add3A_116 = arith.constant 2 : i32
      %add3A_117 = vector.broadcast %add3A_116 : i32 to vector<16xi32>
      %add3A_118 = arith.addi %add3A_112, %add3A_117 : vector<16xi32>
      tpu.vector_store_idx %arg32[%add3A_118], %sub3A_100 : memref<512xf32, #tpu.memory_space<vmem>>[vector<16xi32>], vector<16xf32>,
      %get3A_119 = arith.constant 16 : index
      %get3A_120 = tpu.vector_load %arg23[%get3A_119] {strides = array<i32>} : memref<64xi32, #tpu.memory_space<vmem>>, vector<16xi32>,
      %get3A_121 = arith.constant 16 : index
      %get3A_122 = tpu.vector_load %arg24[%get3A_121] {strides = array<i32>} : memref<64xi32, #tpu.memory_space<vmem>>, vector<16xi32>,
      %gather3A_123 = tpu.vector_load_idx %arg27[%get3A_120] : memref<10240xf32, #tpu.memory_space<vmem>>[vector<16xi32>], vector<16xf32>,
      %gather3A_124 = tpu.vector_load_idx %arg27[%get3A_122] : memref<10240xf32, #tpu.memory_space<vmem>>[vector<16xi32>], vector<16xf32>,
      %sub3A_125 = arith.subf %gather3A_123, %gather3A_124 : vector<16xf32>
      %gather3A_126 = tpu.vector_load_idx %arg28[%get3A_120] : memref<10240xf32, #tpu.memory_space<vmem>>[vector<16xi32>], vector<16xf32>,
      %gather3A_127 = tpu.vector_load_idx %arg28[%get3A_122] : memref<10240xf32, #tpu.memory_space<vmem>>[vector<16xi32>], vector<16xf32>,
      %sub3A_128 = arith.subf %gather3A_126, %gather3A_127 : vector<16xf32>
      %gather3A_129 = tpu.vector_load_idx %arg29[%get3A_120] : memref<10240xf32, #tpu.memory_space<vmem>>[vector<16xi32>], vector<16xf32>,
      %gather3A_130 = tpu.vector_load_idx %arg29[%get3A_122] : memref<10240xf32, #tpu.memory_space<vmem>>[vector<16xi32>], vector<16xf32>,
      %sub3A_131 = arith.subf %gather3A_129, %gather3A_130 : vector<16xf32>
      %mul3A_132 = arith.mulf %sub3A_125, %sub3A_125 : vector<16xf32>
      %mul3A_133 = arith.mulf %sub3A_128, %sub3A_128 : vector<16xf32>
      %add3A_134 = arith.addf %mul3A_132, %mul3A_133 : vector<16xf32>
      %mul3A_135 = arith.mulf %sub3A_131, %sub3A_131 : vector<16xf32>
      %add3A_136 = arith.addf %add3A_134, %mul3A_135 : vector<16xf32>
      %swap3A_137 = arith.constant 16 : index
      %swap3A_138 = tpu.vector_load %arg30[%swap3A_137] {strides = array<i32>} : memref<64xf32, #tpu.memory_space<vmem>>, vector<16xf32>,
      tpu.vector_store %arg30[%swap3A_137], %add3A_136 {strides = array<i32>} : memref<64xf32, #tpu.memory_space<vmem>>, vector<16xf32>,
      %mul3A_139 = arith.constant 8 : i32
      %mul3A_140 = vector.broadcast %mul3A_139 : i32 to vector<16xi32>
      %mul3A_141 = arith.muli %iota3A, %mul3A_140 : vector<16xi32>
      %add3A_142 = arith.constant 128 : i32
      %add3A_143 = vector.broadcast %add3A_142 : i32 to vector<16xi32>
      %add3A_144 = arith.addi %mul3A_141, %add3A_143 : vector<16xi32>
      tpu.vector_store_idx %arg32[%add3A_144], %sub3A_125 : memref<512xf32, #tpu.memory_space<vmem>>[vector<16xi32>], vector<16xf32>,
      %add3A_145 = arith.constant 1 : i32
      %add3A_146 = vector.broadcast %add3A_145 : i32 to vector<16xi32>
      %add3A_147 = arith.addi %add3A_144, %add3A_146 : vector<16xi32>
      tpu.vector_store_idx %arg32[%add3A_147], %sub3A_128 : memref<512xf32, #tpu.memory_space<vmem>>[vector<16xi32>], vector<16xf32>,
      %add3A_148 = arith.constant 2 : i32
      %add3A_149 = vector.broadcast %add3A_148 : i32 to vector<16xi32>
      %add3A_150 = arith.addi %add3A_144, %add3A_149 : vector<16xi32>
      tpu.vector_store_idx %arg32[%add3A_150], %sub3A_131 : memref<512xf32, #tpu.memory_space<vmem>>[vector<16xi32>], vector<16xf32>,
      %get3A_151 = arith.constant 32 : index
      %get3A_152 = tpu.vector_load %arg23[%get3A_151] {strides = array<i32>} : memref<64xi32, #tpu.memory_space<vmem>>, vector<16xi32>,
      %get3A_153 = arith.constant 32 : index
      %get3A_154 = tpu.vector_load %arg24[%get3A_153] {strides = array<i32>} : memref<64xi32, #tpu.memory_space<vmem>>, vector<16xi32>,
      %gather3A_155 = tpu.vector_load_idx %arg27[%get3A_152] : memref<10240xf32, #tpu.memory_space<vmem>>[vector<16xi32>], vector<16xf32>,
      %gather3A_156 = tpu.vector_load_idx %arg27[%get3A_154] : memref<10240xf32, #tpu.memory_space<vmem>>[vector<16xi32>], vector<16xf32>,
      %sub3A_157 = arith.subf %gather3A_155, %gather3A_156 : vector<16xf32>
      %gather3A_158 = tpu.vector_load_idx %arg28[%get3A_152] : memref<10240xf32, #tpu.memory_space<vmem>>[vector<16xi32>], vector<16xf32>,
      %gather3A_159 = tpu.vector_load_idx %arg28[%get3A_154] : memref<10240xf32, #tpu.memory_space<vmem>>[vector<16xi32>], vector<16xf32>,
      %sub3A_160 = arith.subf %gather3A_158, %gather3A_159 : vector<16xf32>
      %gather3A_161 = tpu.vector_load_idx %arg29[%get3A_152] : memref<10240xf32, #tpu.memory_space<vmem>>[vector<16xi32>], vector<16xf32>,
      %gather3A_162 = tpu.vector_load_idx %arg29[%get3A_154] : memref<10240xf32, #tpu.memory_space<vmem>>[vector<16xi32>], vector<16xf32>,
      %sub3A_163 = arith.subf %gather3A_161, %gather3A_162 : vector<16xf32>
      %mul3A_164 = arith.mulf %sub3A_157, %sub3A_157 : vector<16xf32>
      %mul3A_165 = arith.mulf %sub3A_160, %sub3A_160 : vector<16xf32>
      %add3A_166 = arith.addf %mul3A_164, %mul3A_165 : vector<16xf32>
      %mul3A_167 = arith.mulf %sub3A_163, %sub3A_163 : vector<16xf32>
      %add3A_168 = arith.addf %add3A_166, %mul3A_167 : vector<16xf32>
      %swap3A_169 = arith.constant 32 : index
      %swap3A_170 = tpu.vector_load %arg30[%swap3A_169] {strides = array<i32>} : memref<64xf32, #tpu.memory_space<vmem>>, vector<16xf32>,
      tpu.vector_store %arg30[%swap3A_169], %add3A_168 {strides = array<i32>} : memref<64xf32, #tpu.memory_space<vmem>>, vector<16xf32>,
      %mul3A_171 = arith.constant 8 : i32
      %mul3A_172 = vector.broadcast %mul3A_171 : i32 to vector<16xi32>
      %mul3A_173 = arith.muli %iota3A, %mul3A_172 : vector<16xi32>
      %add3A_174 = arith.constant 256 : i32
      %add3A_175 = vector.broadcast %add3A_174 : i32 to vector<16xi32>
      %add3A_176 = arith.addi %mul3A_173, %add3A_175 : vector<16xi32>
      tpu.vector_store_idx %arg32[%add3A_176], %sub3A_157 : memref<512xf32, #tpu.memory_space<vmem>>[vector<16xi32>], vector<16xf32>,
      %add3A_177 = arith.constant 1 : i32
      %add3A_178 = vector.broadcast %add3A_177 : i32 to vector<16xi32>
      %add3A_179 = arith.addi %add3A_176, %add3A_178 : vector<16xi32>
      tpu.vector_store_idx %arg32[%add3A_179], %sub3A_160 : memref<512xf32, #tpu.memory_space<vmem>>[vector<16xi32>], vector<16xf32>,
      %add3A_180 = arith.constant 2 : i32
      %add3A_181 = vector.broadcast %add3A_180 : i32 to vector<16xi32>
      %add3A_182 = arith.addi %add3A_176, %add3A_181 : vector<16xi32>
      tpu.vector_store_idx %arg32[%add3A_182], %sub3A_163 : memref<512xf32, #tpu.memory_space<vmem>>[vector<16xi32>], vector<16xf32>,
      %get3A_183 = arith.constant 48 : index
      %get3A_184 = tpu.vector_load %arg23[%get3A_183] {strides = array<i32>} : memref<64xi32, #tpu.memory_space<vmem>>, vector<16xi32>,
      %get3A_185 = arith.constant 48 : index
      %get3A_186 = tpu.vector_load %arg24[%get3A_185] {strides = array<i32>} : memref<64xi32, #tpu.memory_space<vmem>>, vector<16xi32>,
      %gather3A_187 = tpu.vector_load_idx %arg27[%get3A_184] : memref<10240xf32, #tpu.memory_space<vmem>>[vector<16xi32>], vector<16xf32>,
      %gather3A_188 = tpu.vector_load_idx %arg27[%get3A_186] : memref<10240xf32, #tpu.memory_space<vmem>>[vector<16xi32>], vector<16xf32>,
      %sub3A_189 = arith.subf %gather3A_187, %gather3A_188 : vector<16xf32>
      %gather3A_190 = tpu.vector_load_idx %arg28[%get3A_184] : memref<10240xf32, #tpu.memory_space<vmem>>[vector<16xi32>], vector<16xf32>,
      %gather3A_191 = tpu.vector_load_idx %arg28[%get3A_186] : memref<10240xf32, #tpu.memory_space<vmem>>[vector<16xi32>], vector<16xf32>,
      %sub3A_192 = arith.subf %gather3A_190, %gather3A_191 : vector<16xf32>
      %gather3A_193 = tpu.vector_load_idx %arg29[%get3A_184] : memref<10240xf32, #tpu.memory_space<vmem>>[vector<16xi32>], vector<16xf32>,
      %gather3A_194 = tpu.vector_load_idx %arg29[%get3A_186] : memref<10240xf32, #tpu.memory_space<vmem>>[vector<16xi32>], vector<16xf32>,
      %sub3A_195 = arith.subf %gather3A_193, %gather3A_194 : vector<16xf32>
      %mul3A_196 = arith.mulf %sub3A_189, %sub3A_189 : vector<16xf32>
      %mul3A_197 = arith.mulf %sub3A_192, %sub3A_192 : vector<16xf32>
      %add3A_198 = arith.addf %mul3A_196, %mul3A_197 : vector<16xf32>
      %mul3A_199 = arith.mulf %sub3A_195, %sub3A_195 : vector<16xf32>
      %add3A_200 = arith.addf %add3A_198, %mul3A_199 : vector<16xf32>
      %swap3A_201 = arith.constant 48 : index
      %swap3A_202 = tpu.vector_load %arg30[%swap3A_201] {strides = array<i32>} : memref<64xf32, #tpu.memory_space<vmem>>, vector<16xf32>,
      tpu.vector_store %arg30[%swap3A_201], %add3A_200 {strides = array<i32>} : memref<64xf32, #tpu.memory_space<vmem>>, vector<16xf32>,
      %mul3A_203 = arith.constant 8 : i32
      %mul3A_204 = vector.broadcast %mul3A_203 : i32 to vector<16xi32>
      %mul3A_205 = arith.muli %iota3A, %mul3A_204 : vector<16xi32>
      %add3A_206 = arith.constant 384 : i32
      %add3A_207 = vector.broadcast %add3A_206 : i32 to vector<16xi32>
      %add3A_208 = arith.addi %mul3A_205, %add3A_207 : vector<16xi32>
      tpu.vector_store_idx %arg32[%add3A_208], %sub3A_189 : memref<512xf32, #tpu.memory_space<vmem>>[vector<16xi32>], vector<16xf32>,
      %add3A_209 = arith.constant 1 : i32
      %add3A_210 = vector.broadcast %add3A_209 : i32 to vector<16xi32>
      %add3A_211 = arith.addi %add3A_208, %add3A_210 : vector<16xi32>
      tpu.vector_store_idx %arg32[%add3A_211], %sub3A_192 : memref<512xf32, #tpu.memory_space<vmem>>[vector<16xi32>], vector<16xf32>,
      %add3A_212 = arith.constant 2 : i32
      %add3A_213 = vector.broadcast %add3A_212 : i32 to vector<16xi32>
      %add3A_214 = arith.addi %add3A_208, %add3A_213 : vector<16xi32>
      tpu.vector_store_idx %arg32[%add3A_214], %sub3A_195 : memref<512xf32, #tpu.memory_space<vmem>>[vector<16xi32>], vector<16xf32>,
      %add3A_215 = arith.constant 1 : i32
      %add3A_216 = arith.addi %add3A_90, %add3A_215 : i32
      %mul3A_217 = arith.constant 5120 : i32
      %mul3A_218 = arith.muli %add3A, %mul3A_217 : i32
      %mul3A_219 = arith.constant 64 : i32
      %mul3A_220 = arith.muli %add3A_216, %mul3A_219 : i32
      %add3A_221 = arith.addi %mul3A_218, %mul3A_220 : i32
      %dma_wait3A_222 = tpu.memref_slice %arg6[%add3A_221] : memref<163840xi32, #tpu.memory_space<hbm>> -> memref<64xi32, #tpu.memory_space<hbm>>
      %dma_wait3A_223 = tpu.memref_slice %arg6[%add3A_221] : memref<163840xi32, #tpu.memory_space<hbm>> -> memref<64xi32, #tpu.memory_space<hbm>>
      tpu.wait_dma2 semaphore(%arg36 : memref<!tpu.dma_semaphore, #tpu.memory_space<semaphore_mem>>) src(%dma_wait3A_223 : memref<64xi32, #tpu.memory_space<hbm>>) dst(%arg25 : memref<64xi32, #tpu.memory_space<vmem>>)
      %dma_wait3A_224 = tpu.memref_slice %arg7[%add3A_221] : memref<163840xi32, #tpu.memory_space<hbm>> -> memref<64xi32, #tpu.memory_space<hbm>>
      %dma_wait3A_225 = tpu.memref_slice %arg7[%add3A_221] : memref<163840xi32, #tpu.memory_space<hbm>> -> memref<64xi32, #tpu.memory_space<hbm>>
      tpu.wait_dma2 semaphore(%arg37 : memref<!tpu.dma_semaphore, #tpu.memory_space<semaphore_mem>>) src(%dma_wait3A_225 : memref<64xi32, #tpu.memory_space<hbm>>) dst(%arg26 : memref<64xi32, #tpu.memory_space<vmem>>)
      %gt3A = arith.constant 0 : i32
      %gt3A_226 = arith.cmpi sgt, %scan3A_85, %gt3A : i32
      %convert_element_type3A = arith.extui %gt3A_226 : i1 to i32
      %cond3A = arith.constant 0 : i32
      %cond3A_227 = arith.cmpi ne, %convert_element_type3A, %cond3A : i32
      scf.if %cond3A_227 {
        %sub3A_463 = arith.constant 1 : i32
        %sub3A_464 = arith.subi %add3A_90, %sub3A_463 : i32
        %mul3A_465 = arith.constant 5120 : i32
        %mul3A_466 = arith.muli %add3A, %mul3A_465 : i32
        %mul3A_467 = arith.constant 64 : i32
        %mul3A_468 = arith.muli %sub3A_464, %mul3A_467 : i32
        %add3A_469 = arith.addi %mul3A_466, %mul3A_468 : i32
        %dma_wait3A_470 = arith.constant 0 : i32
        %dma_wait3A_471 = tpu.memref_slice %arg11[%add3A_469, %dma_wait3A_470] : memref<163840x128xf32, #tpu.memory_space<hbm>> -> memref<64x128xf32, #tpu.memory_space<hbm>>
        %dma_wait3A_472 = arith.constant 0 : i32
        %dma_wait3A_473 = tpu.memref_slice %arg11[%add3A_469, %dma_wait3A_472] : memref<163840x128xf32, #tpu.memory_space<hbm>> -> memref<64x128xf32, #tpu.memory_space<hbm>>
        tpu.wait_dma2 semaphore(%arg50 : memref<!tpu.dma_semaphore, #tpu.memory_space<semaphore_mem>>) src(%arg19 : memref<64x128xf32, #tpu.memory_space<vmem>>) dst(%dma_wait3A_473 : memref<64x128xf32, #tpu.memory_space<hbm>>)
        %dma_wait3A_474 = arith.constant 0 : i32
        %dma_wait3A_475 = tpu.memref_slice %arg12[%add3A_469, %dma_wait3A_474] : memref<163840x128xf32, #tpu.memory_space<hbm>> -> memref<64x128xf32, #tpu.memory_space<hbm>>
        %dma_wait3A_476 = arith.constant 0 : i32
        %dma_wait3A_477 = tpu.memref_slice %arg12[%add3A_469, %dma_wait3A_476] : memref<163840x128xf32, #tpu.memory_space<hbm>> -> memref<64x128xf32, #tpu.memory_space<hbm>>
        tpu.wait_dma2 semaphore(%arg51 : memref<!tpu.dma_semaphore, #tpu.memory_space<semaphore_mem>>) src(%arg20 : memref<64x128xf32, #tpu.memory_space<vmem>>) dst(%dma_wait3A_477 : memref<64x128xf32, #tpu.memory_space<hbm>>)
        %mul3A_478 = arith.constant 8 : i32
        %mul3A_479 = arith.muli %add3A_469, %mul3A_478 : i32
        %dma_wait3A_480 = tpu.memref_slice %arg13[%mul3A_479] : memref<1310720xf32, #tpu.memory_space<hbm>> -> memref<512xf32, #tpu.memory_space<hbm>>
        %dma_wait3A_481 = tpu.memref_slice %arg13[%mul3A_479] : memref<1310720xf32, #tpu.memory_space<hbm>> -> memref<512xf32, #tpu.memory_space<hbm>>
        tpu.wait_dma2 semaphore(%arg52 : memref<!tpu.dma_semaphore, #tpu.memory_space<semaphore_mem>>) src(%arg33 : memref<512xf32, #tpu.memory_space<vmem>>) dst(%dma_wait3A_481 : memref<512xf32, #tpu.memory_space<hbm>>)
        %dma_wait3A_482 = tpu.memref_slice %arg14[%add3A_469] : memref<163840xf32, #tpu.memory_space<hbm>> -> memref<64xf32, #tpu.memory_space<hbm>>
        %dma_wait3A_483 = tpu.memref_slice %arg14[%add3A_469] : memref<163840xf32, #tpu.memory_space<hbm>> -> memref<64xf32, #tpu.memory_space<hbm>>
        tpu.wait_dma2 semaphore(%arg53 : memref<!tpu.dma_semaphore, #tpu.memory_space<semaphore_mem>>) src(%arg31 : memref<64xf32, #tpu.memory_space<vmem>>) dst(%dma_wait3A_483 : memref<64xf32, #tpu.memory_space<hbm>>)
      } else {
      }
      %dma_start3A_228 = arith.constant 0 : i32
      %dma_start3A_229 = arith.constant 0 : i32
      %dma_start3A_230 = tpu.memref_slice %arg2[%dma_start3A_228, %dma_start3A_229] : memref<10240x128xf32, #tpu.memory_space<hbm>> -> memref<10240x128xf32, #tpu.memory_space<hbm>>
      tpu.enqueue_indirect_dma source(%dma_start3A_230 : memref<10240x128xf32, #tpu.memory_space<hbm>>) target(%arg19 : memref<64x128xf32, #tpu.memory_space<vmem>>) offsets(%arg25 : memref<64xi32, #tpu.memory_space<vmem>>) semaphore(%arg42 : memref<!tpu.dma_semaphore, #tpu.memory_space<semaphore_mem>>)
      %dma_start3A_231 = arith.constant 0 : i32
      %dma_start3A_232 = arith.constant 0 : i32
      %dma_start3A_233 = tpu.memref_slice %arg3[%dma_start3A_231, %dma_start3A_232] : memref<10240x128xf32, #tpu.memory_space<hbm>> -> memref<10240x128xf32, #tpu.memory_space<hbm>>
      tpu.enqueue_indirect_dma source(%dma_start3A_233 : memref<10240x128xf32, #tpu.memory_space<hbm>>) target(%arg20 : memref<64x128xf32, #tpu.memory_space<vmem>>) offsets(%arg25 : memref<64xi32, #tpu.memory_space<vmem>>) semaphore(%arg43 : memref<!tpu.dma_semaphore, #tpu.memory_space<semaphore_mem>>)
      %dma_start3A_234 = arith.constant 0 : i32
      %dma_start3A_235 = arith.constant 0 : i32
      %dma_start3A_236 = tpu.memref_slice %arg4[%dma_start3A_234, %dma_start3A_235] : memref<10240x128xf32, #tpu.memory_space<hbm>> -> memref<10240x128xf32, #tpu.memory_space<hbm>>
      tpu.enqueue_indirect_dma source(%dma_start3A_236 : memref<10240x128xf32, #tpu.memory_space<hbm>>) target(%arg21 : memref<64x128xf32, #tpu.memory_space<vmem>>) offsets(%arg26 : memref<64xi32, #tpu.memory_space<vmem>>) semaphore(%arg44 : memref<!tpu.dma_semaphore, #tpu.memory_space<semaphore_mem>>)
      %dma_start3A_237 = arith.constant 0 : i32
      %dma_start3A_238 = arith.constant 0 : i32
      %dma_start3A_239 = tpu.memref_slice %arg5[%dma_start3A_237, %dma_start3A_238] : memref<10240x128xf32, #tpu.memory_space<hbm>> -> memref<10240x128xf32, #tpu.memory_space<hbm>>
      tpu.enqueue_indirect_dma source(%dma_start3A_239 : memref<10240x128xf32, #tpu.memory_space<hbm>>) target(%arg22 : memref<64x128xf32, #tpu.memory_space<vmem>>) offsets(%arg26 : memref<64xi32, #tpu.memory_space<vmem>>) semaphore(%arg45 : memref<!tpu.dma_semaphore, #tpu.memory_space<semaphore_mem>>)
      %dma_wait3A_240 = arith.constant 0 : i32
      %dma_wait3A_241 = arith.constant 0 : i32
      %dma_wait3A_242 = tpu.memref_slice %arg2[%dma_wait3A_240, %dma_wait3A_241] : memref<10240x128xf32, #tpu.memory_space<hbm>> -> memref<10240x128xf32, #tpu.memory_space<hbm>>
      tpu.wait_indirect_dma semaphore(%arg38 : memref<!tpu.dma_semaphore, #tpu.memory_space<semaphore_mem>>) src(%dma_wait3A_242 : memref<10240x128xf32, #tpu.memory_space<hbm>>) dst(%arg15 : memref<64x128xf32, #tpu.memory_space<vmem>>)
      %dma_wait3A_243 = arith.constant 0 : i32
      %dma_wait3A_244 = arith.constant 0 : i32
      %dma_wait3A_245 = tpu.memref_slice %arg3[%dma_wait3A_243, %dma_wait3A_244] : memref<10240x128xf32, #tpu.memory_space<hbm>> -> memref<10240x128xf32, #tpu.memory_space<hbm>>
      tpu.wait_indirect_dma semaphore(%arg39 : memref<!tpu.dma_semaphore, #tpu.memory_space<semaphore_mem>>) src(%dma_wait3A_245 : memref<10240x128xf32, #tpu.memory_space<hbm>>) dst(%arg16 : memref<64x128xf32, #tpu.memory_space<vmem>>)
      %dma_wait3A_246 = arith.constant 0 : i32
      %dma_wait3A_247 = arith.constant 0 : i32
      %dma_wait3A_248 = tpu.memref_slice %arg4[%dma_wait3A_246, %dma_wait3A_247] : memref<10240x128xf32, #tpu.memory_space<hbm>> -> memref<10240x128xf32, #tpu.memory_space<hbm>>
      tpu.wait_indirect_dma semaphore(%arg40 : memref<!tpu.dma_semaphore, #tpu.memory_space<semaphore_mem>>) src(%dma_wait3A_248 : memref<10240x128xf32, #tpu.memory_space<hbm>>) dst(%arg17 : memref<64x128xf32, #tpu.memory_space<vmem>>)
      %dma_wait3A_249 = arith.constant 0 : i32
      %dma_wait3A_250 = arith.constant 0 : i32
      %dma_wait3A_251 = tpu.memref_slice %arg5[%dma_wait3A_249, %dma_wait3A_250] : memref<10240x128xf32, #tpu.memory_space<hbm>> -> memref<10240x128xf32, #tpu.memory_space<hbm>>
      tpu.wait_indirect_dma semaphore(%arg41 : memref<!tpu.dma_semaphore, #tpu.memory_space<semaphore_mem>>) src(%dma_wait3A_251 : memref<10240x128xf32, #tpu.memory_space<hbm>>) dst(%arg18 : memref<64x128xf32, #tpu.memory_space<vmem>>)
      %scan3A_252 = arith.constant 0 : i32
      %scan3A_253 = arith.constant 0 : i32
      %scan3A_254 = arith.constant 64 : i32
      %scan3A_255 = arith.addi %scan3A_253, %scan3A_254 : i32
      %scan3A_256 = arith.constant 1 : i32
      %scan3A_257 = scf.for %scan3A_463 = %scan3A_253 to %scan3A_255 step %scan3A_256 iter_args(%scan3A_464 = %scan3A_252) -> (i32)  : i32 {
        %get3A_465 = arith.index_cast %scan3A_463 : i32 to index
        %get3A_466 = arith.constant 0 : index
        %get3A_467 = tpu.vector_load %arg15[%get3A_465, %get3A_466] {strides = array<i32>} : memref<64x128xf32, #tpu.memory_space<vmem>>, vector<16xf32>,
        %get3A_468 = arith.index_cast %scan3A_463 : i32 to index
        %get3A_469 = arith.constant 0 : index
        %get3A_470 = tpu.vector_load %arg17[%get3A_468, %get3A_469] {strides = array<i32>} : memref<64x128xf32, #tpu.memory_space<vmem>>, vector<16xf32>,
        %add3A_471 = arith.addf %get3A_467, %get3A_470 : vector<16xf32>
        %swap3A_472 = arith.index_cast %scan3A_463 : i32 to index
        %swap3A_473 = arith.constant 0 : index
        %swap3A_474 = tpu.vector_load %arg15[%swap3A_472, %swap3A_473] {strides = array<i32>} : memref<64x128xf32, #tpu.memory_space<vmem>>, vector<16xf32>,
        tpu.vector_store %arg15[%swap3A_472, %swap3A_473], %add3A_471 {strides = array<i32>} : memref<64x128xf32, #tpu.memory_space<vmem>>, vector<16xf32>,
        %get3A_475 = arith.index_cast %scan3A_463 : i32 to index
        %get3A_476 = arith.constant 0 : index
        %get3A_477 = tpu.vector_load %arg16[%get3A_475, %get3A_476] {strides = array<i32>} : memref<64x128xf32, #tpu.memory_space<vmem>>, vector<16xf32>,
        %get3A_478 = arith.index_cast %scan3A_463 : i32 to index
        %get3A_479 = arith.constant 0 : index
        %get3A_480 = tpu.vector_load %arg18[%get3A_478, %get3A_479] {strides = array<i32>} : memref<64x128xf32, #tpu.memory_space<vmem>>, vector<16xf32>,
        %add3A_481 = arith.addf %get3A_477, %get3A_480 : vector<16xf32>
        %swap3A_482 = arith.index_cast %scan3A_463 : i32 to index
        %swap3A_483 = arith.constant 0 : index
        %swap3A_484 = tpu.vector_load %arg16[%swap3A_482, %swap3A_483] {strides = array<i32>} : memref<64x128xf32, #tpu.memory_space<vmem>>, vector<16xf32>,
        tpu.vector_store %arg16[%swap3A_482, %swap3A_483], %add3A_481 {strides = array<i32>} : memref<64x128xf32, #tpu.memory_space<vmem>>, vector<16xf32>,
        %get3A_485 = arith.index_cast %scan3A_463 : i32 to index
        %get3A_486 = arith.constant 16 : index
        %get3A_487 = tpu.vector_load %arg15[%get3A_485, %get3A_486] {strides = array<i32>} : memref<64x128xf32, #tpu.memory_space<vmem>>, vector<16xf32>,
        %get3A_488 = arith.index_cast %scan3A_463 : i32 to index
        %get3A_489 = arith.constant 16 : index
        %get3A_490 = tpu.vector_load %arg17[%get3A_488, %get3A_489] {strides = array<i32>} : memref<64x128xf32, #tpu.memory_space<vmem>>, vector<16xf32>,
        %add3A_491 = arith.addf %get3A_487, %get3A_490 : vector<16xf32>
        %swap3A_492 = arith.index_cast %scan3A_463 : i32 to index
        %swap3A_493 = arith.constant 16 : index
        %swap3A_494 = tpu.vector_load %arg15[%swap3A_492, %swap3A_493] {strides = array<i32>} : memref<64x128xf32, #tpu.memory_space<vmem>>, vector<16xf32>,
        tpu.vector_store %arg15[%swap3A_492, %swap3A_493], %add3A_491 {strides = array<i32>} : memref<64x128xf32, #tpu.memory_space<vmem>>, vector<16xf32>,
        %get3A_495 = arith.index_cast %scan3A_463 : i32 to index
        %get3A_496 = arith.constant 16 : index
        %get3A_497 = tpu.vector_load %arg16[%get3A_495, %get3A_496] {strides = array<i32>} : memref<64x128xf32, #tpu.memory_space<vmem>>, vector<16xf32>,
        %get3A_498 = arith.index_cast %scan3A_463 : i32 to index
        %get3A_499 = arith.constant 16 : index
        %get3A_500 = tpu.vector_load %arg18[%get3A_498, %get3A_499] {strides = array<i32>} : memref<64x128xf32, #tpu.memory_space<vmem>>, vector<16xf32>,
        %add3A_501 = arith.addf %get3A_497, %get3A_500 : vector<16xf32>
        %swap3A_502 = arith.index_cast %scan3A_463 : i32 to index
        %swap3A_503 = arith.constant 16 : index
        %swap3A_504 = tpu.vector_load %arg16[%swap3A_502, %swap3A_503] {strides = array<i32>} : memref<64x128xf32, #tpu.memory_space<vmem>>, vector<16xf32>,
        tpu.vector_store %arg16[%swap3A_502, %swap3A_503], %add3A_501 {strides = array<i32>} : memref<64x128xf32, #tpu.memory_space<vmem>>, vector<16xf32>,
        %get3A_505 = arith.index_cast %scan3A_463 : i32 to index
        %get3A_506 = arith.constant 32 : index
        %get3A_507 = tpu.vector_load %arg15[%get3A_505, %get3A_506] {strides = array<i32>} : memref<64x128xf32, #tpu.memory_space<vmem>>, vector<16xf32>,
        %get3A_508 = arith.index_cast %scan3A_463 : i32 to index
        %get3A_509 = arith.constant 32 : index
        %get3A_510 = tpu.vector_load %arg17[%get3A_508, %get3A_509] {strides = array<i32>} : memref<64x128xf32, #tpu.memory_space<vmem>>, vector<16xf32>,
        %add3A_511 = arith.addf %get3A_507, %get3A_510 : vector<16xf32>
        %swap3A_512 = arith.index_cast %scan3A_463 : i32 to index
        %swap3A_513 = arith.constant 32 : index
        %swap3A_514 = tpu.vector_load %arg15[%swap3A_512, %swap3A_513] {strides = array<i32>} : memref<64x128xf32, #tpu.memory_space<vmem>>, vector<16xf32>,
        tpu.vector_store %arg15[%swap3A_512, %swap3A_513], %add3A_511 {strides = array<i32>} : memref<64x128xf32, #tpu.memory_space<vmem>>, vector<16xf32>,
        %get3A_515 = arith.index_cast %scan3A_463 : i32 to index
        %get3A_516 = arith.constant 32 : index
        %get3A_517 = tpu.vector_load %arg16[%get3A_515, %get3A_516] {strides = array<i32>} : memref<64x128xf32, #tpu.memory_space<vmem>>, vector<16xf32>,
        %get3A_518 = arith.index_cast %scan3A_463 : i32 to index
        %get3A_519 = arith.constant 32 : index
        %get3A_520 = tpu.vector_load %arg18[%get3A_518, %get3A_519] {strides = array<i32>} : memref<64x128xf32, #tpu.memory_space<vmem>>, vector<16xf32>,
        %add3A_521 = arith.addf %get3A_517, %get3A_520 : vector<16xf32>
        %swap3A_522 = arith.index_cast %scan3A_463 : i32 to index
        %swap3A_523 = arith.constant 32 : index
        %swap3A_524 = tpu.vector_load %arg16[%swap3A_522, %swap3A_523] {strides = array<i32>} : memref<64x128xf32, #tpu.memory_space<vmem>>, vector<16xf32>,
        tpu.vector_store %arg16[%swap3A_522, %swap3A_523], %add3A_521 {strides = array<i32>} : memref<64x128xf32, #tpu.memory_space<vmem>>, vector<16xf32>,
        %get3A_525 = arith.index_cast %scan3A_463 : i32 to index
        %get3A_526 = arith.constant 48 : index
        %get3A_527 = tpu.vector_load %arg15[%get3A_525, %get3A_526] {strides = array<i32>} : memref<64x128xf32, #tpu.memory_space<vmem>>, vector<16xf32>,
        %get3A_528 = arith.index_cast %scan3A_463 : i32 to index
        %get3A_529 = arith.constant 48 : index
        %get3A_530 = tpu.vector_load %arg17[%get3A_528, %get3A_529] {strides = array<i32>} : memref<64x128xf32, #tpu.memory_space<vmem>>, vector<16xf32>,
        %add3A_531 = arith.addf %get3A_527, %get3A_530 : vector<16xf32>
        %swap3A_532 = arith.index_cast %scan3A_463 : i32 to index
        %swap3A_533 = arith.constant 48 : index
        %swap3A_534 = tpu.vector_load %arg15[%swap3A_532, %swap3A_533] {strides = array<i32>} : memref<64x128xf32, #tpu.memory_space<vmem>>, vector<16xf32>,
        tpu.vector_store %arg15[%swap3A_532, %swap3A_533], %add3A_531 {strides = array<i32>} : memref<64x128xf32, #tpu.memory_space<vmem>>, vector<16xf32>,
        %get3A_535 = arith.index_cast %scan3A_463 : i32 to index
        %get3A_536 = arith.constant 48 : index
        %get3A_537 = tpu.vector_load %arg16[%get3A_535, %get3A_536] {strides = array<i32>} : memref<64x128xf32, #tpu.memory_space<vmem>>, vector<16xf32>,
        %get3A_538 = arith.index_cast %scan3A_463 : i32 to index
        %get3A_539 = arith.constant 48 : index
        %get3A_540 = tpu.vector_load %arg18[%get3A_538, %get3A_539] {strides = array<i32>} : memref<64x128xf32, #tpu.memory_space<vmem>>, vector<16xf32>,
        %add3A_541 = arith.addf %get3A_537, %get3A_540 : vector<16xf32>
        %swap3A_542 = arith.index_cast %scan3A_463 : i32 to index
        %swap3A_543 = arith.constant 48 : index
        %swap3A_544 = tpu.vector_load %arg16[%swap3A_542, %swap3A_543] {strides = array<i32>} : memref<64x128xf32, #tpu.memory_space<vmem>>, vector<16xf32>,
        tpu.vector_store %arg16[%swap3A_542, %swap3A_543], %add3A_541 {strides = array<i32>} : memref<64x128xf32, #tpu.memory_space<vmem>>, vector<16xf32>,
        %get3A_545 = arith.index_cast %scan3A_463 : i32 to index
        %get3A_546 = arith.constant 64 : index
        %get3A_547 = tpu.vector_load %arg15[%get3A_545, %get3A_546] {strides = array<i32>} : memref<64x128xf32, #tpu.memory_space<vmem>>, vector<16xf32>,
        %get3A_548 = arith.index_cast %scan3A_463 : i32 to index
        %get3A_549 = arith.constant 64 : index
        %get3A_550 = tpu.vector_load %arg17[%get3A_548, %get3A_549] {strides = array<i32>} : memref<64x128xf32, #tpu.memory_space<vmem>>, vector<16xf32>,
        %add3A_551 = arith.addf %get3A_547, %get3A_550 : vector<16xf32>
        %swap3A_552 = arith.index_cast %scan3A_463 : i32 to index
        %swap3A_553 = arith.constant 64 : index
        %swap3A_554 = tpu.vector_load %arg15[%swap3A_552, %swap3A_553] {strides = array<i32>} : memref<64x128xf32, #tpu.memory_space<vmem>>, vector<16xf32>,
        tpu.vector_store %arg15[%swap3A_552, %swap3A_553], %add3A_551 {strides = array<i32>} : memref<64x128xf32, #tpu.memory_space<vmem>>, vector<16xf32>,
        %get3A_555 = arith.index_cast %scan3A_463 : i32 to index
        %get3A_556 = arith.constant 64 : index
        %get3A_557 = tpu.vector_load %arg16[%get3A_555, %get3A_556] {strides = array<i32>} : memref<64x128xf32, #tpu.memory_space<vmem>>, vector<16xf32>,
        %get3A_558 = arith.index_cast %scan3A_463 : i32 to index
        %get3A_559 = arith.constant 64 : index
        %get3A_560 = tpu.vector_load %arg18[%get3A_558, %get3A_559] {strides = array<i32>} : memref<64x128xf32, #tpu.memory_space<vmem>>, vector<16xf32>,
        %add3A_561 = arith.addf %get3A_557, %get3A_560 : vector<16xf32>
        %swap3A_562 = arith.index_cast %scan3A_463 : i32 to index
        %swap3A_563 = arith.constant 64 : index
        %swap3A_564 = tpu.vector_load %arg16[%swap3A_562, %swap3A_563] {strides = array<i32>} : memref<64x128xf32, #tpu.memory_space<vmem>>, vector<16xf32>,
        tpu.vector_store %arg16[%swap3A_562, %swap3A_563], %add3A_561 {strides = array<i32>} : memref<64x128xf32, #tpu.memory_space<vmem>>, vector<16xf32>,
        %get3A_565 = arith.index_cast %scan3A_463 : i32 to index
        %get3A_566 = arith.constant 80 : index
        %get3A_567 = tpu.vector_load %arg15[%get3A_565, %get3A_566] {strides = array<i32>} : memref<64x128xf32, #tpu.memory_space<vmem>>, vector<16xf32>,
        %get3A_568 = arith.index_cast %scan3A_463 : i32 to index
        %get3A_569 = arith.constant 80 : index
        %get3A_570 = tpu.vector_load %arg17[%get3A_568, %get3A_569] {strides = array<i32>} : memref<64x128xf32, #tpu.memory_space<vmem>>, vector<16xf32>,
        %add3A_571 = arith.addf %get3A_567, %get3A_570 : vector<16xf32>
        %swap3A_572 = arith.index_cast %scan3A_463 : i32 to index
        %swap3A_573 = arith.constant 80 : index
        %swap3A_574 = tpu.vector_load %arg15[%swap3A_572, %swap3A_573] {strides = array<i32>} : memref<64x128xf32, #tpu.memory_space<vmem>>, vector<16xf32>,
        tpu.vector_store %arg15[%swap3A_572, %swap3A_573], %add3A_571 {strides = array<i32>} : memref<64x128xf32, #tpu.memory_space<vmem>>, vector<16xf32>,
        %get3A_575 = arith.index_cast %scan3A_463 : i32 to index
        %get3A_576 = arith.constant 80 : index
        %get3A_577 = tpu.vector_load %arg16[%get3A_575, %get3A_576] {strides = array<i32>} : memref<64x128xf32, #tpu.memory_space<vmem>>, vector<16xf32>,
        %get3A_578 = arith.index_cast %scan3A_463 : i32 to index
        %get3A_579 = arith.constant 80 : index
        %get3A_580 = tpu.vector_load %arg18[%get3A_578, %get3A_579] {strides = array<i32>} : memref<64x128xf32, #tpu.memory_space<vmem>>, vector<16xf32>,
        %add3A_581 = arith.addf %get3A_577, %get3A_580 : vector<16xf32>
        %swap3A_582 = arith.index_cast %scan3A_463 : i32 to index
        %swap3A_583 = arith.constant 80 : index
        %swap3A_584 = tpu.vector_load %arg16[%swap3A_582, %swap3A_583] {strides = array<i32>} : memref<64x128xf32, #tpu.memory_space<vmem>>, vector<16xf32>,
        tpu.vector_store %arg16[%swap3A_582, %swap3A_583], %add3A_581 {strides = array<i32>} : memref<64x128xf32, #tpu.memory_space<vmem>>, vector<16xf32>,
        %get3A_585 = arith.index_cast %scan3A_463 : i32 to index
        %get3A_586 = arith.constant 96 : index
        %get3A_587 = tpu.vector_load %arg15[%get3A_585, %get3A_586] {strides = array<i32>} : memref<64x128xf32, #tpu.memory_space<vmem>>, vector<16xf32>,
        %get3A_588 = arith.index_cast %scan3A_463 : i32 to index
        %get3A_589 = arith.constant 96 : index
        %get3A_590 = tpu.vector_load %arg17[%get3A_588, %get3A_589] {strides = array<i32>} : memref<64x128xf32, #tpu.memory_space<vmem>>, vector<16xf32>,
        %add3A_591 = arith.addf %get3A_587, %get3A_590 : vector<16xf32>
        %swap3A_592 = arith.index_cast %scan3A_463 : i32 to index
        %swap3A_593 = arith.constant 96 : index
        %swap3A_594 = tpu.vector_load %arg15[%swap3A_592, %swap3A_593] {strides = array<i32>} : memref<64x128xf32, #tpu.memory_space<vmem>>, vector<16xf32>,
        tpu.vector_store %arg15[%swap3A_592, %swap3A_593], %add3A_591 {strides = array<i32>} : memref<64x128xf32, #tpu.memory_space<vmem>>, vector<16xf32>,
        %get3A_595 = arith.index_cast %scan3A_463 : i32 to index
        %get3A_596 = arith.constant 96 : index
        %get3A_597 = tpu.vector_load %arg16[%get3A_595, %get3A_596] {strides = array<i32>} : memref<64x128xf32, #tpu.memory_space<vmem>>, vector<16xf32>,
        %get3A_598 = arith.index_cast %scan3A_463 : i32 to index
        %get3A_599 = arith.constant 96 : index
        %get3A_600 = tpu.vector_load %arg18[%get3A_598, %get3A_599] {strides = array<i32>} : memref<64x128xf32, #tpu.memory_space<vmem>>, vector<16xf32>,
        %add3A_601 = arith.addf %get3A_597, %get3A_600 : vector<16xf32>
        %swap3A_602 = arith.index_cast %scan3A_463 : i32 to index
        %swap3A_603 = arith.constant 96 : index
        %swap3A_604 = tpu.vector_load %arg16[%swap3A_602, %swap3A_603] {strides = array<i32>} : memref<64x128xf32, #tpu.memory_space<vmem>>, vector<16xf32>,
        tpu.vector_store %arg16[%swap3A_602, %swap3A_603], %add3A_601 {strides = array<i32>} : memref<64x128xf32, #tpu.memory_space<vmem>>, vector<16xf32>,
        %get3A_605 = arith.index_cast %scan3A_463 : i32 to index
        %get3A_606 = arith.constant 112 : index
        %get3A_607 = tpu.vector_load %arg15[%get3A_605, %get3A_606] {strides = array<i32>} : memref<64x128xf32, #tpu.memory_space<vmem>>, vector<16xf32>,
        %get3A_608 = arith.index_cast %scan3A_463 : i32 to index
        %get3A_609 = arith.constant 112 : index
        %get3A_610 = tpu.vector_load %arg17[%get3A_608, %get3A_609] {strides = array<i32>} : memref<64x128xf32, #tpu.memory_space<vmem>>, vector<16xf32>,
        %add3A_611 = arith.addf %get3A_607, %get3A_610 : vector<16xf32>
        %swap3A_612 = arith.index_cast %scan3A_463 : i32 to index
        %swap3A_613 = arith.constant 112 : index
        %swap3A_614 = tpu.vector_load %arg15[%swap3A_612, %swap3A_613] {strides = array<i32>} : memref<64x128xf32, #tpu.memory_space<vmem>>, vector<16xf32>,
        tpu.vector_store %arg15[%swap3A_612, %swap3A_613], %add3A_611 {strides = array<i32>} : memref<64x128xf32, #tpu.memory_space<vmem>>, vector<16xf32>,
        %get3A_615 = arith.index_cast %scan3A_463 : i32 to index
        %get3A_616 = arith.constant 112 : index
        %get3A_617 = tpu.vector_load %arg16[%get3A_615, %get3A_616] {strides = array<i32>} : memref<64x128xf32, #tpu.memory_space<vmem>>, vector<16xf32>,
        %get3A_618 = arith.index_cast %scan3A_463 : i32 to index
        %get3A_619 = arith.constant 112 : index
        %get3A_620 = tpu.vector_load %arg18[%get3A_618, %get3A_619] {strides = array<i32>} : memref<64x128xf32, #tpu.memory_space<vmem>>, vector<16xf32>,
        %add3A_621 = arith.addf %get3A_617, %get3A_620 : vector<16xf32>
        %swap3A_622 = arith.index_cast %scan3A_463 : i32 to index
        %swap3A_623 = arith.constant 112 : index
        %swap3A_624 = tpu.vector_load %arg16[%swap3A_622, %swap3A_623] {strides = array<i32>} : memref<64x128xf32, #tpu.memory_space<vmem>>, vector<16xf32>,
        tpu.vector_store %arg16[%swap3A_622, %swap3A_623], %add3A_621 {strides = array<i32>} : memref<64x128xf32, #tpu.memory_space<vmem>>, vector<16xf32>,
        %scan3A_625 = arith.constant 0 : i32
        scf.yield %scan3A_625 : i32
      }
      %scan3A_258 = arith.constant 64 : i32
      %lt3A = arith.constant 39 : i32
      %lt3A_259 = arith.cmpi slt, %scan3A_85, %lt3A : i32
      %convert_element_type3A_260 = arith.extui %lt3A_259 : i1 to i32
      %cond3A_261 = arith.constant 0 : i32
      %cond3A_262 = arith.cmpi ne, %convert_element_type3A_260, %cond3A_261 : i32
      scf.if %cond3A_262 {
        %add3A_463 = arith.constant 2 : i32
        %add3A_464 = arith.addi %add3A_90, %add3A_463 : i32
        %mul3A_465 = arith.constant 5120 : i32
        %mul3A_466 = arith.muli %add3A, %mul3A_465 : i32
        %mul3A_467 = arith.constant 64 : i32
        %mul3A_468 = arith.muli %add3A_464, %mul3A_467 : i32
        %add3A_469 = arith.addi %mul3A_466, %mul3A_468 : i32
        %dma_start3A_470 = tpu.memref_slice %arg6[%add3A_469] : memref<163840xi32, #tpu.memory_space<hbm>> -> memref<64xi32, #tpu.memory_space<hbm>>
        %dma_start3A_471 = tpu.memref_slice %arg6[%add3A_469] : memref<163840xi32, #tpu.memory_space<hbm>> -> memref<64xi32, #tpu.memory_space<hbm>>
        tpu.enqueue_dma source(%dma_start3A_471 : memref<64xi32, #tpu.memory_space<hbm>>) target(%arg23 : memref<64xi32, #tpu.memory_space<vmem>>) target_semaphore(%arg34 : memref<!tpu.dma_semaphore, #tpu.memory_space<semaphore_mem>>)
        %dma_start3A_472 = tpu.memref_slice %arg7[%add3A_469] : memref<163840xi32, #tpu.memory_space<hbm>> -> memref<64xi32, #tpu.memory_space<hbm>>
        %dma_start3A_473 = tpu.memref_slice %arg7[%add3A_469] : memref<163840xi32, #tpu.memory_space<hbm>> -> memref<64xi32, #tpu.memory_space<hbm>>
        tpu.enqueue_dma source(%dma_start3A_473 : memref<64xi32, #tpu.memory_space<hbm>>) target(%arg24 : memref<64xi32, #tpu.memory_space<vmem>>) target_semaphore(%arg35 : memref<!tpu.dma_semaphore, #tpu.memory_space<semaphore_mem>>)
      } else {
      }
      %mul3A_263 = arith.constant 5120 : i32
      %mul3A_264 = arith.muli %add3A, %mul3A_263 : i32
      %mul3A_265 = arith.constant 64 : i32
      %mul3A_266 = arith.muli %add3A_90, %mul3A_265 : i32
      %add3A_267 = arith.addi %mul3A_264, %mul3A_266 : i32
      %dma_start3A_268 = arith.constant 0 : i32
      %dma_start3A_269 = tpu.memref_slice %arg11[%add3A_267, %dma_start3A_268] : memref<163840x128xf32, #tpu.memory_space<hbm>> -> memref<64x128xf32, #tpu.memory_space<hbm>>
      %dma_start3A_270 = arith.constant 0 : i32
      %dma_start3A_271 = tpu.memref_slice %arg11[%add3A_267, %dma_start3A_270] : memref<163840x128xf32, #tpu.memory_space<hbm>> -> memref<64x128xf32, #tpu.memory_space<hbm>>
      tpu.enqueue_dma source(%arg15 : memref<64x128xf32, #tpu.memory_space<vmem>>) target(%dma_start3A_271 : memref<64x128xf32, #tpu.memory_space<hbm>>) target_semaphore(%arg46 : memref<!tpu.dma_semaphore, #tpu.memory_space<semaphore_mem>>)
      %dma_start3A_272 = arith.constant 0 : i32
      %dma_start3A_273 = tpu.memref_slice %arg12[%add3A_267, %dma_start3A_272] : memref<163840x128xf32, #tpu.memory_space<hbm>> -> memref<64x128xf32, #tpu.memory_space<hbm>>
      %dma_start3A_274 = arith.constant 0 : i32
      %dma_start3A_275 = tpu.memref_slice %arg12[%add3A_267, %dma_start3A_274] : memref<163840x128xf32, #tpu.memory_space<hbm>> -> memref<64x128xf32, #tpu.memory_space<hbm>>
      tpu.enqueue_dma source(%arg16 : memref<64x128xf32, #tpu.memory_space<vmem>>) target(%dma_start3A_275 : memref<64x128xf32, #tpu.memory_space<hbm>>) target_semaphore(%arg47 : memref<!tpu.dma_semaphore, #tpu.memory_space<semaphore_mem>>)
      %mul3A_276 = arith.constant 8 : i32
      %mul3A_277 = arith.muli %add3A_267, %mul3A_276 : i32
      %dma_start3A_278 = tpu.memref_slice %arg13[%mul3A_277] : memref<1310720xf32, #tpu.memory_space<hbm>> -> memref<512xf32, #tpu.memory_space<hbm>>
      %dma_start3A_279 = tpu.memref_slice %arg13[%mul3A_277] : memref<1310720xf32, #tpu.memory_space<hbm>> -> memref<512xf32, #tpu.memory_space<hbm>>
      tpu.enqueue_dma source(%arg32 : memref<512xf32, #tpu.memory_space<vmem>>) target(%dma_start3A_279 : memref<512xf32, #tpu.memory_space<hbm>>) target_semaphore(%arg48 : memref<!tpu.dma_semaphore, #tpu.memory_space<semaphore_mem>>)
      %dma_start3A_280 = tpu.memref_slice %arg14[%add3A_267] : memref<163840xf32, #tpu.memory_space<hbm>> -> memref<64xf32, #tpu.memory_space<hbm>>
      %dma_start3A_281 = tpu.memref_slice %arg14[%add3A_267] : memref<163840xf32, #tpu.memory_space<hbm>> -> memref<64xf32, #tpu.memory_space<hbm>>
      tpu.enqueue_dma source(%arg30 : memref<64xf32, #tpu.memory_space<vmem>>) target(%dma_start3A_281 : memref<64xf32, #tpu.memory_space<hbm>>) target_semaphore(%arg49 : memref<!tpu.dma_semaphore, #tpu.memory_space<semaphore_mem>>)
      %mul3A_282 = arith.constant 2 : i32
      %mul3A_283 = arith.muli %scan3A_85, %mul3A_282 : i32
      %add3A_284 = arith.constant 1 : i32
      %add3A_285 = arith.addi %mul3A_283, %add3A_284 : i32
      %get3A_286 = arith.constant 0 : index
      %get3A_287 = tpu.vector_load %arg25[%get3A_286] {strides = array<i32>} : memref<64xi32, #tpu.memory_space<vmem>>, vector<16xi32>,
      %get3A_288 = arith.constant 0 : index
      %get3A_289 = tpu.vector_load %arg26[%get3A_288] {strides = array<i32>} : memref<64xi32, #tpu.memory_space<vmem>>, vector<16xi32>,
      %gather3A_290 = tpu.vector_load_idx %arg27[%get3A_287] : memref<10240xf32, #tpu.memory_space<vmem>>[vector<16xi32>], vector<16xf32>,
      %gather3A_291 = tpu.vector_load_idx %arg27[%get3A_289] : memref<10240xf32, #tpu.memory_space<vmem>>[vector<16xi32>], vector<16xf32>,
      %sub3A_292 = arith.subf %gather3A_290, %gather3A_291 : vector<16xf32>
      %gather3A_293 = tpu.vector_load_idx %arg28[%get3A_287] : memref<10240xf32, #tpu.memory_space<vmem>>[vector<16xi32>], vector<16xf32>,
      %gather3A_294 = tpu.vector_load_idx %arg28[%get3A_289] : memref<10240xf32, #tpu.memory_space<vmem>>[vector<16xi32>], vector<16xf32>,
      %sub3A_295 = arith.subf %gather3A_293, %gather3A_294 : vector<16xf32>
      %gather3A_296 = tpu.vector_load_idx %arg29[%get3A_287] : memref<10240xf32, #tpu.memory_space<vmem>>[vector<16xi32>], vector<16xf32>,
      %gather3A_297 = tpu.vector_load_idx %arg29[%get3A_289] : memref<10240xf32, #tpu.memory_space<vmem>>[vector<16xi32>], vector<16xf32>,
      %sub3A_298 = arith.subf %gather3A_296, %gather3A_297 : vector<16xf32>
      %mul3A_299 = arith.mulf %sub3A_292, %sub3A_292 : vector<16xf32>
      %mul3A_300 = arith.mulf %sub3A_295, %sub3A_295 : vector<16xf32>
      %add3A_301 = arith.addf %mul3A_299, %mul3A_300 : vector<16xf32>
      %mul3A_302 = arith.mulf %sub3A_298, %sub3A_298 : vector<16xf32>
      %add3A_303 = arith.addf %add3A_301, %mul3A_302 : vector<16xf32>
      %swap3A_304 = arith.constant 0 : index
      %swap3A_305 = tpu.vector_load %arg31[%swap3A_304] {strides = array<i32>} : memref<64xf32, #tpu.memory_space<vmem>>, vector<16xf32>,
      tpu.vector_store %arg31[%swap3A_304], %add3A_303 {strides = array<i32>} : memref<64xf32, #tpu.memory_space<vmem>>, vector<16xf32>,
      %mul3A_306 = arith.constant 8 : i32
      %mul3A_307 = vector.broadcast %mul3A_306 : i32 to vector<16xi32>
      %mul3A_308 = arith.muli %iota3A, %mul3A_307 : vector<16xi32>
      %add3A_309 = arith.constant 0 : i32
      %add3A_310 = vector.broadcast %add3A_309 : i32 to vector<16xi32>
      %add3A_311 = arith.addi %mul3A_308, %add3A_310 : vector<16xi32>
      tpu.vector_store_idx %arg33[%add3A_311], %sub3A_292 : memref<512xf32, #tpu.memory_space<vmem>>[vector<16xi32>], vector<16xf32>,
      %add3A_312 = arith.constant 1 : i32
      %add3A_313 = vector.broadcast %add3A_312 : i32 to vector<16xi32>
      %add3A_314 = arith.addi %add3A_311, %add3A_313 : vector<16xi32>
      tpu.vector_store_idx %arg33[%add3A_314], %sub3A_295 : memref<512xf32, #tpu.memory_space<vmem>>[vector<16xi32>], vector<16xf32>,
      %add3A_315 = arith.constant 2 : i32
      %add3A_316 = vector.broadcast %add3A_315 : i32 to vector<16xi32>
      %add3A_317 = arith.addi %add3A_311, %add3A_316 : vector<16xi32>
      tpu.vector_store_idx %arg33[%add3A_317], %sub3A_298 : memref<512xf32, #tpu.memory_space<vmem>>[vector<16xi32>], vector<16xf32>,
      %get3A_318 = arith.constant 16 : index
      %get3A_319 = tpu.vector_load %arg25[%get3A_318] {strides = array<i32>} : memref<64xi32, #tpu.memory_space<vmem>>, vector<16xi32>,
      %get3A_320 = arith.constant 16 : index
      %get3A_321 = tpu.vector_load %arg26[%get3A_320] {strides = array<i32>} : memref<64xi32, #tpu.memory_space<vmem>>, vector<16xi32>,
      %gather3A_322 = tpu.vector_load_idx %arg27[%get3A_319] : memref<10240xf32, #tpu.memory_space<vmem>>[vector<16xi32>], vector<16xf32>,
      %gather3A_323 = tpu.vector_load_idx %arg27[%get3A_321] : memref<10240xf32, #tpu.memory_space<vmem>>[vector<16xi32>], vector<16xf32>,
      %sub3A_324 = arith.subf %gather3A_322, %gather3A_323 : vector<16xf32>
      %gather3A_325 = tpu.vector_load_idx %arg28[%get3A_319] : memref<10240xf32, #tpu.memory_space<vmem>>[vector<16xi32>], vector<16xf32>,
      %gather3A_326 = tpu.vector_load_idx %arg28[%get3A_321] : memref<10240xf32, #tpu.memory_space<vmem>>[vector<16xi32>], vector<16xf32>,
      %sub3A_327 = arith.subf %gather3A_325, %gather3A_326 : vector<16xf32>
      %gather3A_328 = tpu.vector_load_idx %arg29[%get3A_319] : memref<10240xf32, #tpu.memory_space<vmem>>[vector<16xi32>], vector<16xf32>,
      %gather3A_329 = tpu.vector_load_idx %arg29[%get3A_321] : memref<10240xf32, #tpu.memory_space<vmem>>[vector<16xi32>], vector<16xf32>,
      %sub3A_330 = arith.subf %gather3A_328, %gather3A_329 : vector<16xf32>
      %mul3A_331 = arith.mulf %sub3A_324, %sub3A_324 : vector<16xf32>
      %mul3A_332 = arith.mulf %sub3A_327, %sub3A_327 : vector<16xf32>
      %add3A_333 = arith.addf %mul3A_331, %mul3A_332 : vector<16xf32>
      %mul3A_334 = arith.mulf %sub3A_330, %sub3A_330 : vector<16xf32>
      %add3A_335 = arith.addf %add3A_333, %mul3A_334 : vector<16xf32>
      %swap3A_336 = arith.constant 16 : index
      %swap3A_337 = tpu.vector_load %arg31[%swap3A_336] {strides = array<i32>} : memref<64xf32, #tpu.memory_space<vmem>>, vector<16xf32>,
      tpu.vector_store %arg31[%swap3A_336], %add3A_335 {strides = array<i32>} : memref<64xf32, #tpu.memory_space<vmem>>, vector<16xf32>,
      %mul3A_338 = arith.constant 8 : i32
      %mul3A_339 = vector.broadcast %mul3A_338 : i32 to vector<16xi32>
      %mul3A_340 = arith.muli %iota3A, %mul3A_339 : vector<16xi32>
      %add3A_341 = arith.constant 128 : i32
      %add3A_342 = vector.broadcast %add3A_341 : i32 to vector<16xi32>
      %add3A_343 = arith.addi %mul3A_340, %add3A_342 : vector<16xi32>
      tpu.vector_store_idx %arg33[%add3A_343], %sub3A_324 : memref<512xf32, #tpu.memory_space<vmem>>[vector<16xi32>], vector<16xf32>,
      %add3A_344 = arith.constant 1 : i32
      %add3A_345 = vector.broadcast %add3A_344 : i32 to vector<16xi32>
      %add3A_346 = arith.addi %add3A_343, %add3A_345 : vector<16xi32>
      tpu.vector_store_idx %arg33[%add3A_346], %sub3A_327 : memref<512xf32, #tpu.memory_space<vmem>>[vector<16xi32>], vector<16xf32>,
      %add3A_347 = arith.constant 2 : i32
      %add3A_348 = vector.broadcast %add3A_347 : i32 to vector<16xi32>
      %add3A_349 = arith.addi %add3A_343, %add3A_348 : vector<16xi32>
      tpu.vector_store_idx %arg33[%add3A_349], %sub3A_330 : memref<512xf32, #tpu.memory_space<vmem>>[vector<16xi32>], vector<16xf32>,
      %get3A_350 = arith.constant 32 : index
      %get3A_351 = tpu.vector_load %arg25[%get3A_350] {strides = array<i32>} : memref<64xi32, #tpu.memory_space<vmem>>, vector<16xi32>,
      %get3A_352 = arith.constant 32 : index
      %get3A_353 = tpu.vector_load %arg26[%get3A_352] {strides = array<i32>} : memref<64xi32, #tpu.memory_space<vmem>>, vector<16xi32>,
      %gather3A_354 = tpu.vector_load_idx %arg27[%get3A_351] : memref<10240xf32, #tpu.memory_space<vmem>>[vector<16xi32>], vector<16xf32>,
      %gather3A_355 = tpu.vector_load_idx %arg27[%get3A_353] : memref<10240xf32, #tpu.memory_space<vmem>>[vector<16xi32>], vector<16xf32>,
      %sub3A_356 = arith.subf %gather3A_354, %gather3A_355 : vector<16xf32>
      %gather3A_357 = tpu.vector_load_idx %arg28[%get3A_351] : memref<10240xf32, #tpu.memory_space<vmem>>[vector<16xi32>], vector<16xf32>,
      %gather3A_358 = tpu.vector_load_idx %arg28[%get3A_353] : memref<10240xf32, #tpu.memory_space<vmem>>[vector<16xi32>], vector<16xf32>,
      %sub3A_359 = arith.subf %gather3A_357, %gather3A_358 : vector<16xf32>
      %gather3A_360 = tpu.vector_load_idx %arg29[%get3A_351] : memref<10240xf32, #tpu.memory_space<vmem>>[vector<16xi32>], vector<16xf32>,
      %gather3A_361 = tpu.vector_load_idx %arg29[%get3A_353] : memref<10240xf32, #tpu.memory_space<vmem>>[vector<16xi32>], vector<16xf32>,
      %sub3A_362 = arith.subf %gather3A_360, %gather3A_361 : vector<16xf32>
      %mul3A_363 = arith.mulf %sub3A_356, %sub3A_356 : vector<16xf32>
      %mul3A_364 = arith.mulf %sub3A_359, %sub3A_359 : vector<16xf32>
      %add3A_365 = arith.addf %mul3A_363, %mul3A_364 : vector<16xf32>
      %mul3A_366 = arith.mulf %sub3A_362, %sub3A_362 : vector<16xf32>
      %add3A_367 = arith.addf %add3A_365, %mul3A_366 : vector<16xf32>
      %swap3A_368 = arith.constant 32 : index
      %swap3A_369 = tpu.vector_load %arg31[%swap3A_368] {strides = array<i32>} : memref<64xf32, #tpu.memory_space<vmem>>, vector<16xf32>,
      tpu.vector_store %arg31[%swap3A_368], %add3A_367 {strides = array<i32>} : memref<64xf32, #tpu.memory_space<vmem>>, vector<16xf32>,
      %mul3A_370 = arith.constant 8 : i32
      %mul3A_371 = vector.broadcast %mul3A_370 : i32 to vector<16xi32>
      %mul3A_372 = arith.muli %iota3A, %mul3A_371 : vector<16xi32>
      %add3A_373 = arith.constant 256 : i32
      %add3A_374 = vector.broadcast %add3A_373 : i32 to vector<16xi32>
      %add3A_375 = arith.addi %mul3A_372, %add3A_374 : vector<16xi32>
      tpu.vector_store_idx %arg33[%add3A_375], %sub3A_356 : memref<512xf32, #tpu.memory_space<vmem>>[vector<16xi32>], vector<16xf32>,
      %add3A_376 = arith.constant 1 : i32
      %add3A_377 = vector.broadcast %add3A_376 : i32 to vector<16xi32>
      %add3A_378 = arith.addi %add3A_375, %add3A_377 : vector<16xi32>
      tpu.vector_store_idx %arg33[%add3A_378], %sub3A_359 : memref<512xf32, #tpu.memory_space<vmem>>[vector<16xi32>], vector<16xf32>,
      %add3A_379 = arith.constant 2 : i32
      %add3A_380 = vector.broadcast %add3A_379 : i32 to vector<16xi32>
      %add3A_381 = arith.addi %add3A_375, %add3A_380 : vector<16xi32>
      tpu.vector_store_idx %arg33[%add3A_381], %sub3A_362 : memref<512xf32, #tpu.memory_space<vmem>>[vector<16xi32>], vector<16xf32>,
      %get3A_382 = arith.constant 48 : index
      %get3A_383 = tpu.vector_load %arg25[%get3A_382] {strides = array<i32>} : memref<64xi32, #tpu.memory_space<vmem>>, vector<16xi32>,
      %get3A_384 = arith.constant 48 : index
      %get3A_385 = tpu.vector_load %arg26[%get3A_384] {strides = array<i32>} : memref<64xi32, #tpu.memory_space<vmem>>, vector<16xi32>,
      %gather3A_386 = tpu.vector_load_idx %arg27[%get3A_383] : memref<10240xf32, #tpu.memory_space<vmem>>[vector<16xi32>], vector<16xf32>,
      %gather3A_387 = tpu.vector_load_idx %arg27[%get3A_385] : memref<10240xf32, #tpu.memory_space<vmem>>[vector<16xi32>], vector<16xf32>,
      %sub3A_388 = arith.subf %gather3A_386, %gather3A_387 : vector<16xf32>
      %gather3A_389 = tpu.vector_load_idx %arg28[%get3A_383] : memref<10240xf32, #tpu.memory_space<vmem>>[vector<16xi32>], vector<16xf32>,
      %gather3A_390 = tpu.vector_load_idx %arg28[%get3A_385] : memref<10240xf32, #tpu.memory_space<vmem>>[vector<16xi32>], vector<16xf32>,
      %sub3A_391 = arith.subf %gather3A_389, %gather3A_390 : vector<16xf32>
      %gather3A_392 = tpu.vector_load_idx %arg29[%get3A_383] : memref<10240xf32, #tpu.memory_space<vmem>>[vector<16xi32>], vector<16xf32>,
      %gather3A_393 = tpu.vector_load_idx %arg29[%get3A_385] : memref<10240xf32, #tpu.memory_space<vmem>>[vector<16xi32>], vector<16xf32>,
      %sub3A_394 = arith.subf %gather3A_392, %gather3A_393 : vector<16xf32>
      %mul3A_395 = arith.mulf %sub3A_388, %sub3A_388 : vector<16xf32>
      %mul3A_396 = arith.mulf %sub3A_391, %sub3A_391 : vector<16xf32>
      %add3A_397 = arith.addf %mul3A_395, %mul3A_396 : vector<16xf32>
      %mul3A_398 = arith.mulf %sub3A_394, %sub3A_394 : vector<16xf32>
      %add3A_399 = arith.addf %add3A_397, %mul3A_398 : vector<16xf32>
      %swap3A_400 = arith.constant 48 : index
      %swap3A_401 = tpu.vector_load %arg31[%swap3A_400] {strides = array<i32>} : memref<64xf32, #tpu.memory_space<vmem>>, vector<16xf32>,
      tpu.vector_store %arg31[%swap3A_400], %add3A_399 {strides = array<i32>} : memref<64xf32, #tpu.memory_space<vmem>>, vector<16xf32>,
      %mul3A_402 = arith.constant 8 : i32
      %mul3A_403 = vector.broadcast %mul3A_402 : i32 to vector<16xi32>
      %mul3A_404 = arith.muli %iota3A, %mul3A_403 : vector<16xi32>
      %add3A_405 = arith.constant 384 : i32
      %add3A_406 = vector.broadcast %add3A_405 : i32 to vector<16xi32>
      %add3A_407 = arith.addi %mul3A_404, %add3A_406 : vector<16xi32>
      tpu.vector_store_idx %arg33[%add3A_407], %sub3A_388 : memref<512xf32, #tpu.memory_space<vmem>>[vector<16xi32>], vector<16xf32>,
      %add3A_408 = arith.constant 1 : i32
      %add3A_409 = vector.broadcast %add3A_408 : i32 to vector<16xi32>
      %add3A_410 = arith.addi %add3A_407, %add3A_409 : vector<16xi32>
      tpu.vector_store_idx %arg33[%add3A_410], %sub3A_391 : memref<512xf32, #tpu.memory_space<vmem>>[vector<16xi32>], vector<16xf32>,
      %add3A_411 = arith.constant 2 : i32
      %add3A_412 = vector.broadcast %add3A_411 : i32 to vector<16xi32>
      %add3A_413 = arith.addi %add3A_407, %add3A_412 : vector<16xi32>
      tpu.vector_store_idx %arg33[%add3A_413], %sub3A_394 : memref<512xf32, #tpu.memory_space<vmem>>[vector<16xi32>], vector<16xf32>,
      %lt3A_414 = arith.constant 39 : i32
      %lt3A_415 = arith.cmpi slt, %scan3A_85, %lt3A_414 : i32
      %convert_element_type3A_416 = arith.extui %lt3A_415 : i1 to i32
      %cond3A_417 = arith.constant 0 : i32
      %cond3A_418 = arith.cmpi ne, %convert_element_type3A_416, %cond3A_417 : i32
      scf.if %cond3A_418 {
        %add3A_463 = arith.constant 1 : i32
        %add3A_464 = arith.addi %add3A_285, %add3A_463 : i32
        %mul3A_465 = arith.constant 5120 : i32
        %mul3A_466 = arith.muli %add3A, %mul3A_465 : i32
        %mul3A_467 = arith.constant 64 : i32
        %mul3A_468 = arith.muli %add3A_464, %mul3A_467 : i32
        %add3A_469 = arith.addi %mul3A_466, %mul3A_468 : i32
        %dma_wait3A_470 = tpu.memref_slice %arg6[%add3A_469] : memref<163840xi32, #tpu.memory_space<hbm>> -> memref<64xi32, #tpu.memory_space<hbm>>
        %dma_wait3A_471 = tpu.memref_slice %arg6[%add3A_469] : memref<163840xi32, #tpu.memory_space<hbm>> -> memref<64xi32, #tpu.memory_space<hbm>>
        tpu.wait_dma2 semaphore(%arg34 : memref<!tpu.dma_semaphore, #tpu.memory_space<semaphore_mem>>) src(%dma_wait3A_471 : memref<64xi32, #tpu.memory_space<hbm>>) dst(%arg23 : memref<64xi32, #tpu.memory_space<vmem>>)
        %dma_wait3A_472 = tpu.memref_slice %arg7[%add3A_469] : memref<163840xi32, #tpu.memory_space<hbm>> -> memref<64xi32, #tpu.memory_space<hbm>>
        %dma_wait3A_473 = tpu.memref_slice %arg7[%add3A_469] : memref<163840xi32, #tpu.memory_space<hbm>> -> memref<64xi32, #tpu.memory_space<hbm>>
        tpu.wait_dma2 semaphore(%arg35 : memref<!tpu.dma_semaphore, #tpu.memory_space<semaphore_mem>>) src(%dma_wait3A_473 : memref<64xi32, #tpu.memory_space<hbm>>) dst(%arg24 : memref<64xi32, #tpu.memory_space<vmem>>)
        %sub3A_474 = arith.constant 1 : i32
        %sub3A_475 = arith.subi %add3A_285, %sub3A_474 : i32
        %mul3A_476 = arith.constant 5120 : i32
        %mul3A_477 = arith.muli %add3A, %mul3A_476 : i32
        %mul3A_478 = arith.constant 64 : i32
        %mul3A_479 = arith.muli %sub3A_475, %mul3A_478 : i32
        %add3A_480 = arith.addi %mul3A_477, %mul3A_479 : i32
        %dma_wait3A_481 = arith.constant 0 : i32
        %dma_wait3A_482 = tpu.memref_slice %arg11[%add3A_480, %dma_wait3A_481] : memref<163840x128xf32, #tpu.memory_space<hbm>> -> memref<64x128xf32, #tpu.memory_space<hbm>>
        %dma_wait3A_483 = arith.constant 0 : i32
        %dma_wait3A_484 = tpu.memref_slice %arg11[%add3A_480, %dma_wait3A_483] : memref<163840x128xf32, #tpu.memory_space<hbm>> -> memref<64x128xf32, #tpu.memory_space<hbm>>
        tpu.wait_dma2 semaphore(%arg46 : memref<!tpu.dma_semaphore, #tpu.memory_space<semaphore_mem>>) src(%arg15 : memref<64x128xf32, #tpu.memory_space<vmem>>) dst(%dma_wait3A_484 : memref<64x128xf32, #tpu.memory_space<hbm>>)
        %dma_wait3A_485 = arith.constant 0 : i32
        %dma_wait3A_486 = tpu.memref_slice %arg12[%add3A_480, %dma_wait3A_485] : memref<163840x128xf32, #tpu.memory_space<hbm>> -> memref<64x128xf32, #tpu.memory_space<hbm>>
        %dma_wait3A_487 = arith.constant 0 : i32
        %dma_wait3A_488 = tpu.memref_slice %arg12[%add3A_480, %dma_wait3A_487] : memref<163840x128xf32, #tpu.memory_space<hbm>> -> memref<64x128xf32, #tpu.memory_space<hbm>>
        tpu.wait_dma2 semaphore(%arg47 : memref<!tpu.dma_semaphore, #tpu.memory_space<semaphore_mem>>) src(%arg16 : memref<64x128xf32, #tpu.memory_space<vmem>>) dst(%dma_wait3A_488 : memref<64x128xf32, #tpu.memory_space<hbm>>)
        %mul3A_489 = arith.constant 8 : i32
        %mul3A_490 = arith.muli %add3A_480, %mul3A_489 : i32
        %dma_wait3A_491 = tpu.memref_slice %arg13[%mul3A_490] : memref<1310720xf32, #tpu.memory_space<hbm>> -> memref<512xf32, #tpu.memory_space<hbm>>
        %dma_wait3A_492 = tpu.memref_slice %arg13[%mul3A_490] : memref<1310720xf32, #tpu.memory_space<hbm>> -> memref<512xf32, #tpu.memory_space<hbm>>
        tpu.wait_dma2 semaphore(%arg48 : memref<!tpu.dma_semaphore, #tpu.memory_space<semaphore_mem>>) src(%arg32 : memref<512xf32, #tpu.memory_space<vmem>>) dst(%dma_wait3A_492 : memref<512xf32, #tpu.memory_space<hbm>>)
        %dma_wait3A_493 = tpu.memref_slice %arg14[%add3A_480] : memref<163840xf32, #tpu.memory_space<hbm>> -> memref<64xf32, #tpu.memory_space<hbm>>
        %dma_wait3A_494 = tpu.memref_slice %arg14[%add3A_480] : memref<163840xf32, #tpu.memory_space<hbm>> -> memref<64xf32, #tpu.memory_space<hbm>>
        tpu.wait_dma2 semaphore(%arg49 : memref<!tpu.dma_semaphore, #tpu.memory_space<semaphore_mem>>) src(%arg30 : memref<64xf32, #tpu.memory_space<vmem>>) dst(%dma_wait3A_494 : memref<64xf32, #tpu.memory_space<hbm>>)
        %dma_start3A_495 = arith.constant 0 : i32
        %dma_start3A_496 = arith.constant 0 : i32
        %dma_start3A_497 = tpu.memref_slice %arg2[%dma_start3A_495, %dma_start3A_496] : memref<10240x128xf32, #tpu.memory_space<hbm>> -> memref<10240x128xf32, #tpu.memory_space<hbm>>
        tpu.enqueue_indirect_dma source(%dma_start3A_497 : memref<10240x128xf32, #tpu.memory_space<hbm>>) target(%arg15 : memref<64x128xf32, #tpu.memory_space<vmem>>) offsets(%arg23 : memref<64xi32, #tpu.memory_space<vmem>>) semaphore(%arg38 : memref<!tpu.dma_semaphore, #tpu.memory_space<semaphore_mem>>)
        %dma_start3A_498 = arith.constant 0 : i32
        %dma_start3A_499 = arith.constant 0 : i32
        %dma_start3A_500 = tpu.memref_slice %arg3[%dma_start3A_498, %dma_start3A_499] : memref<10240x128xf32, #tpu.memory_space<hbm>> -> memref<10240x128xf32, #tpu.memory_space<hbm>>
        tpu.enqueue_indirect_dma source(%dma_start3A_500 : memref<10240x128xf32, #tpu.memory_space<hbm>>) target(%arg16 : memref<64x128xf32, #tpu.memory_space<vmem>>) offsets(%arg23 : memref<64xi32, #tpu.memory_space<vmem>>) semaphore(%arg39 : memref<!tpu.dma_semaphore, #tpu.memory_space<semaphore_mem>>)
        %dma_start3A_501 = arith.constant 0 : i32
        %dma_start3A_502 = arith.constant 0 : i32
        %dma_start3A_503 = tpu.memref_slice %arg4[%dma_start3A_501, %dma_start3A_502] : memref<10240x128xf32, #tpu.memory_space<hbm>> -> memref<10240x128xf32, #tpu.memory_space<hbm>>
        tpu.enqueue_indirect_dma source(%dma_start3A_503 : memref<10240x128xf32, #tpu.memory_space<hbm>>) target(%arg17 : memref<64x128xf32, #tpu.memory_space<vmem>>) offsets(%arg24 : memref<64xi32, #tpu.memory_space<vmem>>) semaphore(%arg40 : memref<!tpu.dma_semaphore, #tpu.memory_space<semaphore_mem>>)
        %dma_start3A_504 = arith.constant 0 : i32
        %dma_start3A_505 = arith.constant 0 : i32
        %dma_start3A_506 = tpu.memref_slice %arg5[%dma_start3A_504, %dma_start3A_505] : memref<10240x128xf32, #tpu.memory_space<hbm>> -> memref<10240x128xf32, #tpu.memory_space<hbm>>
        tpu.enqueue_indirect_dma source(%dma_start3A_506 : memref<10240x128xf32, #tpu.memory_space<hbm>>) target(%arg18 : memref<64x128xf32, #tpu.memory_space<vmem>>) offsets(%arg24 : memref<64xi32, #tpu.memory_space<vmem>>) semaphore(%arg41 : memref<!tpu.dma_semaphore, #tpu.memory_space<semaphore_mem>>)
      } else {
      }
      %dma_wait3A_419 = arith.constant 0 : i32
      %dma_wait3A_420 = arith.constant 0 : i32
      %dma_wait3A_421 = tpu.memref_slice %arg2[%dma_wait3A_419, %dma_wait3A_420] : memref<10240x128xf32, #tpu.memory_space<hbm>> -> memref<10240x128xf32, #tpu.memory_space<hbm>>
      tpu.wait_indirect_dma semaphore(%arg42 : memref<!tpu.dma_semaphore, #tpu.memory_space<semaphore_mem>>) src(%dma_wait3A_421 : memref<10240x128xf32, #tpu.memory_space<hbm>>) dst(%arg19 : memref<64x128xf32, #tpu.memory_space<vmem>>)
      %dma_wait3A_422 = arith.constant 0 : i32
      %dma_wait3A_423 = arith.constant 0 : i32
      %dma_wait3A_424 = tpu.memref_slice %arg3[%dma_wait3A_422, %dma_wait3A_423] : memref<10240x128xf32, #tpu.memory_space<hbm>> -> memref<10240x128xf32, #tpu.memory_space<hbm>>
      tpu.wait_indirect_dma semaphore(%arg43 : memref<!tpu.dma_semaphore, #tpu.memory_space<semaphore_mem>>) src(%dma_wait3A_424 : memref<10240x128xf32, #tpu.memory_space<hbm>>) dst(%arg20 : memref<64x128xf32, #tpu.memory_space<vmem>>)
      %dma_wait3A_425 = arith.constant 0 : i32
      %dma_wait3A_426 = arith.constant 0 : i32
      %dma_wait3A_427 = tpu.memref_slice %arg4[%dma_wait3A_425, %dma_wait3A_426] : memref<10240x128xf32, #tpu.memory_space<hbm>> -> memref<10240x128xf32, #tpu.memory_space<hbm>>
      tpu.wait_indirect_dma semaphore(%arg44 : memref<!tpu.dma_semaphore, #tpu.memory_space<semaphore_mem>>) src(%dma_wait3A_427 : memref<10240x128xf32, #tpu.memory_space<hbm>>) dst(%arg21 : memref<64x128xf32, #tpu.memory_space<vmem>>)
      %dma_wait3A_428 = arith.constant 0 : i32
      %dma_wait3A_429 = arith.constant 0 : i32
      %dma_wait3A_430 = tpu.memref_slice %arg5[%dma_wait3A_428, %dma_wait3A_429] : memref<10240x128xf32, #tpu.memory_space<hbm>> -> memref<10240x128xf32, #tpu.memory_space<hbm>>
      tpu.wait_indirect_dma semaphore(%arg45 : memref<!tpu.dma_semaphore, #tpu.memory_space<semaphore_mem>>) src(%dma_wait3A_430 : memref<10240x128xf32, #tpu.memory_space<hbm>>) dst(%arg22 : memref<64x128xf32, #tpu.memory_space<vmem>>)
      %scan3A_431 = arith.constant 0 : i32
      %scan3A_432 = arith.constant 0 : i32
      %scan3A_433 = arith.constant 64 : i32
      %scan3A_434 = arith.addi %scan3A_432, %scan3A_433 : i32
      %scan3A_435 = arith.constant 1 : i32
      %scan3A_436 = scf.for %scan3A_463 = %scan3A_432 to %scan3A_434 step %scan3A_435 iter_args(%scan3A_464 = %scan3A_431) -> (i32)  : i32 {
        %get3A_465 = arith.index_cast %scan3A_463 : i32 to index
        %get3A_466 = arith.constant 0 : index
        %get3A_467 = tpu.vector_load %arg19[%get3A_465, %get3A_466] {strides = array<i32>} : memref<64x128xf32, #tpu.memory_space<vmem>>, vector<16xf32>,
        %get3A_468 = arith.index_cast %scan3A_463 : i32 to index
        %get3A_469 = arith.constant 0 : index
        %get3A_470 = tpu.vector_load %arg21[%get3A_468, %get3A_469] {strides = array<i32>} : memref<64x128xf32, #tpu.memory_space<vmem>>, vector<16xf32>,
        %add3A_471 = arith.addf %get3A_467, %get3A_470 : vector<16xf32>
        %swap3A_472 = arith.index_cast %scan3A_463 : i32 to index
        %swap3A_473 = arith.constant 0 : index
        %swap3A_474 = tpu.vector_load %arg19[%swap3A_472, %swap3A_473] {strides = array<i32>} : memref<64x128xf32, #tpu.memory_space<vmem>>, vector<16xf32>,
        tpu.vector_store %arg19[%swap3A_472, %swap3A_473], %add3A_471 {strides = array<i32>} : memref<64x128xf32, #tpu.memory_space<vmem>>, vector<16xf32>,
        %get3A_475 = arith.index_cast %scan3A_463 : i32 to index
        %get3A_476 = arith.constant 0 : index
        %get3A_477 = tpu.vector_load %arg20[%get3A_475, %get3A_476] {strides = array<i32>} : memref<64x128xf32, #tpu.memory_space<vmem>>, vector<16xf32>,
        %get3A_478 = arith.index_cast %scan3A_463 : i32 to index
        %get3A_479 = arith.constant 0 : index
        %get3A_480 = tpu.vector_load %arg22[%get3A_478, %get3A_479] {strides = array<i32>} : memref<64x128xf32, #tpu.memory_space<vmem>>, vector<16xf32>,
        %add3A_481 = arith.addf %get3A_477, %get3A_480 : vector<16xf32>
        %swap3A_482 = arith.index_cast %scan3A_463 : i32 to index
        %swap3A_483 = arith.constant 0 : index
        %swap3A_484 = tpu.vector_load %arg20[%swap3A_482, %swap3A_483] {strides = array<i32>} : memref<64x128xf32, #tpu.memory_space<vmem>>, vector<16xf32>,
        tpu.vector_store %arg20[%swap3A_482, %swap3A_483], %add3A_481 {strides = array<i32>} : memref<64x128xf32, #tpu.memory_space<vmem>>, vector<16xf32>,
        %get3A_485 = arith.index_cast %scan3A_463 : i32 to index
        %get3A_486 = arith.constant 16 : index
        %get3A_487 = tpu.vector_load %arg19[%get3A_485, %get3A_486] {strides = array<i32>} : memref<64x128xf32, #tpu.memory_space<vmem>>, vector<16xf32>,
        %get3A_488 = arith.index_cast %scan3A_463 : i32 to index
        %get3A_489 = arith.constant 16 : index
        %get3A_490 = tpu.vector_load %arg21[%get3A_488, %get3A_489] {strides = array<i32>} : memref<64x128xf32, #tpu.memory_space<vmem>>, vector<16xf32>,
        %add3A_491 = arith.addf %get3A_487, %get3A_490 : vector<16xf32>
        %swap3A_492 = arith.index_cast %scan3A_463 : i32 to index
        %swap3A_493 = arith.constant 16 : index
        %swap3A_494 = tpu.vector_load %arg19[%swap3A_492, %swap3A_493] {strides = array<i32>} : memref<64x128xf32, #tpu.memory_space<vmem>>, vector<16xf32>,
        tpu.vector_store %arg19[%swap3A_492, %swap3A_493], %add3A_491 {strides = array<i32>} : memref<64x128xf32, #tpu.memory_space<vmem>>, vector<16xf32>,
        %get3A_495 = arith.index_cast %scan3A_463 : i32 to index
        %get3A_496 = arith.constant 16 : index
        %get3A_497 = tpu.vector_load %arg20[%get3A_495, %get3A_496] {strides = array<i32>} : memref<64x128xf32, #tpu.memory_space<vmem>>, vector<16xf32>,
        %get3A_498 = arith.index_cast %scan3A_463 : i32 to index
        %get3A_499 = arith.constant 16 : index
        %get3A_500 = tpu.vector_load %arg22[%get3A_498, %get3A_499] {strides = array<i32>} : memref<64x128xf32, #tpu.memory_space<vmem>>, vector<16xf32>,
        %add3A_501 = arith.addf %get3A_497, %get3A_500 : vector<16xf32>
        %swap3A_502 = arith.index_cast %scan3A_463 : i32 to index
        %swap3A_503 = arith.constant 16 : index
        %swap3A_504 = tpu.vector_load %arg20[%swap3A_502, %swap3A_503] {strides = array<i32>} : memref<64x128xf32, #tpu.memory_space<vmem>>, vector<16xf32>,
        tpu.vector_store %arg20[%swap3A_502, %swap3A_503], %add3A_501 {strides = array<i32>} : memref<64x128xf32, #tpu.memory_space<vmem>>, vector<16xf32>,
        %get3A_505 = arith.index_cast %scan3A_463 : i32 to index
        %get3A_506 = arith.constant 32 : index
        %get3A_507 = tpu.vector_load %arg19[%get3A_505, %get3A_506] {strides = array<i32>} : memref<64x128xf32, #tpu.memory_space<vmem>>, vector<16xf32>,
        %get3A_508 = arith.index_cast %scan3A_463 : i32 to index
        %get3A_509 = arith.constant 32 : index
        %get3A_510 = tpu.vector_load %arg21[%get3A_508, %get3A_509] {strides = array<i32>} : memref<64x128xf32, #tpu.memory_space<vmem>>, vector<16xf32>,
        %add3A_511 = arith.addf %get3A_507, %get3A_510 : vector<16xf32>
        %swap3A_512 = arith.index_cast %scan3A_463 : i32 to index
        %swap3A_513 = arith.constant 32 : index
        %swap3A_514 = tpu.vector_load %arg19[%swap3A_512, %swap3A_513] {strides = array<i32>} : memref<64x128xf32, #tpu.memory_space<vmem>>, vector<16xf32>,
        tpu.vector_store %arg19[%swap3A_512, %swap3A_513], %add3A_511 {strides = array<i32>} : memref<64x128xf32, #tpu.memory_space<vmem>>, vector<16xf32>,
        %get3A_515 = arith.index_cast %scan3A_463 : i32 to index
        %get3A_516 = arith.constant 32 : index
        %get3A_517 = tpu.vector_load %arg20[%get3A_515, %get3A_516] {strides = array<i32>} : memref<64x128xf32, #tpu.memory_space<vmem>>, vector<16xf32>,
        %get3A_518 = arith.index_cast %scan3A_463 : i32 to index
        %get3A_519 = arith.constant 32 : index
        %get3A_520 = tpu.vector_load %arg22[%get3A_518, %get3A_519] {strides = array<i32>} : memref<64x128xf32, #tpu.memory_space<vmem>>, vector<16xf32>,
        %add3A_521 = arith.addf %get3A_517, %get3A_520 : vector<16xf32>
        %swap3A_522 = arith.index_cast %scan3A_463 : i32 to index
        %swap3A_523 = arith.constant 32 : index
        %swap3A_524 = tpu.vector_load %arg20[%swap3A_522, %swap3A_523] {strides = array<i32>} : memref<64x128xf32, #tpu.memory_space<vmem>>, vector<16xf32>,
        tpu.vector_store %arg20[%swap3A_522, %swap3A_523], %add3A_521 {strides = array<i32>} : memref<64x128xf32, #tpu.memory_space<vmem>>, vector<16xf32>,
        %get3A_525 = arith.index_cast %scan3A_463 : i32 to index
        %get3A_526 = arith.constant 48 : index
        %get3A_527 = tpu.vector_load %arg19[%get3A_525, %get3A_526] {strides = array<i32>} : memref<64x128xf32, #tpu.memory_space<vmem>>, vector<16xf32>,
        %get3A_528 = arith.index_cast %scan3A_463 : i32 to index
        %get3A_529 = arith.constant 48 : index
        %get3A_530 = tpu.vector_load %arg21[%get3A_528, %get3A_529] {strides = array<i32>} : memref<64x128xf32, #tpu.memory_space<vmem>>, vector<16xf32>,
        %add3A_531 = arith.addf %get3A_527, %get3A_530 : vector<16xf32>
        %swap3A_532 = arith.index_cast %scan3A_463 : i32 to index
        %swap3A_533 = arith.constant 48 : index
        %swap3A_534 = tpu.vector_load %arg19[%swap3A_532, %swap3A_533] {strides = array<i32>} : memref<64x128xf32, #tpu.memory_space<vmem>>, vector<16xf32>,
        tpu.vector_store %arg19[%swap3A_532, %swap3A_533], %add3A_531 {strides = array<i32>} : memref<64x128xf32, #tpu.memory_space<vmem>>, vector<16xf32>,
        %get3A_535 = arith.index_cast %scan3A_463 : i32 to index
        %get3A_536 = arith.constant 48 : index
        %get3A_537 = tpu.vector_load %arg20[%get3A_535, %get3A_536] {strides = array<i32>} : memref<64x128xf32, #tpu.memory_space<vmem>>, vector<16xf32>,
        %get3A_538 = arith.index_cast %scan3A_463 : i32 to index
        %get3A_539 = arith.constant 48 : index
        %get3A_540 = tpu.vector_load %arg22[%get3A_538, %get3A_539] {strides = array<i32>} : memref<64x128xf32, #tpu.memory_space<vmem>>, vector<16xf32>,
        %add3A_541 = arith.addf %get3A_537, %get3A_540 : vector<16xf32>
        %swap3A_542 = arith.index_cast %scan3A_463 : i32 to index
        %swap3A_543 = arith.constant 48 : index
        %swap3A_544 = tpu.vector_load %arg20[%swap3A_542, %swap3A_543] {strides = array<i32>} : memref<64x128xf32, #tpu.memory_space<vmem>>, vector<16xf32>,
        tpu.vector_store %arg20[%swap3A_542, %swap3A_543], %add3A_541 {strides = array<i32>} : memref<64x128xf32, #tpu.memory_space<vmem>>, vector<16xf32>,
        %get3A_545 = arith.index_cast %scan3A_463 : i32 to index
        %get3A_546 = arith.constant 64 : index
        %get3A_547 = tpu.vector_load %arg19[%get3A_545, %get3A_546] {strides = array<i32>} : memref<64x128xf32, #tpu.memory_space<vmem>>, vector<16xf32>,
        %get3A_548 = arith.index_cast %scan3A_463 : i32 to index
        %get3A_549 = arith.constant 64 : index
        %get3A_550 = tpu.vector_load %arg21[%get3A_548, %get3A_549] {strides = array<i32>} : memref<64x128xf32, #tpu.memory_space<vmem>>, vector<16xf32>,
        %add3A_551 = arith.addf %get3A_547, %get3A_550 : vector<16xf32>
        %swap3A_552 = arith.index_cast %scan3A_463 : i32 to index
        %swap3A_553 = arith.constant 64 : index
        %swap3A_554 = tpu.vector_load %arg19[%swap3A_552, %swap3A_553] {strides = array<i32>} : memref<64x128xf32, #tpu.memory_space<vmem>>, vector<16xf32>,
        tpu.vector_store %arg19[%swap3A_552, %swap3A_553], %add3A_551 {strides = array<i32>} : memref<64x128xf32, #tpu.memory_space<vmem>>, vector<16xf32>,
        %get3A_555 = arith.index_cast %scan3A_463 : i32 to index
        %get3A_556 = arith.constant 64 : index
        %get3A_557 = tpu.vector_load %arg20[%get3A_555, %get3A_556] {strides = array<i32>} : memref<64x128xf32, #tpu.memory_space<vmem>>, vector<16xf32>,
        %get3A_558 = arith.index_cast %scan3A_463 : i32 to index
        %get3A_559 = arith.constant 64 : index
        %get3A_560 = tpu.vector_load %arg22[%get3A_558, %get3A_559] {strides = array<i32>} : memref<64x128xf32, #tpu.memory_space<vmem>>, vector<16xf32>,
        %add3A_561 = arith.addf %get3A_557, %get3A_560 : vector<16xf32>
        %swap3A_562 = arith.index_cast %scan3A_463 : i32 to index
        %swap3A_563 = arith.constant 64 : index
        %swap3A_564 = tpu.vector_load %arg20[%swap3A_562, %swap3A_563] {strides = array<i32>} : memref<64x128xf32, #tpu.memory_space<vmem>>, vector<16xf32>,
        tpu.vector_store %arg20[%swap3A_562, %swap3A_563], %add3A_561 {strides = array<i32>} : memref<64x128xf32, #tpu.memory_space<vmem>>, vector<16xf32>,
        %get3A_565 = arith.index_cast %scan3A_463 : i32 to index
        %get3A_566 = arith.constant 80 : index
        %get3A_567 = tpu.vector_load %arg19[%get3A_565, %get3A_566] {strides = array<i32>} : memref<64x128xf32, #tpu.memory_space<vmem>>, vector<16xf32>,
        %get3A_568 = arith.index_cast %scan3A_463 : i32 to index
        %get3A_569 = arith.constant 80 : index
        %get3A_570 = tpu.vector_load %arg21[%get3A_568, %get3A_569] {strides = array<i32>} : memref<64x128xf32, #tpu.memory_space<vmem>>, vector<16xf32>,
        %add3A_571 = arith.addf %get3A_567, %get3A_570 : vector<16xf32>
        %swap3A_572 = arith.index_cast %scan3A_463 : i32 to index
        %swap3A_573 = arith.constant 80 : index
        %swap3A_574 = tpu.vector_load %arg19[%swap3A_572, %swap3A_573] {strides = array<i32>} : memref<64x128xf32, #tpu.memory_space<vmem>>, vector<16xf32>,
        tpu.vector_store %arg19[%swap3A_572, %swap3A_573], %add3A_571 {strides = array<i32>} : memref<64x128xf32, #tpu.memory_space<vmem>>, vector<16xf32>,
        %get3A_575 = arith.index_cast %scan3A_463 : i32 to index
        %get3A_576 = arith.constant 80 : index
        %get3A_577 = tpu.vector_load %arg20[%get3A_575, %get3A_576] {strides = array<i32>} : memref<64x128xf32, #tpu.memory_space<vmem>>, vector<16xf32>,
        %get3A_578 = arith.index_cast %scan3A_463 : i32 to index
        %get3A_579 = arith.constant 80 : index
        %get3A_580 = tpu.vector_load %arg22[%get3A_578, %get3A_579] {strides = array<i32>} : memref<64x128xf32, #tpu.memory_space<vmem>>, vector<16xf32>,
        %add3A_581 = arith.addf %get3A_577, %get3A_580 : vector<16xf32>
        %swap3A_582 = arith.index_cast %scan3A_463 : i32 to index
        %swap3A_583 = arith.constant 80 : index
        %swap3A_584 = tpu.vector_load %arg20[%swap3A_582, %swap3A_583] {strides = array<i32>} : memref<64x128xf32, #tpu.memory_space<vmem>>, vector<16xf32>,
        tpu.vector_store %arg20[%swap3A_582, %swap3A_583], %add3A_581 {strides = array<i32>} : memref<64x128xf32, #tpu.memory_space<vmem>>, vector<16xf32>,
        %get3A_585 = arith.index_cast %scan3A_463 : i32 to index
        %get3A_586 = arith.constant 96 : index
        %get3A_587 = tpu.vector_load %arg19[%get3A_585, %get3A_586] {strides = array<i32>} : memref<64x128xf32, #tpu.memory_space<vmem>>, vector<16xf32>,
        %get3A_588 = arith.index_cast %scan3A_463 : i32 to index
        %get3A_589 = arith.constant 96 : index
        %get3A_590 = tpu.vector_load %arg21[%get3A_588, %get3A_589] {strides = array<i32>} : memref<64x128xf32, #tpu.memory_space<vmem>>, vector<16xf32>,
        %add3A_591 = arith.addf %get3A_587, %get3A_590 : vector<16xf32>
        %swap3A_592 = arith.index_cast %scan3A_463 : i32 to index
        %swap3A_593 = arith.constant 96 : index
        %swap3A_594 = tpu.vector_load %arg19[%swap3A_592, %swap3A_593] {strides = array<i32>} : memref<64x128xf32, #tpu.memory_space<vmem>>, vector<16xf32>,
        tpu.vector_store %arg19[%swap3A_592, %swap3A_593], %add3A_591 {strides = array<i32>} : memref<64x128xf32, #tpu.memory_space<vmem>>, vector<16xf32>,
        %get3A_595 = arith.index_cast %scan3A_463 : i32 to index
        %get3A_596 = arith.constant 96 : index
        %get3A_597 = tpu.vector_load %arg20[%get3A_595, %get3A_596] {strides = array<i32>} : memref<64x128xf32, #tpu.memory_space<vmem>>, vector<16xf32>,
        %get3A_598 = arith.index_cast %scan3A_463 : i32 to index
        %get3A_599 = arith.constant 96 : index
        %get3A_600 = tpu.vector_load %arg22[%get3A_598, %get3A_599] {strides = array<i32>} : memref<64x128xf32, #tpu.memory_space<vmem>>, vector<16xf32>,
        %add3A_601 = arith.addf %get3A_597, %get3A_600 : vector<16xf32>
        %swap3A_602 = arith.index_cast %scan3A_463 : i32 to index
        %swap3A_603 = arith.constant 96 : index
        %swap3A_604 = tpu.vector_load %arg20[%swap3A_602, %swap3A_603] {strides = array<i32>} : memref<64x128xf32, #tpu.memory_space<vmem>>, vector<16xf32>,
        tpu.vector_store %arg20[%swap3A_602, %swap3A_603], %add3A_601 {strides = array<i32>} : memref<64x128xf32, #tpu.memory_space<vmem>>, vector<16xf32>,
        %get3A_605 = arith.index_cast %scan3A_463 : i32 to index
        %get3A_606 = arith.constant 112 : index
        %get3A_607 = tpu.vector_load %arg19[%get3A_605, %get3A_606] {strides = array<i32>} : memref<64x128xf32, #tpu.memory_space<vmem>>, vector<16xf32>,
        %get3A_608 = arith.index_cast %scan3A_463 : i32 to index
        %get3A_609 = arith.constant 112 : index
        %get3A_610 = tpu.vector_load %arg21[%get3A_608, %get3A_609] {strides = array<i32>} : memref<64x128xf32, #tpu.memory_space<vmem>>, vector<16xf32>,
        %add3A_611 = arith.addf %get3A_607, %get3A_610 : vector<16xf32>
        %swap3A_612 = arith.index_cast %scan3A_463 : i32 to index
        %swap3A_613 = arith.constant 112 : index
        %swap3A_614 = tpu.vector_load %arg19[%swap3A_612, %swap3A_613] {strides = array<i32>} : memref<64x128xf32, #tpu.memory_space<vmem>>, vector<16xf32>,
        tpu.vector_store %arg19[%swap3A_612, %swap3A_613], %add3A_611 {strides = array<i32>} : memref<64x128xf32, #tpu.memory_space<vmem>>, vector<16xf32>,
        %get3A_615 = arith.index_cast %scan3A_463 : i32 to index
        %get3A_616 = arith.constant 112 : index
        %get3A_617 = tpu.vector_load %arg20[%get3A_615, %get3A_616] {strides = array<i32>} : memref<64x128xf32, #tpu.memory_space<vmem>>, vector<16xf32>,
        %get3A_618 = arith.index_cast %scan3A_463 : i32 to index
        %get3A_619 = arith.constant 112 : index
        %get3A_620 = tpu.vector_load %arg22[%get3A_618, %get3A_619] {strides = array<i32>} : memref<64x128xf32, #tpu.memory_space<vmem>>, vector<16xf32>,
        %add3A_621 = arith.addf %get3A_617, %get3A_620 : vector<16xf32>
        %swap3A_622 = arith.index_cast %scan3A_463 : i32 to index
        %swap3A_623 = arith.constant 112 : index
        %swap3A_624 = tpu.vector_load %arg20[%swap3A_622, %swap3A_623] {strides = array<i32>} : memref<64x128xf32, #tpu.memory_space<vmem>>, vector<16xf32>,
        tpu.vector_store %arg20[%swap3A_622, %swap3A_623], %add3A_621 {strides = array<i32>} : memref<64x128xf32, #tpu.memory_space<vmem>>, vector<16xf32>,
        %scan3A_625 = arith.constant 0 : i32
        scf.yield %scan3A_625 : i32
      }
      %scan3A_437 = arith.constant 64 : i32
      %lt3A_438 = arith.constant 39 : i32
      %lt3A_439 = arith.cmpi slt, %scan3A_85, %lt3A_438 : i32
      %convert_element_type3A_440 = arith.extui %lt3A_439 : i1 to i32
      %cond3A_441 = arith.constant 0 : i32
      %cond3A_442 = arith.cmpi ne, %convert_element_type3A_440, %cond3A_441 : i32
      scf.if %cond3A_442 {
        %add3A_463 = arith.constant 2 : i32
        %add3A_464 = arith.addi %add3A_285, %add3A_463 : i32
        %mul3A_465 = arith.constant 5120 : i32
        %mul3A_466 = arith.muli %add3A, %mul3A_465 : i32
        %mul3A_467 = arith.constant 64 : i32
        %mul3A_468 = arith.muli %add3A_464, %mul3A_467 : i32
        %add3A_469 = arith.addi %mul3A_466, %mul3A_468 : i32
        %dma_start3A_470 = tpu.memref_slice %arg6[%add3A_469] : memref<163840xi32, #tpu.memory_space<hbm>> -> memref<64xi32, #tpu.memory_space<hbm>>
        %dma_start3A_471 = tpu.memref_slice %arg6[%add3A_469] : memref<163840xi32, #tpu.memory_space<hbm>> -> memref<64xi32, #tpu.memory_space<hbm>>
        tpu.enqueue_dma source(%dma_start3A_471 : memref<64xi32, #tpu.memory_space<hbm>>) target(%arg25 : memref<64xi32, #tpu.memory_space<vmem>>) target_semaphore(%arg36 : memref<!tpu.dma_semaphore, #tpu.memory_space<semaphore_mem>>)
        %dma_start3A_472 = tpu.memref_slice %arg7[%add3A_469] : memref<163840xi32, #tpu.memory_space<hbm>> -> memref<64xi32, #tpu.memory_space<hbm>>
        %dma_start3A_473 = tpu.memref_slice %arg7[%add3A_469] : memref<163840xi32, #tpu.memory_space<hbm>> -> memref<64xi32, #tpu.memory_space<hbm>>
        tpu.enqueue_dma source(%dma_start3A_473 : memref<64xi32, #tpu.memory_space<hbm>>) target(%arg26 : memref<64xi32, #tpu.memory_space<vmem>>) target_semaphore(%arg37 : memref<!tpu.dma_semaphore, #tpu.memory_space<semaphore_mem>>)
      } else {
      }
      %mul3A_443 = arith.constant 5120 : i32
      %mul3A_444 = arith.muli %add3A, %mul3A_443 : i32
      %mul3A_445 = arith.constant 64 : i32
      %mul3A_446 = arith.muli %add3A_285, %mul3A_445 : i32
      %add3A_447 = arith.addi %mul3A_444, %mul3A_446 : i32
      %dma_start3A_448 = arith.constant 0 : i32
      %dma_start3A_449 = tpu.memref_slice %arg11[%add3A_447, %dma_start3A_448] : memref<163840x128xf32, #tpu.memory_space<hbm>> -> memref<64x128xf32, #tpu.memory_space<hbm>>
      %dma_start3A_450 = arith.constant 0 : i32
      %dma_start3A_451 = tpu.memref_slice %arg11[%add3A_447, %dma_start3A_450] : memref<163840x128xf32, #tpu.memory_space<hbm>> -> memref<64x128xf32, #tpu.memory_space<hbm>>
      tpu.enqueue_dma source(%arg19 : memref<64x128xf32, #tpu.memory_space<vmem>>) target(%dma_start3A_451 : memref<64x128xf32, #tpu.memory_space<hbm>>) target_semaphore(%arg50 : memref<!tpu.dma_semaphore, #tpu.memory_space<semaphore_mem>>)
      %dma_start3A_452 = arith.constant 0 : i32
      %dma_start3A_453 = tpu.memref_slice %arg12[%add3A_447, %dma_start3A_452] : memref<163840x128xf32, #tpu.memory_space<hbm>> -> memref<64x128xf32, #tpu.memory_space<hbm>>
      %dma_start3A_454 = arith.constant 0 : i32
      %dma_start3A_455 = tpu.memref_slice %arg12[%add3A_447, %dma_start3A_454] : memref<163840x128xf32, #tpu.memory_space<hbm>> -> memref<64x128xf32, #tpu.memory_space<hbm>>
      tpu.enqueue_dma source(%arg20 : memref<64x128xf32, #tpu.memory_space<vmem>>) target(%dma_start3A_455 : memref<64x128xf32, #tpu.memory_space<hbm>>) target_semaphore(%arg51 : memref<!tpu.dma_semaphore, #tpu.memory_space<semaphore_mem>>)
      %mul3A_456 = arith.constant 8 : i32
      %mul3A_457 = arith.muli %add3A_447, %mul3A_456 : i32
      %dma_start3A_458 = tpu.memref_slice %arg13[%mul3A_457] : memref<1310720xf32, #tpu.memory_space<hbm>> -> memref<512xf32, #tpu.memory_space<hbm>>
      %dma_start3A_459 = tpu.memref_slice %arg13[%mul3A_457] : memref<1310720xf32, #tpu.memory_space<hbm>> -> memref<512xf32, #tpu.memory_space<hbm>>
      tpu.enqueue_dma source(%arg33 : memref<512xf32, #tpu.memory_space<vmem>>) target(%dma_start3A_459 : memref<512xf32, #tpu.memory_space<hbm>>) target_semaphore(%arg52 : memref<!tpu.dma_semaphore, #tpu.memory_space<semaphore_mem>>)
      %dma_start3A_460 = tpu.memref_slice %arg14[%add3A_447] : memref<163840xf32, #tpu.memory_space<hbm>> -> memref<64xf32, #tpu.memory_space<hbm>>
      %dma_start3A_461 = tpu.memref_slice %arg14[%add3A_447] : memref<163840xf32, #tpu.memory_space<hbm>> -> memref<64xf32, #tpu.memory_space<hbm>>
      tpu.enqueue_dma source(%arg31 : memref<64xf32, #tpu.memory_space<vmem>>) target(%dma_start3A_461 : memref<64xf32, #tpu.memory_space<hbm>>) target_semaphore(%arg53 : memref<!tpu.dma_semaphore, #tpu.memory_space<semaphore_mem>>)
      %scan3A_462 = arith.constant 0 : i32
      scf.yield %scan3A_462 : i32
    }
    %scan3A_48 = arith.constant 40 : i32
    %mul3A_49 = arith.constant 5120 : i32
    %mul3A_50 = arith.muli %add3A, %mul3A_49 : i32
    %add3A_51 = arith.constant 4992 : i32
    %add3A_52 = arith.addi %mul3A_50, %add3A_51 : i32
    %dma_wait3A_53 = arith.constant 0 : i32
    %dma_wait3A_54 = tpu.memref_slice %arg11[%add3A_52, %dma_wait3A_53] : memref<163840x128xf32, #tpu.memory_space<hbm>> -> memref<64x128xf32, #tpu.memory_space<hbm>>
    %dma_wait3A_55 = arith.constant 0 : i32
    %dma_wait3A_56 = tpu.memref_slice %arg11[%add3A_52, %dma_wait3A_55] : memref<163840x128xf32, #tpu.memory_space<hbm>> -> memref<64x128xf32, #tpu.memory_space<hbm>>
    tpu.wait_dma2 semaphore(%arg46 : memref<!tpu.dma_semaphore, #tpu.memory_space<semaphore_mem>>) src(%arg15 : memref<64x128xf32, #tpu.memory_space<vmem>>) dst(%dma_wait3A_56 : memref<64x128xf32, #tpu.memory_space<hbm>>)
    %dma_wait3A_57 = arith.constant 0 : i32
    %dma_wait3A_58 = tpu.memref_slice %arg12[%add3A_52, %dma_wait3A_57] : memref<163840x128xf32, #tpu.memory_space<hbm>> -> memref<64x128xf32, #tpu.memory_space<hbm>>
    %dma_wait3A_59 = arith.constant 0 : i32
    %dma_wait3A_60 = tpu.memref_slice %arg12[%add3A_52, %dma_wait3A_59] : memref<163840x128xf32, #tpu.memory_space<hbm>> -> memref<64x128xf32, #tpu.memory_space<hbm>>
    tpu.wait_dma2 semaphore(%arg47 : memref<!tpu.dma_semaphore, #tpu.memory_space<semaphore_mem>>) src(%arg16 : memref<64x128xf32, #tpu.memory_space<vmem>>) dst(%dma_wait3A_60 : memref<64x128xf32, #tpu.memory_space<hbm>>)
    %mul3A_61 = arith.constant 8 : i32
    %mul3A_62 = arith.muli %add3A_52, %mul3A_61 : i32
    %dma_wait3A_63 = tpu.memref_slice %arg13[%mul3A_62] : memref<1310720xf32, #tpu.memory_space<hbm>> -> memref<512xf32, #tpu.memory_space<hbm>>
    %dma_wait3A_64 = tpu.memref_slice %arg13[%mul3A_62] : memref<1310720xf32, #tpu.memory_space<hbm>> -> memref<512xf32, #tpu.memory_space<hbm>>
    tpu.wait_dma2 semaphore(%arg48 : memref<!tpu.dma_semaphore, #tpu.memory_space<semaphore_mem>>) src(%arg32 : memref<512xf32, #tpu.memory_space<vmem>>) dst(%dma_wait3A_64 : memref<512xf32, #tpu.memory_space<hbm>>)
    %dma_wait3A_65 = tpu.memref_slice %arg14[%add3A_52] : memref<163840xf32, #tpu.memory_space<hbm>> -> memref<64xf32, #tpu.memory_space<hbm>>
    %dma_wait3A_66 = tpu.memref_slice %arg14[%add3A_52] : memref<163840xf32, #tpu.memory_space<hbm>> -> memref<64xf32, #tpu.memory_space<hbm>>
    tpu.wait_dma2 semaphore(%arg49 : memref<!tpu.dma_semaphore, #tpu.memory_space<semaphore_mem>>) src(%arg30 : memref<64xf32, #tpu.memory_space<vmem>>) dst(%dma_wait3A_66 : memref<64xf32, #tpu.memory_space<hbm>>)
    %mul3A_67 = arith.constant 5120 : i32
    %mul3A_68 = arith.muli %add3A, %mul3A_67 : i32
    %add3A_69 = arith.constant 5056 : i32
    %add3A_70 = arith.addi %mul3A_68, %add3A_69 : i32
    %dma_wait3A_71 = arith.constant 0 : i32
    %dma_wait3A_72 = tpu.memref_slice %arg11[%add3A_70, %dma_wait3A_71] : memref<163840x128xf32, #tpu.memory_space<hbm>> -> memref<64x128xf32, #tpu.memory_space<hbm>>
    %dma_wait3A_73 = arith.constant 0 : i32
    %dma_wait3A_74 = tpu.memref_slice %arg11[%add3A_70, %dma_wait3A_73] : memref<163840x128xf32, #tpu.memory_space<hbm>> -> memref<64x128xf32, #tpu.memory_space<hbm>>
    tpu.wait_dma2 semaphore(%arg50 : memref<!tpu.dma_semaphore, #tpu.memory_space<semaphore_mem>>) src(%arg19 : memref<64x128xf32, #tpu.memory_space<vmem>>) dst(%dma_wait3A_74 : memref<64x128xf32, #tpu.memory_space<hbm>>)
    %dma_wait3A_75 = arith.constant 0 : i32
    %dma_wait3A_76 = tpu.memref_slice %arg12[%add3A_70, %dma_wait3A_75] : memref<163840x128xf32, #tpu.memory_space<hbm>> -> memref<64x128xf32, #tpu.memory_space<hbm>>
    %dma_wait3A_77 = arith.constant 0 : i32
    %dma_wait3A_78 = tpu.memref_slice %arg12[%add3A_70, %dma_wait3A_77] : memref<163840x128xf32, #tpu.memory_space<hbm>> -> memref<64x128xf32, #tpu.memory_space<hbm>>
    tpu.wait_dma2 semaphore(%arg51 : memref<!tpu.dma_semaphore, #tpu.memory_space<semaphore_mem>>) src(%arg20 : memref<64x128xf32, #tpu.memory_space<vmem>>) dst(%dma_wait3A_78 : memref<64x128xf32, #tpu.memory_space<hbm>>)
    %mul3A_79 = arith.constant 8 : i32
    %mul3A_80 = arith.muli %add3A_70, %mul3A_79 : i32
    %dma_wait3A_81 = tpu.memref_slice %arg13[%mul3A_80] : memref<1310720xf32, #tpu.memory_space<hbm>> -> memref<512xf32, #tpu.memory_space<hbm>>
    %dma_wait3A_82 = tpu.memref_slice %arg13[%mul3A_80] : memref<1310720xf32, #tpu.memory_space<hbm>> -> memref<512xf32, #tpu.memory_space<hbm>>
    tpu.wait_dma2 semaphore(%arg52 : memref<!tpu.dma_semaphore, #tpu.memory_space<semaphore_mem>>) src(%arg33 : memref<512xf32, #tpu.memory_space<vmem>>) dst(%dma_wait3A_82 : memref<512xf32, #tpu.memory_space<hbm>>)
    %dma_wait3A_83 = tpu.memref_slice %arg14[%add3A_70] : memref<163840xf32, #tpu.memory_space<hbm>> -> memref<64xf32, #tpu.memory_space<hbm>>
    %dma_wait3A_84 = tpu.memref_slice %arg14[%add3A_70] : memref<163840xf32, #tpu.memory_space<hbm>> -> memref<64xf32, #tpu.memory_space<hbm>>
    tpu.wait_dma2 semaphore(%arg53 : memref<!tpu.dma_semaphore, #tpu.memory_space<semaphore_mem>>) src(%arg31 : memref<64xf32, #tpu.memory_space<vmem>>) dst(%dma_wait3A_84 : memref<64xf32, #tpu.memory_space<hbm>>)
    return
  }
}

#map = affine_map<(d0, d1) -> (0, 0)>
#map1 = affine_map<(d0, d1) -> (0)>
module attributes {stable_mosaic.version = 14 : i64} {
  func.func @k4(%arg0: i32, %arg1: i32, %arg2: memref<163840x128xf32, #tpu.memory_space<hbm>>, %arg3: memref<163840x128xf32, #tpu.memory_space<hbm>>, %arg4: memref<163840x128xf32, #tpu.memory_space<hbm>>, %arg5: memref<1310720xf32, #tpu.memory_space<hbm>>, %arg6: memref<163840xi32, #tpu.memory_space<hbm>>, %arg7: memref<10240x128xf32, #tpu.memory_space<hbm>>, %arg8: memref<10240x128xf32, #tpu.memory_space<hbm>>, %arg9: memref<10240x128xf32, #tpu.memory_space<hbm>>, %arg10: memref<640x128xf32, #tpu.memory_space<hbm>>, %arg11: memref<64x128xf32, #tpu.memory_space<vmem>>, %arg12: memref<64x128xf32, #tpu.memory_space<vmem>>, %arg13: memref<64x16xf32, #tpu.memory_space<vmem>>, %arg14: memref<64x16xf32, #tpu.memory_space<vmem>>, %arg15: memref<512xf32, #tpu.memory_space<vmem>>, %arg16: memref<512xf32, #tpu.memory_space<vmem>>, %arg17: memref<64xi32, #tpu.memory_space<vmem>>, %arg18: memref<64xi32, #tpu.memory_space<vmem>>, %arg19: memref<64xi32, #tpu.memory_space<vmem>>, %arg20: memref<64xi32, #tpu.memory_space<vmem>>, %arg21: memref<64x128xf32, #tpu.memory_space<vmem>>, %arg22: memref<10240x128xf32, #tpu.memory_space<vmem_shared>>, %arg23: memref<640x128xf32, #tpu.memory_space<vmem_shared>>, %arg24: memref<!tpu.dma_semaphore, #tpu.memory_space<semaphore_mem>>, %arg25: memref<!tpu.dma_semaphore, #tpu.memory_space<semaphore_mem>>, %arg26: memref<!tpu.dma_semaphore, #tpu.memory_space<semaphore_mem>>, %arg27: memref<!tpu.dma_semaphore, #tpu.memory_space<semaphore_mem>>, %arg28: memref<!tpu.dma_semaphore, #tpu.memory_space<semaphore_mem>>, %arg29: memref<!tpu.dma_semaphore, #tpu.memory_space<semaphore_mem>>, %arg30: memref<!tpu.dma_semaphore, #tpu.memory_space<semaphore_mem>>, %arg31: memref<!tpu.dma_semaphore, #tpu.memory_space<semaphore_mem>>) attributes {dimension_semantics = [#tpu.dimension_semantics<core_parallel>, #tpu.dimension_semantics<subcore_parallel>], iteration_bounds = array<i64: 2, 16>, scalar_prefetch = 0 : i64, scratch_operands = 21 : i64, tpu.core_type = #tpu.core_type<sc_vector_subcore>, window_params = [{transform_indices = #map}, {transform_indices = #map}, {transform_indices = #map}, {transform_indices = #map1}, {transform_indices = #map1}, {transform_indices = #map}, {transform_indices = #map}, {transform_indices = #map}, {transform_indices = #map}]} {
    %mul3A = arith.constant 640 : i32
    %mul3A_0 = arith.muli %arg1, %mul3A : i32
    "tpu.region"() ({
      %run_scoped3A = tpu.sem_alloc : memref<!tpu.dma_semaphore, #tpu.memory_space<semaphore_mem>>
      %dma_start3A_43 = arith.constant 0 : i32
      %dma_start3A_44 = tpu.memref_slice %arg22[%mul3A_0, %dma_start3A_43] : memref<10240x128xf32, #tpu.memory_space<vmem_shared>> -> memref<640x128xf32, #tpu.memory_space<vmem_shared>>
      %dma_start3A_45 = arith.constant 0 : i32
      %dma_start3A_46 = tpu.memref_slice %arg7[%mul3A_0, %dma_start3A_45] : memref<10240x128xf32, #tpu.memory_space<hbm>> -> memref<640x128xf32, #tpu.memory_space<hbm>>
      tpu.enqueue_dma source(%dma_start3A_46 : memref<640x128xf32, #tpu.memory_space<hbm>>) target(%dma_start3A_44 : memref<640x128xf32, #tpu.memory_space<vmem_shared>>) target_semaphore(%run_scoped3A : memref<!tpu.dma_semaphore, #tpu.memory_space<semaphore_mem>>)
      %dma_wait3A = arith.constant 0 : i32
      %dma_wait3A_47 = tpu.memref_slice %arg22[%mul3A_0, %dma_wait3A] : memref<10240x128xf32, #tpu.memory_space<vmem_shared>> -> memref<640x128xf32, #tpu.memory_space<vmem_shared>>
      %dma_wait3A_48 = arith.constant 0 : i32
      %dma_wait3A_49 = tpu.memref_slice %arg7[%mul3A_0, %dma_wait3A_48] : memref<10240x128xf32, #tpu.memory_space<hbm>> -> memref<640x128xf32, #tpu.memory_space<hbm>>
      tpu.wait_dma2 semaphore(%run_scoped3A : memref<!tpu.dma_semaphore, #tpu.memory_space<semaphore_mem>>) src(%dma_wait3A_49 : memref<640x128xf32, #tpu.memory_space<hbm>>) dst(%dma_wait3A_47 : memref<640x128xf32, #tpu.memory_space<vmem_shared>>)
      tpu.yield
    }) : () -> ()
    %mul3A_1 = arith.constant 40 : i32
    %mul3A_2 = arith.muli %arg1, %mul3A_1 : i32
    %mul3A_3 = arith.constant 40 : i32
    %mul3A_4 = arith.muli %arg1, %mul3A_3 : i32
    "tpu.region"() ({
      %run_scoped3A = tpu.sem_alloc : memref<!tpu.dma_semaphore, #tpu.memory_space<semaphore_mem>>
      %dma_start3A_43 = arith.constant 0 : i32
      %dma_start3A_44 = tpu.memref_slice %arg23[%mul3A_4, %dma_start3A_43] : memref<640x128xf32, #tpu.memory_space<vmem_shared>> -> memref<40x128xf32, #tpu.memory_space<vmem_shared>>
      %dma_start3A_45 = arith.constant 0 : i32
      %dma_start3A_46 = tpu.memref_slice %arg7[%mul3A_2, %dma_start3A_45] : memref<10240x128xf32, #tpu.memory_space<hbm>> -> memref<40x128xf32, #tpu.memory_space<hbm>>
      tpu.enqueue_dma source(%dma_start3A_46 : memref<40x128xf32, #tpu.memory_space<hbm>>) target(%dma_start3A_44 : memref<40x128xf32, #tpu.memory_space<vmem_shared>>) target_semaphore(%run_scoped3A : memref<!tpu.dma_semaphore, #tpu.memory_space<semaphore_mem>>)
      %dma_wait3A = arith.constant 0 : i32
      %dma_wait3A_47 = tpu.memref_slice %arg23[%mul3A_4, %dma_wait3A] : memref<640x128xf32, #tpu.memory_space<vmem_shared>> -> memref<40x128xf32, #tpu.memory_space<vmem_shared>>
      %dma_wait3A_48 = arith.constant 0 : i32
      %dma_wait3A_49 = tpu.memref_slice %arg7[%mul3A_2, %dma_wait3A_48] : memref<10240x128xf32, #tpu.memory_space<hbm>> -> memref<40x128xf32, #tpu.memory_space<hbm>>
      tpu.wait_dma2 semaphore(%run_scoped3A : memref<!tpu.dma_semaphore, #tpu.memory_space<semaphore_mem>>) src(%dma_wait3A_49 : memref<40x128xf32, #tpu.memory_space<hbm>>) dst(%dma_wait3A_47 : memref<40x128xf32, #tpu.memory_space<vmem_shared>>)
      tpu.yield
    }) : () -> ()
    %broadcast_in_dim3A = arith.constant 0.000000e+00 : f32
    %broadcast_in_dim3A_5 = vector.broadcast %broadcast_in_dim3A : f32 to vector<16xf32>
    %broadcast_in_dim3A_6 = arith.constant 1.000000e+00 : f32
    %broadcast_in_dim3A_7 = vector.broadcast %broadcast_in_dim3A_6 : f32 to vector<16xf32>
    %iota3A = tpu.iota {dimensions = array<i32: 0>} : vector<16xi32>
    %scan3A = arith.constant 0 : i32
    %scan3A_8 = arith.constant 0 : i32
    %scan3A_9 = arith.constant 64 : i32
    %scan3A_10 = arith.addi %scan3A_8, %scan3A_9 : i32
    %scan3A_11 = arith.constant 1 : i32
    %scan3A_12 = scf.for %scan3A_43 = %scan3A_8 to %scan3A_10 step %scan3A_11 iter_args(%scan3A_44 = %scan3A) -> (i32)  : i32 {
      %swap3A = arith.index_cast %scan3A_43 : i32 to index
      %swap3A_45 = arith.constant 0 : index
      %swap3A_46 = tpu.vector_load %arg21[%swap3A, %swap3A_45] {strides = array<i32>} : memref<64x128xf32, #tpu.memory_space<vmem>>, vector<16xf32>,
      tpu.vector_store %arg21[%swap3A, %swap3A_45], %broadcast_in_dim3A_5 {strides = array<i32>} : memref<64x128xf32, #tpu.memory_space<vmem>>, vector<16xf32>,
      %swap3A_47 = arith.index_cast %scan3A_43 : i32 to index
      %swap3A_48 = arith.constant 16 : index
      %swap3A_49 = tpu.vector_load %arg21[%swap3A_47, %swap3A_48] {strides = array<i32>} : memref<64x128xf32, #tpu.memory_space<vmem>>, vector<16xf32>,
      tpu.vector_store %arg21[%swap3A_47, %swap3A_48], %broadcast_in_dim3A_5 {strides = array<i32>} : memref<64x128xf32, #tpu.memory_space<vmem>>, vector<16xf32>,
      %swap3A_50 = arith.index_cast %scan3A_43 : i32 to index
      %swap3A_51 = arith.constant 32 : index
      %swap3A_52 = tpu.vector_load %arg21[%swap3A_50, %swap3A_51] {strides = array<i32>} : memref<64x128xf32, #tpu.memory_space<vmem>>, vector<16xf32>,
      tpu.vector_store %arg21[%swap3A_50, %swap3A_51], %broadcast_in_dim3A_5 {strides = array<i32>} : memref<64x128xf32, #tpu.memory_space<vmem>>, vector<16xf32>,
      %swap3A_53 = arith.index_cast %scan3A_43 : i32 to index
      %swap3A_54 = arith.constant 48 : index
      %swap3A_55 = tpu.vector_load %arg21[%swap3A_53, %swap3A_54] {strides = array<i32>} : memref<64x128xf32, #tpu.memory_space<vmem>>, vector<16xf32>,
      tpu.vector_store %arg21[%swap3A_53, %swap3A_54], %broadcast_in_dim3A_5 {strides = array<i32>} : memref<64x128xf32, #tpu.memory_space<vmem>>, vector<16xf32>,
      %swap3A_56 = arith.index_cast %scan3A_43 : i32 to index
      %swap3A_57 = arith.constant 64 : index
      %swap3A_58 = tpu.vector_load %arg21[%swap3A_56, %swap3A_57] {strides = array<i32>} : memref<64x128xf32, #tpu.memory_space<vmem>>, vector<16xf32>,
      tpu.vector_store %arg21[%swap3A_56, %swap3A_57], %broadcast_in_dim3A_5 {strides = array<i32>} : memref<64x128xf32, #tpu.memory_space<vmem>>, vector<16xf32>,
      %swap3A_59 = arith.index_cast %scan3A_43 : i32 to index
      %swap3A_60 = arith.constant 80 : index
      %swap3A_61 = tpu.vector_load %arg21[%swap3A_59, %swap3A_60] {strides = array<i32>} : memref<64x128xf32, #tpu.memory_space<vmem>>, vector<16xf32>,
      tpu.vector_store %arg21[%swap3A_59, %swap3A_60], %broadcast_in_dim3A_5 {strides = array<i32>} : memref<64x128xf32, #tpu.memory_space<vmem>>, vector<16xf32>,
      %swap3A_62 = arith.index_cast %scan3A_43 : i32 to index
      %swap3A_63 = arith.constant 96 : index
      %swap3A_64 = tpu.vector_load %arg21[%swap3A_62, %swap3A_63] {strides = array<i32>} : memref<64x128xf32, #tpu.memory_space<vmem>>, vector<16xf32>,
      tpu.vector_store %arg21[%swap3A_62, %swap3A_63], %broadcast_in_dim3A_5 {strides = array<i32>} : memref<64x128xf32, #tpu.memory_space<vmem>>, vector<16xf32>,
      %swap3A_65 = arith.index_cast %scan3A_43 : i32 to index
      %swap3A_66 = arith.constant 112 : index
      %swap3A_67 = tpu.vector_load %arg21[%swap3A_65, %swap3A_66] {strides = array<i32>} : memref<64x128xf32, #tpu.memory_space<vmem>>, vector<16xf32>,
      tpu.vector_store %arg21[%swap3A_65, %swap3A_66], %broadcast_in_dim3A_5 {strides = array<i32>} : memref<64x128xf32, #tpu.memory_space<vmem>>, vector<16xf32>,
      %scan3A_68 = arith.constant 0 : i32
      scf.yield %scan3A_68 : i32
    }
    %scan3A_13 = arith.constant 64 : i32
    %barrier3A = arith.constant 0 : index
    tpu.barrier barrier_id(%barrier3A)
    %mul3A_14 = arith.constant 10240 : i32
    %mul3A_15 = arith.muli %arg1, %mul3A_14 : i32
    %add3A = arith.constant 0 : i32
    %add3A_16 = arith.addi %mul3A_15, %add3A : i32
    %eq3A = arith.constant 0 : i32
    %eq3A_17 = arith.cmpi eq, %arg0, %eq3A : i32
    %convert_element_type3A = arith.extui %eq3A_17 : i1 to i32
    %cond3A = arith.constant 0 : i32
    %cond3A_18 = arith.cmpi ne, %convert_element_type3A, %cond3A : i32
    scf.if %cond3A_18 {
      %dma_start3A_43 = arith.constant 0 : i32
      %dma_start3A_44 = tpu.memref_slice %arg2[%add3A_16, %dma_start3A_43] : memref<163840x128xf32, #tpu.memory_space<hbm>> -> memref<64x128xf32, #tpu.memory_space<hbm>>
      %dma_start3A_45 = arith.constant 0 : i32
      %dma_start3A_46 = tpu.memref_slice %arg2[%add3A_16, %dma_start3A_45] : memref<163840x128xf32, #tpu.memory_space<hbm>> -> memref<64x128xf32, #tpu.memory_space<hbm>>
      tpu.enqueue_dma source(%dma_start3A_46 : memref<64x128xf32, #tpu.memory_space<hbm>>) target(%arg11 : memref<64x128xf32, #tpu.memory_space<vmem>>) target_semaphore(%arg24 : memref<!tpu.dma_semaphore, #tpu.memory_space<semaphore_mem>>)
      %dma_start3A_47 = arith.constant 0 : i32
      %dma_start3A_48 = tpu.memref_slice %arg4[%add3A_16, %dma_start3A_47] : memref<163840x128xf32, #tpu.memory_space<hbm>> -> memref<64x16xf32, #tpu.memory_space<hbm>>
      %dma_start3A_49 = arith.constant 0 : i32
      %dma_start3A_50 = tpu.memref_slice %arg4[%add3A_16, %dma_start3A_49] : memref<163840x128xf32, #tpu.memory_space<hbm>> -> memref<64x16xf32, #tpu.memory_space<hbm>>
      tpu.enqueue_dma source(%dma_start3A_50 : memref<64x16xf32, #tpu.memory_space<hbm>>) target(%arg13 : memref<64x16xf32, #tpu.memory_space<vmem>>) target_semaphore(%arg26 : memref<!tpu.dma_semaphore, #tpu.memory_space<semaphore_mem>>)
      %mul3A_51 = arith.constant 8 : i32
      %mul3A_52 = arith.muli %add3A_16, %mul3A_51 : i32
      %dma_start3A_53 = tpu.memref_slice %arg5[%mul3A_52] : memref<1310720xf32, #tpu.memory_space<hbm>> -> memref<512xf32, #tpu.memory_space<hbm>>
      %dma_start3A_54 = tpu.memref_slice %arg5[%mul3A_52] : memref<1310720xf32, #tpu.memory_space<hbm>> -> memref<512xf32, #tpu.memory_space<hbm>>
      tpu.enqueue_dma source(%dma_start3A_54 : memref<512xf32, #tpu.memory_space<hbm>>) target(%arg15 : memref<512xf32, #tpu.memory_space<vmem>>) target_semaphore(%arg28 : memref<!tpu.dma_semaphore, #tpu.memory_space<semaphore_mem>>)
    } else {
    }
    %eq3A_19 = arith.constant 1 : i32
    %eq3A_20 = arith.cmpi eq, %arg0, %eq3A_19 : i32
    %convert_element_type3A_21 = arith.extui %eq3A_20 : i1 to i32
    %cond3A_22 = arith.constant 0 : i32
    %cond3A_23 = arith.cmpi ne, %convert_element_type3A_21, %cond3A_22 : i32
    scf.if %cond3A_23 {
      %dma_start3A_43 = arith.constant 0 : i32
      %dma_start3A_44 = tpu.memref_slice %arg3[%add3A_16, %dma_start3A_43] : memref<163840x128xf32, #tpu.memory_space<hbm>> -> memref<64x128xf32, #tpu.memory_space<hbm>>
      %dma_start3A_45 = arith.constant 0 : i32
      %dma_start3A_46 = tpu.memref_slice %arg3[%add3A_16, %dma_start3A_45] : memref<163840x128xf32, #tpu.memory_space<hbm>> -> memref<64x128xf32, #tpu.memory_space<hbm>>
      tpu.enqueue_dma source(%dma_start3A_46 : memref<64x128xf32, #tpu.memory_space<hbm>>) target(%arg11 : memref<64x128xf32, #tpu.memory_space<vmem>>) target_semaphore(%arg24 : memref<!tpu.dma_semaphore, #tpu.memory_space<semaphore_mem>>)
    } else {
    }
    %dma_start3A = tpu.memref_slice %arg6[%add3A_16] : memref<163840xi32, #tpu.memory_space<hbm>> -> memref<64xi32, #tpu.memory_space<hbm>>
    %dma_start3A_24 = tpu.memref_slice %arg6[%add3A_16] : memref<163840xi32, #tpu.memory_space<hbm>> -> memref<64xi32, #tpu.memory_space<hbm>>
    tpu.enqueue_dma source(%dma_start3A_24 : memref<64xi32, #tpu.memory_space<hbm>>) target(%arg17 : memref<64xi32, #tpu.memory_space<vmem>>) target_semaphore(%arg30 : memref<!tpu.dma_semaphore, #tpu.memory_space<semaphore_mem>>)
    %scan3A_25 = arith.constant 0 : i32
    %scan3A_26 = arith.constant 0 : i32
    %scan3A_27 = arith.constant 80 : i32
    %scan3A_28 = arith.addi %scan3A_26, %scan3A_27 : i32
    %scan3A_29 = arith.constant 1 : i32
    %scan3A_30 = scf.for %scan3A_43 = %scan3A_26 to %scan3A_28 step %scan3A_29 iter_args(%scan3A_44 = %scan3A_25) -> (i32)  : i32 {
      %mul3A_45 = arith.constant 2 : i32
      %mul3A_46 = arith.muli %scan3A_43, %mul3A_45 : i32
      %add3A_47 = arith.constant 0 : i32
      %add3A_48 = arith.addi %mul3A_46, %add3A_47 : i32
      %mul3A_49 = arith.constant 10240 : i32
      %mul3A_50 = arith.muli %arg1, %mul3A_49 : i32
      %mul3A_51 = arith.constant 64 : i32
      %mul3A_52 = arith.muli %add3A_48, %mul3A_51 : i32
      %add3A_53 = arith.addi %mul3A_50, %mul3A_52 : i32
      %dma_wait3A = arith.constant 0 : i32
      %dma_wait3A_54 = tpu.memref_slice %arg2[%add3A_53, %dma_wait3A] : memref<163840x128xf32, #tpu.memory_space<hbm>> -> memref<64x128xf32, #tpu.memory_space<hbm>>
      %dma_wait3A_55 = arith.constant 0 : i32
      %dma_wait3A_56 = tpu.memref_slice %arg2[%add3A_53, %dma_wait3A_55] : memref<163840x128xf32, #tpu.memory_space<hbm>> -> memref<64x128xf32, #tpu.memory_space<hbm>>
      tpu.wait_dma2 semaphore(%arg24 : memref<!tpu.dma_semaphore, #tpu.memory_space<semaphore_mem>>) src(%dma_wait3A_56 : memref<64x128xf32, #tpu.memory_space<hbm>>) dst(%arg11 : memref<64x128xf32, #tpu.memory_space<vmem>>)
      %dma_wait3A_57 = tpu.memref_slice %arg6[%add3A_53] : memref<163840xi32, #tpu.memory_space<hbm>> -> memref<64xi32, #tpu.memory_space<hbm>>
      %dma_wait3A_58 = tpu.memref_slice %arg6[%add3A_53] : memref<163840xi32, #tpu.memory_space<hbm>> -> memref<64xi32, #tpu.memory_space<hbm>>
      tpu.wait_dma2 semaphore(%arg30 : memref<!tpu.dma_semaphore, #tpu.memory_space<semaphore_mem>>) src(%dma_wait3A_58 : memref<64xi32, #tpu.memory_space<hbm>>) dst(%arg17 : memref<64xi32, #tpu.memory_space<vmem>>)
      %eq3A_59 = arith.constant 0 : i32
      %eq3A_60 = arith.cmpi eq, %arg0, %eq3A_59 : i32
      %convert_element_type3A_61 = arith.extui %eq3A_60 : i1 to i32
      %cond3A_62 = arith.constant 0 : i32
      %cond3A_63 = arith.cmpi ne, %convert_element_type3A_61, %cond3A_62 : i32
      scf.if %cond3A_63 {
        %dma_wait3A_148 = arith.constant 0 : i32
        %dma_wait3A_149 = tpu.memref_slice %arg4[%add3A_53, %dma_wait3A_148] : memref<163840x128xf32, #tpu.memory_space<hbm>> -> memref<64x16xf32, #tpu.memory_space<hbm>>
        %dma_wait3A_150 = arith.constant 0 : i32
        %dma_wait3A_151 = tpu.memref_slice %arg4[%add3A_53, %dma_wait3A_150] : memref<163840x128xf32, #tpu.memory_space<hbm>> -> memref<64x16xf32, #tpu.memory_space<hbm>>
        tpu.wait_dma2 semaphore(%arg26 : memref<!tpu.dma_semaphore, #tpu.memory_space<semaphore_mem>>) src(%dma_wait3A_151 : memref<64x16xf32, #tpu.memory_space<hbm>>) dst(%arg13 : memref<64x16xf32, #tpu.memory_space<vmem>>)
        %mul3A_152 = arith.constant 8 : i32
        %mul3A_153 = arith.muli %add3A_53, %mul3A_152 : i32
        %dma_wait3A_154 = tpu.memref_slice %arg5[%mul3A_153] : memref<1310720xf32, #tpu.memory_space<hbm>> -> memref<512xf32, #tpu.memory_space<hbm>>
        %dma_wait3A_155 = tpu.memref_slice %arg5[%mul3A_153] : memref<1310720xf32, #tpu.memory_space<hbm>> -> memref<512xf32, #tpu.memory_space<hbm>>
        tpu.wait_dma2 semaphore(%arg28 : memref<!tpu.dma_semaphore, #tpu.memory_space<semaphore_mem>>) src(%dma_wait3A_155 : memref<512xf32, #tpu.memory_space<hbm>>) dst(%arg15 : memref<512xf32, #tpu.memory_space<vmem>>)
      } else {
      }
      %add3A_64 = arith.constant 1 : i32
      %add3A_65 = arith.addi %add3A_48, %add3A_64 : i32
      %mul3A_66 = arith.constant 10240 : i32
      %mul3A_67 = arith.muli %arg1, %mul3A_66 : i32
      %mul3A_68 = arith.constant 64 : i32
      %mul3A_69 = arith.muli %add3A_65, %mul3A_68 : i32
      %add3A_70 = arith.addi %mul3A_67, %mul3A_69 : i32
      %eq3A_71 = arith.constant 0 : i32
      %eq3A_72 = arith.cmpi eq, %arg0, %eq3A_71 : i32
      %convert_element_type3A_73 = arith.extui %eq3A_72 : i1 to i32
      %cond3A_74 = arith.constant 0 : i32
      %cond3A_75 = arith.cmpi ne, %convert_element_type3A_73, %cond3A_74 : i32
      scf.if %cond3A_75 {
        %dma_start3A_148 = arith.constant 0 : i32
        %dma_start3A_149 = tpu.memref_slice %arg2[%add3A_70, %dma_start3A_148] : memref<163840x128xf32, #tpu.memory_space<hbm>> -> memref<64x128xf32, #tpu.memory_space<hbm>>
        %dma_start3A_150 = arith.constant 0 : i32
        %dma_start3A_151 = tpu.memref_slice %arg2[%add3A_70, %dma_start3A_150] : memref<163840x128xf32, #tpu.memory_space<hbm>> -> memref<64x128xf32, #tpu.memory_space<hbm>>
        tpu.enqueue_dma source(%dma_start3A_151 : memref<64x128xf32, #tpu.memory_space<hbm>>) target(%arg12 : memref<64x128xf32, #tpu.memory_space<vmem>>) target_semaphore(%arg25 : memref<!tpu.dma_semaphore, #tpu.memory_space<semaphore_mem>>)
        %dma_start3A_152 = arith.constant 0 : i32
        %dma_start3A_153 = tpu.memref_slice %arg4[%add3A_70, %dma_start3A_152] : memref<163840x128xf32, #tpu.memory_space<hbm>> -> memref<64x16xf32, #tpu.memory_space<hbm>>
        %dma_start3A_154 = arith.constant 0 : i32
        %dma_start3A_155 = tpu.memref_slice %arg4[%add3A_70, %dma_start3A_154] : memref<163840x128xf32, #tpu.memory_space<hbm>> -> memref<64x16xf32, #tpu.memory_space<hbm>>
        tpu.enqueue_dma source(%dma_start3A_155 : memref<64x16xf32, #tpu.memory_space<hbm>>) target(%arg14 : memref<64x16xf32, #tpu.memory_space<vmem>>) target_semaphore(%arg27 : memref<!tpu.dma_semaphore, #tpu.memory_space<semaphore_mem>>)
        %mul3A_156 = arith.constant 8 : i32
        %mul3A_157 = arith.muli %add3A_70, %mul3A_156 : i32
        %dma_start3A_158 = tpu.memref_slice %arg5[%mul3A_157] : memref<1310720xf32, #tpu.memory_space<hbm>> -> memref<512xf32, #tpu.memory_space<hbm>>
        %dma_start3A_159 = tpu.memref_slice %arg5[%mul3A_157] : memref<1310720xf32, #tpu.memory_space<hbm>> -> memref<512xf32, #tpu.memory_space<hbm>>
        tpu.enqueue_dma source(%dma_start3A_159 : memref<512xf32, #tpu.memory_space<hbm>>) target(%arg16 : memref<512xf32, #tpu.memory_space<vmem>>) target_semaphore(%arg29 : memref<!tpu.dma_semaphore, #tpu.memory_space<semaphore_mem>>)
      } else {
      }
      %eq3A_76 = arith.constant 1 : i32
      %eq3A_77 = arith.cmpi eq, %arg0, %eq3A_76 : i32
      %convert_element_type3A_78 = arith.extui %eq3A_77 : i1 to i32
      %cond3A_79 = arith.constant 0 : i32
      %cond3A_80 = arith.cmpi ne, %convert_element_type3A_78, %cond3A_79 : i32
      scf.if %cond3A_80 {
        %dma_start3A_148 = arith.constant 0 : i32
        %dma_start3A_149 = tpu.memref_slice %arg3[%add3A_70, %dma_start3A_148] : memref<163840x128xf32, #tpu.memory_space<hbm>> -> memref<64x128xf32, #tpu.memory_space<hbm>>
        %dma_start3A_150 = arith.constant 0 : i32
        %dma_start3A_151 = tpu.memref_slice %arg3[%add3A_70, %dma_start3A_150] : memref<163840x128xf32, #tpu.memory_space<hbm>> -> memref<64x128xf32, #tpu.memory_space<hbm>>
        tpu.enqueue_dma source(%dma_start3A_151 : memref<64x128xf32, #tpu.memory_space<hbm>>) target(%arg12 : memref<64x128xf32, #tpu.memory_space<vmem>>) target_semaphore(%arg25 : memref<!tpu.dma_semaphore, #tpu.memory_space<semaphore_mem>>)
      } else {
      }
      %dma_start3A_81 = tpu.memref_slice %arg6[%add3A_70] : memref<163840xi32, #tpu.memory_space<hbm>> -> memref<64xi32, #tpu.memory_space<hbm>>
      %dma_start3A_82 = tpu.memref_slice %arg6[%add3A_70] : memref<163840xi32, #tpu.memory_space<hbm>> -> memref<64xi32, #tpu.memory_space<hbm>>
      tpu.enqueue_dma source(%dma_start3A_82 : memref<64xi32, #tpu.memory_space<hbm>>) target(%arg18 : memref<64xi32, #tpu.memory_space<vmem>>) target_semaphore(%arg31 : memref<!tpu.dma_semaphore, #tpu.memory_space<semaphore_mem>>)
      %get3A = arith.constant 0 : index
      %get3A_83 = tpu.vector_load %arg17[%get3A] {strides = array<i32>} : memref<64xi32, #tpu.memory_space<vmem>>, vector<16xi32>,
      %swap3A = arith.constant 0 : index
      %swap3A_84 = tpu.vector_load %arg19[%swap3A] {strides = array<i32>} : memref<64xi32, #tpu.memory_space<vmem>>, vector<16xi32>,
      tpu.vector_store %arg19[%swap3A], %get3A_83 {strides = array<i32>} : memref<64xi32, #tpu.memory_space<vmem>>, vector<16xi32>,
      %get3A_85 = arith.constant 16 : index
      %get3A_86 = tpu.vector_load %arg17[%get3A_85] {strides = array<i32>} : memref<64xi32, #tpu.memory_space<vmem>>, vector<16xi32>,
      %swap3A_87 = arith.constant 16 : index
      %swap3A_88 = tpu.vector_load %arg19[%swap3A_87] {strides = array<i32>} : memref<64xi32, #tpu.memory_space<vmem>>, vector<16xi32>,
      tpu.vector_store %arg19[%swap3A_87], %get3A_86 {strides = array<i32>} : memref<64xi32, #tpu.memory_space<vmem>>, vector<16xi32>,
      %get3A_89 = arith.constant 32 : index
      %get3A_90 = tpu.vector_load %arg17[%get3A_89] {strides = array<i32>} : memref<64xi32, #tpu.memory_space<vmem>>, vector<16xi32>,
      %swap3A_91 = arith.constant 32 : index
      %swap3A_92 = tpu.vector_load %arg19[%swap3A_91] {strides = array<i32>} : memref<64xi32, #tpu.memory_space<vmem>>, vector<16xi32>,
      tpu.vector_store %arg19[%swap3A_91], %get3A_90 {strides = array<i32>} : memref<64xi32, #tpu.memory_space<vmem>>, vector<16xi32>,
      %get3A_93 = arith.constant 48 : index
      %get3A_94 = tpu.vector_load %arg17[%get3A_93] {strides = array<i32>} : memref<64xi32, #tpu.memory_space<vmem>>, vector<16xi32>,
      %swap3A_95 = arith.constant 48 : index
      %swap3A_96 = tpu.vector_load %arg19[%swap3A_95] {strides = array<i32>} : memref<64xi32, #tpu.memory_space<vmem>>, vector<16xi32>,
      tpu.vector_store %arg19[%swap3A_95], %get3A_94 {strides = array<i32>} : memref<64xi32, #tpu.memory_space<vmem>>, vector<16xi32>,
      "tpu.region"() ({
        %run_scoped3A = tpu.sem_alloc : memref<!tpu.dma_semaphore, #tpu.memory_space<semaphore_mem>>
        %dma_start3A_148 = arith.constant 0 : i32
        %dma_start3A_149 = arith.constant 0 : i32
        %dma_start3A_150 = tpu.memref_slice %arg22[%dma_start3A_148, %dma_start3A_149] : memref<10240x128xf32, #tpu.memory_space<vmem_shared>> -> memref<10240x128xf32, #tpu.memory_space<vmem_shared>>
        tpu.enqueue_indirect_dma source(%arg11 : memref<64x128xf32, #tpu.memory_space<vmem>>) target(%dma_start3A_150 : memref<10240x128xf32, #tpu.memory_space<vmem_shared>>) offsets(%arg19 : memref<64xi32, #tpu.memory_space<vmem>>) semaphore(%run_scoped3A : memref<!tpu.dma_semaphore, #tpu.memory_space<semaphore_mem>>) {add = true}
        %dma_wait3A_151 = arith.constant 0 : i32
        %dma_wait3A_152 = arith.constant 0 : i32
        %dma_wait3A_153 = tpu.memref_slice %arg22[%dma_wait3A_151, %dma_wait3A_152] : memref<10240x128xf32, #tpu.memory_space<vmem_shared>> -> memref<10240x128xf32, #tpu.memory_space<vmem_shared>>
        tpu.wait_indirect_dma semaphore(%run_scoped3A : memref<!tpu.dma_semaphore, #tpu.memory_space<semaphore_mem>>) src(%arg11 : memref<64x128xf32, #tpu.memory_space<vmem>>) dst(%dma_wait3A_153 : memref<10240x128xf32, #tpu.memory_space<vmem_shared>>)
        tpu.yield
      }) : () -> ()
      %eq3A_97 = arith.constant 0 : i32
      %eq3A_98 = arith.cmpi eq, %arg0, %eq3A_97 : i32
      %convert_element_type3A_99 = arith.extui %eq3A_98 : i1 to i32
      %cond3A_100 = arith.constant 0 : i32
      %cond3A_101 = arith.cmpi ne, %convert_element_type3A_99, %cond3A_100 : i32
      scf.if %cond3A_101 {
        %broadcast_in_dim3A_148 = arith.constant 0 : i32
        %broadcast_in_dim3A_149 = vector.broadcast %broadcast_in_dim3A_148 : i32 to vector<16xi32>
        %add3A_150 = arith.constant 0 : i32
        %add3A_151 = vector.broadcast %add3A_150 : i32 to vector<16xi32>
        %add3A_152 = arith.addi %iota3A, %add3A_151 : vector<16xi32>
        %get3A_153 = arith.constant 0 : index
        %get3A_154 = tpu.vector_load %arg17[%get3A_153] {strides = array<i32>} : memref<64xi32, #tpu.memory_space<vmem>>, vector<16xi32>,
        %shift_right_arithmetic3A = arith.constant 4 : i32
        %shift_right_arithmetic3A_155 = vector.broadcast %shift_right_arithmetic3A : i32 to vector<16xi32>
        %shift_right_arithmetic3A_156 = arith.shrsi %get3A_154, %shift_right_arithmetic3A_155 : vector<16xi32>
        %swap3A_157 = arith.constant 0 : index
        %swap3A_158 = tpu.vector_load %arg20[%swap3A_157] {strides = array<i32>} : memref<64xi32, #tpu.memory_space<vmem>>, vector<16xi32>,
        tpu.vector_store %arg20[%swap3A_157], %shift_right_arithmetic3A_156 {strides = array<i32>} : memref<64xi32, #tpu.memory_space<vmem>>, vector<16xi32>,
        %and3A = arith.constant 15 : i32
        %and3A_159 = vector.broadcast %and3A : i32 to vector<16xi32>
        %and3A_160 = arith.andi %get3A_154, %and3A_159 : vector<16xi32>
        %mul3A_161 = arith.constant 8 : i32
        %mul3A_162 = vector.broadcast %mul3A_161 : i32 to vector<16xi32>
        %mul3A_163 = arith.muli %and3A_160, %mul3A_162 : vector<16xi32>
        %gather3A = tpu.vector_load_idx %arg13[%add3A_152, %broadcast_in_dim3A_149] : memref<64x16xf32, #tpu.memory_space<vmem>>[vector<16xi32>, vector<16xi32>], vector<16xf32>,
        %mul3A_164 = arith.constant 8 : i32
        %mul3A_165 = vector.broadcast %mul3A_164 : i32 to vector<16xi32>
        %mul3A_166 = arith.muli %add3A_152, %mul3A_165 : vector<16xi32>
        %add3A_167 = arith.constant 0 : i32
        %add3A_168 = vector.broadcast %add3A_167 : i32 to vector<16xi32>
        %add3A_169 = arith.addi %mul3A_166, %add3A_168 : vector<16xi32>
        %gather3A_170 = tpu.vector_load_idx %arg15[%add3A_169] : memref<512xf32, #tpu.memory_space<vmem>>[vector<16xi32>], vector<16xf32>,
        %add3A_171 = arith.constant 0 : i32
        %add3A_172 = vector.broadcast %add3A_171 : i32 to vector<16xi32>
        %add3A_173 = arith.addi %mul3A_163, %add3A_172 : vector<16xi32>
        %mul3A_174 = arith.mulf %gather3A, %gather3A_170 : vector<16xf32>
        tpu.vector_store_idx %arg21[%add3A_152, %add3A_173], %mul3A_174 : memref<64x128xf32, #tpu.memory_space<vmem>>[vector<16xi32>, vector<16xi32>], vector<16xf32>,
        %mul3A_175 = arith.constant 8 : i32
        %mul3A_176 = vector.broadcast %mul3A_175 : i32 to vector<16xi32>
        %mul3A_177 = arith.muli %add3A_152, %mul3A_176 : vector<16xi32>
        %add3A_178 = arith.constant 1 : i32
        %add3A_179 = vector.broadcast %add3A_178 : i32 to vector<16xi32>
        %add3A_180 = arith.addi %mul3A_177, %add3A_179 : vector<16xi32>
        %gather3A_181 = tpu.vector_load_idx %arg15[%add3A_180] : memref<512xf32, #tpu.memory_space<vmem>>[vector<16xi32>], vector<16xf32>,
        %add3A_182 = arith.constant 1 : i32
        %add3A_183 = vector.broadcast %add3A_182 : i32 to vector<16xi32>
        %add3A_184 = arith.addi %mul3A_163, %add3A_183 : vector<16xi32>
        %mul3A_185 = arith.mulf %gather3A, %gather3A_181 : vector<16xf32>
        tpu.vector_store_idx %arg21[%add3A_152, %add3A_184], %mul3A_185 : memref<64x128xf32, #tpu.memory_space<vmem>>[vector<16xi32>, vector<16xi32>], vector<16xf32>,
        %mul3A_186 = arith.constant 8 : i32
        %mul3A_187 = vector.broadcast %mul3A_186 : i32 to vector<16xi32>
        %mul3A_188 = arith.muli %add3A_152, %mul3A_187 : vector<16xi32>
        %add3A_189 = arith.constant 2 : i32
        %add3A_190 = vector.broadcast %add3A_189 : i32 to vector<16xi32>
        %add3A_191 = arith.addi %mul3A_188, %add3A_190 : vector<16xi32>
        %gather3A_192 = tpu.vector_load_idx %arg15[%add3A_191] : memref<512xf32, #tpu.memory_space<vmem>>[vector<16xi32>], vector<16xf32>,
        %add3A_193 = arith.constant 2 : i32
        %add3A_194 = vector.broadcast %add3A_193 : i32 to vector<16xi32>
        %add3A_195 = arith.addi %mul3A_163, %add3A_194 : vector<16xi32>
        %mul3A_196 = arith.mulf %gather3A, %gather3A_192 : vector<16xf32>
        tpu.vector_store_idx %arg21[%add3A_152, %add3A_195], %mul3A_196 : memref<64x128xf32, #tpu.memory_space<vmem>>[vector<16xi32>, vector<16xi32>], vector<16xf32>,
        %add3A_197 = arith.constant 3 : i32
        %add3A_198 = vector.broadcast %add3A_197 : i32 to vector<16xi32>
        %add3A_199 = arith.addi %mul3A_163, %add3A_198 : vector<16xi32>
        tpu.vector_store_idx %arg21[%add3A_152, %add3A_199], %broadcast_in_dim3A_7 : memref<64x128xf32, #tpu.memory_space<vmem>>[vector<16xi32>, vector<16xi32>], vector<16xf32>,
        %add3A_200 = arith.constant 16 : i32
        %add3A_201 = vector.broadcast %add3A_200 : i32 to vector<16xi32>
        %add3A_202 = arith.addi %iota3A, %add3A_201 : vector<16xi32>
        %get3A_203 = arith.constant 16 : index
        %get3A_204 = tpu.vector_load %arg17[%get3A_203] {strides = array<i32>} : memref<64xi32, #tpu.memory_space<vmem>>, vector<16xi32>,
        %shift_right_arithmetic3A_205 = arith.constant 4 : i32
        %shift_right_arithmetic3A_206 = vector.broadcast %shift_right_arithmetic3A_205 : i32 to vector<16xi32>
        %shift_right_arithmetic3A_207 = arith.shrsi %get3A_204, %shift_right_arithmetic3A_206 : vector<16xi32>
        %swap3A_208 = arith.constant 16 : index
        %swap3A_209 = tpu.vector_load %arg20[%swap3A_208] {strides = array<i32>} : memref<64xi32, #tpu.memory_space<vmem>>, vector<16xi32>,
        tpu.vector_store %arg20[%swap3A_208], %shift_right_arithmetic3A_207 {strides = array<i32>} : memref<64xi32, #tpu.memory_space<vmem>>, vector<16xi32>,
        %and3A_210 = arith.constant 15 : i32
        %and3A_211 = vector.broadcast %and3A_210 : i32 to vector<16xi32>
        %and3A_212 = arith.andi %get3A_204, %and3A_211 : vector<16xi32>
        %mul3A_213 = arith.constant 8 : i32
        %mul3A_214 = vector.broadcast %mul3A_213 : i32 to vector<16xi32>
        %mul3A_215 = arith.muli %and3A_212, %mul3A_214 : vector<16xi32>
        %gather3A_216 = tpu.vector_load_idx %arg13[%add3A_202, %broadcast_in_dim3A_149] : memref<64x16xf32, #tpu.memory_space<vmem>>[vector<16xi32>, vector<16xi32>], vector<16xf32>,
        %mul3A_217 = arith.constant 8 : i32
        %mul3A_218 = vector.broadcast %mul3A_217 : i32 to vector<16xi32>
        %mul3A_219 = arith.muli %add3A_202, %mul3A_218 : vector<16xi32>
        %add3A_220 = arith.constant 0 : i32
        %add3A_221 = vector.broadcast %add3A_220 : i32 to vector<16xi32>
        %add3A_222 = arith.addi %mul3A_219, %add3A_221 : vector<16xi32>
        %gather3A_223 = tpu.vector_load_idx %arg15[%add3A_222] : memref<512xf32, #tpu.memory_space<vmem>>[vector<16xi32>], vector<16xf32>,
        %add3A_224 = arith.constant 0 : i32
        %add3A_225 = vector.broadcast %add3A_224 : i32 to vector<16xi32>
        %add3A_226 = arith.addi %mul3A_215, %add3A_225 : vector<16xi32>
        %mul3A_227 = arith.mulf %gather3A_216, %gather3A_223 : vector<16xf32>
        tpu.vector_store_idx %arg21[%add3A_202, %add3A_226], %mul3A_227 : memref<64x128xf32, #tpu.memory_space<vmem>>[vector<16xi32>, vector<16xi32>], vector<16xf32>,
        %mul3A_228 = arith.constant 8 : i32
        %mul3A_229 = vector.broadcast %mul3A_228 : i32 to vector<16xi32>
        %mul3A_230 = arith.muli %add3A_202, %mul3A_229 : vector<16xi32>
        %add3A_231 = arith.constant 1 : i32
        %add3A_232 = vector.broadcast %add3A_231 : i32 to vector<16xi32>
        %add3A_233 = arith.addi %mul3A_230, %add3A_232 : vector<16xi32>
        %gather3A_234 = tpu.vector_load_idx %arg15[%add3A_233] : memref<512xf32, #tpu.memory_space<vmem>>[vector<16xi32>], vector<16xf32>,
        %add3A_235 = arith.constant 1 : i32
        %add3A_236 = vector.broadcast %add3A_235 : i32 to vector<16xi32>
        %add3A_237 = arith.addi %mul3A_215, %add3A_236 : vector<16xi32>
        %mul3A_238 = arith.mulf %gather3A_216, %gather3A_234 : vector<16xf32>
        tpu.vector_store_idx %arg21[%add3A_202, %add3A_237], %mul3A_238 : memref<64x128xf32, #tpu.memory_space<vmem>>[vector<16xi32>, vector<16xi32>], vector<16xf32>,
        %mul3A_239 = arith.constant 8 : i32
        %mul3A_240 = vector.broadcast %mul3A_239 : i32 to vector<16xi32>
        %mul3A_241 = arith.muli %add3A_202, %mul3A_240 : vector<16xi32>
        %add3A_242 = arith.constant 2 : i32
        %add3A_243 = vector.broadcast %add3A_242 : i32 to vector<16xi32>
        %add3A_244 = arith.addi %mul3A_241, %add3A_243 : vector<16xi32>
        %gather3A_245 = tpu.vector_load_idx %arg15[%add3A_244] : memref<512xf32, #tpu.memory_space<vmem>>[vector<16xi32>], vector<16xf32>,
        %add3A_246 = arith.constant 2 : i32
        %add3A_247 = vector.broadcast %add3A_246 : i32 to vector<16xi32>
        %add3A_248 = arith.addi %mul3A_215, %add3A_247 : vector<16xi32>
        %mul3A_249 = arith.mulf %gather3A_216, %gather3A_245 : vector<16xf32>
        tpu.vector_store_idx %arg21[%add3A_202, %add3A_248], %mul3A_249 : memref<64x128xf32, #tpu.memory_space<vmem>>[vector<16xi32>, vector<16xi32>], vector<16xf32>,
        %add3A_250 = arith.constant 3 : i32
        %add3A_251 = vector.broadcast %add3A_250 : i32 to vector<16xi32>
        %add3A_252 = arith.addi %mul3A_215, %add3A_251 : vector<16xi32>
        tpu.vector_store_idx %arg21[%add3A_202, %add3A_252], %broadcast_in_dim3A_7 : memref<64x128xf32, #tpu.memory_space<vmem>>[vector<16xi32>, vector<16xi32>], vector<16xf32>,
        %add3A_253 = arith.constant 32 : i32
        %add3A_254 = vector.broadcast %add3A_253 : i32 to vector<16xi32>
        %add3A_255 = arith.addi %iota3A, %add3A_254 : vector<16xi32>
        %get3A_256 = arith.constant 32 : index
        %get3A_257 = tpu.vector_load %arg17[%get3A_256] {strides = array<i32>} : memref<64xi32, #tpu.memory_space<vmem>>, vector<16xi32>,
        %shift_right_arithmetic3A_258 = arith.constant 4 : i32
        %shift_right_arithmetic3A_259 = vector.broadcast %shift_right_arithmetic3A_258 : i32 to vector<16xi32>
        %shift_right_arithmetic3A_260 = arith.shrsi %get3A_257, %shift_right_arithmetic3A_259 : vector<16xi32>
        %swap3A_261 = arith.constant 32 : index
        %swap3A_262 = tpu.vector_load %arg20[%swap3A_261] {strides = array<i32>} : memref<64xi32, #tpu.memory_space<vmem>>, vector<16xi32>,
        tpu.vector_store %arg20[%swap3A_261], %shift_right_arithmetic3A_260 {strides = array<i32>} : memref<64xi32, #tpu.memory_space<vmem>>, vector<16xi32>,
        %and3A_263 = arith.constant 15 : i32
        %and3A_264 = vector.broadcast %and3A_263 : i32 to vector<16xi32>
        %and3A_265 = arith.andi %get3A_257, %and3A_264 : vector<16xi32>
        %mul3A_266 = arith.constant 8 : i32
        %mul3A_267 = vector.broadcast %mul3A_266 : i32 to vector<16xi32>
        %mul3A_268 = arith.muli %and3A_265, %mul3A_267 : vector<16xi32>
        %gather3A_269 = tpu.vector_load_idx %arg13[%add3A_255, %broadcast_in_dim3A_149] : memref<64x16xf32, #tpu.memory_space<vmem>>[vector<16xi32>, vector<16xi32>], vector<16xf32>,
        %mul3A_270 = arith.constant 8 : i32
        %mul3A_271 = vector.broadcast %mul3A_270 : i32 to vector<16xi32>
        %mul3A_272 = arith.muli %add3A_255, %mul3A_271 : vector<16xi32>
        %add3A_273 = arith.constant 0 : i32
        %add3A_274 = vector.broadcast %add3A_273 : i32 to vector<16xi32>
        %add3A_275 = arith.addi %mul3A_272, %add3A_274 : vector<16xi32>
        %gather3A_276 = tpu.vector_load_idx %arg15[%add3A_275] : memref<512xf32, #tpu.memory_space<vmem>>[vector<16xi32>], vector<16xf32>,
        %add3A_277 = arith.constant 0 : i32
        %add3A_278 = vector.broadcast %add3A_277 : i32 to vector<16xi32>
        %add3A_279 = arith.addi %mul3A_268, %add3A_278 : vector<16xi32>
        %mul3A_280 = arith.mulf %gather3A_269, %gather3A_276 : vector<16xf32>
        tpu.vector_store_idx %arg21[%add3A_255, %add3A_279], %mul3A_280 : memref<64x128xf32, #tpu.memory_space<vmem>>[vector<16xi32>, vector<16xi32>], vector<16xf32>,
        %mul3A_281 = arith.constant 8 : i32
        %mul3A_282 = vector.broadcast %mul3A_281 : i32 to vector<16xi32>
        %mul3A_283 = arith.muli %add3A_255, %mul3A_282 : vector<16xi32>
        %add3A_284 = arith.constant 1 : i32
        %add3A_285 = vector.broadcast %add3A_284 : i32 to vector<16xi32>
        %add3A_286 = arith.addi %mul3A_283, %add3A_285 : vector<16xi32>
        %gather3A_287 = tpu.vector_load_idx %arg15[%add3A_286] : memref<512xf32, #tpu.memory_space<vmem>>[vector<16xi32>], vector<16xf32>,
        %add3A_288 = arith.constant 1 : i32
        %add3A_289 = vector.broadcast %add3A_288 : i32 to vector<16xi32>
        %add3A_290 = arith.addi %mul3A_268, %add3A_289 : vector<16xi32>
        %mul3A_291 = arith.mulf %gather3A_269, %gather3A_287 : vector<16xf32>
        tpu.vector_store_idx %arg21[%add3A_255, %add3A_290], %mul3A_291 : memref<64x128xf32, #tpu.memory_space<vmem>>[vector<16xi32>, vector<16xi32>], vector<16xf32>,
        %mul3A_292 = arith.constant 8 : i32
        %mul3A_293 = vector.broadcast %mul3A_292 : i32 to vector<16xi32>
        %mul3A_294 = arith.muli %add3A_255, %mul3A_293 : vector<16xi32>
        %add3A_295 = arith.constant 2 : i32
        %add3A_296 = vector.broadcast %add3A_295 : i32 to vector<16xi32>
        %add3A_297 = arith.addi %mul3A_294, %add3A_296 : vector<16xi32>
        %gather3A_298 = tpu.vector_load_idx %arg15[%add3A_297] : memref<512xf32, #tpu.memory_space<vmem>>[vector<16xi32>], vector<16xf32>,
        %add3A_299 = arith.constant 2 : i32
        %add3A_300 = vector.broadcast %add3A_299 : i32 to vector<16xi32>
        %add3A_301 = arith.addi %mul3A_268, %add3A_300 : vector<16xi32>
        %mul3A_302 = arith.mulf %gather3A_269, %gather3A_298 : vector<16xf32>
        tpu.vector_store_idx %arg21[%add3A_255, %add3A_301], %mul3A_302 : memref<64x128xf32, #tpu.memory_space<vmem>>[vector<16xi32>, vector<16xi32>], vector<16xf32>,
        %add3A_303 = arith.constant 3 : i32
        %add3A_304 = vector.broadcast %add3A_303 : i32 to vector<16xi32>
        %add3A_305 = arith.addi %mul3A_268, %add3A_304 : vector<16xi32>
        tpu.vector_store_idx %arg21[%add3A_255, %add3A_305], %broadcast_in_dim3A_7 : memref<64x128xf32, #tpu.memory_space<vmem>>[vector<16xi32>, vector<16xi32>], vector<16xf32>,
        %add3A_306 = arith.constant 48 : i32
        %add3A_307 = vector.broadcast %add3A_306 : i32 to vector<16xi32>
        %add3A_308 = arith.addi %iota3A, %add3A_307 : vector<16xi32>
        %get3A_309 = arith.constant 48 : index
        %get3A_310 = tpu.vector_load %arg17[%get3A_309] {strides = array<i32>} : memref<64xi32, #tpu.memory_space<vmem>>, vector<16xi32>,
        %shift_right_arithmetic3A_311 = arith.constant 4 : i32
        %shift_right_arithmetic3A_312 = vector.broadcast %shift_right_arithmetic3A_311 : i32 to vector<16xi32>
        %shift_right_arithmetic3A_313 = arith.shrsi %get3A_310, %shift_right_arithmetic3A_312 : vector<16xi32>
        %swap3A_314 = arith.constant 48 : index
        %swap3A_315 = tpu.vector_load %arg20[%swap3A_314] {strides = array<i32>} : memref<64xi32, #tpu.memory_space<vmem>>, vector<16xi32>,
        tpu.vector_store %arg20[%swap3A_314], %shift_right_arithmetic3A_313 {strides = array<i32>} : memref<64xi32, #tpu.memory_space<vmem>>, vector<16xi32>,
        %and3A_316 = arith.constant 15 : i32
        %and3A_317 = vector.broadcast %and3A_316 : i32 to vector<16xi32>
        %and3A_318 = arith.andi %get3A_310, %and3A_317 : vector<16xi32>
        %mul3A_319 = arith.constant 8 : i32
        %mul3A_320 = vector.broadcast %mul3A_319 : i32 to vector<16xi32>
        %mul3A_321 = arith.muli %and3A_318, %mul3A_320 : vector<16xi32>
        %gather3A_322 = tpu.vector_load_idx %arg13[%add3A_308, %broadcast_in_dim3A_149] : memref<64x16xf32, #tpu.memory_space<vmem>>[vector<16xi32>, vector<16xi32>], vector<16xf32>,
        %mul3A_323 = arith.constant 8 : i32
        %mul3A_324 = vector.broadcast %mul3A_323 : i32 to vector<16xi32>
        %mul3A_325 = arith.muli %add3A_308, %mul3A_324 : vector<16xi32>
        %add3A_326 = arith.constant 0 : i32
        %add3A_327 = vector.broadcast %add3A_326 : i32 to vector<16xi32>
        %add3A_328 = arith.addi %mul3A_325, %add3A_327 : vector<16xi32>
        %gather3A_329 = tpu.vector_load_idx %arg15[%add3A_328] : memref<512xf32, #tpu.memory_space<vmem>>[vector<16xi32>], vector<16xf32>,
        %add3A_330 = arith.constant 0 : i32
        %add3A_331 = vector.broadcast %add3A_330 : i32 to vector<16xi32>
        %add3A_332 = arith.addi %mul3A_321, %add3A_331 : vector<16xi32>
        %mul3A_333 = arith.mulf %gather3A_322, %gather3A_329 : vector<16xf32>
        tpu.vector_store_idx %arg21[%add3A_308, %add3A_332], %mul3A_333 : memref<64x128xf32, #tpu.memory_space<vmem>>[vector<16xi32>, vector<16xi32>], vector<16xf32>,
        %mul3A_334 = arith.constant 8 : i32
        %mul3A_335 = vector.broadcast %mul3A_334 : i32 to vector<16xi32>
        %mul3A_336 = arith.muli %add3A_308, %mul3A_335 : vector<16xi32>
        %add3A_337 = arith.constant 1 : i32
        %add3A_338 = vector.broadcast %add3A_337 : i32 to vector<16xi32>
        %add3A_339 = arith.addi %mul3A_336, %add3A_338 : vector<16xi32>
        %gather3A_340 = tpu.vector_load_idx %arg15[%add3A_339] : memref<512xf32, #tpu.memory_space<vmem>>[vector<16xi32>], vector<16xf32>,
        %add3A_341 = arith.constant 1 : i32
        %add3A_342 = vector.broadcast %add3A_341 : i32 to vector<16xi32>
        %add3A_343 = arith.addi %mul3A_321, %add3A_342 : vector<16xi32>
        %mul3A_344 = arith.mulf %gather3A_322, %gather3A_340 : vector<16xf32>
        tpu.vector_store_idx %arg21[%add3A_308, %add3A_343], %mul3A_344 : memref<64x128xf32, #tpu.memory_space<vmem>>[vector<16xi32>, vector<16xi32>], vector<16xf32>,
        %mul3A_345 = arith.constant 8 : i32
        %mul3A_346 = vector.broadcast %mul3A_345 : i32 to vector<16xi32>
        %mul3A_347 = arith.muli %add3A_308, %mul3A_346 : vector<16xi32>
        %add3A_348 = arith.constant 2 : i32
        %add3A_349 = vector.broadcast %add3A_348 : i32 to vector<16xi32>
        %add3A_350 = arith.addi %mul3A_347, %add3A_349 : vector<16xi32>
        %gather3A_351 = tpu.vector_load_idx %arg15[%add3A_350] : memref<512xf32, #tpu.memory_space<vmem>>[vector<16xi32>], vector<16xf32>,
        %add3A_352 = arith.constant 2 : i32
        %add3A_353 = vector.broadcast %add3A_352 : i32 to vector<16xi32>
        %add3A_354 = arith.addi %mul3A_321, %add3A_353 : vector<16xi32>
        %mul3A_355 = arith.mulf %gather3A_322, %gather3A_351 : vector<16xf32>
        tpu.vector_store_idx %arg21[%add3A_308, %add3A_354], %mul3A_355 : memref<64x128xf32, #tpu.memory_space<vmem>>[vector<16xi32>, vector<16xi32>], vector<16xf32>,
        %add3A_356 = arith.constant 3 : i32
        %add3A_357 = vector.broadcast %add3A_356 : i32 to vector<16xi32>
        %add3A_358 = arith.addi %mul3A_321, %add3A_357 : vector<16xi32>
        tpu.vector_store_idx %arg21[%add3A_308, %add3A_358], %broadcast_in_dim3A_7 : memref<64x128xf32, #tpu.memory_space<vmem>>[vector<16xi32>, vector<16xi32>], vector<16xf32>,
        "tpu.region"() ({
          %run_scoped3A = tpu.sem_alloc : memref<!tpu.dma_semaphore, #tpu.memory_space<semaphore_mem>>
          %dma_start3A_451 = arith.constant 0 : i32
          %dma_start3A_452 = arith.constant 0 : i32
          %dma_start3A_453 = tpu.memref_slice %arg23[%dma_start3A_451, %dma_start3A_452] : memref<640x128xf32, #tpu.memory_space<vmem_shared>> -> memref<640x128xf32, #tpu.memory_space<vmem_shared>>
          tpu.enqueue_indirect_dma source(%arg21 : memref<64x128xf32, #tpu.memory_space<vmem>>) target(%dma_start3A_453 : memref<640x128xf32, #tpu.memory_space<vmem_shared>>) offsets(%arg20 : memref<64xi32, #tpu.memory_space<vmem>>) semaphore(%run_scoped3A : memref<!tpu.dma_semaphore, #tpu.memory_space<semaphore_mem>>) {add = true}
          %dma_wait3A_454 = arith.constant 0 : i32
          %dma_wait3A_455 = arith.constant 0 : i32
          %dma_wait3A_456 = tpu.memref_slice %arg23[%dma_wait3A_454, %dma_wait3A_455] : memref<640x128xf32, #tpu.memory_space<vmem_shared>> -> memref<640x128xf32, #tpu.memory_space<vmem_shared>>
          tpu.wait_indirect_dma semaphore(%run_scoped3A : memref<!tpu.dma_semaphore, #tpu.memory_space<semaphore_mem>>) src(%arg21 : memref<64x128xf32, #tpu.memory_space<vmem>>) dst(%dma_wait3A_456 : memref<640x128xf32, #tpu.memory_space<vmem_shared>>)
          tpu.yield
        }) : () -> ()
        %add3A_359 = arith.constant 0 : i32
        %add3A_360 = vector.broadcast %add3A_359 : i32 to vector<16xi32>
        %add3A_361 = arith.addi %iota3A, %add3A_360 : vector<16xi32>
        %get3A_362 = arith.constant 0 : index
        %get3A_363 = tpu.vector_load %arg17[%get3A_362] {strides = array<i32>} : memref<64xi32, #tpu.memory_space<vmem>>, vector<16xi32>,
        %and3A_364 = arith.constant 15 : i32
        %and3A_365 = vector.broadcast %and3A_364 : i32 to vector<16xi32>
        %and3A_366 = arith.andi %get3A_363, %and3A_365 : vector<16xi32>
        %mul3A_367 = arith.constant 8 : i32
        %mul3A_368 = vector.broadcast %mul3A_367 : i32 to vector<16xi32>
        %mul3A_369 = arith.muli %and3A_366, %mul3A_368 : vector<16xi32>
        %add3A_370 = arith.constant 0 : i32
        %add3A_371 = vector.broadcast %add3A_370 : i32 to vector<16xi32>
        %add3A_372 = arith.addi %mul3A_369, %add3A_371 : vector<16xi32>
        tpu.vector_store_idx %arg21[%add3A_361, %add3A_372], %broadcast_in_dim3A_5 : memref<64x128xf32, #tpu.memory_space<vmem>>[vector<16xi32>, vector<16xi32>], vector<16xf32>,
        %add3A_373 = arith.constant 1 : i32
        %add3A_374 = vector.broadcast %add3A_373 : i32 to vector<16xi32>
        %add3A_375 = arith.addi %mul3A_369, %add3A_374 : vector<16xi32>
        tpu.vector_store_idx %arg21[%add3A_361, %add3A_375], %broadcast_in_dim3A_5 : memref<64x128xf32, #tpu.memory_space<vmem>>[vector<16xi32>, vector<16xi32>], vector<16xf32>,
        %add3A_376 = arith.constant 2 : i32
        %add3A_377 = vector.broadcast %add3A_376 : i32 to vector<16xi32>
        %add3A_378 = arith.addi %mul3A_369, %add3A_377 : vector<16xi32>
        tpu.vector_store_idx %arg21[%add3A_361, %add3A_378], %broadcast_in_dim3A_5 : memref<64x128xf32, #tpu.memory_space<vmem>>[vector<16xi32>, vector<16xi32>], vector<16xf32>,
        %add3A_379 = arith.constant 3 : i32
        %add3A_380 = vector.broadcast %add3A_379 : i32 to vector<16xi32>
        %add3A_381 = arith.addi %mul3A_369, %add3A_380 : vector<16xi32>
        tpu.vector_store_idx %arg21[%add3A_361, %add3A_381], %broadcast_in_dim3A_5 : memref<64x128xf32, #tpu.memory_space<vmem>>[vector<16xi32>, vector<16xi32>], vector<16xf32>,
        %add3A_382 = arith.constant 16 : i32
        %add3A_383 = vector.broadcast %add3A_382 : i32 to vector<16xi32>
        %add3A_384 = arith.addi %iota3A, %add3A_383 : vector<16xi32>
        %get3A_385 = arith.constant 16 : index
        %get3A_386 = tpu.vector_load %arg17[%get3A_385] {strides = array<i32>} : memref<64xi32, #tpu.memory_space<vmem>>, vector<16xi32>,
        %and3A_387 = arith.constant 15 : i32
        %and3A_388 = vector.broadcast %and3A_387 : i32 to vector<16xi32>
        %and3A_389 = arith.andi %get3A_386, %and3A_388 : vector<16xi32>
        %mul3A_390 = arith.constant 8 : i32
        %mul3A_391 = vector.broadcast %mul3A_390 : i32 to vector<16xi32>
        %mul3A_392 = arith.muli %and3A_389, %mul3A_391 : vector<16xi32>
        %add3A_393 = arith.constant 0 : i32
        %add3A_394 = vector.broadcast %add3A_393 : i32 to vector<16xi32>
        %add3A_395 = arith.addi %mul3A_392, %add3A_394 : vector<16xi32>
        tpu.vector_store_idx %arg21[%add3A_384, %add3A_395], %broadcast_in_dim3A_5 : memref<64x128xf32, #tpu.memory_space<vmem>>[vector<16xi32>, vector<16xi32>], vector<16xf32>,
        %add3A_396 = arith.constant 1 : i32
        %add3A_397 = vector.broadcast %add3A_396 : i32 to vector<16xi32>
        %add3A_398 = arith.addi %mul3A_392, %add3A_397 : vector<16xi32>
        tpu.vector_store_idx %arg21[%add3A_384, %add3A_398], %broadcast_in_dim3A_5 : memref<64x128xf32, #tpu.memory_space<vmem>>[vector<16xi32>, vector<16xi32>], vector<16xf32>,
        %add3A_399 = arith.constant 2 : i32
        %add3A_400 = vector.broadcast %add3A_399 : i32 to vector<16xi32>
        %add3A_401 = arith.addi %mul3A_392, %add3A_400 : vector<16xi32>
        tpu.vector_store_idx %arg21[%add3A_384, %add3A_401], %broadcast_in_dim3A_5 : memref<64x128xf32, #tpu.memory_space<vmem>>[vector<16xi32>, vector<16xi32>], vector<16xf32>,
        %add3A_402 = arith.constant 3 : i32
        %add3A_403 = vector.broadcast %add3A_402 : i32 to vector<16xi32>
        %add3A_404 = arith.addi %mul3A_392, %add3A_403 : vector<16xi32>
        tpu.vector_store_idx %arg21[%add3A_384, %add3A_404], %broadcast_in_dim3A_5 : memref<64x128xf32, #tpu.memory_space<vmem>>[vector<16xi32>, vector<16xi32>], vector<16xf32>,
        %add3A_405 = arith.constant 32 : i32
        %add3A_406 = vector.broadcast %add3A_405 : i32 to vector<16xi32>
        %add3A_407 = arith.addi %iota3A, %add3A_406 : vector<16xi32>
        %get3A_408 = arith.constant 32 : index
        %get3A_409 = tpu.vector_load %arg17[%get3A_408] {strides = array<i32>} : memref<64xi32, #tpu.memory_space<vmem>>, vector<16xi32>,
        %and3A_410 = arith.constant 15 : i32
        %and3A_411 = vector.broadcast %and3A_410 : i32 to vector<16xi32>
        %and3A_412 = arith.andi %get3A_409, %and3A_411 : vector<16xi32>
        %mul3A_413 = arith.constant 8 : i32
        %mul3A_414 = vector.broadcast %mul3A_413 : i32 to vector<16xi32>
        %mul3A_415 = arith.muli %and3A_412, %mul3A_414 : vector<16xi32>
        %add3A_416 = arith.constant 0 : i32
        %add3A_417 = vector.broadcast %add3A_416 : i32 to vector<16xi32>
        %add3A_418 = arith.addi %mul3A_415, %add3A_417 : vector<16xi32>
        tpu.vector_store_idx %arg21[%add3A_407, %add3A_418], %broadcast_in_dim3A_5 : memref<64x128xf32, #tpu.memory_space<vmem>>[vector<16xi32>, vector<16xi32>], vector<16xf32>,
        %add3A_419 = arith.constant 1 : i32
        %add3A_420 = vector.broadcast %add3A_419 : i32 to vector<16xi32>
        %add3A_421 = arith.addi %mul3A_415, %add3A_420 : vector<16xi32>
        tpu.vector_store_idx %arg21[%add3A_407, %add3A_421], %broadcast_in_dim3A_5 : memref<64x128xf32, #tpu.memory_space<vmem>>[vector<16xi32>, vector<16xi32>], vector<16xf32>,
        %add3A_422 = arith.constant 2 : i32
        %add3A_423 = vector.broadcast %add3A_422 : i32 to vector<16xi32>
        %add3A_424 = arith.addi %mul3A_415, %add3A_423 : vector<16xi32>
        tpu.vector_store_idx %arg21[%add3A_407, %add3A_424], %broadcast_in_dim3A_5 : memref<64x128xf32, #tpu.memory_space<vmem>>[vector<16xi32>, vector<16xi32>], vector<16xf32>,
        %add3A_425 = arith.constant 3 : i32
        %add3A_426 = vector.broadcast %add3A_425 : i32 to vector<16xi32>
        %add3A_427 = arith.addi %mul3A_415, %add3A_426 : vector<16xi32>
        tpu.vector_store_idx %arg21[%add3A_407, %add3A_427], %broadcast_in_dim3A_5 : memref<64x128xf32, #tpu.memory_space<vmem>>[vector<16xi32>, vector<16xi32>], vector<16xf32>,
        %add3A_428 = arith.constant 48 : i32
        %add3A_429 = vector.broadcast %add3A_428 : i32 to vector<16xi32>
        %add3A_430 = arith.addi %iota3A, %add3A_429 : vector<16xi32>
        %get3A_431 = arith.constant 48 : index
        %get3A_432 = tpu.vector_load %arg17[%get3A_431] {strides = array<i32>} : memref<64xi32, #tpu.memory_space<vmem>>, vector<16xi32>,
        %and3A_433 = arith.constant 15 : i32
        %and3A_434 = vector.broadcast %and3A_433 : i32 to vector<16xi32>
        %and3A_435 = arith.andi %get3A_432, %and3A_434 : vector<16xi32>
        %mul3A_436 = arith.constant 8 : i32
        %mul3A_437 = vector.broadcast %mul3A_436 : i32 to vector<16xi32>
        %mul3A_438 = arith.muli %and3A_435, %mul3A_437 : vector<16xi32>
        %add3A_439 = arith.constant 0 : i32
        %add3A_440 = vector.broadcast %add3A_439 : i32 to vector<16xi32>
        %add3A_441 = arith.addi %mul3A_438, %add3A_440 : vector<16xi32>
        tpu.vector_store_idx %arg21[%add3A_430, %add3A_441], %broadcast_in_dim3A_5 : memref<64x128xf32, #tpu.memory_space<vmem>>[vector<16xi32>, vector<16xi32>], vector<16xf32>,
        %add3A_442 = arith.constant 1 : i32
        %add3A_443 = vector.broadcast %add3A_442 : i32 to vector<16xi32>
        %add3A_444 = arith.addi %mul3A_438, %add3A_443 : vector<16xi32>
        tpu.vector_store_idx %arg21[%add3A_430, %add3A_444], %broadcast_in_dim3A_5 : memref<64x128xf32, #tpu.memory_space<vmem>>[vector<16xi32>, vector<16xi32>], vector<16xf32>,
        %add3A_445 = arith.constant 2 : i32
        %add3A_446 = vector.broadcast %add3A_445 : i32 to vector<16xi32>
        %add3A_447 = arith.addi %mul3A_438, %add3A_446 : vector<16xi32>
        tpu.vector_store_idx %arg21[%add3A_430, %add3A_447], %broadcast_in_dim3A_5 : memref<64x128xf32, #tpu.memory_space<vmem>>[vector<16xi32>, vector<16xi32>], vector<16xf32>,
        %add3A_448 = arith.constant 3 : i32
        %add3A_449 = vector.broadcast %add3A_448 : i32 to vector<16xi32>
        %add3A_450 = arith.addi %mul3A_438, %add3A_449 : vector<16xi32>
        tpu.vector_store_idx %arg21[%add3A_430, %add3A_450], %broadcast_in_dim3A_5 : memref<64x128xf32, #tpu.memory_space<vmem>>[vector<16xi32>, vector<16xi32>], vector<16xf32>,
      } else {
      }
      %mul3A_102 = arith.constant 2 : i32
      %mul3A_103 = arith.muli %scan3A_43, %mul3A_102 : i32
      %add3A_104 = arith.constant 1 : i32
      %add3A_105 = arith.addi %mul3A_103, %add3A_104 : i32
      %mul3A_106 = arith.constant 10240 : i32
      %mul3A_107 = arith.muli %arg1, %mul3A_106 : i32
      %mul3A_108 = arith.constant 64 : i32
      %mul3A_109 = arith.muli %add3A_105, %mul3A_108 : i32
      %add3A_110 = arith.addi %mul3A_107, %mul3A_109 : i32
      %dma_wait3A_111 = arith.constant 0 : i32
      %dma_wait3A_112 = tpu.memref_slice %arg2[%add3A_110, %dma_wait3A_111] : memref<163840x128xf32, #tpu.memory_space<hbm>> -> memref<64x128xf32, #tpu.memory_space<hbm>>
      %dma_wait3A_113 = arith.constant 0 : i32
      %dma_wait3A_114 = tpu.memref_slice %arg2[%add3A_110, %dma_wait3A_113] : memref<163840x128xf32, #tpu.memory_space<hbm>> -> memref<64x128xf32, #tpu.memory_space<hbm>>
      tpu.wait_dma2 semaphore(%arg25 : memref<!tpu.dma_semaphore, #tpu.memory_space<semaphore_mem>>) src(%dma_wait3A_114 : memref<64x128xf32, #tpu.memory_space<hbm>>) dst(%arg12 : memref<64x128xf32, #tpu.memory_space<vmem>>)
      %dma_wait3A_115 = tpu.memref_slice %arg6[%add3A_110] : memref<163840xi32, #tpu.memory_space<hbm>> -> memref<64xi32, #tpu.memory_space<hbm>>
      %dma_wait3A_116 = tpu.memref_slice %arg6[%add3A_110] : memref<163840xi32, #tpu.memory_space<hbm>> -> memref<64xi32, #tpu.memory_space<hbm>>
      tpu.wait_dma2 semaphore(%arg31 : memref<!tpu.dma_semaphore, #tpu.memory_space<semaphore_mem>>) src(%dma_wait3A_116 : memref<64xi32, #tpu.memory_space<hbm>>) dst(%arg18 : memref<64xi32, #tpu.memory_space<vmem>>)
      %eq3A_117 = arith.constant 0 : i32
      %eq3A_118 = arith.cmpi eq, %arg0, %eq3A_117 : i32
      %convert_element_type3A_119 = arith.extui %eq3A_118 : i1 to i32
      %cond3A_120 = arith.constant 0 : i32
      %cond3A_121 = arith.cmpi ne, %convert_element_type3A_119, %cond3A_120 : i32
      scf.if %cond3A_121 {
        %dma_wait3A_148 = arith.constant 0 : i32
        %dma_wait3A_149 = tpu.memref_slice %arg4[%add3A_110, %dma_wait3A_148] : memref<163840x128xf32, #tpu.memory_space<hbm>> -> memref<64x16xf32, #tpu.memory_space<hbm>>
        %dma_wait3A_150 = arith.constant 0 : i32
        %dma_wait3A_151 = tpu.memref_slice %arg4[%add3A_110, %dma_wait3A_150] : memref<163840x128xf32, #tpu.memory_space<hbm>> -> memref<64x16xf32, #tpu.memory_space<hbm>>
        tpu.wait_dma2 semaphore(%arg27 : memref<!tpu.dma_semaphore, #tpu.memory_space<semaphore_mem>>) src(%dma_wait3A_151 : memref<64x16xf32, #tpu.memory_space<hbm>>) dst(%arg14 : memref<64x16xf32, #tpu.memory_space<vmem>>)
        %mul3A_152 = arith.constant 8 : i32
        %mul3A_153 = arith.muli %add3A_110, %mul3A_152 : i32
        %dma_wait3A_154 = tpu.memref_slice %arg5[%mul3A_153] : memref<1310720xf32, #tpu.memory_space<hbm>> -> memref<512xf32, #tpu.memory_space<hbm>>
        %dma_wait3A_155 = tpu.memref_slice %arg5[%mul3A_153] : memref<1310720xf32, #tpu.memory_space<hbm>> -> memref<512xf32, #tpu.memory_space<hbm>>
        tpu.wait_dma2 semaphore(%arg29 : memref<!tpu.dma_semaphore, #tpu.memory_space<semaphore_mem>>) src(%dma_wait3A_155 : memref<512xf32, #tpu.memory_space<hbm>>) dst(%arg16 : memref<512xf32, #tpu.memory_space<vmem>>)
      } else {
      }
      %lt3A = arith.constant 79 : i32
      %lt3A_122 = arith.cmpi slt, %scan3A_43, %lt3A : i32
      %convert_element_type3A_123 = arith.extui %lt3A_122 : i1 to i32
      %cond3A_124 = arith.constant 0 : i32
      %cond3A_125 = arith.cmpi ne, %convert_element_type3A_123, %cond3A_124 : i32
      scf.if %cond3A_125 {
        %add3A_148 = arith.constant 1 : i32
        %add3A_149 = arith.addi %add3A_105, %add3A_148 : i32
        %mul3A_150 = arith.constant 10240 : i32
        %mul3A_151 = arith.muli %arg1, %mul3A_150 : i32
        %mul3A_152 = arith.constant 64 : i32
        %mul3A_153 = arith.muli %add3A_149, %mul3A_152 : i32
        %add3A_154 = arith.addi %mul3A_151, %mul3A_153 : i32
        %eq3A_155 = arith.constant 0 : i32
        %eq3A_156 = arith.cmpi eq, %arg0, %eq3A_155 : i32
        %convert_element_type3A_157 = arith.extui %eq3A_156 : i1 to i32
        %cond3A_158 = arith.constant 0 : i32
        %cond3A_159 = arith.cmpi ne, %convert_element_type3A_157, %cond3A_158 : i32
        scf.if %cond3A_159 {
          %dma_start3A_167 = arith.constant 0 : i32
          %dma_start3A_168 = tpu.memref_slice %arg2[%add3A_154, %dma_start3A_167] : memref<163840x128xf32, #tpu.memory_space<hbm>> -> memref<64x128xf32, #tpu.memory_space<hbm>>
          %dma_start3A_169 = arith.constant 0 : i32
          %dma_start3A_170 = tpu.memref_slice %arg2[%add3A_154, %dma_start3A_169] : memref<163840x128xf32, #tpu.memory_space<hbm>> -> memref<64x128xf32, #tpu.memory_space<hbm>>
          tpu.enqueue_dma source(%dma_start3A_170 : memref<64x128xf32, #tpu.memory_space<hbm>>) target(%arg11 : memref<64x128xf32, #tpu.memory_space<vmem>>) target_semaphore(%arg24 : memref<!tpu.dma_semaphore, #tpu.memory_space<semaphore_mem>>)
          %dma_start3A_171 = arith.constant 0 : i32
          %dma_start3A_172 = tpu.memref_slice %arg4[%add3A_154, %dma_start3A_171] : memref<163840x128xf32, #tpu.memory_space<hbm>> -> memref<64x16xf32, #tpu.memory_space<hbm>>
          %dma_start3A_173 = arith.constant 0 : i32
          %dma_start3A_174 = tpu.memref_slice %arg4[%add3A_154, %dma_start3A_173] : memref<163840x128xf32, #tpu.memory_space<hbm>> -> memref<64x16xf32, #tpu.memory_space<hbm>>
          tpu.enqueue_dma source(%dma_start3A_174 : memref<64x16xf32, #tpu.memory_space<hbm>>) target(%arg13 : memref<64x16xf32, #tpu.memory_space<vmem>>) target_semaphore(%arg26 : memref<!tpu.dma_semaphore, #tpu.memory_space<semaphore_mem>>)
          %mul3A_175 = arith.constant 8 : i32
          %mul3A_176 = arith.muli %add3A_154, %mul3A_175 : i32
          %dma_start3A_177 = tpu.memref_slice %arg5[%mul3A_176] : memref<1310720xf32, #tpu.memory_space<hbm>> -> memref<512xf32, #tpu.memory_space<hbm>>
          %dma_start3A_178 = tpu.memref_slice %arg5[%mul3A_176] : memref<1310720xf32, #tpu.memory_space<hbm>> -> memref<512xf32, #tpu.memory_space<hbm>>
          tpu.enqueue_dma source(%dma_start3A_178 : memref<512xf32, #tpu.memory_space<hbm>>) target(%arg15 : memref<512xf32, #tpu.memory_space<vmem>>) target_semaphore(%arg28 : memref<!tpu.dma_semaphore, #tpu.memory_space<semaphore_mem>>)
        } else {
        }
        %eq3A_160 = arith.constant 1 : i32
        %eq3A_161 = arith.cmpi eq, %arg0, %eq3A_160 : i32
        %convert_element_type3A_162 = arith.extui %eq3A_161 : i1 to i32
        %cond3A_163 = arith.constant 0 : i32
        %cond3A_164 = arith.cmpi ne, %convert_element_type3A_162, %cond3A_163 : i32
        scf.if %cond3A_164 {
          %dma_start3A_167 = arith.constant 0 : i32
          %dma_start3A_168 = tpu.memref_slice %arg3[%add3A_154, %dma_start3A_167] : memref<163840x128xf32, #tpu.memory_space<hbm>> -> memref<64x128xf32, #tpu.memory_space<hbm>>
          %dma_start3A_169 = arith.constant 0 : i32
          %dma_start3A_170 = tpu.memref_slice %arg3[%add3A_154, %dma_start3A_169] : memref<163840x128xf32, #tpu.memory_space<hbm>> -> memref<64x128xf32, #tpu.memory_space<hbm>>
          tpu.enqueue_dma source(%dma_start3A_170 : memref<64x128xf32, #tpu.memory_space<hbm>>) target(%arg11 : memref<64x128xf32, #tpu.memory_space<vmem>>) target_semaphore(%arg24 : memref<!tpu.dma_semaphore, #tpu.memory_space<semaphore_mem>>)
        } else {
        }
        %dma_start3A_165 = tpu.memref_slice %arg6[%add3A_154] : memref<163840xi32, #tpu.memory_space<hbm>> -> memref<64xi32, #tpu.memory_space<hbm>>
        %dma_start3A_166 = tpu.memref_slice %arg6[%add3A_154] : memref<163840xi32, #tpu.memory_space<hbm>> -> memref<64xi32, #tpu.memory_space<hbm>>
        tpu.enqueue_dma source(%dma_start3A_166 : memref<64xi32, #tpu.memory_space<hbm>>) target(%arg17 : memref<64xi32, #tpu.memory_space<vmem>>) target_semaphore(%arg30 : memref<!tpu.dma_semaphore, #tpu.memory_space<semaphore_mem>>)
      } else {
      }
      %get3A_126 = arith.constant 0 : index
      %get3A_127 = tpu.vector_load %arg18[%get3A_126] {strides = array<i32>} : memref<64xi32, #tpu.memory_space<vmem>>, vector<16xi32>,
      %swap3A_128 = arith.constant 0 : index
      %swap3A_129 = tpu.vector_load %arg19[%swap3A_128] {strides = array<i32>} : memref<64xi32, #tpu.memory_space<vmem>>, vector<16xi32>,
      tpu.vector_store %arg19[%swap3A_128], %get3A_127 {strides = array<i32>} : memref<64xi32, #tpu.memory_space<vmem>>, vector<16xi32>,
      %get3A_130 = arith.constant 16 : index
      %get3A_131 = tpu.vector_load %arg18[%get3A_130] {strides = array<i32>} : memref<64xi32, #tpu.memory_space<vmem>>, vector<16xi32>,
      %swap3A_132 = arith.constant 16 : index
      %swap3A_133 = tpu.vector_load %arg19[%swap3A_132] {strides = array<i32>} : memref<64xi32, #tpu.memory_space<vmem>>, vector<16xi32>,
      tpu.vector_store %arg19[%swap3A_132], %get3A_131 {strides = array<i32>} : memref<64xi32, #tpu.memory_space<vmem>>, vector<16xi32>,
      %get3A_134 = arith.constant 32 : index
      %get3A_135 = tpu.vector_load %arg18[%get3A_134] {strides = array<i32>} : memref<64xi32, #tpu.memory_space<vmem>>, vector<16xi32>,
      %swap3A_136 = arith.constant 32 : index
      %swap3A_137 = tpu.vector_load %arg19[%swap3A_136] {strides = array<i32>} : memref<64xi32, #tpu.memory_space<vmem>>, vector<16xi32>,
      tpu.vector_store %arg19[%swap3A_136], %get3A_135 {strides = array<i32>} : memref<64xi32, #tpu.memory_space<vmem>>, vector<16xi32>,
      %get3A_138 = arith.constant 48 : index
      %get3A_139 = tpu.vector_load %arg18[%get3A_138] {strides = array<i32>} : memref<64xi32, #tpu.memory_space<vmem>>, vector<16xi32>,
      %swap3A_140 = arith.constant 48 : index
      %swap3A_141 = tpu.vector_load %arg19[%swap3A_140] {strides = array<i32>} : memref<64xi32, #tpu.memory_space<vmem>>, vector<16xi32>,
      tpu.vector_store %arg19[%swap3A_140], %get3A_139 {strides = array<i32>} : memref<64xi32, #tpu.memory_space<vmem>>, vector<16xi32>,
      "tpu.region"() ({
        %run_scoped3A = tpu.sem_alloc : memref<!tpu.dma_semaphore, #tpu.memory_space<semaphore_mem>>
        %dma_start3A_148 = arith.constant 0 : i32
        %dma_start3A_149 = arith.constant 0 : i32
        %dma_start3A_150 = tpu.memref_slice %arg22[%dma_start3A_148, %dma_start3A_149] : memref<10240x128xf32, #tpu.memory_space<vmem_shared>> -> memref<10240x128xf32, #tpu.memory_space<vmem_shared>>
        tpu.enqueue_indirect_dma source(%arg12 : memref<64x128xf32, #tpu.memory_space<vmem>>) target(%dma_start3A_150 : memref<10240x128xf32, #tpu.memory_space<vmem_shared>>) offsets(%arg19 : memref<64xi32, #tpu.memory_space<vmem>>) semaphore(%run_scoped3A : memref<!tpu.dma_semaphore, #tpu.memory_space<semaphore_mem>>) {add = true}
        %dma_wait3A_151 = arith.constant 0 : i32
        %dma_wait3A_152 = arith.constant 0 : i32
        %dma_wait3A_153 = tpu.memref_slice %arg22[%dma_wait3A_151, %dma_wait3A_152] : memref<10240x128xf32, #tpu.memory_space<vmem_shared>> -> memref<10240x128xf32, #tpu.memory_space<vmem_shared>>
        tpu.wait_indirect_dma semaphore(%run_scoped3A : memref<!tpu.dma_semaphore, #tpu.memory_space<semaphore_mem>>) src(%arg12 : memref<64x128xf32, #tpu.memory_space<vmem>>) dst(%dma_wait3A_153 : memref<10240x128xf32, #tpu.memory_space<vmem_shared>>)
        tpu.yield
      }) : () -> ()
      %eq3A_142 = arith.constant 0 : i32
      %eq3A_143 = arith.cmpi eq, %arg0, %eq3A_142 : i32
      %convert_element_type3A_144 = arith.extui %eq3A_143 : i1 to i32
      %cond3A_145 = arith.constant 0 : i32
      %cond3A_146 = arith.cmpi ne, %convert_element_type3A_144, %cond3A_145 : i32
      scf.if %cond3A_146 {
        %broadcast_in_dim3A_148 = arith.constant 0 : i32
        %broadcast_in_dim3A_149 = vector.broadcast %broadcast_in_dim3A_148 : i32 to vector<16xi32>
        %add3A_150 = arith.constant 0 : i32
        %add3A_151 = vector.broadcast %add3A_150 : i32 to vector<16xi32>
        %add3A_152 = arith.addi %iota3A, %add3A_151 : vector<16xi32>
        %get3A_153 = arith.constant 0 : index
        %get3A_154 = tpu.vector_load %arg18[%get3A_153] {strides = array<i32>} : memref<64xi32, #tpu.memory_space<vmem>>, vector<16xi32>,
        %shift_right_arithmetic3A = arith.constant 4 : i32
        %shift_right_arithmetic3A_155 = vector.broadcast %shift_right_arithmetic3A : i32 to vector<16xi32>
        %shift_right_arithmetic3A_156 = arith.shrsi %get3A_154, %shift_right_arithmetic3A_155 : vector<16xi32>
        %swap3A_157 = arith.constant 0 : index
        %swap3A_158 = tpu.vector_load %arg20[%swap3A_157] {strides = array<i32>} : memref<64xi32, #tpu.memory_space<vmem>>, vector<16xi32>,
        tpu.vector_store %arg20[%swap3A_157], %shift_right_arithmetic3A_156 {strides = array<i32>} : memref<64xi32, #tpu.memory_space<vmem>>, vector<16xi32>,
        %and3A = arith.constant 15 : i32
        %and3A_159 = vector.broadcast %and3A : i32 to vector<16xi32>
        %and3A_160 = arith.andi %get3A_154, %and3A_159 : vector<16xi32>
        %mul3A_161 = arith.constant 8 : i32
        %mul3A_162 = vector.broadcast %mul3A_161 : i32 to vector<16xi32>
        %mul3A_163 = arith.muli %and3A_160, %mul3A_162 : vector<16xi32>
        %gather3A = tpu.vector_load_idx %arg14[%add3A_152, %broadcast_in_dim3A_149] : memref<64x16xf32, #tpu.memory_space<vmem>>[vector<16xi32>, vector<16xi32>], vector<16xf32>,
        %mul3A_164 = arith.constant 8 : i32
        %mul3A_165 = vector.broadcast %mul3A_164 : i32 to vector<16xi32>
        %mul3A_166 = arith.muli %add3A_152, %mul3A_165 : vector<16xi32>
        %add3A_167 = arith.constant 0 : i32
        %add3A_168 = vector.broadcast %add3A_167 : i32 to vector<16xi32>
        %add3A_169 = arith.addi %mul3A_166, %add3A_168 : vector<16xi32>
        %gather3A_170 = tpu.vector_load_idx %arg16[%add3A_169] : memref<512xf32, #tpu.memory_space<vmem>>[vector<16xi32>], vector<16xf32>,
        %add3A_171 = arith.constant 0 : i32
        %add3A_172 = vector.broadcast %add3A_171 : i32 to vector<16xi32>
        %add3A_173 = arith.addi %mul3A_163, %add3A_172 : vector<16xi32>
        %mul3A_174 = arith.mulf %gather3A, %gather3A_170 : vector<16xf32>
        tpu.vector_store_idx %arg21[%add3A_152, %add3A_173], %mul3A_174 : memref<64x128xf32, #tpu.memory_space<vmem>>[vector<16xi32>, vector<16xi32>], vector<16xf32>,
        %mul3A_175 = arith.constant 8 : i32
        %mul3A_176 = vector.broadcast %mul3A_175 : i32 to vector<16xi32>
        %mul3A_177 = arith.muli %add3A_152, %mul3A_176 : vector<16xi32>
        %add3A_178 = arith.constant 1 : i32
        %add3A_179 = vector.broadcast %add3A_178 : i32 to vector<16xi32>
        %add3A_180 = arith.addi %mul3A_177, %add3A_179 : vector<16xi32>
        %gather3A_181 = tpu.vector_load_idx %arg16[%add3A_180] : memref<512xf32, #tpu.memory_space<vmem>>[vector<16xi32>], vector<16xf32>,
        %add3A_182 = arith.constant 1 : i32
        %add3A_183 = vector.broadcast %add3A_182 : i32 to vector<16xi32>
        %add3A_184 = arith.addi %mul3A_163, %add3A_183 : vector<16xi32>
        %mul3A_185 = arith.mulf %gather3A, %gather3A_181 : vector<16xf32>
        tpu.vector_store_idx %arg21[%add3A_152, %add3A_184], %mul3A_185 : memref<64x128xf32, #tpu.memory_space<vmem>>[vector<16xi32>, vector<16xi32>], vector<16xf32>,
        %mul3A_186 = arith.constant 8 : i32
        %mul3A_187 = vector.broadcast %mul3A_186 : i32 to vector<16xi32>
        %mul3A_188 = arith.muli %add3A_152, %mul3A_187 : vector<16xi32>
        %add3A_189 = arith.constant 2 : i32
        %add3A_190 = vector.broadcast %add3A_189 : i32 to vector<16xi32>
        %add3A_191 = arith.addi %mul3A_188, %add3A_190 : vector<16xi32>
        %gather3A_192 = tpu.vector_load_idx %arg16[%add3A_191] : memref<512xf32, #tpu.memory_space<vmem>>[vector<16xi32>], vector<16xf32>,
        %add3A_193 = arith.constant 2 : i32
        %add3A_194 = vector.broadcast %add3A_193 : i32 to vector<16xi32>
        %add3A_195 = arith.addi %mul3A_163, %add3A_194 : vector<16xi32>
        %mul3A_196 = arith.mulf %gather3A, %gather3A_192 : vector<16xf32>
        tpu.vector_store_idx %arg21[%add3A_152, %add3A_195], %mul3A_196 : memref<64x128xf32, #tpu.memory_space<vmem>>[vector<16xi32>, vector<16xi32>], vector<16xf32>,
        %add3A_197 = arith.constant 3 : i32
        %add3A_198 = vector.broadcast %add3A_197 : i32 to vector<16xi32>
        %add3A_199 = arith.addi %mul3A_163, %add3A_198 : vector<16xi32>
        tpu.vector_store_idx %arg21[%add3A_152, %add3A_199], %broadcast_in_dim3A_7 : memref<64x128xf32, #tpu.memory_space<vmem>>[vector<16xi32>, vector<16xi32>], vector<16xf32>,
        %add3A_200 = arith.constant 16 : i32
        %add3A_201 = vector.broadcast %add3A_200 : i32 to vector<16xi32>
        %add3A_202 = arith.addi %iota3A, %add3A_201 : vector<16xi32>
        %get3A_203 = arith.constant 16 : index
        %get3A_204 = tpu.vector_load %arg18[%get3A_203] {strides = array<i32>} : memref<64xi32, #tpu.memory_space<vmem>>, vector<16xi32>,
        %shift_right_arithmetic3A_205 = arith.constant 4 : i32
        %shift_right_arithmetic3A_206 = vector.broadcast %shift_right_arithmetic3A_205 : i32 to vector<16xi32>
        %shift_right_arithmetic3A_207 = arith.shrsi %get3A_204, %shift_right_arithmetic3A_206 : vector<16xi32>
        %swap3A_208 = arith.constant 16 : index
        %swap3A_209 = tpu.vector_load %arg20[%swap3A_208] {strides = array<i32>} : memref<64xi32, #tpu.memory_space<vmem>>, vector<16xi32>,
        tpu.vector_store %arg20[%swap3A_208], %shift_right_arithmetic3A_207 {strides = array<i32>} : memref<64xi32, #tpu.memory_space<vmem>>, vector<16xi32>,
        %and3A_210 = arith.constant 15 : i32
        %and3A_211 = vector.broadcast %and3A_210 : i32 to vector<16xi32>
        %and3A_212 = arith.andi %get3A_204, %and3A_211 : vector<16xi32>
        %mul3A_213 = arith.constant 8 : i32
        %mul3A_214 = vector.broadcast %mul3A_213 : i32 to vector<16xi32>
        %mul3A_215 = arith.muli %and3A_212, %mul3A_214 : vector<16xi32>
        %gather3A_216 = tpu.vector_load_idx %arg14[%add3A_202, %broadcast_in_dim3A_149] : memref<64x16xf32, #tpu.memory_space<vmem>>[vector<16xi32>, vector<16xi32>], vector<16xf32>,
        %mul3A_217 = arith.constant 8 : i32
        %mul3A_218 = vector.broadcast %mul3A_217 : i32 to vector<16xi32>
        %mul3A_219 = arith.muli %add3A_202, %mul3A_218 : vector<16xi32>
        %add3A_220 = arith.constant 0 : i32
        %add3A_221 = vector.broadcast %add3A_220 : i32 to vector<16xi32>
        %add3A_222 = arith.addi %mul3A_219, %add3A_221 : vector<16xi32>
        %gather3A_223 = tpu.vector_load_idx %arg16[%add3A_222] : memref<512xf32, #tpu.memory_space<vmem>>[vector<16xi32>], vector<16xf32>,
        %add3A_224 = arith.constant 0 : i32
        %add3A_225 = vector.broadcast %add3A_224 : i32 to vector<16xi32>
        %add3A_226 = arith.addi %mul3A_215, %add3A_225 : vector<16xi32>
        %mul3A_227 = arith.mulf %gather3A_216, %gather3A_223 : vector<16xf32>
        tpu.vector_store_idx %arg21[%add3A_202, %add3A_226], %mul3A_227 : memref<64x128xf32, #tpu.memory_space<vmem>>[vector<16xi32>, vector<16xi32>], vector<16xf32>,
        %mul3A_228 = arith.constant 8 : i32
        %mul3A_229 = vector.broadcast %mul3A_228 : i32 to vector<16xi32>
        %mul3A_230 = arith.muli %add3A_202, %mul3A_229 : vector<16xi32>
        %add3A_231 = arith.constant 1 : i32
        %add3A_232 = vector.broadcast %add3A_231 : i32 to vector<16xi32>
        %add3A_233 = arith.addi %mul3A_230, %add3A_232 : vector<16xi32>
        %gather3A_234 = tpu.vector_load_idx %arg16[%add3A_233] : memref<512xf32, #tpu.memory_space<vmem>>[vector<16xi32>], vector<16xf32>,
        %add3A_235 = arith.constant 1 : i32
        %add3A_236 = vector.broadcast %add3A_235 : i32 to vector<16xi32>
        %add3A_237 = arith.addi %mul3A_215, %add3A_236 : vector<16xi32>
        %mul3A_238 = arith.mulf %gather3A_216, %gather3A_234 : vector<16xf32>
        tpu.vector_store_idx %arg21[%add3A_202, %add3A_237], %mul3A_238 : memref<64x128xf32, #tpu.memory_space<vmem>>[vector<16xi32>, vector<16xi32>], vector<16xf32>,
        %mul3A_239 = arith.constant 8 : i32
        %mul3A_240 = vector.broadcast %mul3A_239 : i32 to vector<16xi32>
        %mul3A_241 = arith.muli %add3A_202, %mul3A_240 : vector<16xi32>
        %add3A_242 = arith.constant 2 : i32
        %add3A_243 = vector.broadcast %add3A_242 : i32 to vector<16xi32>
        %add3A_244 = arith.addi %mul3A_241, %add3A_243 : vector<16xi32>
        %gather3A_245 = tpu.vector_load_idx %arg16[%add3A_244] : memref<512xf32, #tpu.memory_space<vmem>>[vector<16xi32>], vector<16xf32>,
        %add3A_246 = arith.constant 2 : i32
        %add3A_247 = vector.broadcast %add3A_246 : i32 to vector<16xi32>
        %add3A_248 = arith.addi %mul3A_215, %add3A_247 : vector<16xi32>
        %mul3A_249 = arith.mulf %gather3A_216, %gather3A_245 : vector<16xf32>
        tpu.vector_store_idx %arg21[%add3A_202, %add3A_248], %mul3A_249 : memref<64x128xf32, #tpu.memory_space<vmem>>[vector<16xi32>, vector<16xi32>], vector<16xf32>,
        %add3A_250 = arith.constant 3 : i32
        %add3A_251 = vector.broadcast %add3A_250 : i32 to vector<16xi32>
        %add3A_252 = arith.addi %mul3A_215, %add3A_251 : vector<16xi32>
        tpu.vector_store_idx %arg21[%add3A_202, %add3A_252], %broadcast_in_dim3A_7 : memref<64x128xf32, #tpu.memory_space<vmem>>[vector<16xi32>, vector<16xi32>], vector<16xf32>,
        %add3A_253 = arith.constant 32 : i32
        %add3A_254 = vector.broadcast %add3A_253 : i32 to vector<16xi32>
        %add3A_255 = arith.addi %iota3A, %add3A_254 : vector<16xi32>
        %get3A_256 = arith.constant 32 : index
        %get3A_257 = tpu.vector_load %arg18[%get3A_256] {strides = array<i32>} : memref<64xi32, #tpu.memory_space<vmem>>, vector<16xi32>,
        %shift_right_arithmetic3A_258 = arith.constant 4 : i32
        %shift_right_arithmetic3A_259 = vector.broadcast %shift_right_arithmetic3A_258 : i32 to vector<16xi32>
        %shift_right_arithmetic3A_260 = arith.shrsi %get3A_257, %shift_right_arithmetic3A_259 : vector<16xi32>
        %swap3A_261 = arith.constant 32 : index
        %swap3A_262 = tpu.vector_load %arg20[%swap3A_261] {strides = array<i32>} : memref<64xi32, #tpu.memory_space<vmem>>, vector<16xi32>,
        tpu.vector_store %arg20[%swap3A_261], %shift_right_arithmetic3A_260 {strides = array<i32>} : memref<64xi32, #tpu.memory_space<vmem>>, vector<16xi32>,
        %and3A_263 = arith.constant 15 : i32
        %and3A_264 = vector.broadcast %and3A_263 : i32 to vector<16xi32>
        %and3A_265 = arith.andi %get3A_257, %and3A_264 : vector<16xi32>
        %mul3A_266 = arith.constant 8 : i32
        %mul3A_267 = vector.broadcast %mul3A_266 : i32 to vector<16xi32>
        %mul3A_268 = arith.muli %and3A_265, %mul3A_267 : vector<16xi32>
        %gather3A_269 = tpu.vector_load_idx %arg14[%add3A_255, %broadcast_in_dim3A_149] : memref<64x16xf32, #tpu.memory_space<vmem>>[vector<16xi32>, vector<16xi32>], vector<16xf32>,
        %mul3A_270 = arith.constant 8 : i32
        %mul3A_271 = vector.broadcast %mul3A_270 : i32 to vector<16xi32>
        %mul3A_272 = arith.muli %add3A_255, %mul3A_271 : vector<16xi32>
        %add3A_273 = arith.constant 0 : i32
        %add3A_274 = vector.broadcast %add3A_273 : i32 to vector<16xi32>
        %add3A_275 = arith.addi %mul3A_272, %add3A_274 : vector<16xi32>
        %gather3A_276 = tpu.vector_load_idx %arg16[%add3A_275] : memref<512xf32, #tpu.memory_space<vmem>>[vector<16xi32>], vector<16xf32>,
        %add3A_277 = arith.constant 0 : i32
        %add3A_278 = vector.broadcast %add3A_277 : i32 to vector<16xi32>
        %add3A_279 = arith.addi %mul3A_268, %add3A_278 : vector<16xi32>
        %mul3A_280 = arith.mulf %gather3A_269, %gather3A_276 : vector<16xf32>
        tpu.vector_store_idx %arg21[%add3A_255, %add3A_279], %mul3A_280 : memref<64x128xf32, #tpu.memory_space<vmem>>[vector<16xi32>, vector<16xi32>], vector<16xf32>,
        %mul3A_281 = arith.constant 8 : i32
        %mul3A_282 = vector.broadcast %mul3A_281 : i32 to vector<16xi32>
        %mul3A_283 = arith.muli %add3A_255, %mul3A_282 : vector<16xi32>
        %add3A_284 = arith.constant 1 : i32
        %add3A_285 = vector.broadcast %add3A_284 : i32 to vector<16xi32>
        %add3A_286 = arith.addi %mul3A_283, %add3A_285 : vector<16xi32>
        %gather3A_287 = tpu.vector_load_idx %arg16[%add3A_286] : memref<512xf32, #tpu.memory_space<vmem>>[vector<16xi32>], vector<16xf32>,
        %add3A_288 = arith.constant 1 : i32
        %add3A_289 = vector.broadcast %add3A_288 : i32 to vector<16xi32>
        %add3A_290 = arith.addi %mul3A_268, %add3A_289 : vector<16xi32>
        %mul3A_291 = arith.mulf %gather3A_269, %gather3A_287 : vector<16xf32>
        tpu.vector_store_idx %arg21[%add3A_255, %add3A_290], %mul3A_291 : memref<64x128xf32, #tpu.memory_space<vmem>>[vector<16xi32>, vector<16xi32>], vector<16xf32>,
        %mul3A_292 = arith.constant 8 : i32
        %mul3A_293 = vector.broadcast %mul3A_292 : i32 to vector<16xi32>
        %mul3A_294 = arith.muli %add3A_255, %mul3A_293 : vector<16xi32>
        %add3A_295 = arith.constant 2 : i32
        %add3A_296 = vector.broadcast %add3A_295 : i32 to vector<16xi32>
        %add3A_297 = arith.addi %mul3A_294, %add3A_296 : vector<16xi32>
        %gather3A_298 = tpu.vector_load_idx %arg16[%add3A_297] : memref<512xf32, #tpu.memory_space<vmem>>[vector<16xi32>], vector<16xf32>,
        %add3A_299 = arith.constant 2 : i32
        %add3A_300 = vector.broadcast %add3A_299 : i32 to vector<16xi32>
        %add3A_301 = arith.addi %mul3A_268, %add3A_300 : vector<16xi32>
        %mul3A_302 = arith.mulf %gather3A_269, %gather3A_298 : vector<16xf32>
        tpu.vector_store_idx %arg21[%add3A_255, %add3A_301], %mul3A_302 : memref<64x128xf32, #tpu.memory_space<vmem>>[vector<16xi32>, vector<16xi32>], vector<16xf32>,
        %add3A_303 = arith.constant 3 : i32
        %add3A_304 = vector.broadcast %add3A_303 : i32 to vector<16xi32>
        %add3A_305 = arith.addi %mul3A_268, %add3A_304 : vector<16xi32>
        tpu.vector_store_idx %arg21[%add3A_255, %add3A_305], %broadcast_in_dim3A_7 : memref<64x128xf32, #tpu.memory_space<vmem>>[vector<16xi32>, vector<16xi32>], vector<16xf32>,
        %add3A_306 = arith.constant 48 : i32
        %add3A_307 = vector.broadcast %add3A_306 : i32 to vector<16xi32>
        %add3A_308 = arith.addi %iota3A, %add3A_307 : vector<16xi32>
        %get3A_309 = arith.constant 48 : index
        %get3A_310 = tpu.vector_load %arg18[%get3A_309] {strides = array<i32>} : memref<64xi32, #tpu.memory_space<vmem>>, vector<16xi32>,
        %shift_right_arithmetic3A_311 = arith.constant 4 : i32
        %shift_right_arithmetic3A_312 = vector.broadcast %shift_right_arithmetic3A_311 : i32 to vector<16xi32>
        %shift_right_arithmetic3A_313 = arith.shrsi %get3A_310, %shift_right_arithmetic3A_312 : vector<16xi32>
        %swap3A_314 = arith.constant 48 : index
        %swap3A_315 = tpu.vector_load %arg20[%swap3A_314] {strides = array<i32>} : memref<64xi32, #tpu.memory_space<vmem>>, vector<16xi32>,
        tpu.vector_store %arg20[%swap3A_314], %shift_right_arithmetic3A_313 {strides = array<i32>} : memref<64xi32, #tpu.memory_space<vmem>>, vector<16xi32>,
        %and3A_316 = arith.constant 15 : i32
        %and3A_317 = vector.broadcast %and3A_316 : i32 to vector<16xi32>
        %and3A_318 = arith.andi %get3A_310, %and3A_317 : vector<16xi32>
        %mul3A_319 = arith.constant 8 : i32
        %mul3A_320 = vector.broadcast %mul3A_319 : i32 to vector<16xi32>
        %mul3A_321 = arith.muli %and3A_318, %mul3A_320 : vector<16xi32>
        %gather3A_322 = tpu.vector_load_idx %arg14[%add3A_308, %broadcast_in_dim3A_149] : memref<64x16xf32, #tpu.memory_space<vmem>>[vector<16xi32>, vector<16xi32>], vector<16xf32>,
        %mul3A_323 = arith.constant 8 : i32
        %mul3A_324 = vector.broadcast %mul3A_323 : i32 to vector<16xi32>
        %mul3A_325 = arith.muli %add3A_308, %mul3A_324 : vector<16xi32>
        %add3A_326 = arith.constant 0 : i32
        %add3A_327 = vector.broadcast %add3A_326 : i32 to vector<16xi32>
        %add3A_328 = arith.addi %mul3A_325, %add3A_327 : vector<16xi32>
        %gather3A_329 = tpu.vector_load_idx %arg16[%add3A_328] : memref<512xf32, #tpu.memory_space<vmem>>[vector<16xi32>], vector<16xf32>,
        %add3A_330 = arith.constant 0 : i32
        %add3A_331 = vector.broadcast %add3A_330 : i32 to vector<16xi32>
        %add3A_332 = arith.addi %mul3A_321, %add3A_331 : vector<16xi32>
        %mul3A_333 = arith.mulf %gather3A_322, %gather3A_329 : vector<16xf32>
        tpu.vector_store_idx %arg21[%add3A_308, %add3A_332], %mul3A_333 : memref<64x128xf32, #tpu.memory_space<vmem>>[vector<16xi32>, vector<16xi32>], vector<16xf32>,
        %mul3A_334 = arith.constant 8 : i32
        %mul3A_335 = vector.broadcast %mul3A_334 : i32 to vector<16xi32>
        %mul3A_336 = arith.muli %add3A_308, %mul3A_335 : vector<16xi32>
        %add3A_337 = arith.constant 1 : i32
        %add3A_338 = vector.broadcast %add3A_337 : i32 to vector<16xi32>
        %add3A_339 = arith.addi %mul3A_336, %add3A_338 : vector<16xi32>
        %gather3A_340 = tpu.vector_load_idx %arg16[%add3A_339] : memref<512xf32, #tpu.memory_space<vmem>>[vector<16xi32>], vector<16xf32>,
        %add3A_341 = arith.constant 1 : i32
        %add3A_342 = vector.broadcast %add3A_341 : i32 to vector<16xi32>
        %add3A_343 = arith.addi %mul3A_321, %add3A_342 : vector<16xi32>
        %mul3A_344 = arith.mulf %gather3A_322, %gather3A_340 : vector<16xf32>
        tpu.vector_store_idx %arg21[%add3A_308, %add3A_343], %mul3A_344 : memref<64x128xf32, #tpu.memory_space<vmem>>[vector<16xi32>, vector<16xi32>], vector<16xf32>,
        %mul3A_345 = arith.constant 8 : i32
        %mul3A_346 = vector.broadcast %mul3A_345 : i32 to vector<16xi32>
        %mul3A_347 = arith.muli %add3A_308, %mul3A_346 : vector<16xi32>
        %add3A_348 = arith.constant 2 : i32
        %add3A_349 = vector.broadcast %add3A_348 : i32 to vector<16xi32>
        %add3A_350 = arith.addi %mul3A_347, %add3A_349 : vector<16xi32>
        %gather3A_351 = tpu.vector_load_idx %arg16[%add3A_350] : memref<512xf32, #tpu.memory_space<vmem>>[vector<16xi32>], vector<16xf32>,
        %add3A_352 = arith.constant 2 : i32
        %add3A_353 = vector.broadcast %add3A_352 : i32 to vector<16xi32>
        %add3A_354 = arith.addi %mul3A_321, %add3A_353 : vector<16xi32>
        %mul3A_355 = arith.mulf %gather3A_322, %gather3A_351 : vector<16xf32>
        tpu.vector_store_idx %arg21[%add3A_308, %add3A_354], %mul3A_355 : memref<64x128xf32, #tpu.memory_space<vmem>>[vector<16xi32>, vector<16xi32>], vector<16xf32>,
        %add3A_356 = arith.constant 3 : i32
        %add3A_357 = vector.broadcast %add3A_356 : i32 to vector<16xi32>
        %add3A_358 = arith.addi %mul3A_321, %add3A_357 : vector<16xi32>
        tpu.vector_store_idx %arg21[%add3A_308, %add3A_358], %broadcast_in_dim3A_7 : memref<64x128xf32, #tpu.memory_space<vmem>>[vector<16xi32>, vector<16xi32>], vector<16xf32>,
        "tpu.region"() ({
          %run_scoped3A = tpu.sem_alloc : memref<!tpu.dma_semaphore, #tpu.memory_space<semaphore_mem>>
          %dma_start3A_451 = arith.constant 0 : i32
          %dma_start3A_452 = arith.constant 0 : i32
          %dma_start3A_453 = tpu.memref_slice %arg23[%dma_start3A_451, %dma_start3A_452] : memref<640x128xf32, #tpu.memory_space<vmem_shared>> -> memref<640x128xf32, #tpu.memory_space<vmem_shared>>
          tpu.enqueue_indirect_dma source(%arg21 : memref<64x128xf32, #tpu.memory_space<vmem>>) target(%dma_start3A_453 : memref<640x128xf32, #tpu.memory_space<vmem_shared>>) offsets(%arg20 : memref<64xi32, #tpu.memory_space<vmem>>) semaphore(%run_scoped3A : memref<!tpu.dma_semaphore, #tpu.memory_space<semaphore_mem>>) {add = true}
          %dma_wait3A_454 = arith.constant 0 : i32
          %dma_wait3A_455 = arith.constant 0 : i32
          %dma_wait3A_456 = tpu.memref_slice %arg23[%dma_wait3A_454, %dma_wait3A_455] : memref<640x128xf32, #tpu.memory_space<vmem_shared>> -> memref<640x128xf32, #tpu.memory_space<vmem_shared>>
          tpu.wait_indirect_dma semaphore(%run_scoped3A : memref<!tpu.dma_semaphore, #tpu.memory_space<semaphore_mem>>) src(%arg21 : memref<64x128xf32, #tpu.memory_space<vmem>>) dst(%dma_wait3A_456 : memref<640x128xf32, #tpu.memory_space<vmem_shared>>)
          tpu.yield
        }) : () -> ()
        %add3A_359 = arith.constant 0 : i32
        %add3A_360 = vector.broadcast %add3A_359 : i32 to vector<16xi32>
        %add3A_361 = arith.addi %iota3A, %add3A_360 : vector<16xi32>
        %get3A_362 = arith.constant 0 : index
        %get3A_363 = tpu.vector_load %arg18[%get3A_362] {strides = array<i32>} : memref<64xi32, #tpu.memory_space<vmem>>, vector<16xi32>,
        %and3A_364 = arith.constant 15 : i32
        %and3A_365 = vector.broadcast %and3A_364 : i32 to vector<16xi32>
        %and3A_366 = arith.andi %get3A_363, %and3A_365 : vector<16xi32>
        %mul3A_367 = arith.constant 8 : i32
        %mul3A_368 = vector.broadcast %mul3A_367 : i32 to vector<16xi32>
        %mul3A_369 = arith.muli %and3A_366, %mul3A_368 : vector<16xi32>
        %add3A_370 = arith.constant 0 : i32
        %add3A_371 = vector.broadcast %add3A_370 : i32 to vector<16xi32>
        %add3A_372 = arith.addi %mul3A_369, %add3A_371 : vector<16xi32>
        tpu.vector_store_idx %arg21[%add3A_361, %add3A_372], %broadcast_in_dim3A_5 : memref<64x128xf32, #tpu.memory_space<vmem>>[vector<16xi32>, vector<16xi32>], vector<16xf32>,
        %add3A_373 = arith.constant 1 : i32
        %add3A_374 = vector.broadcast %add3A_373 : i32 to vector<16xi32>
        %add3A_375 = arith.addi %mul3A_369, %add3A_374 : vector<16xi32>
        tpu.vector_store_idx %arg21[%add3A_361, %add3A_375], %broadcast_in_dim3A_5 : memref<64x128xf32, #tpu.memory_space<vmem>>[vector<16xi32>, vector<16xi32>], vector<16xf32>,
        %add3A_376 = arith.constant 2 : i32
        %add3A_377 = vector.broadcast %add3A_376 : i32 to vector<16xi32>
        %add3A_378 = arith.addi %mul3A_369, %add3A_377 : vector<16xi32>
        tpu.vector_store_idx %arg21[%add3A_361, %add3A_378], %broadcast_in_dim3A_5 : memref<64x128xf32, #tpu.memory_space<vmem>>[vector<16xi32>, vector<16xi32>], vector<16xf32>,
        %add3A_379 = arith.constant 3 : i32
        %add3A_380 = vector.broadcast %add3A_379 : i32 to vector<16xi32>
        %add3A_381 = arith.addi %mul3A_369, %add3A_380 : vector<16xi32>
        tpu.vector_store_idx %arg21[%add3A_361, %add3A_381], %broadcast_in_dim3A_5 : memref<64x128xf32, #tpu.memory_space<vmem>>[vector<16xi32>, vector<16xi32>], vector<16xf32>,
        %add3A_382 = arith.constant 16 : i32
        %add3A_383 = vector.broadcast %add3A_382 : i32 to vector<16xi32>
        %add3A_384 = arith.addi %iota3A, %add3A_383 : vector<16xi32>
        %get3A_385 = arith.constant 16 : index
        %get3A_386 = tpu.vector_load %arg18[%get3A_385] {strides = array<i32>} : memref<64xi32, #tpu.memory_space<vmem>>, vector<16xi32>,
        %and3A_387 = arith.constant 15 : i32
        %and3A_388 = vector.broadcast %and3A_387 : i32 to vector<16xi32>
        %and3A_389 = arith.andi %get3A_386, %and3A_388 : vector<16xi32>
        %mul3A_390 = arith.constant 8 : i32
        %mul3A_391 = vector.broadcast %mul3A_390 : i32 to vector<16xi32>
        %mul3A_392 = arith.muli %and3A_389, %mul3A_391 : vector<16xi32>
        %add3A_393 = arith.constant 0 : i32
        %add3A_394 = vector.broadcast %add3A_393 : i32 to vector<16xi32>
        %add3A_395 = arith.addi %mul3A_392, %add3A_394 : vector<16xi32>
        tpu.vector_store_idx %arg21[%add3A_384, %add3A_395], %broadcast_in_dim3A_5 : memref<64x128xf32, #tpu.memory_space<vmem>>[vector<16xi32>, vector<16xi32>], vector<16xf32>,
        %add3A_396 = arith.constant 1 : i32
        %add3A_397 = vector.broadcast %add3A_396 : i32 to vector<16xi32>
        %add3A_398 = arith.addi %mul3A_392, %add3A_397 : vector<16xi32>
        tpu.vector_store_idx %arg21[%add3A_384, %add3A_398], %broadcast_in_dim3A_5 : memref<64x128xf32, #tpu.memory_space<vmem>>[vector<16xi32>, vector<16xi32>], vector<16xf32>,
        %add3A_399 = arith.constant 2 : i32
        %add3A_400 = vector.broadcast %add3A_399 : i32 to vector<16xi32>
        %add3A_401 = arith.addi %mul3A_392, %add3A_400 : vector<16xi32>
        tpu.vector_store_idx %arg21[%add3A_384, %add3A_401], %broadcast_in_dim3A_5 : memref<64x128xf32, #tpu.memory_space<vmem>>[vector<16xi32>, vector<16xi32>], vector<16xf32>,
        %add3A_402 = arith.constant 3 : i32
        %add3A_403 = vector.broadcast %add3A_402 : i32 to vector<16xi32>
        %add3A_404 = arith.addi %mul3A_392, %add3A_403 : vector<16xi32>
        tpu.vector_store_idx %arg21[%add3A_384, %add3A_404], %broadcast_in_dim3A_5 : memref<64x128xf32, #tpu.memory_space<vmem>>[vector<16xi32>, vector<16xi32>], vector<16xf32>,
        %add3A_405 = arith.constant 32 : i32
        %add3A_406 = vector.broadcast %add3A_405 : i32 to vector<16xi32>
        %add3A_407 = arith.addi %iota3A, %add3A_406 : vector<16xi32>
        %get3A_408 = arith.constant 32 : index
        %get3A_409 = tpu.vector_load %arg18[%get3A_408] {strides = array<i32>} : memref<64xi32, #tpu.memory_space<vmem>>, vector<16xi32>,
        %and3A_410 = arith.constant 15 : i32
        %and3A_411 = vector.broadcast %and3A_410 : i32 to vector<16xi32>
        %and3A_412 = arith.andi %get3A_409, %and3A_411 : vector<16xi32>
        %mul3A_413 = arith.constant 8 : i32
        %mul3A_414 = vector.broadcast %mul3A_413 : i32 to vector<16xi32>
        %mul3A_415 = arith.muli %and3A_412, %mul3A_414 : vector<16xi32>
        %add3A_416 = arith.constant 0 : i32
        %add3A_417 = vector.broadcast %add3A_416 : i32 to vector<16xi32>
        %add3A_418 = arith.addi %mul3A_415, %add3A_417 : vector<16xi32>
        tpu.vector_store_idx %arg21[%add3A_407, %add3A_418], %broadcast_in_dim3A_5 : memref<64x128xf32, #tpu.memory_space<vmem>>[vector<16xi32>, vector<16xi32>], vector<16xf32>,
        %add3A_419 = arith.constant 1 : i32
        %add3A_420 = vector.broadcast %add3A_419 : i32 to vector<16xi32>
        %add3A_421 = arith.addi %mul3A_415, %add3A_420 : vector<16xi32>
        tpu.vector_store_idx %arg21[%add3A_407, %add3A_421], %broadcast_in_dim3A_5 : memref<64x128xf32, #tpu.memory_space<vmem>>[vector<16xi32>, vector<16xi32>], vector<16xf32>,
        %add3A_422 = arith.constant 2 : i32
        %add3A_423 = vector.broadcast %add3A_422 : i32 to vector<16xi32>
        %add3A_424 = arith.addi %mul3A_415, %add3A_423 : vector<16xi32>
        tpu.vector_store_idx %arg21[%add3A_407, %add3A_424], %broadcast_in_dim3A_5 : memref<64x128xf32, #tpu.memory_space<vmem>>[vector<16xi32>, vector<16xi32>], vector<16xf32>,
        %add3A_425 = arith.constant 3 : i32
        %add3A_426 = vector.broadcast %add3A_425 : i32 to vector<16xi32>
        %add3A_427 = arith.addi %mul3A_415, %add3A_426 : vector<16xi32>
        tpu.vector_store_idx %arg21[%add3A_407, %add3A_427], %broadcast_in_dim3A_5 : memref<64x128xf32, #tpu.memory_space<vmem>>[vector<16xi32>, vector<16xi32>], vector<16xf32>,
        %add3A_428 = arith.constant 48 : i32
        %add3A_429 = vector.broadcast %add3A_428 : i32 to vector<16xi32>
        %add3A_430 = arith.addi %iota3A, %add3A_429 : vector<16xi32>
        %get3A_431 = arith.constant 48 : index
        %get3A_432 = tpu.vector_load %arg18[%get3A_431] {strides = array<i32>} : memref<64xi32, #tpu.memory_space<vmem>>, vector<16xi32>,
        %and3A_433 = arith.constant 15 : i32
        %and3A_434 = vector.broadcast %and3A_433 : i32 to vector<16xi32>
        %and3A_435 = arith.andi %get3A_432, %and3A_434 : vector<16xi32>
        %mul3A_436 = arith.constant 8 : i32
        %mul3A_437 = vector.broadcast %mul3A_436 : i32 to vector<16xi32>
        %mul3A_438 = arith.muli %and3A_435, %mul3A_437 : vector<16xi32>
        %add3A_439 = arith.constant 0 : i32
        %add3A_440 = vector.broadcast %add3A_439 : i32 to vector<16xi32>
        %add3A_441 = arith.addi %mul3A_438, %add3A_440 : vector<16xi32>
        tpu.vector_store_idx %arg21[%add3A_430, %add3A_441], %broadcast_in_dim3A_5 : memref<64x128xf32, #tpu.memory_space<vmem>>[vector<16xi32>, vector<16xi32>], vector<16xf32>,
        %add3A_442 = arith.constant 1 : i32
        %add3A_443 = vector.broadcast %add3A_442 : i32 to vector<16xi32>
        %add3A_444 = arith.addi %mul3A_438, %add3A_443 : vector<16xi32>
        tpu.vector_store_idx %arg21[%add3A_430, %add3A_444], %broadcast_in_dim3A_5 : memref<64x128xf32, #tpu.memory_space<vmem>>[vector<16xi32>, vector<16xi32>], vector<16xf32>,
        %add3A_445 = arith.constant 2 : i32
        %add3A_446 = vector.broadcast %add3A_445 : i32 to vector<16xi32>
        %add3A_447 = arith.addi %mul3A_438, %add3A_446 : vector<16xi32>
        tpu.vector_store_idx %arg21[%add3A_430, %add3A_447], %broadcast_in_dim3A_5 : memref<64x128xf32, #tpu.memory_space<vmem>>[vector<16xi32>, vector<16xi32>], vector<16xf32>,
        %add3A_448 = arith.constant 3 : i32
        %add3A_449 = vector.broadcast %add3A_448 : i32 to vector<16xi32>
        %add3A_450 = arith.addi %mul3A_438, %add3A_449 : vector<16xi32>
        tpu.vector_store_idx %arg21[%add3A_430, %add3A_450], %broadcast_in_dim3A_5 : memref<64x128xf32, #tpu.memory_space<vmem>>[vector<16xi32>, vector<16xi32>], vector<16xf32>,
      } else {
      }
      %scan3A_147 = arith.constant 0 : i32
      scf.yield %scan3A_147 : i32
    }
    %scan3A_31 = arith.constant 80 : i32
    %barrier3A_32 = arith.constant 0 : index
    tpu.barrier barrier_id(%barrier3A_32)
    %eq3A_33 = arith.constant 0 : i32
    %eq3A_34 = arith.cmpi eq, %arg0, %eq3A_33 : i32
    %convert_element_type3A_35 = arith.extui %eq3A_34 : i1 to i32
    %cond3A_36 = arith.constant 0 : i32
    %cond3A_37 = arith.cmpi ne, %convert_element_type3A_35, %cond3A_36 : i32
    scf.if %cond3A_37 {
      "tpu.region"() ({
        %run_scoped3A = tpu.sem_alloc : memref<!tpu.dma_semaphore, #tpu.memory_space<semaphore_mem>>
        %dma_start3A_45 = arith.constant 0 : i32
        %dma_start3A_46 = tpu.memref_slice %arg8[%mul3A_0, %dma_start3A_45] : memref<10240x128xf32, #tpu.memory_space<hbm>> -> memref<640x128xf32, #tpu.memory_space<hbm>>
        %dma_start3A_47 = arith.constant 0 : i32
        %dma_start3A_48 = tpu.memref_slice %arg22[%mul3A_0, %dma_start3A_47] : memref<10240x128xf32, #tpu.memory_space<vmem_shared>> -> memref<640x128xf32, #tpu.memory_space<vmem_shared>>
        tpu.enqueue_dma source(%dma_start3A_48 : memref<640x128xf32, #tpu.memory_space<vmem_shared>>) target(%dma_start3A_46 : memref<640x128xf32, #tpu.memory_space<hbm>>) target_semaphore(%run_scoped3A : memref<!tpu.dma_semaphore, #tpu.memory_space<semaphore_mem>>)
        %dma_wait3A = arith.constant 0 : i32
        %dma_wait3A_49 = tpu.memref_slice %arg8[%mul3A_0, %dma_wait3A] : memref<10240x128xf32, #tpu.memory_space<hbm>> -> memref<640x128xf32, #tpu.memory_space<hbm>>
        %dma_wait3A_50 = arith.constant 0 : i32
        %dma_wait3A_51 = tpu.memref_slice %arg22[%mul3A_0, %dma_wait3A_50] : memref<10240x128xf32, #tpu.memory_space<vmem_shared>> -> memref<640x128xf32, #tpu.memory_space<vmem_shared>>
        tpu.wait_dma2 semaphore(%run_scoped3A : memref<!tpu.dma_semaphore, #tpu.memory_space<semaphore_mem>>) src(%dma_wait3A_51 : memref<640x128xf32, #tpu.memory_space<vmem_shared>>) dst(%dma_wait3A_49 : memref<640x128xf32, #tpu.memory_space<hbm>>)
        tpu.yield
      }) : () -> ()
      %mul3A_43 = arith.constant 40 : i32
      %mul3A_44 = arith.muli %arg1, %mul3A_43 : i32
      "tpu.region"() ({
        %run_scoped3A = tpu.sem_alloc : memref<!tpu.dma_semaphore, #tpu.memory_space<semaphore_mem>>
        %dma_start3A_45 = arith.constant 0 : i32
        %dma_start3A_46 = tpu.memref_slice %arg10[%mul3A_44, %dma_start3A_45] : memref<640x128xf32, #tpu.memory_space<hbm>> -> memref<40x128xf32, #tpu.memory_space<hbm>>
        %dma_start3A_47 = arith.constant 0 : i32
        %dma_start3A_48 = tpu.memref_slice %arg23[%mul3A_44, %dma_start3A_47] : memref<640x128xf32, #tpu.memory_space<vmem_shared>> -> memref<40x128xf32, #tpu.memory_space<vmem_shared>>
        tpu.enqueue_dma source(%dma_start3A_48 : memref<40x128xf32, #tpu.memory_space<vmem_shared>>) target(%dma_start3A_46 : memref<40x128xf32, #tpu.memory_space<hbm>>) target_semaphore(%run_scoped3A : memref<!tpu.dma_semaphore, #tpu.memory_space<semaphore_mem>>)
        %dma_wait3A = arith.constant 0 : i32
        %dma_wait3A_49 = tpu.memref_slice %arg10[%mul3A_44, %dma_wait3A] : memref<640x128xf32, #tpu.memory_space<hbm>> -> memref<40x128xf32, #tpu.memory_space<hbm>>
        %dma_wait3A_50 = arith.constant 0 : i32
        %dma_wait3A_51 = tpu.memref_slice %arg23[%mul3A_44, %dma_wait3A_50] : memref<640x128xf32, #tpu.memory_space<vmem_shared>> -> memref<40x128xf32, #tpu.memory_space<vmem_shared>>
        tpu.wait_dma2 semaphore(%run_scoped3A : memref<!tpu.dma_semaphore, #tpu.memory_space<semaphore_mem>>) src(%dma_wait3A_51 : memref<40x128xf32, #tpu.memory_space<vmem_shared>>) dst(%dma_wait3A_49 : memref<40x128xf32, #tpu.memory_space<hbm>>)
        tpu.yield
      }) : () -> ()
    } else {
    }
    %eq3A_38 = arith.constant 1 : i32
    %eq3A_39 = arith.cmpi eq, %arg0, %eq3A_38 : i32
    %convert_element_type3A_40 = arith.extui %eq3A_39 : i1 to i32
    %cond3A_41 = arith.constant 0 : i32
    %cond3A_42 = arith.cmpi ne, %convert_element_type3A_40, %cond3A_41 : i32
    scf.if %cond3A_42 {
      "tpu.region"() ({
        %run_scoped3A = tpu.sem_alloc : memref<!tpu.dma_semaphore, #tpu.memory_space<semaphore_mem>>
        %dma_start3A_43 = arith.constant 0 : i32
        %dma_start3A_44 = tpu.memref_slice %arg9[%mul3A_0, %dma_start3A_43] : memref<10240x128xf32, #tpu.memory_space<hbm>> -> memref<640x128xf32, #tpu.memory_space<hbm>>
        %dma_start3A_45 = arith.constant 0 : i32
        %dma_start3A_46 = tpu.memref_slice %arg22[%mul3A_0, %dma_start3A_45] : memref<10240x128xf32, #tpu.memory_space<vmem_shared>> -> memref<640x128xf32, #tpu.memory_space<vmem_shared>>
        tpu.enqueue_dma source(%dma_start3A_46 : memref<640x128xf32, #tpu.memory_space<vmem_shared>>) target(%dma_start3A_44 : memref<640x128xf32, #tpu.memory_space<hbm>>) target_semaphore(%run_scoped3A : memref<!tpu.dma_semaphore, #tpu.memory_space<semaphore_mem>>)
        %dma_wait3A = arith.constant 0 : i32
        %dma_wait3A_47 = tpu.memref_slice %arg9[%mul3A_0, %dma_wait3A] : memref<10240x128xf32, #tpu.memory_space<hbm>> -> memref<640x128xf32, #tpu.memory_space<hbm>>
        %dma_wait3A_48 = arith.constant 0 : i32
        %dma_wait3A_49 = tpu.memref_slice %arg22[%mul3A_0, %dma_wait3A_48] : memref<10240x128xf32, #tpu.memory_space<vmem_shared>> -> memref<640x128xf32, #tpu.memory_space<vmem_shared>>
        tpu.wait_dma2 semaphore(%run_scoped3A : memref<!tpu.dma_semaphore, #tpu.memory_space<semaphore_mem>>) src(%dma_wait3A_49 : memref<640x128xf32, #tpu.memory_space<vmem_shared>>) dst(%dma_wait3A_47 : memref<640x128xf32, #tpu.memory_space<hbm>>)
        tpu.yield
      }) : () -> ()
    } else {
    }
    return
  }
}

module attributes {stable_mosaic.version = 14 : i64} {
  func.func @_node_pre_kernel(%arg0: i32, %arg1: memref<256x256xf32, #tpu.memory_space<vmem>>, %arg2: memref<2x256x256xf32, #tpu.memory_space<vmem>>, %arg3: memref<1x256xf32, #tpu.memory_space<vmem>>, %arg4: memref<256x128xf32, #tpu.memory_space<vmem>>, %arg5: memref<256x128xf32, #tpu.memory_space<vmem>>, %arg6: memref<256x128xf32, #tpu.memory_space<vmem>>, %arg7: memref<256x128xf32, #tpu.memory_space<vmem>>) attributes {dimension_semantics = [#tpu.dimension_semantics<arbitrary>], iteration_bounds = array<i64: 40>, scalar_prefetch = 0 : i64, scratch_operands = 0 : i64, tpu.core_type = #tpu.core_type<tc>, window_params = [{transform_indices = @transform_0, window_bounds = array<i64: 256, 256>}, {pipeline_mode = #tpu.pipeline_mode<synchronous>, transform_indices = @transform_1, window_bounds = array<i64: 2, 256, 256>}, {pipeline_mode = #tpu.pipeline_mode<synchronous>, transform_indices = @transform_2, window_bounds = array<i64: 1, 256>}, {transform_indices = @transform_3, window_bounds = array<i64: 256, 128>}, {transform_indices = @transform_4, window_bounds = array<i64: 256, 128>}, {transform_indices = @transform_5, window_bounds = array<i64: 256, 128>}, {transform_indices = @transform_6, window_bounds = array<i64: 256, 128>}]} {
    %get3A = arith.constant 0 : index
    %get3A_0 = arith.constant 0 : index
    %get3A_1 = vector.load %arg1[%get3A, %get3A_0] : memref<256x256xf32, #tpu.memory_space<vmem>>, vector<256x256xf32>
    %convert_element_type3A = arith.truncf %get3A_1 : vector<256x256xf32> to vector<256x256xbf16>
    %get3A_2 = arith.constant 0 : index
    %get3A_3 = arith.constant 0 : index
    %get3A_4 = arith.constant 0 : index
    %get3A_5 = vector.load %arg2[%get3A_2, %get3A_3, %get3A_4] : memref<2x256x256xf32, #tpu.memory_space<vmem>>, vector<2x256x256xf32>
    %convert_element_type3A_6 = arith.truncf %get3A_5 : vector<2x256x256xf32> to vector<2x256x256xbf16>
    %slice3A = vector.extract_strided_slice %convert_element_type3A_6 {offsets = [0, 0, 0], sizes = [1, 256, 256], strides = [1, 1, 1]} : vector<2x256x256xbf16> to vector<1x256x256xbf16>
    %squeeze3A = vector.shape_cast %slice3A : vector<1x256x256xbf16> to vector<256x256xbf16>
    %dot_general3A = arith.constant dense<0.000000e+00> : vector<256x256xf32>
    %dot_general3A_7 = tpu.matmul %convert_element_type3A, %squeeze3A, %dot_general3A {dimension_numbers = #tpu.dot_dimension_numbers<[1], [0], [0], [1], [0, 0, 1, 1], [], []>, transpose_lhs_hint = false} : vector<256x256xbf16>, vector<256x256xbf16>, vector<256x256xf32> -> vector<256x256xf32>
    %get3A_8 = arith.constant 0 : index
    %get3A_9 = arith.constant 0 : index
    %get3A_10 = vector.load %arg3[%get3A_8, %get3A_9] : memref<1x256xf32, #tpu.memory_space<vmem>>, vector<1x256xf32>
    %add3A = vector.broadcast %get3A_10 : vector<1x256xf32> to vector<256x256xf32>
    %add3A_11 = arith.addf %dot_general3A_7, %add3A : vector<256x256xf32>
    %slice3A_12 = vector.extract_strided_slice %convert_element_type3A_6 {offsets = [1, 0, 0], sizes = [1, 256, 256], strides = [1, 1, 1]} : vector<2x256x256xbf16> to vector<1x256x256xbf16>
    %squeeze3A_13 = vector.shape_cast %slice3A_12 : vector<1x256x256xbf16> to vector<256x256xbf16>
    %dot_general3A_14 = arith.constant dense<0.000000e+00> : vector<256x256xf32>
    %dot_general3A_15 = tpu.matmul %convert_element_type3A, %squeeze3A_13, %dot_general3A_14 {dimension_numbers = #tpu.dot_dimension_numbers<[1], [0], [0], [1], [0, 0, 1, 1], [], []>, transpose_lhs_hint = false} : vector<256x256xbf16>, vector<256x256xbf16>, vector<256x256xf32> -> vector<256x256xf32>
    %slice3A_16 = vector.extract_strided_slice %add3A_11 {offsets = [0, 0], sizes = [256, 128], strides = [1, 1]} : vector<256x256xf32> to vector<256x128xf32>
    %swap3A = arith.constant 0 : index
    %swap3A_17 = arith.constant 0 : index
    %swap3A_18 = vector.load %arg4[%swap3A, %swap3A_17] : memref<256x128xf32, #tpu.memory_space<vmem>>, vector<256x128xf32>
    tpu.vector_store %arg4[%swap3A, %swap3A_17], %slice3A_16 {strides = array<i32>} : memref<256x128xf32, #tpu.memory_space<vmem>>, vector<256x128xf32>,
    %slice3A_19 = vector.extract_strided_slice %add3A_11 {offsets = [0, 128], sizes = [256, 128], strides = [1, 1]} : vector<256x256xf32> to vector<256x128xf32>
    %swap3A_20 = arith.constant 0 : index
    %swap3A_21 = arith.constant 0 : index
    %swap3A_22 = vector.load %arg5[%swap3A_20, %swap3A_21] : memref<256x128xf32, #tpu.memory_space<vmem>>, vector<256x128xf32>
    tpu.vector_store %arg5[%swap3A_20, %swap3A_21], %slice3A_19 {strides = array<i32>} : memref<256x128xf32, #tpu.memory_space<vmem>>, vector<256x128xf32>,
    %slice3A_23 = vector.extract_strided_slice %dot_general3A_15 {offsets = [0, 0], sizes = [256, 128], strides = [1, 1]} : vector<256x256xf32> to vector<256x128xf32>
    %swap3A_24 = arith.constant 0 : index
    %swap3A_25 = arith.constant 0 : index
    %swap3A_26 = vector.load %arg6[%swap3A_24, %swap3A_25] : memref<256x128xf32, #tpu.memory_space<vmem>>, vector<256x128xf32>
    tpu.vector_store %arg6[%swap3A_24, %swap3A_25], %slice3A_23 {strides = array<i32>} : memref<256x128xf32, #tpu.memory_space<vmem>>, vector<256x128xf32>,
    %slice3A_27 = vector.extract_strided_slice %dot_general3A_15 {offsets = [0, 128], sizes = [256, 128], strides = [1, 1]} : vector<256x256xf32> to vector<256x128xf32>
    %swap3A_28 = arith.constant 0 : index
    %swap3A_29 = arith.constant 0 : index
    %swap3A_30 = vector.load %arg7[%swap3A_28, %swap3A_29] : memref<256x128xf32, #tpu.memory_space<vmem>>, vector<256x128xf32>
    tpu.vector_store %arg7[%swap3A_28, %swap3A_29], %slice3A_27 {strides = array<i32>} : memref<256x128xf32, #tpu.memory_space<vmem>>, vector<256x128xf32>,
    return
  }
  func.func @transform_0(%arg0: i32) -> (i32, i32) {
    %c0_i32 = arith.constant 0 : i32
    %c0_i32_0 = arith.constant 0 : i32
    return %arg0, %c0_i32 : i32, i32
  }
  func.func @transform_1(%arg0: i32) -> (i32, i32, i32) {
    %c0_i32 = arith.constant 0 : i32
    %c0_i32_0 = arith.constant 0 : i32
    %c0_i32_1 = arith.constant 0 : i32
    %c0_i32_2 = arith.constant 0 : i32
    return %c0_i32, %c0_i32_0, %c0_i32_1 : i32, i32, i32
  }
  func.func @transform_2(%arg0: i32) -> (i32, i32) {
    %c0_i32 = arith.constant 0 : i32
    %c0_i32_0 = arith.constant 0 : i32
    %c0_i32_1 = arith.constant 0 : i32
    return %c0_i32, %c0_i32_0 : i32, i32
  }
  func.func @transform_3(%arg0: i32) -> (i32, i32) {
    %c0_i32 = arith.constant 0 : i32
    %c0_i32_0 = arith.constant 0 : i32
    return %arg0, %c0_i32 : i32, i32
  }
  func.func @transform_4(%arg0: i32) -> (i32, i32) {
    %c0_i32 = arith.constant 0 : i32
    %c0_i32_0 = arith.constant 0 : i32
    return %arg0, %c0_i32 : i32, i32
  }
  func.func @transform_5(%arg0: i32) -> (i32, i32) {
    %c0_i32 = arith.constant 0 : i32
    %c0_i32_0 = arith.constant 0 : i32
    return %arg0, %c0_i32 : i32, i32
  }
  func.func @transform_6(%arg0: i32) -> (i32, i32) {
    %c0_i32 = arith.constant 0 : i32
    %c0_i32_0 = arith.constant 0 : i32
    return %arg0, %c0_i32 : i32, i32
  }
}

module attributes {stable_mosaic.version = 14 : i64} {
  func.func @_edge_kernel(%arg0: i32, %arg1: memref<512x128xf32, #tpu.memory_space<vmem>>, %arg2: memref<512x128xf32, #tpu.memory_space<vmem>>, %arg3: memref<24x512xf32, #tpu.memory_space<vmem>>, %arg4: memref<24x256xf32, #tpu.memory_space<vmem>>, %arg5: memref<256x256xf32, #tpu.memory_space<vmem>>, %arg6: memref<1x256xf32, #tpu.memory_space<vmem>>, %arg7: memref<256x256xf32, #tpu.memory_space<vmem>>, %arg8: memref<1x256xf32, #tpu.memory_space<vmem>>, %arg9: memref<256x1xf32, #tpu.memory_space<vmem>>, %arg10: memref<1x1xf32, #tpu.memory_space<smem>>, %arg11: memref<512x128xf32, #tpu.memory_space<vmem>>, %arg12: memref<512x128xf32, #tpu.memory_space<vmem>>, %arg13: memref<512x128xf32, #tpu.memory_space<vmem>>) attributes {dimension_semantics = [#tpu.dimension_semantics<arbitrary>], iteration_bounds = array<i64: 320>, scalar_prefetch = 0 : i64, scratch_operands = 0 : i64, tpu.core_type = #tpu.core_type<tc>, window_params = [{transform_indices = @transform_0, window_bounds = array<i64: 512, 128>}, {transform_indices = @transform_1, window_bounds = array<i64: 512, 128>}, {transform_indices = @transform_2, window_bounds = array<i64: 24, 512>}, {pipeline_mode = #tpu.pipeline_mode<synchronous>, transform_indices = @transform_3, window_bounds = array<i64: 24, 256>}, {pipeline_mode = #tpu.pipeline_mode<synchronous>, transform_indices = @transform_4, window_bounds = array<i64: 256, 256>}, {pipeline_mode = #tpu.pipeline_mode<synchronous>, transform_indices = @transform_5, window_bounds = array<i64: 1, 256>}, {pipeline_mode = #tpu.pipeline_mode<synchronous>, transform_indices = @transform_6, window_bounds = array<i64: 256, 256>}, {pipeline_mode = #tpu.pipeline_mode<synchronous>, transform_indices = @transform_7, window_bounds = array<i64: 1, 256>}, {pipeline_mode = #tpu.pipeline_mode<synchronous>, transform_indices = @transform_8, window_bounds = array<i64: 256, 1>}, {transform_indices = @transform_9, window_bounds = array<i64: 1, 1>}, {transform_indices = @transform_10, window_bounds = array<i64: 512, 128>}, {transform_indices = @transform_11, window_bounds = array<i64: 512, 128>}, {transform_indices = @transform_12, window_bounds = array<i64: 512, 128>}]} {
    %get3A = arith.constant 0 : index
    %get3A_0 = arith.constant 0 : index
    %get3A_1 = vector.load %arg1[%get3A, %get3A_0] : memref<512x128xf32, #tpu.memory_space<vmem>>, vector<512x128xf32>
    %get3A_2 = arith.constant 0 : index
    %get3A_3 = arith.constant 0 : index
    %get3A_4 = vector.load %arg2[%get3A_2, %get3A_3] : memref<512x128xf32, #tpu.memory_space<vmem>>, vector<512x128xf32>
    %concatenate3A = tpu.concatenate %get3A_1, %get3A_4 in 1 : vector<512x128xf32>, vector<512x128xf32> -> vector<512x256xf32>
    %get3A_5 = arith.constant 0 : index
    %get3A_6 = arith.constant 0 : index
    %get3A_7 = vector.load %arg3[%get3A_5, %get3A_6] : memref<24x512xf32, #tpu.memory_space<vmem>>, vector<24x512xf32>
    %convert_element_type3A = arith.truncf %get3A_7 : vector<24x512xf32> to vector<24x512xbf16>
    %get3A_8 = arith.constant 0 : index
    %get3A_9 = arith.constant 0 : index
    %get3A_10 = vector.load %arg4[%get3A_8, %get3A_9] : memref<24x256xf32, #tpu.memory_space<vmem>>, vector<24x256xf32>
    %convert_element_type3A_11 = arith.truncf %get3A_10 : vector<24x256xf32> to vector<24x256xbf16>
    %dot_general3A = arith.constant dense<0.000000e+00> : vector<512x256xf32>
    %dot_general3A_12 = tpu.matmul %convert_element_type3A, %convert_element_type3A_11, %dot_general3A {dimension_numbers = #tpu.dot_dimension_numbers<[0], [0], [1], [1], [0, 1, 1, 1], [], []>, transpose_lhs_hint = false} : vector<24x512xbf16>, vector<24x256xbf16>, vector<512x256xf32> -> vector<512x256xf32>
    %add3A = arith.addf %concatenate3A, %dot_general3A_12 : vector<512x256xf32>
    %logistic3A = arith.negf %add3A : vector<512x256xf32>
    %logistic3A_13 = math.exp %logistic3A : vector<512x256xf32>
    %logistic3A_14 = arith.constant 1.000000e+00 : f32
    %logistic3A_15 = vector.broadcast %logistic3A_14 : f32 to vector<512x256xf32>
    %logistic3A_16 = arith.addf %logistic3A_15, %logistic3A_13 : vector<512x256xf32>
    %logistic3A_17 = arith.divf %logistic3A_15, %logistic3A_16 : vector<512x256xf32>
    %mul3A = arith.mulf %add3A, %logistic3A_17 : vector<512x256xf32>
    %convert_element_type3A_18 = arith.truncf %mul3A : vector<512x256xf32> to vector<512x256xbf16>
    %get3A_19 = arith.constant 0 : index
    %get3A_20 = arith.constant 0 : index
    %get3A_21 = vector.load %arg5[%get3A_19, %get3A_20] : memref<256x256xf32, #tpu.memory_space<vmem>>, vector<256x256xf32>
    %convert_element_type3A_22 = arith.truncf %get3A_21 : vector<256x256xf32> to vector<256x256xbf16>
    %dot_general3A_23 = arith.constant dense<0.000000e+00> : vector<512x256xf32>
    %dot_general3A_24 = tpu.matmul %convert_element_type3A_18, %convert_element_type3A_22, %dot_general3A_23 {dimension_numbers = #tpu.dot_dimension_numbers<[1], [0], [0], [1], [0, 0, 1, 1], [], []>, transpose_lhs_hint = false} : vector<512x256xbf16>, vector<256x256xbf16>, vector<512x256xf32> -> vector<512x256xf32>
    %get3A_25 = arith.constant 0 : index
    %get3A_26 = arith.constant 0 : index
    %get3A_27 = vector.load %arg6[%get3A_25, %get3A_26] : memref<1x256xf32, #tpu.memory_space<vmem>>, vector<1x256xf32>
    %add3A_28 = vector.broadcast %get3A_27 : vector<1x256xf32> to vector<512x256xf32>
    %add3A_29 = arith.addf %dot_general3A_24, %add3A_28 : vector<512x256xf32>
    %logistic3A_30 = arith.negf %add3A_29 : vector<512x256xf32>
    %logistic3A_31 = math.exp %logistic3A_30 : vector<512x256xf32>
    %logistic3A_32 = arith.constant 1.000000e+00 : f32
    %logistic3A_33 = vector.broadcast %logistic3A_32 : f32 to vector<512x256xf32>
    %logistic3A_34 = arith.addf %logistic3A_33, %logistic3A_31 : vector<512x256xf32>
    %logistic3A_35 = arith.divf %logistic3A_33, %logistic3A_34 : vector<512x256xf32>
    %mul3A_36 = arith.mulf %add3A_29, %logistic3A_35 : vector<512x256xf32>
    %convert_element_type3A_37 = arith.truncf %mul3A_36 : vector<512x256xf32> to vector<512x256xbf16>
    %get3A_38 = arith.constant 0 : index
    %get3A_39 = arith.constant 0 : index
    %get3A_40 = vector.load %arg7[%get3A_38, %get3A_39] : memref<256x256xf32, #tpu.memory_space<vmem>>, vector<256x256xf32>
    %convert_element_type3A_41 = arith.truncf %get3A_40 : vector<256x256xf32> to vector<256x256xbf16>
    %dot_general3A_42 = arith.constant dense<0.000000e+00> : vector<512x256xf32>
    %dot_general3A_43 = tpu.matmul %convert_element_type3A_37, %convert_element_type3A_41, %dot_general3A_42 {dimension_numbers = #tpu.dot_dimension_numbers<[1], [0], [0], [1], [0, 0, 1, 1], [], []>, transpose_lhs_hint = false} : vector<512x256xbf16>, vector<256x256xbf16>, vector<512x256xf32> -> vector<512x256xf32>
    %get3A_44 = arith.constant 0 : index
    %get3A_45 = arith.constant 0 : index
    %get3A_46 = vector.load %arg8[%get3A_44, %get3A_45] : memref<1x256xf32, #tpu.memory_space<vmem>>, vector<1x256xf32>
    %add3A_47 = vector.broadcast %get3A_46 : vector<1x256xf32> to vector<512x256xf32>
    %add3A_48 = arith.addf %dot_general3A_43, %add3A_47 : vector<512x256xf32>
    %logistic3A_49 = arith.negf %add3A_48 : vector<512x256xf32>
    %logistic3A_50 = math.exp %logistic3A_49 : vector<512x256xf32>
    %logistic3A_51 = arith.constant 1.000000e+00 : f32
    %logistic3A_52 = vector.broadcast %logistic3A_51 : f32 to vector<512x256xf32>
    %logistic3A_53 = arith.addf %logistic3A_52, %logistic3A_50 : vector<512x256xf32>
    %logistic3A_54 = arith.divf %logistic3A_52, %logistic3A_53 : vector<512x256xf32>
    %mul3A_55 = arith.mulf %add3A_48, %logistic3A_54 : vector<512x256xf32>
    %convert_element_type3A_56 = arith.truncf %mul3A_55 : vector<512x256xf32> to vector<512x256xbf16>
    %get3A_57 = arith.constant 0 : index
    %get3A_58 = arith.constant 0 : index
    %get3A_59 = vector.load %arg9[%get3A_57, %get3A_58] : memref<256x1xf32, #tpu.memory_space<vmem>>, vector<256x1xf32>
    %convert_element_type3A_60 = arith.truncf %get3A_59 : vector<256x1xf32> to vector<256x1xbf16>
    %dot_general3A_61 = arith.constant dense<0.000000e+00> : vector<512x1xf32>
    %dot_general3A_62 = tpu.matmul %convert_element_type3A_56, %convert_element_type3A_60, %dot_general3A_61 {dimension_numbers = #tpu.dot_dimension_numbers<[1], [0], [0], [1], [0, 0, 1, 1], [], []>, transpose_lhs_hint = false} : vector<512x256xbf16>, vector<256x1xbf16>, vector<512x1xf32> -> vector<512x1xf32>
    %get3A_63 = arith.constant 0 : index
    %get3A_64 = arith.constant 0 : index
    %get3A_65 = memref.load %arg10[%get3A_63, %get3A_64] : memref<1x1xf32, #tpu.memory_space<smem>>
    %add3A_66 = vector.broadcast %get3A_65 : f32 to vector<512x1xf32>
    %add3A_67 = arith.addf %dot_general3A_62, %add3A_66 : vector<512x1xf32>
    %slice3A = vector.extract_strided_slice %mul3A_36 {offsets = [0, 0], sizes = [512, 128], strides = [1, 1]} : vector<512x256xf32> to vector<512x128xf32>
    %swap3A = arith.constant 0 : index
    %swap3A_68 = arith.constant 0 : index
    %swap3A_69 = vector.load %arg11[%swap3A, %swap3A_68] : memref<512x128xf32, #tpu.memory_space<vmem>>, vector<512x128xf32>
    tpu.vector_store %arg11[%swap3A, %swap3A_68], %slice3A {strides = array<i32>} : memref<512x128xf32, #tpu.memory_space<vmem>>, vector<512x128xf32>,
    %slice3A_70 = vector.extract_strided_slice %mul3A_36 {offsets = [0, 128], sizes = [512, 128], strides = [1, 1]} : vector<512x256xf32> to vector<512x128xf32>
    %swap3A_71 = arith.constant 0 : index
    %swap3A_72 = arith.constant 0 : index
    %swap3A_73 = vector.load %arg12[%swap3A_71, %swap3A_72] : memref<512x128xf32, #tpu.memory_space<vmem>>, vector<512x128xf32>
    tpu.vector_store %arg12[%swap3A_71, %swap3A_72], %slice3A_70 {strides = array<i32>} : memref<512x128xf32, #tpu.memory_space<vmem>>, vector<512x128xf32>,
    %broadcast_in_dim3A = vector.shape_cast %add3A_67 : vector<512x1xf32> to vector<512x1xf32>
    %broadcast_in_dim3A_74 = vector.broadcast %broadcast_in_dim3A : vector<512x1xf32> to vector<512x128xf32>
    %swap3A_75 = arith.constant 0 : index
    %swap3A_76 = arith.constant 0 : index
    %swap3A_77 = vector.load %arg13[%swap3A_75, %swap3A_76] : memref<512x128xf32, #tpu.memory_space<vmem>>, vector<512x128xf32>
    tpu.vector_store %arg13[%swap3A_75, %swap3A_76], %broadcast_in_dim3A_74 {strides = array<i32>} : memref<512x128xf32, #tpu.memory_space<vmem>>, vector<512x128xf32>,
    return
  }
  func.func @transform_0(%arg0: i32) -> (i32, i32) {
    %c0_i32 = arith.constant 0 : i32
    %c0_i32_0 = arith.constant 0 : i32
    return %arg0, %c0_i32 : i32, i32
  }
  func.func @transform_1(%arg0: i32) -> (i32, i32) {
    %c0_i32 = arith.constant 0 : i32
    %c0_i32_0 = arith.constant 0 : i32
    return %arg0, %c0_i32 : i32, i32
  }
  func.func @transform_2(%arg0: i32) -> (i32, i32) {
    %c0_i32 = arith.constant 0 : i32
    %c0_i32_0 = arith.constant 0 : i32
    return %c0_i32, %arg0 : i32, i32
  }
  func.func @transform_3(%arg0: i32) -> (i32, i32) {
    %c0_i32 = arith.constant 0 : i32
    %c0_i32_0 = arith.constant 0 : i32
    %c0_i32_1 = arith.constant 0 : i32
    return %c0_i32, %c0_i32_0 : i32, i32
  }
  func.func @transform_4(%arg0: i32) -> (i32, i32) {
    %c0_i32 = arith.constant 0 : i32
    %c0_i32_0 = arith.constant 0 : i32
    %c0_i32_1 = arith.constant 0 : i32
    return %c0_i32, %c0_i32_0 : i32, i32
  }
  func.func @transform_5(%arg0: i32) -> (i32, i32) {
    %c0_i32 = arith.constant 0 : i32
    %c0_i32_0 = arith.constant 0 : i32
    %c0_i32_1 = arith.constant 0 : i32
    return %c0_i32, %c0_i32_0 : i32, i32
  }
  func.func @transform_6(%arg0: i32) -> (i32, i32) {
    %c0_i32 = arith.constant 0 : i32
    %c0_i32_0 = arith.constant 0 : i32
    %c0_i32_1 = arith.constant 0 : i32
    return %c0_i32, %c0_i32_0 : i32, i32
  }
  func.func @transform_7(%arg0: i32) -> (i32, i32) {
    %c0_i32 = arith.constant 0 : i32
    %c0_i32_0 = arith.constant 0 : i32
    %c0_i32_1 = arith.constant 0 : i32
    return %c0_i32, %c0_i32_0 : i32, i32
  }
  func.func @transform_8(%arg0: i32) -> (i32, i32) {
    %c0_i32 = arith.constant 0 : i32
    %c0_i32_0 = arith.constant 0 : i32
    %c0_i32_1 = arith.constant 0 : i32
    return %c0_i32, %c0_i32_0 : i32, i32
  }
  func.func @transform_9(%arg0: i32) -> (i32, i32) {
    %c0_i32 = arith.constant 0 : i32
    %c0_i32_0 = arith.constant 0 : i32
    %c0_i32_1 = arith.constant 0 : i32
    return %c0_i32, %c0_i32_0 : i32, i32
  }
  func.func @transform_10(%arg0: i32) -> (i32, i32) {
    %c0_i32 = arith.constant 0 : i32
    %c0_i32_0 = arith.constant 0 : i32
    return %arg0, %c0_i32 : i32, i32
  }
  func.func @transform_11(%arg0: i32) -> (i32, i32) {
    %c0_i32 = arith.constant 0 : i32
    %c0_i32_0 = arith.constant 0 : i32
    return %arg0, %c0_i32 : i32, i32
  }
  func.func @transform_12(%arg0: i32) -> (i32, i32) {
    %c0_i32 = arith.constant 0 : i32
    %c0_i32_0 = arith.constant 0 : i32
    return %arg0, %c0_i32 : i32, i32
  }
}

module attributes {stable_mosaic.version = 14 : i64} {
  func.func @_node_post_kernel(%arg0: i32, %arg1: memref<256x256xf32, #tpu.memory_space<vmem>>, %arg2: memref<256x128xf32, #tpu.memory_space<vmem>>, %arg3: memref<256x128xf32, #tpu.memory_space<vmem>>, %arg4: memref<16x128xf32, #tpu.memory_space<vmem>>, %arg5: memref<16x128xf32, #tpu.memory_space<vmem>>, %arg6: memref<16x128xf32, #tpu.memory_space<vmem>>, %arg7: memref<2x256x256xf32, #tpu.memory_space<vmem>>, %arg8: memref<1x256xf32, #tpu.memory_space<vmem>>, %arg9: memref<256x256xf32, #tpu.memory_space<vmem>>, %arg10: memref<1x256xf32, #tpu.memory_space<vmem>>, %arg11: memref<256x256xf32, #tpu.memory_space<vmem>>, %arg12: memref<1x256xf32, #tpu.memory_space<vmem>>, %arg13: memref<256x1xf32, #tpu.memory_space<vmem>>, %arg14: memref<1x1xf32, #tpu.memory_space<smem>>, %arg15: memref<256x256xf32, #tpu.memory_space<vmem>>, %arg16: memref<16x128xf32, #tpu.memory_space<vmem>>) attributes {dimension_semantics = [#tpu.dimension_semantics<arbitrary>], iteration_bounds = array<i64: 40>, scalar_prefetch = 0 : i64, scratch_operands = 0 : i64, tpu.core_type = #tpu.core_type<tc>, window_params = [{transform_indices = @transform_0, window_bounds = array<i64: 256, 256>}, {transform_indices = @transform_1, window_bounds = array<i64: 256, 128>}, {transform_indices = @transform_2, window_bounds = array<i64: 256, 128>}, {transform_indices = @transform_3, window_bounds = array<i64: 16, 128>}, {transform_indices = @transform_4, window_bounds = array<i64: 16, 128>}, {transform_indices = @transform_5, window_bounds = array<i64: 16, 128>}, {pipeline_mode = #tpu.pipeline_mode<synchronous>, transform_indices = @transform_6, window_bounds = array<i64: 2, 256, 256>}, {pipeline_mode = #tpu.pipeline_mode<synchronous>, transform_indices = @transform_7, window_bounds = array<i64: 1, 256>}, {pipeline_mode = #tpu.pipeline_mode<synchronous>, transform_indices = @transform_8, window_bounds = array<i64: 256, 256>}, {pipeline_mode = #tpu.pipeline_mode<synchronous>, transform_indices = @transform_9, window_bounds = array<i64: 1, 256>}, {pipeline_mode = #tpu.pipeline_mode<synchronous>, transform_indices = @transform_10, window_bounds = array<i64: 256, 256>}, {pipeline_mode = #tpu.pipeline_mode<synchronous>, transform_indices = @transform_11, window_bounds = array<i64: 1, 256>}, {pipeline_mode = #tpu.pipeline_mode<synchronous>, transform_indices = @transform_12, window_bounds = array<i64: 256, 1>}, {transform_indices = @transform_13, window_bounds = array<i64: 1, 1>}, {transform_indices = @transform_14, window_bounds = array<i64: 256, 256>}, {transform_indices = @transform_15, window_bounds = array<i64: 16, 128>}]} {
    %get3A = arith.constant 0 : index
    %get3A_0 = arith.constant 0 : index
    %get3A_1 = vector.load %arg1[%get3A, %get3A_0] : memref<256x256xf32, #tpu.memory_space<vmem>>, vector<256x256xf32>
    %get3A_2 = arith.constant 0 : index
    %get3A_3 = arith.constant 0 : index
    %get3A_4 = vector.load %arg4[%get3A_2, %get3A_3] : memref<16x128xf32, #tpu.memory_space<vmem>>, vector<16x128xf32>
    %iota3A = tpu.iota {dimensions = array<i32: 0>} : vector<256x16xi32>
    %jit3A = arith.constant 16 : i32
    %div3A = vector.broadcast %jit3A : i32 to vector<256x16xi32>
    %div3A_5 = arith.divsi %iota3A, %div3A : vector<256x16xi32>
    %sign3A = arith.constant 0 : i32
    %sign3A_6 = vector.broadcast %sign3A : i32 to vector<256x16xi32>
    %sign3A_7 = arith.cmpi sgt, %iota3A, %sign3A_6 : vector<256x16xi32>
    %sign3A_8 = arith.extui %sign3A_7 : vector<256x16xi1> to vector<256x16xi32>
    %sign3A_9 = arith.constant 0 : i32
    %sign3A_10 = vector.broadcast %sign3A_9 : i32 to vector<256x16xi32>
    %sign3A_11 = arith.cmpi slt, %iota3A, %sign3A_10 : vector<256x16xi32>
    %sign3A_12 = arith.extui %sign3A_11 : vector<256x16xi1> to vector<256x16xi32>
    %sign3A_13 = arith.subi %sign3A_8, %sign3A_12 : vector<256x16xi32>
    %sign3A_14 = arith.constant 0 : i32
    %sign3A_15 = arith.cmpi sgt, %jit3A, %sign3A_14 : i32
    %sign3A_16 = arith.extui %sign3A_15 : i1 to i32
    %sign3A_17 = arith.constant 0 : i32
    %sign3A_18 = arith.cmpi slt, %jit3A, %sign3A_17 : i32
    %sign3A_19 = arith.extui %sign3A_18 : i1 to i32
    %sign3A_20 = arith.subi %sign3A_16, %sign3A_19 : i32
    %ne3A = vector.broadcast %sign3A_20 : i32 to vector<256x16xi32>
    %ne3A_21 = arith.cmpi ne, %sign3A_13, %ne3A : vector<256x16xi32>
    %rem3A = vector.broadcast %jit3A : i32 to vector<256x16xi32>
    %rem3A_22 = arith.remsi %iota3A, %rem3A : vector<256x16xi32>
    %ne3A_23 = arith.constant 0 : i32
    %ne3A_24 = vector.broadcast %ne3A_23 : i32 to vector<256x16xi32>
    %ne3A_25 = arith.cmpi ne, %rem3A_22, %ne3A_24 : vector<256x16xi32>
    %and3A = arith.andi %ne3A_21, %ne3A_25 : vector<256x16xi1>
    %sub3A = arith.constant 1 : i32
    %sub3A_26 = vector.broadcast %sub3A : i32 to vector<256x16xi32>
    %sub3A_27 = arith.subi %div3A_5, %sub3A_26 : vector<256x16xi32>
    %select_n3A = arith.select %and3A, %sub3A_27, %div3A_5 : vector<256x16xi1>, vector<256x16xi32>
    %iota3A_28 = tpu.iota {dimensions = array<i32: 1>} : vector<256x16xi32>
    %eq3A = arith.cmpi eq, %select_n3A, %iota3A_28 : vector<256x16xi32>
    %convert_element_type3A = arith.extui %eq3A : vector<256x16xi1> to vector<256x16xi32>
    %convert_element_type3A_29 = arith.sitofp %convert_element_type3A : vector<256x16xi32> to vector<256x16xf32>
    %convert_element_type3A_30 = arith.truncf %convert_element_type3A_29 : vector<256x16xf32> to vector<256x16xbf16>
    %convert_element_type3A_31 = arith.truncf %get3A_4 : vector<16x128xf32> to vector<16x128xbf16>
    %dot_general3A = arith.constant dense<0.000000e+00> : vector<256x128xf32>
    %dot_general3A_32 = tpu.matmul %convert_element_type3A_30, %convert_element_type3A_31, %dot_general3A {dimension_numbers = #tpu.dot_dimension_numbers<[1], [0], [0], [1], [0, 0, 1, 1], [], []>, transpose_lhs_hint = false} : vector<256x16xbf16>, vector<16x128xbf16>, vector<256x128xf32> -> vector<256x128xf32>
    %iota3A_33 = tpu.iota {dimensions = array<i32: 1>} : vector<256x128xi32>
    %iota3A_34 = tpu.iota {dimensions = array<i32: 0>} : vector<256x128xi32>
    %jit3A_35 = arith.constant 16 : i32
    %eq3A_36 = arith.constant 0 : i32
    %eq3A_37 = arith.cmpi eq, %jit3A_35, %eq3A_36 : i32
    %jit3A_38 = arith.constant 1 : i32
    %select_n3A_39 = arith.select %eq3A_37, %jit3A_38, %jit3A_35 : i32
    %rem3A_40 = vector.broadcast %select_n3A_39 : i32 to vector<256x128xi32>
    %rem3A_41 = arith.remsi %iota3A_34, %rem3A_40 : vector<256x128xi32>
    %ne3A_42 = arith.constant 0 : i32
    %ne3A_43 = vector.broadcast %ne3A_42 : i32 to vector<256x128xi32>
    %ne3A_44 = arith.cmpi ne, %rem3A_41, %ne3A_43 : vector<256x128xi32>
    %lt3A = arith.constant 0 : i32
    %lt3A_45 = vector.broadcast %lt3A : i32 to vector<256x128xi32>
    %lt3A_46 = arith.cmpi slt, %rem3A_41, %lt3A_45 : vector<256x128xi32>
    %lt3A_47 = arith.constant 0 : i32
    %lt3A_48 = arith.cmpi slt, %select_n3A_39, %lt3A_47 : i32
    %ne3A_49 = vector.broadcast %lt3A_48 : i1 to vector<256x128xi1>
    %ne3A_50 = vector.broadcast %ne3A_49 : vector<256x128xi1> to vector<256x128xi1>
    %ne3A_51 = arith.xori %lt3A_46, %ne3A_50 : vector<256x128xi1>
    %and3A_52 = arith.andi %ne3A_51, %ne3A_44 : vector<256x128xi1>
    %add3A = vector.broadcast %select_n3A_39 : i32 to vector<256x128xi32>
    %add3A_53 = arith.addi %rem3A_41, %add3A : vector<256x128xi32>
    %select_n3A_54 = arith.select %and3A_52, %add3A_53, %rem3A_41 : vector<256x128xi1>, vector<256x128xi32>
    %mul3A = arith.constant 8 : i32
    %mul3A_55 = vector.broadcast %mul3A : i32 to vector<256x128xi32>
    %mul3A_56 = arith.muli %select_n3A_54, %mul3A_55 : vector<256x128xi32>
    %add3A_57 = arith.constant 3 : i32
    %add3A_58 = vector.broadcast %add3A_57 : i32 to vector<256x128xi32>
    %add3A_59 = arith.addi %mul3A_56, %add3A_58 : vector<256x128xi32>
    %eq3A_60 = arith.cmpi eq, %iota3A_33, %add3A_59 : vector<256x128xi32>
    %convert_element_type3A_61 = arith.extui %eq3A_60 : vector<256x128xi1> to vector<256x128xi32>
    %convert_element_type3A_62 = arith.sitofp %convert_element_type3A_61 : vector<256x128xi32> to vector<256x128xf32>
    %broadcast_in_dim3A = arith.constant 1.000000e+00 : bf16
    %broadcast_in_dim3A_63 = vector.broadcast %broadcast_in_dim3A : bf16 to vector<128x1xbf16>
    %mul3A_64 = arith.mulf %dot_general3A_32, %convert_element_type3A_62 : vector<256x128xf32>
    %convert_element_type3A_65 = arith.truncf %mul3A_64 : vector<256x128xf32> to vector<256x128xbf16>
    %dot_general3A_66 = arith.constant dense<0.000000e+00> : vector<256x1xf32>
    %dot_general3A_67 = tpu.matmul %convert_element_type3A_65, %broadcast_in_dim3A_63, %dot_general3A_66 {dimension_numbers = #tpu.dot_dimension_numbers<[1], [0], [0], [1], [0, 0, 1, 1], [], []>, transpose_lhs_hint = false} : vector<256x128xbf16>, vector<128x1xbf16>, vector<256x1xf32> -> vector<256x1xf32>
    %max3A = arith.constant 1.000000e+00 : f32
    %max3A_68 = vector.broadcast %max3A : f32 to vector<256x1xf32>
    %max3A_69 = arith.maximumf %dot_general3A_67, %max3A_68 : vector<256x1xf32>
    %get3A_70 = arith.constant 0 : index
    %get3A_71 = arith.constant 0 : index
    %get3A_72 = vector.load %arg2[%get3A_70, %get3A_71] : memref<256x128xf32, #tpu.memory_space<vmem>>, vector<256x128xf32>
    %get3A_73 = arith.constant 0 : index
    %get3A_74 = arith.constant 0 : index
    %get3A_75 = vector.load %arg3[%get3A_73, %get3A_74] : memref<256x128xf32, #tpu.memory_space<vmem>>, vector<256x128xf32>
    %concatenate3A = tpu.concatenate %get3A_72, %get3A_75 in 1 : vector<256x128xf32>, vector<256x128xf32> -> vector<256x256xf32>
    %div3A_76 = vector.broadcast %max3A_69 : vector<256x1xf32> to vector<256x256xf32>
    %div3A_77 = arith.divf %concatenate3A, %div3A_76 : vector<256x256xf32>
    %get3A_78 = arith.constant 0 : index
    %get3A_79 = arith.constant 0 : index
    %get3A_80 = arith.constant 0 : index
    %get3A_81 = vector.load %arg7[%get3A_78, %get3A_79, %get3A_80] : memref<2x256x256xf32, #tpu.memory_space<vmem>>, vector<2x256x256xf32>
    %convert_element_type3A_82 = arith.truncf %get3A_81 : vector<2x256x256xf32> to vector<2x256x256xbf16>
    %convert_element_type3A_83 = arith.truncf %get3A_1 : vector<256x256xf32> to vector<256x256xbf16>
    %slice3A = vector.extract_strided_slice %convert_element_type3A_82 {offsets = [0, 0, 0], sizes = [1, 256, 256], strides = [1, 1, 1]} : vector<2x256x256xbf16> to vector<1x256x256xbf16>
    %squeeze3A = vector.shape_cast %slice3A : vector<1x256x256xbf16> to vector<256x256xbf16>
    %dot_general3A_84 = arith.constant dense<0.000000e+00> : vector<256x256xf32>
    %dot_general3A_85 = tpu.matmul %convert_element_type3A_83, %squeeze3A, %dot_general3A_84 {dimension_numbers = #tpu.dot_dimension_numbers<[1], [0], [0], [1], [0, 0, 1, 1], [], []>, transpose_lhs_hint = false} : vector<256x256xbf16>, vector<256x256xbf16>, vector<256x256xf32> -> vector<256x256xf32>
    %convert_element_type3A_86 = arith.truncf %div3A_77 : vector<256x256xf32> to vector<256x256xbf16>
    %slice3A_87 = vector.extract_strided_slice %convert_element_type3A_82 {offsets = [1, 0, 0], sizes = [1, 256, 256], strides = [1, 1, 1]} : vector<2x256x256xbf16> to vector<1x256x256xbf16>
    %squeeze3A_88 = vector.shape_cast %slice3A_87 : vector<1x256x256xbf16> to vector<256x256xbf16>
    %dot_general3A_89 = arith.constant dense<0.000000e+00> : vector<256x256xf32>
    %dot_general3A_90 = tpu.matmul %convert_element_type3A_86, %squeeze3A_88, %dot_general3A_89 {dimension_numbers = #tpu.dot_dimension_numbers<[1], [0], [0], [1], [0, 0, 1, 1], [], []>, transpose_lhs_hint = false} : vector<256x256xbf16>, vector<256x256xbf16>, vector<256x256xf32> -> vector<256x256xf32>
    %add3A_91 = arith.addf %dot_general3A_85, %dot_general3A_90 : vector<256x256xf32>
    %get3A_92 = arith.constant 0 : index
    %get3A_93 = arith.constant 0 : index
    %get3A_94 = vector.load %arg8[%get3A_92, %get3A_93] : memref<1x256xf32, #tpu.memory_space<vmem>>, vector<1x256xf32>
    %add3A_95 = vector.broadcast %get3A_94 : vector<1x256xf32> to vector<256x256xf32>
    %add3A_96 = arith.addf %add3A_91, %add3A_95 : vector<256x256xf32>
    %logistic3A = arith.negf %add3A_96 : vector<256x256xf32>
    %logistic3A_97 = math.exp %logistic3A : vector<256x256xf32>
    %logistic3A_98 = arith.constant 1.000000e+00 : f32
    %logistic3A_99 = vector.broadcast %logistic3A_98 : f32 to vector<256x256xf32>
    %logistic3A_100 = arith.addf %logistic3A_99, %logistic3A_97 : vector<256x256xf32>
    %logistic3A_101 = arith.divf %logistic3A_99, %logistic3A_100 : vector<256x256xf32>
    %mul3A_102 = arith.mulf %add3A_96, %logistic3A_101 : vector<256x256xf32>
    %convert_element_type3A_103 = arith.truncf %mul3A_102 : vector<256x256xf32> to vector<256x256xbf16>
    %get3A_104 = arith.constant 0 : index
    %get3A_105 = arith.constant 0 : index
    %get3A_106 = vector.load %arg9[%get3A_104, %get3A_105] : memref<256x256xf32, #tpu.memory_space<vmem>>, vector<256x256xf32>
    %convert_element_type3A_107 = arith.truncf %get3A_106 : vector<256x256xf32> to vector<256x256xbf16>
    %dot_general3A_108 = arith.constant dense<0.000000e+00> : vector<256x256xf32>
    %dot_general3A_109 = tpu.matmul %convert_element_type3A_103, %convert_element_type3A_107, %dot_general3A_108 {dimension_numbers = #tpu.dot_dimension_numbers<[1], [0], [0], [1], [0, 0, 1, 1], [], []>, transpose_lhs_hint = false} : vector<256x256xbf16>, vector<256x256xbf16>, vector<256x256xf32> -> vector<256x256xf32>
    %get3A_110 = arith.constant 0 : index
    %get3A_111 = arith.constant 0 : index
    %get3A_112 = vector.load %arg10[%get3A_110, %get3A_111] : memref<1x256xf32, #tpu.memory_space<vmem>>, vector<1x256xf32>
    %add3A_113 = vector.broadcast %get3A_112 : vector<1x256xf32> to vector<256x256xf32>
    %add3A_114 = arith.addf %dot_general3A_109, %add3A_113 : vector<256x256xf32>
    %swap3A = arith.constant 0 : index
    %swap3A_115 = arith.constant 0 : index
    %swap3A_116 = vector.load %arg15[%swap3A, %swap3A_115] : memref<256x256xf32, #tpu.memory_space<vmem>>, vector<256x256xf32>
    tpu.vector_store %arg15[%swap3A, %swap3A_115], %add3A_114 {strides = array<i32>} : memref<256x256xf32, #tpu.memory_space<vmem>>, vector<256x256xf32>,
    %convert_element_type3A_117 = arith.truncf %get3A_1 : vector<256x256xf32> to vector<256x256xbf16>
    %get3A_118 = arith.constant 0 : index
    %get3A_119 = arith.constant 0 : index
    %get3A_120 = vector.load %arg11[%get3A_118, %get3A_119] : memref<256x256xf32, #tpu.memory_space<vmem>>, vector<256x256xf32>
    %convert_element_type3A_121 = arith.truncf %get3A_120 : vector<256x256xf32> to vector<256x256xbf16>
    %dot_general3A_122 = arith.constant dense<0.000000e+00> : vector<256x256xf32>
    %dot_general3A_123 = tpu.matmul %convert_element_type3A_117, %convert_element_type3A_121, %dot_general3A_122 {dimension_numbers = #tpu.dot_dimension_numbers<[1], [0], [0], [1], [0, 0, 1, 1], [], []>, transpose_lhs_hint = false} : vector<256x256xbf16>, vector<256x256xbf16>, vector<256x256xf32> -> vector<256x256xf32>
    %get3A_124 = arith.constant 0 : index
    %get3A_125 = arith.constant 0 : index
    %get3A_126 = vector.load %arg12[%get3A_124, %get3A_125] : memref<1x256xf32, #tpu.memory_space<vmem>>, vector<1x256xf32>
    %add3A_127 = vector.broadcast %get3A_126 : vector<1x256xf32> to vector<256x256xf32>
    %add3A_128 = arith.addf %dot_general3A_123, %add3A_127 : vector<256x256xf32>
    %logistic3A_129 = arith.negf %add3A_128 : vector<256x256xf32>
    %logistic3A_130 = math.exp %logistic3A_129 : vector<256x256xf32>
    %logistic3A_131 = arith.constant 1.000000e+00 : f32
    %logistic3A_132 = vector.broadcast %logistic3A_131 : f32 to vector<256x256xf32>
    %logistic3A_133 = arith.addf %logistic3A_132, %logistic3A_130 : vector<256x256xf32>
    %logistic3A_134 = arith.divf %logistic3A_132, %logistic3A_133 : vector<256x256xf32>
    %mul3A_135 = arith.mulf %add3A_128, %logistic3A_134 : vector<256x256xf32>
    %convert_element_type3A_136 = arith.truncf %mul3A_135 : vector<256x256xf32> to vector<256x256xbf16>
    %get3A_137 = arith.constant 0 : index
    %get3A_138 = arith.constant 0 : index
    %get3A_139 = vector.load %arg13[%get3A_137, %get3A_138] : memref<256x1xf32, #tpu.memory_space<vmem>>, vector<256x1xf32>
    %convert_element_type3A_140 = arith.truncf %get3A_139 : vector<256x1xf32> to vector<256x1xbf16>
    %dot_general3A_141 = arith.constant dense<0.000000e+00> : vector<256x1xf32>
    %dot_general3A_142 = tpu.matmul %convert_element_type3A_136, %convert_element_type3A_140, %dot_general3A_141 {dimension_numbers = #tpu.dot_dimension_numbers<[1], [0], [0], [1], [0, 0, 1, 1], [], []>, transpose_lhs_hint = false} : vector<256x256xbf16>, vector<256x1xbf16>, vector<256x1xf32> -> vector<256x1xf32>
    %get3A_143 = arith.constant 0 : index
    %get3A_144 = arith.constant 0 : index
    %get3A_145 = memref.load %arg14[%get3A_143, %get3A_144] : memref<1x1xf32, #tpu.memory_space<smem>>
    %add3A_146 = vector.broadcast %get3A_145 : f32 to vector<256x1xf32>
    %add3A_147 = arith.addf %dot_general3A_142, %add3A_146 : vector<256x1xf32>
    %jit3A_148 = arith.constant 8 : i32
    %div3A_149 = vector.broadcast %jit3A_148 : i32 to vector<256x128xi32>
    %div3A_150 = arith.divsi %iota3A_33, %div3A_149 : vector<256x128xi32>
    %sign3A_151 = arith.constant 0 : i32
    %sign3A_152 = vector.broadcast %sign3A_151 : i32 to vector<256x128xi32>
    %sign3A_153 = arith.cmpi sgt, %iota3A_33, %sign3A_152 : vector<256x128xi32>
    %sign3A_154 = arith.extui %sign3A_153 : vector<256x128xi1> to vector<256x128xi32>
    %sign3A_155 = arith.constant 0 : i32
    %sign3A_156 = vector.broadcast %sign3A_155 : i32 to vector<256x128xi32>
    %sign3A_157 = arith.cmpi slt, %iota3A_33, %sign3A_156 : vector<256x128xi32>
    %sign3A_158 = arith.extui %sign3A_157 : vector<256x128xi1> to vector<256x128xi32>
    %sign3A_159 = arith.subi %sign3A_154, %sign3A_158 : vector<256x128xi32>
    %sign3A_160 = arith.constant 0 : i32
    %sign3A_161 = arith.cmpi sgt, %jit3A_148, %sign3A_160 : i32
    %sign3A_162 = arith.extui %sign3A_161 : i1 to i32
    %sign3A_163 = arith.constant 0 : i32
    %sign3A_164 = arith.cmpi slt, %jit3A_148, %sign3A_163 : i32
    %sign3A_165 = arith.extui %sign3A_164 : i1 to i32
    %sign3A_166 = arith.subi %sign3A_162, %sign3A_165 : i32
    %ne3A_167 = vector.broadcast %sign3A_166 : i32 to vector<256x128xi32>
    %ne3A_168 = arith.cmpi ne, %sign3A_159, %ne3A_167 : vector<256x128xi32>
    %rem3A_169 = vector.broadcast %jit3A_148 : i32 to vector<256x128xi32>
    %rem3A_170 = arith.remsi %iota3A_33, %rem3A_169 : vector<256x128xi32>
    %ne3A_171 = arith.constant 0 : i32
    %ne3A_172 = vector.broadcast %ne3A_171 : i32 to vector<256x128xi32>
    %ne3A_173 = arith.cmpi ne, %rem3A_170, %ne3A_172 : vector<256x128xi32>
    %and3A_174 = arith.andi %ne3A_168, %ne3A_173 : vector<256x128xi1>
    %sub3A_175 = arith.constant 1 : i32
    %sub3A_176 = vector.broadcast %sub3A_175 : i32 to vector<256x128xi32>
    %sub3A_177 = arith.subi %div3A_150, %sub3A_176 : vector<256x128xi32>
    %select_n3A_178 = arith.select %and3A_174, %sub3A_177, %div3A_150 : vector<256x128xi1>, vector<256x128xi32>
    %jit3A_179 = arith.constant 16 : i32
    %eq3A_180 = arith.constant 0 : i32
    %eq3A_181 = arith.cmpi eq, %jit3A_179, %eq3A_180 : i32
    %jit3A_182 = arith.constant 1 : i32
    %select_n3A_183 = arith.select %eq3A_181, %jit3A_182, %jit3A_179 : i32
    %rem3A_184 = vector.broadcast %select_n3A_183 : i32 to vector<256x128xi32>
    %rem3A_185 = arith.remsi %iota3A_34, %rem3A_184 : vector<256x128xi32>
    %ne3A_186 = arith.constant 0 : i32
    %ne3A_187 = vector.broadcast %ne3A_186 : i32 to vector<256x128xi32>
    %ne3A_188 = arith.cmpi ne, %rem3A_185, %ne3A_187 : vector<256x128xi32>
    %lt3A_189 = arith.constant 0 : i32
    %lt3A_190 = vector.broadcast %lt3A_189 : i32 to vector<256x128xi32>
    %lt3A_191 = arith.cmpi slt, %rem3A_185, %lt3A_190 : vector<256x128xi32>
    %lt3A_192 = arith.constant 0 : i32
    %lt3A_193 = arith.cmpi slt, %select_n3A_183, %lt3A_192 : i32
    %ne3A_194 = vector.broadcast %lt3A_193 : i1 to vector<256x128xi1>
    %ne3A_195 = vector.broadcast %ne3A_194 : vector<256x128xi1> to vector<256x128xi1>
    %ne3A_196 = arith.xori %lt3A_191, %ne3A_195 : vector<256x128xi1>
    %and3A_197 = arith.andi %ne3A_196, %ne3A_188 : vector<256x128xi1>
    %add3A_198 = vector.broadcast %select_n3A_183 : i32 to vector<256x128xi32>
    %add3A_199 = arith.addi %rem3A_185, %add3A_198 : vector<256x128xi32>
    %select_n3A_200 = arith.select %and3A_197, %add3A_199, %rem3A_185 : vector<256x128xi1>, vector<256x128xi32>
    %eq3A_201 = arith.cmpi eq, %select_n3A_178, %select_n3A_200 : vector<256x128xi32>
    %convert_element_type3A_202 = arith.extui %eq3A_201 : vector<256x128xi1> to vector<256x128xi32>
    %convert_element_type3A_203 = arith.sitofp %convert_element_type3A_202 : vector<256x128xi32> to vector<256x128xf32>
    %eq3A_204 = arith.cmpi eq, %select_n3A, %iota3A_28 : vector<256x16xi32>
    %convert_element_type3A_205 = arith.extui %eq3A_204 : vector<256x16xi1> to vector<256x16xi32>
    %convert_element_type3A_206 = arith.sitofp %convert_element_type3A_205 : vector<256x16xi32> to vector<256x16xf32>
    %convert_element_type3A_207 = arith.truncf %convert_element_type3A_206 : vector<256x16xf32> to vector<256x16xbf16>
    %transpose3A = tpu.transpose %convert_element_type3A_207, [1, 0] : vector<256x16xbf16> -> vector<16x256xbf16>
    %mul3A_208 = vector.broadcast %add3A_147 : vector<256x1xf32> to vector<256x128xf32>
    %mul3A_209 = arith.mulf %mul3A_208, %convert_element_type3A_203 : vector<256x128xf32>
    %convert_element_type3A_210 = arith.truncf %mul3A_209 : vector<256x128xf32> to vector<256x128xbf16>
    %dot_general3A_211 = arith.constant dense<0.000000e+00> : vector<16x128xf32>
    %dot_general3A_212 = tpu.matmul %transpose3A, %convert_element_type3A_210, %dot_general3A_211 {dimension_numbers = #tpu.dot_dimension_numbers<[1], [0], [0], [1], [0, 0, 1, 1], [], []>, transpose_lhs_hint = false} : vector<16x256xbf16>, vector<256x128xbf16>, vector<16x128xf32> -> vector<16x128xf32>
    %div3A_213 = vector.broadcast %max3A_69 : vector<256x1xf32> to vector<256x128xf32>
    %div3A_214 = arith.divf %convert_element_type3A_203, %div3A_213 : vector<256x128xf32>
    %convert_element_type3A_215 = arith.truncf %div3A_214 : vector<256x128xf32> to vector<256x128xbf16>
    %dot_general3A_216 = arith.constant dense<0.000000e+00> : vector<16x128xf32>
    %dot_general3A_217 = tpu.matmul %transpose3A, %convert_element_type3A_215, %dot_general3A_216 {dimension_numbers = #tpu.dot_dimension_numbers<[1], [0], [0], [1], [0, 0, 1, 1], [], []>, transpose_lhs_hint = false} : vector<16x256xbf16>, vector<256x128xbf16>, vector<16x128xf32> -> vector<16x128xf32>
    %get3A_218 = arith.constant 0 : index
    %get3A_219 = arith.constant 0 : index
    %get3A_220 = vector.load %arg5[%get3A_218, %get3A_219] : memref<16x128xf32, #tpu.memory_space<vmem>>, vector<16x128xf32>
    %mul3A_221 = arith.mulf %get3A_4, %dot_general3A_217 : vector<16x128xf32>
    %add3A_222 = arith.addf %get3A_220, %mul3A_221 : vector<16x128xf32>
    %get3A_223 = arith.constant 0 : index
    %get3A_224 = arith.constant 0 : index
    %get3A_225 = vector.load %arg6[%get3A_223, %get3A_224] : memref<16x128xf32, #tpu.memory_space<vmem>>, vector<16x128xf32>
    %mul3A_226 = arith.mulf %dot_general3A_212, %get3A_225 : vector<16x128xf32>
    %add3A_227 = arith.addf %add3A_222, %mul3A_226 : vector<16x128xf32>
    %swap3A_228 = arith.constant 0 : index
    %swap3A_229 = arith.constant 0 : index
    %swap3A_230 = vector.load %arg16[%swap3A_228, %swap3A_229] : memref<16x128xf32, #tpu.memory_space<vmem>>, vector<16x128xf32>
    tpu.vector_store %arg16[%swap3A_228, %swap3A_229], %add3A_227 {strides = array<i32>} : memref<16x128xf32, #tpu.memory_space<vmem>>, vector<16x128xf32>,
    return
  }
  func.func @transform_0(%arg0: i32) -> (i32, i32) {
    %c0_i32 = arith.constant 0 : i32
    %c0_i32_0 = arith.constant 0 : i32
    return %arg0, %c0_i32 : i32, i32
  }
  func.func @transform_1(%arg0: i32) -> (i32, i32) {
    %c0_i32 = arith.constant 0 : i32
    %c0_i32_0 = arith.constant 0 : i32
    return %arg0, %c0_i32 : i32, i32
  }
  func.func @transform_2(%arg0: i32) -> (i32, i32) {
    %c0_i32 = arith.constant 0 : i32
    %c0_i32_0 = arith.constant 0 : i32
    return %arg0, %c0_i32 : i32, i32
  }
  func.func @transform_3(%arg0: i32) -> (i32, i32) {
    %c0_i32 = arith.constant 0 : i32
    %c0_i32_0 = arith.constant 0 : i32
    return %arg0, %c0_i32 : i32, i32
  }
  func.func @transform_4(%arg0: i32) -> (i32, i32) {
    %c0_i32 = arith.constant 0 : i32
    %c0_i32_0 = arith.constant 0 : i32
    return %arg0, %c0_i32 : i32, i32
  }
  func.func @transform_5(%arg0: i32) -> (i32, i32) {
    %c0_i32 = arith.constant 0 : i32
    %c0_i32_0 = arith.constant 0 : i32
    return %arg0, %c0_i32 : i32, i32
  }
  func.func @transform_6(%arg0: i32) -> (i32, i32, i32) {
    %c0_i32 = arith.constant 0 : i32
    %c0_i32_0 = arith.constant 0 : i32
    %c0_i32_1 = arith.constant 0 : i32
    %c0_i32_2 = arith.constant 0 : i32
    return %c0_i32, %c0_i32_0, %c0_i32_1 : i32, i32, i32
  }
  func.func @transform_7(%arg0: i32) -> (i32, i32) {
    %c0_i32 = arith.constant 0 : i32
    %c0_i32_0 = arith.constant 0 : i32
    %c0_i32_1 = arith.constant 0 : i32
    return %c0_i32, %c0_i32_0 : i32, i32
  }
  func.func @transform_8(%arg0: i32) -> (i32, i32) {
    %c0_i32 = arith.constant 0 : i32
    %c0_i32_0 = arith.constant 0 : i32
    %c0_i32_1 = arith.constant 0 : i32
    return %c0_i32, %c0_i32_0 : i32, i32
  }
  func.func @transform_9(%arg0: i32) -> (i32, i32) {
    %c0_i32 = arith.constant 0 : i32
    %c0_i32_0 = arith.constant 0 : i32
    %c0_i32_1 = arith.constant 0 : i32
    return %c0_i32, %c0_i32_0 : i32, i32
  }
  func.func @transform_10(%arg0: i32) -> (i32, i32) {
    %c0_i32 = arith.constant 0 : i32
    %c0_i32_0 = arith.constant 0 : i32
    %c0_i32_1 = arith.constant 0 : i32
    return %c0_i32, %c0_i32_0 : i32, i32
  }
  func.func @transform_11(%arg0: i32) -> (i32, i32) {
    %c0_i32 = arith.constant 0 : i32
    %c0_i32_0 = arith.constant 0 : i32
    %c0_i32_1 = arith.constant 0 : i32
    return %c0_i32, %c0_i32_0 : i32, i32
  }
  func.func @transform_12(%arg0: i32) -> (i32, i32) {
    %c0_i32 = arith.constant 0 : i32
    %c0_i32_0 = arith.constant 0 : i32
    %c0_i32_1 = arith.constant 0 : i32
    return %c0_i32, %c0_i32_0 : i32, i32
  }
  func.func @transform_13(%arg0: i32) -> (i32, i32) {
    %c0_i32 = arith.constant 0 : i32
    %c0_i32_0 = arith.constant 0 : i32
    %c0_i32_1 = arith.constant 0 : i32
    return %c0_i32, %c0_i32_0 : i32, i32
  }
  func.func @transform_14(%arg0: i32) -> (i32, i32) {
    %c0_i32 = arith.constant 0 : i32
    %c0_i32_0 = arith.constant 0 : i32
    return %arg0, %c0_i32 : i32, i32
  }
  func.func @transform_15(%arg0: i32) -> (i32, i32) {
    %c0_i32 = arith.constant 0 : i32
    %c0_i32_0 = arith.constant 0 : i32
    return %arg0, %c0_i32 : i32, i32
  }
}

</mosaic_0001>

<sc_bundles>
// kernel: kernel.10.cloned.1.call-start
scs
__scs_entry_jumppad:
0x0: {  	(pc) =	sbr.rel $0x88, $3  }
0x1: {  	(tag) =	ssettag $0x0;
	lr =	simm.s32 $0x1  }
0x2: {  	[smem:$0x3F8C] =	sst lr;
	_ =	strace $0xD0000000  }
0x3: {  	_ = 	snop  }
0x4: {  	_ = 	snop  }
0x5: {  	_ = 	snop  }
0x6: {  	_ = 	snop  }
0x7: {  	_ = 	snop  }
__scs_overlays_trampoline_lowered:
0x8: {  	[smem:$0x3F9B] =	sst s0  }
0x9: {  	[smem:$0x3F9C] =	sst s1  }
0xa: {  	[smem:$0x3F9D] =	sst s2  }
0xb: {  	[smem:$0x3F9E] =	sst s3  }
0xc: {  	[smem:$0x3F9F] =	sst s4  }
0xd: {  	[smem:$0x3FA0] =	sst s5  }
0xe: {  	[smem:$0x3FA1] =	sst s6  }
0xf: {  	[smem:$0x3FA2] =	sst s7  }
0x10: {  	[smem:$0x3FA3] =	sst s8  }
0x11: {  	[smem:$0x3FA4] =	sst s9;
	s0 =	simm.s32 @!p0 $0x0  }
0x12: {  	s1 =	sld [smem:$0x3F8A];
	s0 =	simm.s32 @p0 $0x1  }
0x13: {  	[smem:$0x3FA5] =	sst s0;
	s0 =	simm.s32 @!p1 $0x0  }
0x14: {  	s2 =	sld [smem:$0x3F89];
	s0 =	simm.s32 @p1 $0x1  }
0x15: {  	[smem:$0x3FA6] =	sst s0;
	s0 =	simm.s32 @!p2 $0x0  }
0x16: {  	s3 =	sld [smem:$0x3FDB];
	s0 =	simm.s32 @p2 $0x1  }
0x17: {  	s4 =	simm.s32 $0x1BF5;
	[smem:$0x3FA8] =	sst s0  }
0x18: {  	s0 =	sld [smem:$0x3F8B];
	_ =	swait.ge [sflag:s4], $0x0  }
0x19: {  	s7 =	sld [smem:$0x3F8C]  }
0x1a: {  	s8 =	sadd.s32 $0xFFFFE003, lr  }
0x1b: {  	s9 =	sadd.s32 $0xFFFFFEF7, lr;
	s5 =	simm.s32 $0xFFFFFFFF;
	p2 =	slt.u32 s8, $0xFFFFF086  }
0x1c: {  	p1 =	slt.u32 s9, $0xF7A;
	s5 =	simm.s32 @!p2 $0x0  }
0x1d: {  	s5 =	simm.s32 @p1 $0x1;
	p0 =	seq.s32 s7, s2  }
0x1e: {  	s7 =	smul.u32 @!p0 $0xF7A, s2;
	p2 =	seq.s32 @!p0 s5, $0x0  }
0x1f: {  	s9 =	smul.u32 $0xF7A, s1;
	s8 =	simm.s32 @!p0 $0x1BF5;
	p2 =	por !p2, p0  }
0x20: {  	[sflag:s8] =	ssyncset.s32 @!p0 $0xFFFFF086;
	s6 =	sadd.s32 @!p0 s3, s7;
	s7 =	simm.s32 @!p0 $0x108  }
0x21: {  	s3 =	sadd.s32 s3, s9;
	s6 =	sadd.s32 @!p0 $0x88, s6;
	s7 =	simm.s32 @p2 $0x1082  }
0x22: {  	[simem:s7], [sflag:s8] =	dma.local @!p0 [hbm:s6], $0xF7A  }
0x23: {  	s9 =	sor.u32 $0xD0000000, s2;
	s6 =	simm.s32 $0x108;
	_ =	swait.ge @!p0 [sflag:s8], $0x0  }
0x24: {  	s3 =	sadd.s32 $0x88, s3;
	s6 =	simm.s32 @!p1 $0x1082;
	[sflag:s4] =	ssyncset.s32 $0xFFFFF086  }
0x25: {  	[simem:s6], [sflag:s4] =	dma.local [hbm:s3], $0xF7A  }
0x26: {  	[smem:$0x3F8C] =	sst s1;
	(tag) =	ssettag s2;
	_ =	strace s9  }
0x27: {  	s1 =	sld [smem:$0x3F9C]  }
0x28: {  	s2 =	sld [smem:$0x3F9D]  }
0x29: {  	s4 =	sld [smem:$0x3F9F]  }
0x2a: {  	p0 =	seq.s32 s5, $0x0;
	s5 =	sld [smem:$0x3FA0]  }
0x2b: {  	s6 =	sld [smem:$0x3FA1]  }
0x2c: {  	s7 =	sld [smem:$0x3FA2]  }
0x2d: {  	s3 =	simm.s32 $0x108;
	s8 =	sld [smem:$0x3FA3]  }
0x2e: {  	s3 =	simm.s32 @!p0 $0x1082;
	s9 =	sld [smem:$0x3FA4]  }
0x2f: {  	lr =	sadd.s32 s0, s3;
	s0 =	sld [smem:$0x3F9B]  }
0x30: {  	s3 =	sld [smem:$0x3F9E]  }
0x31: {  	[smem:$0x3FA7] =	sst s10  }
0x32: {  	s10 =	sld [smem:$0x3FA5];
	_ =	sdelay $0x3  }
0x33: {  	p0 =	seq.s32 s10, $0x1;
	s10 =	sld [smem:$0x3FA7];
	_ =	sdelay $0x3  }
0x34: {  	[smem:$0x3FA7] =	sst s10  }
0x35: {  	s10 =	sld [smem:$0x3FA6];
	_ =	sdelay $0x3  }
0x36: {  	p1 =	seq.s32 s10, $0x1;
	s10 =	sld [smem:$0x3FA7];
	_ =	sdelay $0x3  }
0x37: {  	[smem:$0x3FA7] =	sst s10  }
0x38: {  	s10 =	sld [smem:$0x3FA8]  }
0x39: {  	_ = 	snop;
	(pc) =	sbr.ind lr, $3  }
0x3a: {  	_ = 	snop  }
0x3b: {  	_ = 	snop  }
0x3c: {  	p2 =	seq.s32 s10, $0x1;
	s10 =	sld [smem:$0x3FA7]  }
0x3d: {  	_ =	shalt  }
0x3e: {  	_ =	shalt  }
0x3f: {  	_ =	shalt  }
0x40: {  	_ =	shalt  }
0x41: {  	_ =	shalt  }
0x42: {  	_ =	shalt  }
0x43: {  	_ =	shalt  }
0x44: {  	_ =	shalt  }
0x45: {  	_ =	shalt  }
0x46: {  	_ =	shalt  }
0x47: {  	_ =	shalt  }
0x48: {  	_ =	shalt  }
0x49: {  	_ =	shalt  }
0x4a: {  	_ =	shalt  }
0x4b: {  	_ =	shalt  }
0x4c: {  	_ =	shalt  }
0x4d: {  	_ =	shalt  }
0x4e: {  	_ =	shalt  }
0x4f: {  	_ =	shalt  }
0x50: {  	_ =	shalt  }
0x51: {  	_ =	shalt  }
0x52: {  	_ =	shalt  }
0x53: {  	_ =	shalt  }
0x54: {  	_ =	shalt  }
0x55: {  	_ =	shalt  }
0x56: {  	_ =	shalt  }
0x57: {  	_ =	shalt  }
0x58: {  	_ =	shalt  }
0x59: {  	_ =	shalt  }
0x5a: {  	_ =	shalt  }
0x5b: {  	_ =	shalt  }
0x5c: {  	_ =	shalt  }
0x5d: {  	_ =	shalt  }
0x5e: {  	_ =	shalt  }
0x5f: {  	_ =	shalt  }
0x60: {  	_ =	shalt  }
0x61: {  	_ =	shalt  }
0x62: {  	_ =	shalt  }
0x63: {  	_ =	shalt  }
0x64: {  	_ =	shalt  }
0x65: {  	_ =	shalt  }
0x66: {  	_ =	shalt  }
0x67: {  	_ =	shalt  }
0x68: {  	_ =	shalt  }
0x69: {  	_ =	shalt  }
0x6a: {  	_ =	shalt  }
0x6b: {  	_ =	shalt  }
0x6c: {  	_ =	shalt  }
0x6d: {  	_ =	shalt  }
0x6e: {  	_ =	shalt  }
0x6f: {  	_ =	shalt  }
0x70: {  	_ =	shalt  }
0x71: {  	_ =	shalt  }
0x72: {  	_ =	shalt  }
0x73: {  	_ =	shalt  }
0x74: {  	_ =	shalt  }
0x75: {  	_ =	shalt  }
0x76: {  	_ =	shalt  }
0x77: {  	_ =	shalt  }
0x78: {  	_ =	shalt  }
0x79: {  	_ =	shalt  }
0x7a: {  	_ =	shalt  }
0x7b: {  	_ =	shalt  }
0x7c: {  	_ =	shalt  }
0x7d: {  	_ =	shalt  }
0x7e: {  	_ =	shalt  }
0x7f: {  	_ =	shalt  }
0x80: {  	_ =	shalt  }
0x81: {  	_ =	shalt  }
0x82: {  	_ =	shalt  }
0x83: {  	_ =	shalt  }
0x84: {  	_ =	shalt  }
0x85: {  	_ =	shalt  }
0x86: {  	_ =	shalt  }
0x87: {  	_ =	shalt  }
.Lfunc_end0:
.L_simem_size_0:
called_computation.1_lowered:
.L_overlay_start_0:
0x88: {  	s2 =	sld [smem:$0x3FD9]  }
0x89: {  	s3 =	sld [smem:$0x3FFE];
	_ =	sdelay $0x1  }
0x8a: {  	s1 =	srdreg.scid  }
0x8b: {  	s0 =	sand.u32 $0x1, s1  }
0x8c: {  	s14 =	sshll.u32 s0, $0xA;
	s2 =	sadd.s32 s3, s2  }
0x8d: {  	s2 =	sadd.s32 s2, s14  }
0x8e: {  	[smem:$0x3FB3] =	sst s2  }
0x8f: {  	_ = 	snop  }
0x90: {  	s2 =	sld [smem:$0x3FD0];
	_ =	sdelay $0x2  }
0x91: {  	s15 =	simm.s32 $0xA;
	s4 =	simm.s32 $0x10  }
0x92: {  	[smem:s4], [sflag:s15] =	dma.local [hbm:s2], $0x1  }
0x93: {  	_ =	swait.eq [sflag:s15], $0x1  }
0x94: {  	[sflag:s15] =	ssyncset.done $0x0  }
0x95: {  	[sflag:s15] =	ssyncadd.s32 $0xFFFFFFFF  }
0x96: {  	s16 =	sld [smem:$0x10];
	(tm) =	ssettm $0x1  }
0x97: {  	s17 =	sld [smem:$0x3FFB];
	_ =	sdelay $0x3  }
0x98: {  	_ =	strace s17  }
0x99: {  	s3 =	sld [smem:$0x3FFC];
	_ =	sdelay $0x3  }
0x9a: {  	_ =	strace s3  }
0x9b: {  	s3 =	sld [smem:$0x3FFD];
	_ =	sdelay $0x3  }
0x9c: {  	_ =	strace s3  }
0x9d: {  	_ =	strace $0x8FFFFFFF  }
0x9e: {  	s18 =	sld [smem:$0x3FDB];
	_ =	sdelay $0x1  }
0x9f: {  	s19 =	simm.s32 $_scs_section_size  }
0xa0: {  	s5 =	simm.s32 $_size__tile_overlayer_lowered;
	s6 =	simm.s32 $_tile_overlayer_lowered  }
0xa1: {  	s22 =	simm.s32 $0x1BFF;
	s21 =	sshll.u32 s6, $0x1;
	s3 =	sadd.s32 s19, s18  }
0xa2: {  	s7 =	simm.s32 $0x0;
	s20 =	sshll.u32 s5, $0x1;
	s5 =	sadd.s32 s21, s3  }
0xa3: {  	[timem:s7], [sflag:s22] =	dma.local [hbm:s5], s20  }
0xa4: {  	_ =	swait.ge [sflag:s22], s20  }
0xa5: {  	s4 =	ssub.s32 $0x0, s20;
	[sflag:s22] =	ssyncset.done $0x0  }
0xa6: {  	[sflag:s22] =	ssyncadd.s32 s4;
	_ =	sdelay $0x1  }
0xa7: {  	s23 =	simm.s32 $0x1B8B  }
0xa8: {  	_ =	swait.ge [sflag:s23], $0x1  }
0xa9: {  	[sflag:s23] =	ssyncset.done $0x0  }
0xaa: {  	s25 =	simm.s32 $0x1B8E;
	s24 =	sld [smem:$0x3FFE];
	[sflag:s23] =	ssyncadd.s32 $0xFFFFFFFF  }
0xab: {  	s26 =	simm.s32 $execute0_lowered;
	[smem:$0x3FD2] =	sst s25  }
0xac: {  	s5 =	sshll.u32 s26, $0x1;
	_ =	strace $0x80000049;
	[dreg:$0x1] =	wrdreg $0xFFFFFFFF  }
0xad: {  	s28 =	simm.s32 $_size_execute0_lowered;
	s3 =	sadd.s32 s3, s5;
	[dreg:$0x0] =	wrdreg $0x0  }
0xae: {  	s5 =	sshll.u32 s28, $0x1;
	[dreg:$0x2] =	wrdreg s3  }
0xaf: {  	[dreg:$0x3] =	wrdreg s5  }
0xb0: {  	[dreg:$0x4] =	wrdreg $0xC0  }
0xb1: {  	_ =	task [dreg:s7], $0x5FFFF  }
0xb2: {  	[dreg:$0x1] =	wrdreg $0xFFFFFFFF  }
0xb3: {  	[dreg:$0x0] =	wrdreg $0x60  }
0xb4: {  	[dreg:$0x2] =	wrdreg s24  }
0xb5: {  	[dreg:$0x3] =	wrdreg s16  }
0xb6: {  	[dreg:$0x4] =	wrdreg $0x6D000  }
0xb7: {  	[dreg:$0x5] =	wrdreg $0x1AD000  }
0xb8: {  	[dreg:$0x6] =	wrdreg $0x9  }
0xb9: {  	_ =	task.clear_ibuf [dreg:s7], $0x7FFFF;
	_ =	strace $0x90000049  }
0xba: {  	s29 =	simm.s32 $0x9;
	_ =	strace $0x8000004B  }
0xbb: {  	_ =	swait.ge [sflag:s29], $0x1  }
0xbc: {  	[sflag:s29] =	ssyncadd.s32 $0xFFFFFFFF  }
0xbd: {  	_ =	strace $0x9000004B  }
0xbe: {  	_ =	sfence  }
0xbf: {  	s30 =	sld [smem:$0x0];
	_ =	sdelay $0x2  }
0xc0: {  	s31 =	sshll.u32 s1, $0xD;
	s1 =	sshrl.u32 s1, $0x2  }
0xc1: {  	s3 =	sand.u32 $0x4000, s31;
	s1 =	sadd.s32 s1, s30  }
0xc2: {  	s0 =	sor.u32 s3, s0;
	s1 =	sshll.u32 s1, $0x11  }
0xc3: {  	s0 =	sor.u32 s1, s0  }
0xc4: {  	s0 =	sadd.s32 $0x8F2B, s0  }
0xc5: {  	[sflag:s0] =	ssyncadd.remote.s32 $0x1  }
0xc6: {  	_ =	sfence.sel $0xFFFF  }
0xc7: {  	[dreg:$0x0] =	wrdreg $0xFFFFFFFF;
	(pc) =	sbr.abs _section_cstart, $3  }
0xc8: {  	[dreg:$0x1] =	wrdreg $0xFFFFFFFF  }
0xc9: {  	_ =	task.clear_ibuf [dreg:s7], $0x2FFFF;
	_ =	strace $0x9FFFFFFF  }
0xca: {  	(tm) =	ssettm $0x7FFFFFFF  }
0xcb: {  	_ =	shalt  }
tec
execute0_lowered:
.L_overlay_start_1:
0x0: {  	(tag) =	ssettag $0x1  }
0x1: {  	s0 =	rddreg [dreg:$0x0]  }
0x2: {  	s2 =	rddreg [dreg:$0x1]  }
0x3: {  	s1 =	rddreg [dreg:$0x2]  }
0x4: {  	s15 =	rddreg [dreg:$0x3];
	s4 =	simm.s32 $0x0  }
0x5: {  	s16 =	stileid.u32;
	s6 =	srdreg.scid;
	s28 =	simm.s32 $0x9  }
0x6: {  	s30 =	simm.s32 $0x1;
	s17 =	sadd.s32 $0x605800, s0;
	s18 =	sadd.s32 $0x885800, s0  }
0x7: {  	s31 =	simm.s32 $0x7;
	s3 =	smul.u32 $0x14000, s16;
	s19 =	sadd.s32 $0xB05800, s0  }
0x8: {  	[smem:$0x7FF] =	sst s4;
	s5 =	smul.u32 $0x1400, s16;
	s8 =	sadd.s32 $0x5DD600, s0  }
0x9: {  	s6 =	sand.u32 $0x1, s6;
	_ =	strace $0x8000004A;
	[dreg:$0x6] =	wrdreg s18  }
0xa: {  	s9 =	sadd.s32 $0x6600, s0;
	s11 =	ssub.s32 $0x2, s6;
	[dreg:$0x5] =	wrdreg s17  }
0xb: {  	[dreg:$0x7] =	wrdreg s19;
	p0 =	sne.s32 s6, $0x0;
	s7 =	sshrl.u32 s3, $0x3  }
0xc: {  	s10 =	sshrl.u32 s5, $0x3;
	s13 =	sshrl.u32 s11, $0x1;
	s3 =	sadd.s32 s3, s1  }
0xd: {  	s12 =	sadd.s32 s7, s0;
	s14 =	ssub.s32 s11, s13;
	[dreg:$0x8] =	wrdreg s3  }
0xe: {  	s11 =	smul.u32 $0x2800, s16;
	s29 =	sadd.s32 s2, s7;
	s7 =	sshll.u32 s16, $0x6  }
0xf: {  	s13 =	smul.u32 $0x28000, s16;
	s16 =	sadd.s32 s5, s15;
	[dreg:$0x9] =	wrdreg s29  }
0x10: {  	v3 =	vlaneseq.u32;
	s0 =	sadd.s32 s10, s0;
	s2 =	sadd.s32 s2, s10;
	[dreg:$0xb] =	wrdreg s16  }
0x11: {  	v0 =	vmul.u32 $0x8, v3;
	v1 =	vmul.u32 $0x80, v3;
	s3 =	simm.s32 $0x40;
	[dreg:$0xc] =	wrdreg s2;
	s24 =	sadd.s32 $0x88600, s12  }
0x12: {  	v2 =	vimm.f32 $0.0e+00;
	v9 =	vimm.f32 $1.000000000e+00;
	s10 =	simm.s32 $0x4D00;
	s25 =	sadd.s32 $0x60600, s12;
	[dreg:$0x12] =	wrdreg s24  }
0x13: {  	v3 =	vmul.u32 $0x10, v3;
	v4 =	vor.u32 $0x1, v0;
	v5 =	vor.u32 $0x1, v1;
	s5 =	simm.s32 $0x2;
	s0 =	sadd.s32 $0xB600, s0;
	[dreg:$0x13] =	wrdreg s25  }
0x14: {  	v6 =	vor.u32 $0x2, v0;
	v7 =	vor.u32 $0x2, v1;
	v8 =	vor.u32 $0x3, v1;
	s15 =	simm.s32 $0x8;
	s26 =	smax.u32 s14, $0x1;
	[dreg:$0x14] =	wrdreg s0  }
0x15: {  	v10 =	vor.u32 $0x100, v3;
	v11 =	vor.u32 $0x80, v0;
	v12 =	vor.u32 $0x800, v1;
	s7 =	sor.u32 $0x1C09, s7;
	s16 =	simm.s32 $0x6;
	[dreg:$0x15] =	wrdreg s26  }
0x16: {  	v13 =	vor.u32 $0x81, v0;
	v14 =	vor.u32 $0x801, v1;
	v15 =	vor.u32 $0x82, v0;
	s18 =	sadd.s32 s18, s13;
	s20 =	sadd.s32 s17, s13;
	[dreg:$0xa] =	wrdreg s7  }
0x17: {  	v16 =	vor.u32 $0x802, v1;
	v17 =	vor.u32 $0x803, v1;
	v18 =	vor.u32 $0x200, v3;
	s21 =	sshrl.u32 s11, $0x3;
	s22 =	sadd.s32 s19, s13;
	[dreg:$0xd] =	wrdreg s18  }
.Ltmp0:
0x18: {  	v19 =	vor.u32 $0x100, v0;
	v20 =	vor.u32 $0x1000, v1;
	v21 =	vor.u32 $0x101, v0;
	s23 =	sadd.s32 s8, s11;
	[dreg:$0xe] =	wrdreg s20;
	(pc) =	sbr.rel .LBB2_1-.Ltmp0, $4  }
0x19: {  	v22 =	vor.u32 $0x1001, v1;
	v23 =	vor.u32 $0x102, v0;
	v24 =	vor.u32 $0x1002, v1;
	s29 =	sor.u32 $0x80, s11;
	s24 =	simm.s32 $0x4800;
	[dreg:$0xf] =	wrdreg s22  }
0x1a: {  	v25 =	vor.u32 $0x1003, v1;
	v26 =	vor.u32 $0x300, v3;
	v27 =	vor.u32 $0x180, v0;
	s19 =	simm.s32 $0x4400;
	[dreg:$0x10] =	wrdreg s23;
	s2 =	sadd.s32 s9, s21  }
0x1b: {  	v28 =	vor.u32 $0x1800, v1;
	v29 =	vor.u32 $0x181, v0;
	v30 =	vor.u32 $0x1801, v1;
	[dreg:$0x16] =	wrdreg s29;
	s22 =	simm.s32 $0x4C80;
	s23 =	simm.s32 $0x4000  }
0x1c: {  	v31 =	vor.u32 $0x182, v0;
	v32 =	vor.u32 $0x1802, v1;
	v33 =	vor.u32 $0x1803, v1;
	s20 =	simm.s32 $0x4A00;
	[dreg:$0x11] =	wrdreg s2;
	s2 =	simm.s32 $0x0  }
.LBB2_17:
0x1d: {  	[bflag:$0x0] =	sbarrier.arrive $0xFFFF  }
0x1e: {  	s7 =	rddreg [dreg:$0xa]  }
0x1f: {  	s0 =	rddreg [dreg:$0x12]  }
0x20: {  	s2 =	rddreg [dreg:$0x18]  }
0x21: {  	[hbm:s0], [sflag:s7] =	dma.local [spmem:s2], $0x2800  }
0x22: {  	_ =	swait.ge [sflag:s28], $0x2800  }
0x23: {  	[sflag:s28] =	ssyncset.done $0x0  }
0x24: {  	s2 =	rddreg [dreg:$0x17];
	[sflag:s28] =	ssyncadd.s32 $0xFFFFD800  }
.LBB2_18:
0x25: {  	s2 =	sadd.s32 $0x1, s2;
	s0 =	rddreg [dreg:$0x15]  }
0x26: {  	p1 =	sne.s32 s2, s0  }
.Ltmp1:
0x27: {  	_ = 	snop;
	(pc) =	sbr.rel @!p1 .LBB2_19-.Ltmp1, $1  }
0x28: {  	_ =	sdelay $0x3  }
.LBB2_1:
0x29: {  	[dreg:$0x17] =	wrdreg s2  }
0x2a: {  	s0 =	rddreg [dreg:$0x8]  }
0x2b: {  	s21 =	rddreg [dreg:$0x9];
	s18 =	sshrl.u32 s0, $0x3  }
0x2c: {  	[dreg:$0x18] =	wrdreg s18  }
0x2d: {  	[spmem:s18], [sflag:s7] =	dma.local [hbm:s21], $0x2800  }
0x2e: {  	_ =	swait.ge [sflag:s28], $0x2800  }
0x2f: {  	s25 =	rddreg [dreg:$0xb]  }
0x30: {  	[sflag:s28] =	ssyncset.done $0x0;
	s29 =	rddreg [dreg:$0xc];
	s26 =	sshrl.u32 s25, $0x3  }
0x31: {  	[sflag:s28] =	ssyncadd.s32 $0xFFFFD800;
	[dreg:$0x19] =	wrdreg s26  }
0x32: {  	[spmem:s26], [sflag:s7] =	dma.local [hbm:s29], $0x280  }
0x33: {  	_ =	swait.ge [sflag:s28], $0x280  }
0x34: {  	[sflag:s28] =	ssyncset.done $0x0  }
0x35: {  	s2 =	simm.s32 $0x200;
	s0 =	simm.s32 $0x0;
	[sflag:s28] =	ssyncadd.s32 $0xFFFFFD80  }
.LBB2_2:
0x36: {  	p1 =	sne.s32 s2, $0x7E00;
	[tilespmem:s0+$0x4D70] =	vst v2  }
0x37: {  	[tilespmem:s0+$0x4D00] =	vst v2  }
0x38: {  	[tilespmem:s0+$0x4D10] =	vst v2  }
.Ltmp2:
0x39: {  	[tilespmem:s0+$0x4D20] =	vst v2;
	(pc) =	sbr.rel @p1 .LBB2_2-.Ltmp2, $4  }
0x3a: {  	[tilespmem:s0+$0x4D30] =	vst v2  }
0x3b: {  	[tilespmem:s0+$0x4D40] =	vst v2  }
0x3c: {  	[tilespmem:s0+$0x4D50] =	vst v2  }
0x3d: {  	[tilespmem:s0+$0x4D60] =	vst v2;
	s0 =	sshra.s32 s2, $0x2;
	s2 =	sadd.s32 $0x200, s2  }
0x3e: {  	[tilespmem:s0+$0x4D70] =	vst v2  }
0x3f: {  	[tilespmem:s0+$0x4D00] =	vst v2  }
0x40: {  	[tilespmem:s0+$0x4D10] =	vst v2  }
0x41: {  	[tilespmem:s0+$0x4D20] =	vst v2  }
0x42: {  	[tilespmem:s0+$0x4D30] =	vst v2  }
0x43: {  	[tilespmem:s0+$0x4D40] =	vst v2  }
0x44: {  	[tilespmem:s0+$0x4D50] =	vst v2  }
0x45: {  	[tilespmem:s0+$0x4D60] =	vst v2  }
0x46: {  	[bflag:$0x0] =	sbarrier.arrive $0xFFFF  }
0x47: {  	s0 =	rddreg [dreg:$0xd]  }
0x48: {  	s25 =	rddreg [dreg:$0x11]  }
0x49: {  	s29 =	rddreg [dreg:$0x6]  }
0x4a: {  	s2 =	simm.s32 @p0 $0x0;
	s12 =	rddreg [dreg:$0x16]  }
0x4b: {  	[tilespmem:s2], [sflag:$0x1] =	stream.linear.gather @p0 [hbm4b:s0+s2], $0x2000, $0x38;
	[tilespmem:$0x1C100] =	vst v63  }
0x4c: {  	s14 =	simm.s32 @!p0 $0x0;
	s7 =	simm.s32 @!p0 $0x10;
	s0 =	rddreg [dreg:$0xe]  }
0x4d: {  	[tilespmem:s14], [sflag:$0x1] =	stream.linear.gather @!p0 [hbm4b:s0+s14], $0x2000, $0x38;
	[tilespmem:$0x1C100] =	vst v63  }
0x4e: {  	s6 =	simm.s32 @!p0 $0x80;
	s2 =	rddreg [dreg:$0xf];
	s0 =	simm.s32 @!p0 $0x4000  }
0x4f: {  	[tilespmem:s0], [sflag:$0x3] =	stream.strided.gather @!p0 [hbm4b:s2+s7], $0x400, s6, s7, $0x38;
	[tilespmem:$0x1C100] =	vst v63  }
.Ltmp3:
0x50: {  	s0 =	simm.s32 @!p0 $0x4800;
	s2 =	rddreg [dreg:$0x10];
	(pc) =	sbr.rel .LBB2_4-.Ltmp3, $4  }
0x51: {  	[tilespmem:s0], [sflag:$0x5] =	stream.linear.gather @!p0 [hbm4b:s2+s14], $0x200, $0x38;
	[tilespmem:$0x1C100] =	vst v63  }
0x52: {  	s17 =	simm.s32 $0x0;
	s2 =	rddreg [dreg:$0x5]  }
0x53: {  	s26 =	simm.s32 $0x4C00;
	s21 =	simm.s32 $0x4F;
	s0 =	rddreg [dreg:$0x7]  }
0x54: {  	[tilespmem:s26], [sflag:$0x7] =	stream.linear.gather [hbm4b:s25+s17], $0x40, $0x38;
	[tilespmem:$0x1C100] =	vst v63  }
.LBB2_13:
0x55: {  	s21 =	sadd.s32 $0xFFFFFFFF, s21;
	s12 =	sadd.s32 $0x80, s12  }
0x56: {  	s0 =	sadd.s32 $0x800, s0;
	s2 =	sadd.s32 $0x800, s2;
	s29 =	sadd.s32 $0x800, s29  }
.LBB2_4:
0x57: {  	_ =	swait.ge [sflag:s30], $0x2000  }
0x58: {  	[sflag:s30] =	ssyncset.done $0x0  }
0x59: {  	[sflag:s30] =	ssyncadd.s32 $0xFFFFE000  }
0x5a: {  	_ =	swait.ge [sflag:s31], $0x40  }
0x5b: {  	s18 =	sadd.s32 @p0 s29, s13;
	s26 =	simm.s32 @p0 $0x2000;
	[sflag:s31] =	ssyncset.done $0x0  }
0x5c: {  	s7 =	simm.s32 @p0 $0x0;
	s18 =	sadd.s32 @p0 $0x400, s18;
	[sflag:s31] =	ssyncadd.s32 $0xFFFFFFC0  }
0x5d: {  	[tilespmem:s26], [sflag:$0x2] =	stream.linear.gather @p0 [hbm4b:s18+s7], $0x2000, $0x38;
	[tilespmem:$0x1C100] =	vst v63  }
0x5e: {  	s18 =	simm.s32 @!p0 $0x3  }
0x5f: {  	_ =	swait.ge @!p0 [sflag:s18], $0x400  }
0x60: {  	[sflag:s18] =	ssyncset.done @!p0 $0x0  }
0x61: {  	[sflag:s18] =	ssyncadd.s32 @!p0 $0xFFFFFC00;
	s18 =	simm.s32 @!p0 $0x5  }
0x62: {  	_ =	swait.ge @!p0 [sflag:s18], $0x200  }
0x63: {  	s25 =	simm.s32 @!p0 $0x4400;
	s26 =	sadd.s32 @!p0 s2, s13;
	[sflag:s18] =	ssyncset.done @!p0 $0x0  }
0x64: {  	[sflag:s18] =	ssyncadd.s32 @!p0 $0xFFFFFE00;
	s18 =	sadd.s32 @!p0 $0x400, s26;
	s26 =	simm.s32 @!p0 $0x2000  }
0x65: {  	[tilespmem:s26], [sflag:$0x2] =	stream.linear.gather @!p0 [hbm4b:s18+s14], $0x2000, $0x38;
	[tilespmem:$0x1C100] =	vst v63  }
0x66: {  	s6 =	simm.s32 @!p0 $0x80;
	s18 =	sshll.u32 s17, $0x7;
	s26 =	sadd.s32 @!p0 s0, s13  }
0x67: {  	s7 =	simm.s32 @!p0 $0x10;
	s18 =	sadd.s32 @p0 s18, s11;
	s26 =	sadd.s32 @!p0 $0x400, s26  }
0x68: {  	[tilespmem:s25], [sflag:$0x4] =	stream.strided.gather @!p0 [hbm4b:s26+s7], $0x400, s6, s7, $0x38;
	[tilespmem:$0x1C100] =	vst v63  }
0x69: {  	s18 =	sadd.s32 @p0 $0x40, s18;
	s25 =	sadd.s32 @!p0 s12, s8;
	s26 =	sadd.s32 @!p0 $0xFFFFFFC0, s12  }
0x6a: {  	s7 =	simm.s32 @!p0 $0x4A00;
	s25 =	sadd.s32 @!p0 $0xFFFFFFC0, s25;
	s26 =	smov.u32 @p0 s18  }
0x6b: {  	[tilespmem:s7], [sflag:$0x6] =	stream.linear.gather @!p0 [hbm4b:s25+s14], $0x200, $0x38;
	[tilespmem:$0x1C100] =	vst v63  }
0x6c: {  	s25 =	sshrl.u32 s26, $0x3  }
0x6d: {  	s26 =	simm.s32 $0x4C40;
	s7 =	sadd.s32 s9, s25  }
0x6e: {  	[tilespmem:s26], [sflag:$0x8] =	stream.linear.gather [hbm4b:s7+s4], $0x40, $0x38;
	[tilespmem:$0x1C100] =	vst v63  }
0x6f: {  	v34 =	vld [tilespmem:$0x4C00]  }
0x70: {  	v35 =	vld [tilespmem:$0x4C10]  }
0x71: {  	v36 =	vld [tilespmem:$0x4C20]  }
0x72: {  	v37 =	vld [tilespmem:$0x4C30];
	_ =	sdelay $0x1  }
0x73: {  	[tilespmem:$0x4C80] =	vst v34  }
0x74: {  	[tilespmem:$0x4C90] =	vst v35  }
0x75: {  	[tilespmem:$0x4CA0] =	vst v36  }
.Ltmp4:
0x76: {  	[tilespmem:$0x4CB0] =	vst v37;
	(pc) =	sbr.rel @p0 .LBB2_7-.Ltmp4, $4  }
0x77: {  	[spmem:s1] =	stream.indirect.scatter.add.f32 [tilespmem:s4], [sflag:$0x9], $0x80, s22, s3, $0xb8;
	[tilespmem:$0x1C100] =	vst v63  }
0x78: {  	_ =	swait.ge [sflag:s28], $0x2000  }
0x79: {  	[sflag:s28] =	ssyncset.done $0x0  }
0x7a: {  	[sflag:s28] =	ssyncadd.s32 $0xFFFFE000  }
0x7b: {  	v34 =	vld [tilespmem:$0x4C00];
	_ =	sdelay $0x4  }
0x7c: {  	v35 =	vshra.s32 v34, $0x4  }
0x7d: {  	[tilespmem:$0x4CC0] =	vst v35  }
0x7e: {  	v35 =	vld.idx.msk [tilespmem:v3+s23+$0x0], $0xffff  }
0x7f: {  	v34 =	vshll.u32 v34, $0x3;
	v36 =	vld.idx.msk [tilespmem:v0+s24+$0x0], $0xffff  }
0x80: {  	v34 =	vand.u32 $0x78, v34  }
0x81: {  	v37 =	vor.u32 v1, v34;
	_ =	sdelay $0x2  }
0x82: {  	v36 =	vmul.f32 v36, v35;
	_ =	sdelay $0x1  }
0x83: {  	[tilespmem:v37+s10+$0x0] =	vst.idx.msk $0xffff, v36  }
0x84: {  	v36 =	vld.idx.msk [tilespmem:v4+s24+$0x0], $0xffff;
	_ =	sdelay $0x1  }
0x85: {  	v58 =	vor.u32 v5, v34;
	_ =	sdelay $0x2  }
0x86: {  	v36 =	vmul.f32 v36, v35;
	_ =	sdelay $0x1  }
0x87: {  	[tilespmem:v58+s10+$0x0] =	vst.idx.msk $0xffff, v36  }
0x88: {  	v36 =	vld.idx.msk [tilespmem:v6+s24+$0x0], $0xffff;
	_ =	sdelay $0x1  }
0x89: {  	v59 =	vor.u32 v7, v34  }
0x8a: {  	v34 =	vor.u32 v8, v34;
	_ =	sdelay $0x1  }
0x8b: {  	v35 =	vmul.f32 v36, v35;
	_ =	sdelay $0x1  }
0x8c: {  	[tilespmem:v59+s10+$0x0] =	vst.idx.msk $0xffff, v35  }
0x8d: {  	[tilespmem:v34+s10+$0x0] =	vst.idx.msk $0xffff, v9  }
0x8e: {  	v34 =	vld [tilespmem:$0x4C10];
	_ =	sdelay $0x4  }
0x8f: {  	v60 =	vshra.s32 v34, $0x4  }
0x90: {  	[tilespmem:$0x4CD0] =	vst v60  }
0x91: {  	v35 =	vld.idx.msk [tilespmem:v10+s23+$0x0], $0xffff  }
0x92: {  	v34 =	vshll.u32 v34, $0x3;
	v61 =	vld.idx.msk [tilespmem:v11+s24+$0x0], $0xffff  }
0x93: {  	v34 =	vand.u32 $0x78, v34  }
0x94: {  	v62 =	vor.u32 v12, v34;
	_ =	sdelay $0x2  }
0x95: {  	v36 =	vmul.f32 v61, v35;
	_ =	sdelay $0x1  }
0x96: {  	[tilespmem:v62+s10+$0x0] =	vst.idx.msk $0xffff, v36  }
0x97: {  	v36 =	vld.idx.msk [tilespmem:v13+s24+$0x0], $0xffff;
	_ =	sdelay $0x1  }
0x98: {  	v63 =	vor.u32 v14, v34;
	_ =	sdelay $0x2  }
0x99: {  	v36 =	vmul.f32 v36, v35;
	_ =	sdelay $0x1  }
0x9a: {  	[tilespmem:v63+s10+$0x0] =	vst.idx.msk $0xffff, v36  }
0x9b: {  	v36 =	vld.idx.msk [tilespmem:v15+s24+$0x0], $0xffff;
	_ =	sdelay $0x1  }
0x9c: {  	v40 =	vor.u32 v16, v34  }
0x9d: {  	v34 =	vor.u32 v17, v34;
	_ =	sdelay $0x1  }
0x9e: {  	v35 =	vmul.f32 v36, v35;
	_ =	sdelay $0x1  }
0x9f: {  	[tilespmem:v40+s10+$0x0] =	vst.idx.msk $0xffff, v35  }
0xa0: {  	[tilespmem:v34+s10+$0x0] =	vst.idx.msk $0xffff, v9  }
0xa1: {  	v34 =	vld [tilespmem:$0x4C20];
	_ =	sdelay $0x4  }
0xa2: {  	v41 =	vshra.s32 v34, $0x4  }
0xa3: {  	[tilespmem:$0x4CE0] =	vst v41  }
0xa4: {  	v35 =	vld.idx.msk [tilespmem:v18+s23+$0x0], $0xffff  }
0xa5: {  	v34 =	vshll.u32 v34, $0x3;
	v42 =	vld.idx.msk [tilespmem:v19+s24+$0x0], $0xffff  }
0xa6: {  	v34 =	vand.u32 $0x78, v34  }
0xa7: {  	v43 =	vor.u32 v20, v34;
	_ =	sdelay $0x2  }
0xa8: {  	v36 =	vmul.f32 v42, v35;
	_ =	sdelay $0x1  }
0xa9: {  	[tilespmem:v43+s10+$0x0] =	vst.idx.msk $0xffff, v36  }
0xaa: {  	v36 =	vld.idx.msk [tilespmem:v21+s24+$0x0], $0xffff;
	_ =	sdelay $0x1  }
0xab: {  	v44 =	vor.u32 v22, v34;
	_ =	sdelay $0x2  }
0xac: {  	v36 =	vmul.f32 v36, v35;
	_ =	sdelay $0x1  }
0xad: {  	[tilespmem:v44+s10+$0x0] =	vst.idx.msk $0xffff, v36  }
0xae: {  	v36 =	vld.idx.msk [tilespmem:v23+s24+$0x0], $0xffff;
	_ =	sdelay $0x1  }
0xaf: {  	v45 =	vor.u32 v24, v34  }
0xb0: {  	v34 =	vor.u32 v25, v34;
	_ =	sdelay $0x1  }
0xb1: {  	v35 =	vmul.f32 v36, v35;
	_ =	sdelay $0x1  }
0xb2: {  	[tilespmem:v45+s10+$0x0] =	vst.idx.msk $0xffff, v35  }
0xb3: {  	[tilespmem:v34+s10+$0x0] =	vst.idx.msk $0xffff, v9  }
0xb4: {  	v34 =	vld [tilespmem:$0x4C30];
	_ =	sdelay $0x4  }
0xb5: {  	v46 =	vshra.s32 v34, $0x4  }
0xb6: {  	[tilespmem:$0x4CF0] =	vst v46  }
0xb7: {  	v35 =	vld.idx.msk [tilespmem:v26+s23+$0x0], $0xffff  }
0xb8: {  	v34 =	vshll.u32 v34, $0x3;
	v47 =	vld.idx.msk [tilespmem:v27+s24+$0x0], $0xffff  }
0xb9: {  	v34 =	vand.u32 $0x78, v34  }
0xba: {  	v48 =	vor.u32 v28, v34;
	_ =	sdelay $0x2  }
0xbb: {  	v36 =	vmul.f32 v47, v35;
	_ =	sdelay $0x1  }
0xbc: {  	[tilespmem:v48+s10+$0x0] =	vst.idx.msk $0xffff, v36  }
0xbd: {  	v36 =	vld.idx.msk [tilespmem:v29+s24+$0x0], $0xffff;
	_ =	sdelay $0x1  }
0xbe: {  	v49 =	vor.u32 v30, v34;
	_ =	sdelay $0x2  }
0xbf: {  	v36 =	vmul.f32 v36, v35;
	_ =	sdelay $0x1  }
0xc0: {  	[tilespmem:v49+s10+$0x0] =	vst.idx.msk $0xffff, v36  }
0xc1: {  	v36 =	vld.idx.msk [tilespmem:v31+s24+$0x0], $0xffff;
	_ =	sdelay $0x1  }
0xc2: {  	v50 =	vor.u32 v32, v34  }
0xc3: {  	v34 =	vor.u32 v33, v34;
	_ =	sdelay $0x1  }
0xc4: {  	v35 =	vmul.f32 v36, v35;
	_ =	sdelay $0x1  }
0xc5: {  	[tilespmem:v50+s10+$0x0] =	vst.idx.msk $0xffff, v35  }
0xc6: {  	s7 =	rddreg [dreg:$0x3];
	s18 =	simm.s32 $0x4CC0;
	[tilespmem:v34+s10+$0x0] =	vst.idx.msk $0xffff, v9  }
0xc7: {  	[spmem:s7] =	stream.indirect.scatter.add.f32 [tilespmem:s10], [sflag:$0x9], $0x80, s18, s3, $0xb8;
	[tilespmem:$0x1C100] =	vst v63  }
0xc8: {  	_ =	swait.ge [sflag:s28], $0x2000  }
0xc9: {  	[sflag:s28] =	ssyncset.done $0x0  }
0xca: {  	[sflag:s28] =	ssyncadd.s32 $0xFFFFE000  }
0xcb: {  	v51 =	vld [tilespmem:$0x4C00];
	_ =	sdelay $0x4  }
0xcc: {  	v34 =	vshll.u32 v51, $0x3  }
0xcd: {  	v34 =	vand.u32 $0x78, v34  }
0xce: {  	v52 =	vor.u32 v1, v34  }
0xcf: {  	v53 =	vor.u32 v5, v34  }
0xd0: {  	v54 =	vor.u32 v7, v34  }
0xd1: {  	v34 =	vor.u32 v8, v34;
	_ =	sdelay $0x1  }
0xd2: {  	[tilespmem:v52+s10+$0x0] =	vst.idx.msk $0xffff, v2  }
0xd3: {  	[tilespmem:v53+s10+$0x0] =	vst.idx.msk $0xffff, v2  }
0xd4: {  	[tilespmem:v54+s10+$0x0] =	vst.idx.msk $0xffff, v2  }
0xd5: {  	[tilespmem:v34+s10+$0x0] =	vst.idx.msk $0xffff, v2  }
0xd6: {  	v34 =	vld [tilespmem:$0x4C10];
	_ =	sdelay $0x4  }
0xd7: {  	v34 =	vshll.u32 v34, $0x3  }
0xd8: {  	v34 =	vand.u32 $0x78, v34  }
0xd9: {  	v55 =	vor.u32 v12, v34  }
0xda: {  	v56 =	vor.u32 v14, v34  }
0xdb: {  	v57 =	vor.u32 v16, v34  }
0xdc: {  	v34 =	vor.u32 v17, v34;
	_ =	sdelay $0x1  }
0xdd: {  	[tilespmem:v55+s10+$0x0] =	vst.idx.msk $0xffff, v2  }
0xde: {  	[tilespmem:v56+s10+$0x0] =	vst.idx.msk $0xffff, v2  }
0xdf: {  	[tilespmem:v57+s10+$0x0] =	vst.idx.msk $0xffff, v2  }
0xe0: {  	[tilespmem:v34+s10+$0x0] =	vst.idx.msk $0xffff, v2  }
0xe1: {  	v34 =	vld [tilespmem:$0x4C20];
	_ =	sdelay $0x4  }
0xe2: {  	v34 =	vshll.u32 v34, $0x3  }
0xe3: {  	v34 =	vand.u32 $0x78, v34  }
0xe4: {  	v58 =	vor.u32 v20, v34  }
0xe5: {  	v59 =	vor.u32 v22, v34  }
0xe6: {  	v60 =	vor.u32 v24, v34  }
0xe7: {  	v34 =	vor.u32 v25, v34;
	_ =	sdelay $0x1  }
0xe8: {  	[tilespmem:v58+s10+$0x0] =	vst.idx.msk $0xffff, v2  }
0xe9: {  	[tilespmem:v59+s10+$0x0] =	vst.idx.msk $0xffff, v2  }
0xea: {  	[tilespmem:v60+s10+$0x0] =	vst.idx.msk $0xffff, v2  }
0xeb: {  	[tilespmem:v34+s10+$0x0] =	vst.idx.msk $0xffff, v2  }
0xec: {  	v34 =	vld [tilespmem:$0x4C30];
	_ =	sdelay $0x4  }
0xed: {  	v34 =	vshll.u32 v34, $0x3  }
0xee: {  	v34 =	vand.u32 $0x78, v34  }
0xef: {  	v61 =	vor.u32 v28, v34  }
0xf0: {  	v62 =	vor.u32 v30, v34  }
0xf1: {  	v63 =	vor.u32 v32, v34  }
0xf2: {  	v34 =	vor.u32 v33, v34;
	_ =	sdelay $0x1  }
0xf3: {  	[tilespmem:v61+s10+$0x0] =	vst.idx.msk $0xffff, v2  }
0xf4: {  	[tilespmem:v62+s10+$0x0] =	vst.idx.msk $0xffff, v2  }
0xf5: {  	[tilespmem:v63+s10+$0x0] =	vst.idx.msk $0xffff, v2  }
0xf6: {  	[tilespmem:v34+s10+$0x0] =	vst.idx.msk $0xffff, v2  }
0xf7: {  	_ =	swait.ge [sflag:s5], $0x2000  }
0xf8: {  	[sflag:s5] =	ssyncset.done $0x0  }
0xf9: {  	[sflag:s5] =	ssyncadd.s32 $0xFFFFE000  }
0xfa: {  	_ =	swait.ge [sflag:s15], $0x40  }
0xfb: {  	[sflag:s15] =	ssyncset.done $0x0  }
0xfc: {  	s6 =	simm.s32 $0x4;
	[sflag:s15] =	ssyncadd.s32 $0xFFFFFFC0  }
0xfd: {  	p1 =	seq.s32 s21, $0x0;
	_ =	swait.ge [sflag:s6], $0x400  }
.Ltmp5:
0xfe: {  	[sflag:s6] =	ssyncset.done $0x0;
	(pc) =	sbr.rel @p1 .LBB2_10-.Ltmp5, $4  }
0xff: {  	[sflag:s6] =	ssyncadd.s32 $0xFFFFFC00  }
0x100: {  	_ =	swait.ge [sflag:s16], $0x200  }
0x101: {  	[sflag:s16] =	ssyncset.done $0x0  }
0x102: {  	[sflag:s16] =	ssyncadd.s32 $0xFFFFFE00  }
0x103: {  	s7 =	sadd.s32 s2, s13  }
0x104: {  	s7 =	sadd.s32 $0x800, s7  }
0x105: {  	[tilespmem:s4], [sflag:$0x1] =	stream.linear.gather [hbm4b:s7+s4], $0x2000, $0x38;
	[tilespmem:$0x1C100] =	vst v63  }
.Ltmp6:
0x106: {  	s25 =	sadd.s32 s0, s13;
	(pc) =	sbr.rel .LBB2_9-.Ltmp6, $4  }
0x107: {  	s18 =	simm.s32 $0x10;
	s7 =	sadd.s32 $0x800, s25;
	s25 =	simm.s32 $0x80  }
0x108: {  	[tilespmem:s23], [sflag:$0x3] =	stream.strided.gather [hbm4b:s7+s18], $0x400, s25, s18, $0x38;
	[tilespmem:$0x1C100] =	vst v63  }
0x109: {  	s26 =	sadd.s32 s12, s8  }
0x10a: {  	[tilespmem:s24], [sflag:$0x5] =	stream.linear.gather [hbm4b:s26+s4], $0x200, $0x38;
	[tilespmem:$0x1C100] =	vst v63  }
.LBB2_7:
0x10b: {  	_ =	swait.ge [sflag:s5], $0x2000;
	p1 =	seq.s32 s21, $0x0  }
.Ltmp7:
0x10c: {  	[sflag:s5] =	ssyncset.done $0x0;
	(pc) =	sbr.rel @p1 .LBB2_10-.Ltmp7, $4  }
0x10d: {  	[sflag:s5] =	ssyncadd.s32 $0xFFFFE000  }
0x10e: {  	_ =	swait.ge [sflag:s15], $0x40  }
0x10f: {  	[sflag:s15] =	ssyncset.done $0x0  }
0x110: {  	[sflag:s15] =	ssyncadd.s32 $0xFFFFFFC0  }
0x111: {  	s7 =	sadd.s32 s29, s13  }
0x112: {  	s7 =	sadd.s32 $0x800, s7  }
0x113: {  	[tilespmem:s4], [sflag:$0x1] =	stream.linear.gather [hbm4b:s7+s4], $0x2000, $0x38;
	[tilespmem:$0x1C100] =	vst v63  }
.LBB2_9:
0x114: {  	s7 =	sshrl.u32 s12, $0x3  }
0x115: {  	s18 =	simm.s32 $0x4C00;
	s7 =	sadd.s32 s9, s7  }
0x116: {  	[tilespmem:s18], [sflag:$0x7] =	stream.linear.gather [hbm4b:s7+s4], $0x40, $0x38;
	[tilespmem:$0x1C100] =	vst v63  }
.LBB2_10:
0x117: {  	v34 =	vld [tilespmem:$0x4C40]  }
0x118: {  	v35 =	vld [tilespmem:$0x4C50]  }
0x119: {  	v36 =	vld [tilespmem:$0x4C60]  }
0x11a: {  	v37 =	vld [tilespmem:$0x4C70];
	_ =	sdelay $0x1  }
0x11b: {  	[tilespmem:$0x4C80] =	vst v34  }
0x11c: {  	[tilespmem:$0x4C90] =	vst v35  }
0x11d: {  	[tilespmem:$0x4CA0] =	vst v36  }
.Ltmp8:
0x11e: {  	s7 =	simm.s32 $0x2000;
	[tilespmem:$0x4CB0] =	vst v37;
	(pc) =	sbr.rel @p0 .LBB2_14-.Ltmp8, $4  }
0x11f: {  	[spmem:s1] =	stream.indirect.scatter.add.f32 [tilespmem:s7], [sflag:$0x9], $0x80, s22, s3, $0xb8;
	[tilespmem:$0x1C100] =	vst v63  }
0x120: {  	_ =	swait.ge [sflag:s28], $0x2000  }
0x121: {  	[sflag:s28] =	ssyncset.done $0x0  }
0x122: {  	[sflag:s28] =	ssyncadd.s32 $0xFFFFE000  }
0x123: {  	v34 =	vld [tilespmem:$0x4C40];
	_ =	sdelay $0x4  }
0x124: {  	v35 =	vshra.s32 v34, $0x4  }
0x125: {  	[tilespmem:$0x4CC0] =	vst v35  }
0x126: {  	v35 =	vld.idx.msk [tilespmem:v3+s19+$0x0], $0xffff  }
0x127: {  	v34 =	vshll.u32 v34, $0x3;
	v36 =	vld.idx.msk [tilespmem:v0+s20+$0x0], $0xffff  }
0x128: {  	v34 =	vand.u32 $0x78, v34  }
0x129: {  	v37 =	vor.u32 v1, v34;
	_ =	sdelay $0x2  }
0x12a: {  	v36 =	vmul.f32 v36, v35;
	_ =	sdelay $0x1  }
0x12b: {  	[tilespmem:v37+s10+$0x0] =	vst.idx.msk $0xffff, v36  }
0x12c: {  	v36 =	vld.idx.msk [tilespmem:v4+s20+$0x0], $0xffff;
	_ =	sdelay $0x1  }
0x12d: {  	v58 =	vor.u32 v5, v34;
	_ =	sdelay $0x2  }
0x12e: {  	v36 =	vmul.f32 v36, v35;
	_ =	sdelay $0x1  }
0x12f: {  	[tilespmem:v58+s10+$0x0] =	vst.idx.msk $0xffff, v36  }
0x130: {  	v36 =	vld.idx.msk [tilespmem:v6+s20+$0x0], $0xffff;
	_ =	sdelay $0x1  }
0x131: {  	v59 =	vor.u32 v7, v34  }
0x132: {  	v34 =	vor.u32 v8, v34;
	_ =	sdelay $0x1  }
0x133: {  	v35 =	vmul.f32 v36, v35;
	_ =	sdelay $0x1  }
0x134: {  	[tilespmem:v59+s10+$0x0] =	vst.idx.msk $0xffff, v35  }
0x135: {  	[tilespmem:v34+s10+$0x0] =	vst.idx.msk $0xffff, v9  }
0x136: {  	v34 =	vld [tilespmem:$0x4C50];
	_ =	sdelay $0x4  }
0x137: {  	v60 =	vshra.s32 v34, $0x4  }
0x138: {  	[tilespmem:$0x4CD0] =	vst v60  }
0x139: {  	v35 =	vld.idx.msk [tilespmem:v10+s19+$0x0], $0xffff  }
0x13a: {  	v34 =	vshll.u32 v34, $0x3;
	v61 =	vld.idx.msk [tilespmem:v11+s20+$0x0], $0xffff  }
0x13b: {  	v34 =	vand.u32 $0x78, v34  }
0x13c: {  	v62 =	vor.u32 v12, v34;
	_ =	sdelay $0x2  }
0x13d: {  	v36 =	vmul.f32 v61, v35;
	_ =	sdelay $0x1  }
0x13e: {  	[tilespmem:v62+s10+$0x0] =	vst.idx.msk $0xffff, v36  }
0x13f: {  	v36 =	vld.idx.msk [tilespmem:v13+s20+$0x0], $0xffff;
	_ =	sdelay $0x1  }
0x140: {  	v63 =	vor.u32 v14, v34;
	_ =	sdelay $0x2  }
0x141: {  	v36 =	vmul.f32 v36, v35;
	_ =	sdelay $0x1  }
0x142: {  	[tilespmem:v63+s10+$0x0] =	vst.idx.msk $0xffff, v36  }
0x143: {  	v36 =	vld.idx.msk [tilespmem:v15+s20+$0x0], $0xffff;
	_ =	sdelay $0x1  }
0x144: {  	v40 =	vor.u32 v16, v34  }
0x145: {  	v34 =	vor.u32 v17, v34;
	_ =	sdelay $0x1  }
0x146: {  	v35 =	vmul.f32 v36, v35;
	_ =	sdelay $0x1  }
0x147: {  	[tilespmem:v40+s10+$0x0] =	vst.idx.msk $0xffff, v35  }
0x148: {  	[tilespmem:v34+s10+$0x0] =	vst.idx.msk $0xffff, v9  }
0x149: {  	v34 =	vld [tilespmem:$0x4C60];
	_ =	sdelay $0x4  }
0x14a: {  	v41 =	vshra.s32 v34, $0x4  }
0x14b: {  	[tilespmem:$0x4CE0] =	vst v41  }
0x14c: {  	v35 =	vld.idx.msk [tilespmem:v18+s19+$0x0], $0xffff  }
0x14d: {  	v34 =	vshll.u32 v34, $0x3;
	v42 =	vld.idx.msk [tilespmem:v19+s20+$0x0], $0xffff  }
0x14e: {  	v34 =	vand.u32 $0x78, v34  }
0x14f: {  	v43 =	vor.u32 v20, v34;
	_ =	sdelay $0x2  }
0x150: {  	v36 =	vmul.f32 v42, v35;
	_ =	sdelay $0x1  }
0x151: {  	[tilespmem:v43+s10+$0x0] =	vst.idx.msk $0xffff, v36  }
0x152: {  	v36 =	vld.idx.msk [tilespmem:v21+s20+$0x0], $0xffff;
	_ =	sdelay $0x1  }
0x153: {  	v44 =	vor.u32 v22, v34;
	_ =	sdelay $0x2  }
0x154: {  	v36 =	vmul.f32 v36, v35;
	_ =	sdelay $0x1  }
0x155: {  	[tilespmem:v44+s10+$0x0] =	vst.idx.msk $0xffff, v36  }
0x156: {  	v36 =	vld.idx.msk [tilespmem:v23+s20+$0x0], $0xffff;
	_ =	sdelay $0x1  }
0x157: {  	v45 =	vor.u32 v24, v34  }
0x158: {  	v34 =	vor.u32 v25, v34;
	_ =	sdelay $0x1  }
0x159: {  	v35 =	vmul.f32 v36, v35;
	_ =	sdelay $0x1  }
0x15a: {  	[tilespmem:v45+s10+$0x0] =	vst.idx.msk $0xffff, v35  }
0x15b: {  	[tilespmem:v34+s10+$0x0] =	vst.idx.msk $0xffff, v9  }
0x15c: {  	v34 =	vld [tilespmem:$0x4C70];
	_ =	sdelay $0x4  }
0x15d: {  	v46 =	vshra.s32 v34, $0x4  }
0x15e: {  	[tilespmem:$0x4CF0] =	vst v46  }
0x15f: {  	v35 =	vld.idx.msk [tilespmem:v26+s19+$0x0], $0xffff  }
0x160: {  	v34 =	vshll.u32 v34, $0x3;
	v47 =	vld.idx.msk [tilespmem:v27+s20+$0x0], $0xffff  }
0x161: {  	v34 =	vand.u32 $0x78, v34  }
0x162: {  	v48 =	vor.u32 v28, v34;
	_ =	sdelay $0x2  }
0x163: {  	v36 =	vmul.f32 v47, v35;
	_ =	sdelay $0x1  }
0x164: {  	[tilespmem:v48+s10+$0x0] =	vst.idx.msk $0xffff, v36  }
0x165: {  	v36 =	vld.idx.msk [tilespmem:v29+s20+$0x0], $0xffff;
	_ =	sdelay $0x1  }
0x166: {  	v49 =	vor.u32 v30, v34;
	_ =	sdelay $0x2  }
0x167: {  	v36 =	vmul.f32 v36, v35;
	_ =	sdelay $0x1  }
0x168: {  	[tilespmem:v49+s10+$0x0] =	vst.idx.msk $0xffff, v36  }
0x169: {  	v36 =	vld.idx.msk [tilespmem:v31+s20+$0x0], $0xffff;
	_ =	sdelay $0x1  }
0x16a: {  	v50 =	vor.u32 v32, v34  }
0x16b: {  	v34 =	vor.u32 v33, v34;
	_ =	sdelay $0x1  }
0x16c: {  	v35 =	vmul.f32 v36, v35;
	_ =	sdelay $0x1  }
0x16d: {  	[tilespmem:v50+s10+$0x0] =	vst.idx.msk $0xffff, v35  }
0x16e: {  	s7 =	rddreg [dreg:$0x3];
	s18 =	simm.s32 $0x4CC0;
	[tilespmem:v34+s10+$0x0] =	vst.idx.msk $0xffff, v9  }
0x16f: {  	[spmem:s7] =	stream.indirect.scatter.add.f32 [tilespmem:s10], [sflag:$0x9], $0x80, s18, s3, $0xb8;
	[tilespmem:$0x1C100] =	vst v63  }
0x170: {  	_ =	swait.ge [sflag:s28], $0x2000  }
0x171: {  	[sflag:s28] =	ssyncset.done $0x0  }
0x172: {  	[sflag:s28] =	ssyncadd.s32 $0xFFFFE000  }
0x173: {  	v51 =	vld [tilespmem:$0x4C40];
	_ =	sdelay $0x4  }
0x174: {  	v34 =	vshll.u32 v51, $0x3  }
0x175: {  	v34 =	vand.u32 $0x78, v34  }
0x176: {  	v52 =	vor.u32 v1, v34  }
0x177: {  	v53 =	vor.u32 v5, v34  }
0x178: {  	v54 =	vor.u32 v7, v34  }
0x179: {  	v34 =	vor.u32 v8, v34;
	_ =	sdelay $0x1  }
0x17a: {  	[tilespmem:v52+s10+$0x0] =	vst.idx.msk $0xffff, v2  }
0x17b: {  	[tilespmem:v53+s10+$0x0] =	vst.idx.msk $0xffff, v2  }
0x17c: {  	[tilespmem:v54+s10+$0x0] =	vst.idx.msk $0xffff, v2  }
0x17d: {  	[tilespmem:v34+s10+$0x0] =	vst.idx.msk $0xffff, v2  }
0x17e: {  	v34 =	vld [tilespmem:$0x4C50];
	_ =	sdelay $0x4  }
0x17f: {  	v34 =	vshll.u32 v34, $0x3  }
0x180: {  	v34 =	vand.u32 $0x78, v34  }
0x181: {  	v55 =	vor.u32 v12, v34  }
0x182: {  	v56 =	vor.u32 v14, v34  }
0x183: {  	v57 =	vor.u32 v16, v34  }
0x184: {  	v34 =	vor.u32 v17, v34;
	_ =	sdelay $0x1  }
0x185: {  	[tilespmem:v55+s10+$0x0] =	vst.idx.msk $0xffff, v2  }
0x186: {  	[tilespmem:v56+s10+$0x0] =	vst.idx.msk $0xffff, v2  }
0x187: {  	[tilespmem:v57+s10+$0x0] =	vst.idx.msk $0xffff, v2  }
0x188: {  	[tilespmem:v34+s10+$0x0] =	vst.idx.msk $0xffff, v2  }
0x189: {  	v34 =	vld [tilespmem:$0x4C60];
	_ =	sdelay $0x4  }
0x18a: {  	v34 =	vshll.u32 v34, $0x3  }
0x18b: {  	v34 =	vand.u32 $0x78, v34  }
0x18c: {  	v58 =	vor.u32 v20, v34  }
0x18d: {  	v59 =	vor.u32 v22, v34  }
0x18e: {  	v60 =	vor.u32 v24, v34  }
0x18f: {  	v34 =	vor.u32 v25, v34;
	_ =	sdelay $0x1  }
0x190: {  	[tilespmem:v58+s10+$0x0] =	vst.idx.msk $0xffff, v2  }
0x191: {  	[tilespmem:v59+s10+$0x0] =	vst.idx.msk $0xffff, v2  }
0x192: {  	[tilespmem:v60+s10+$0x0] =	vst.idx.msk $0xffff, v2  }
0x193: {  	[tilespmem:v34+s10+$0x0] =	vst.idx.msk $0xffff, v2  }
0x194: {  	v34 =	vld [tilespmem:$0x4C70];
	_ =	sdelay $0x4  }
0x195: {  	v34 =	vshll.u32 v34, $0x3  }
0x196: {  	v34 =	vand.u32 $0x78, v34  }
0x197: {  	v61 =	vor.u32 v28, v34  }
0x198: {  	v62 =	vor.u32 v30, v34  }
0x199: {  	v63 =	vor.u32 v32, v34  }
0x19a: {  	p1 =	seq.s32 s21, $0x0;
	v34 =	vor.u32 v33, v34  }
.Ltmp9:
0x19b: {  	_ = 	snop;
	(pc) =	sbr.rel @p1 .LBB2_16-.Ltmp9, $4  }
0x19c: {  	[tilespmem:v61+s10+$0x0] =	vst.idx.msk $0xffff, v2  }
0x19d: {  	[tilespmem:v62+s10+$0x0] =	vst.idx.msk $0xffff, v2  }
0x19e: {  	[tilespmem:v63+s10+$0x0] =	vst.idx.msk $0xffff, v2  }
0x19f: {  	[tilespmem:v34+s10+$0x0] =	vst.idx.msk $0xffff, v2  }
.Ltmp10:
0x1a0: {  	(pc) =	sbr.rel .LBB2_13-.Ltmp10, $2  }
0x1a1: {  	_ =	sdelay $0x2  }
0x1a2: {  	s17 =	sadd.s32 $0x1, s17  }
.LBB2_14:
0x1a3: {  	p1 =	seq.s32 s21, $0x0  }
.Ltmp11:
0x1a4: {  	_ = 	snop;
	(pc) =	sbr.rel @p1 .LBB2_17-.Ltmp11, $1  }
0x1a5: {  	_ =	sdelay $0x3  }
.Ltmp12:
0x1a6: {  	(pc) =	sbr.rel .LBB2_13-.Ltmp12, $2  }
0x1a7: {  	_ =	sdelay $0x2  }
0x1a8: {  	s17 =	sadd.s32 $0x1, s17  }
.LBB2_16:
0x1a9: {  	[bflag:$0x0] =	sbarrier.arrive $0xFFFF  }
0x1aa: {  	s7 =	rddreg [dreg:$0xa]  }
0x1ab: {  	s0 =	rddreg [dreg:$0x13]  }
0x1ac: {  	s2 =	rddreg [dreg:$0x18]  }
0x1ad: {  	[hbm:s0], [sflag:s7] =	dma.local [spmem:s2], $0x2800  }
0x1ae: {  	_ =	swait.ge [sflag:s28], $0x2800  }
0x1af: {  	[sflag:s28] =	ssyncset.done $0x0;
	s26 =	rddreg [dreg:$0x14]  }
.Ltmp13:
0x1b0: {  	s29 =	rddreg [dreg:$0x19];
	[sflag:s28] =	ssyncadd.s32 $0xFFFFD800;
	(pc) =	sbr.rel .LBB2_18-.Ltmp13, $4  }
0x1b1: {  	[hbm:s26], [sflag:s7] =	dma.local [spmem:s29], $0x280  }
0x1b2: {  	_ =	swait.ge [sflag:s28], $0x280  }
0x1b3: {  	[sflag:s28] =	ssyncset.done $0x0  }
0x1b4: {  	s2 =	rddreg [dreg:$0x17];
	[sflag:s28] =	ssyncadd.s32 $0xFFFFFD80  }
.LBB2_19:
0x1b5: {  	_ =	sfence.sel $0x180000  }
0x1b6: {  	[bflag:$0x0] =	sbarrier.arrive $0xFFFF  }
0x1b7: {  	_ =	strace $0x9000004A  }
0x1b8: {  	s0 =	stileid.u32;
	[bflag:$0x2] =	sbarrier.arrive $0xFFFF  }
0x1b9: {  	p0 =	sne.s32 s0, $0x0;
	s0 =	rddreg [dreg:$0x4]  }
0x1ba: {  	s0 =	sadd.s32 @!p0 $0x100000, s0  }
0x1bb: {  	[sflag:s0] =	ssyncadd.tile.s32 @!p0 $0x1;
	_ =	shalt  }
.Lfunc_end2:
_tile_overlayer_lowered:
.L_overlay_start_2:
0x1bc: {  	(tag) =	ssettag $0x2  }
0x1bd: {  	s0 =	rddreg [dreg:$0x0];
	s2 =	stileid.u32  }
0x1be: {  	s1 =	rddreg [dreg:$0x1];
	p0 =	sne.s32 s2, $0x0  }
0x1bf: {  	s3 =	rddreg [dreg:$0x2];
	[bflag:$0x3] =	sbarrier.arrive $0xFFFF;
	s2 =	simm.s32 @!p0 $0x1C09  }
0x1c0: {  	[timem:s3], [sflag:s2] =	dma.local @!p0 [hbm:s0], s1  }
0x1c1: {  	s0 =	simm.s32 @!p0 $0x9  }
0x1c2: {  	_ =	swait.ge @!p0 [sflag:s0], s1  }
0x1c3: {  	s1 =	ssub.s32 @!p0 $0x0, s1;
	[sflag:s0] =	ssyncset.done @!p0 $0x0  }
0x1c4: {  	[sflag:s0] =	ssyncadd.s32 @!p0 s1  }
0x1c5: {  	[bflag:$0x3] =	sbarrier.arrive $0xFFFF  }
0x1c6: {  	_ =	shalt  }

// kernel: kernel.7.cloned.1.call-start
scs
__scs_entry_jumppad:
0x0: {  	(pc) =	sbr.rel $0x88, $3  }
0x1: {  	(tag) =	ssettag $0x0;
	lr =	simm.s32 $0x1  }
0x2: {  	[smem:$0x3F8C] =	sst lr;
	_ =	strace $0xD0000000  }
0x3: {  	_ = 	snop  }
0x4: {  	_ = 	snop  }
0x5: {  	_ = 	snop  }
0x6: {  	_ = 	snop  }
0x7: {  	_ = 	snop  }
__scs_overlays_trampoline_lowered:
0x8: {  	[smem:$0x3F9B] =	sst s0  }
0x9: {  	[smem:$0x3F9C] =	sst s1  }
0xa: {  	[smem:$0x3F9D] =	sst s2  }
0xb: {  	[smem:$0x3F9E] =	sst s3  }
0xc: {  	[smem:$0x3F9F] =	sst s4  }
0xd: {  	[smem:$0x3FA0] =	sst s5  }
0xe: {  	[smem:$0x3FA1] =	sst s6  }
0xf: {  	[smem:$0x3FA2] =	sst s7  }
0x10: {  	[smem:$0x3FA3] =	sst s8  }
0x11: {  	[smem:$0x3FA4] =	sst s9;
	s0 =	simm.s32 @!p0 $0x0  }
0x12: {  	s1 =	sld [smem:$0x3F8A];
	s0 =	simm.s32 @p0 $0x1  }
0x13: {  	[smem:$0x3FA5] =	sst s0;
	s0 =	simm.s32 @!p1 $0x0  }
0x14: {  	s2 =	sld [smem:$0x3F89];
	s0 =	simm.s32 @p1 $0x1  }
0x15: {  	[smem:$0x3FA6] =	sst s0;
	s0 =	simm.s32 @!p2 $0x0  }
0x16: {  	s3 =	sld [smem:$0x3FDB];
	s0 =	simm.s32 @p2 $0x1  }
0x17: {  	s4 =	simm.s32 $0x1BF5;
	[smem:$0x3FA8] =	sst s0  }
0x18: {  	s0 =	sld [smem:$0x3F8B];
	_ =	swait.ge [sflag:s4], $0x0  }
0x19: {  	s7 =	sld [smem:$0x3F8C]  }
0x1a: {  	s8 =	sadd.s32 $0xFFFFE003, lr  }
0x1b: {  	s9 =	sadd.s32 $0xFFFFFEF7, lr;
	s5 =	simm.s32 $0xFFFFFFFF;
	p2 =	slt.u32 s8, $0xFFFFF086  }
0x1c: {  	p1 =	slt.u32 s9, $0xF7A;
	s5 =	simm.s32 @!p2 $0x0  }
0x1d: {  	s5 =	simm.s32 @p1 $0x1;
	p0 =	seq.s32 s7, s2  }
0x1e: {  	s7 =	smul.u32 @!p0 $0xF7A, s2;
	p2 =	seq.s32 @!p0 s5, $0x0  }
0x1f: {  	s9 =	smul.u32 $0xF7A, s1;
	s8 =	simm.s32 @!p0 $0x1BF5;
	p2 =	por !p2, p0  }
0x20: {  	[sflag:s8] =	ssyncset.s32 @!p0 $0xFFFFF086;
	s6 =	sadd.s32 @!p0 s3, s7;
	s7 =	simm.s32 @!p0 $0x108  }
0x21: {  	s3 =	sadd.s32 s3, s9;
	s6 =	sadd.s32 @!p0 $0x88, s6;
	s7 =	simm.s32 @p2 $0x1082  }
0x22: {  	[simem:s7], [sflag:s8] =	dma.local @!p0 [hbm:s6], $0xF7A  }
0x23: {  	s9 =	sor.u32 $0xD0000000, s2;
	s6 =	simm.s32 $0x108;
	_ =	swait.ge @!p0 [sflag:s8], $0x0  }
0x24: {  	s3 =	sadd.s32 $0x88, s3;
	s6 =	simm.s32 @!p1 $0x1082;
	[sflag:s4] =	ssyncset.s32 $0xFFFFF086  }
0x25: {  	[simem:s6], [sflag:s4] =	dma.local [hbm:s3], $0xF7A  }
0x26: {  	[smem:$0x3F8C] =	sst s1;
	(tag) =	ssettag s2;
	_ =	strace s9  }
0x27: {  	s1 =	sld [smem:$0x3F9C]  }
0x28: {  	s2 =	sld [smem:$0x3F9D]  }
0x29: {  	s4 =	sld [smem:$0x3F9F]  }
0x2a: {  	p0 =	seq.s32 s5, $0x0;
	s5 =	sld [smem:$0x3FA0]  }
0x2b: {  	s6 =	sld [smem:$0x3FA1]  }
0x2c: {  	s7 =	sld [smem:$0x3FA2]  }
0x2d: {  	s3 =	simm.s32 $0x108;
	s8 =	sld [smem:$0x3FA3]  }
0x2e: {  	s3 =	simm.s32 @!p0 $0x1082;
	s9 =	sld [smem:$0x3FA4]  }
0x2f: {  	lr =	sadd.s32 s0, s3;
	s0 =	sld [smem:$0x3F9B]  }
0x30: {  	s3 =	sld [smem:$0x3F9E]  }
0x31: {  	[smem:$0x3FA7] =	sst s10  }
0x32: {  	s10 =	sld [smem:$0x3FA5];
	_ =	sdelay $0x3  }
0x33: {  	p0 =	seq.s32 s10, $0x1;
	s10 =	sld [smem:$0x3FA7];
	_ =	sdelay $0x3  }
0x34: {  	[smem:$0x3FA7] =	sst s10  }
0x35: {  	s10 =	sld [smem:$0x3FA6];
	_ =	sdelay $0x3  }
0x36: {  	p1 =	seq.s32 s10, $0x1;
	s10 =	sld [smem:$0x3FA7];
	_ =	sdelay $0x3  }
0x37: {  	[smem:$0x3FA7] =	sst s10  }
0x38: {  	s10 =	sld [smem:$0x3FA8]  }
0x39: {  	_ = 	snop;
	(pc) =	sbr.ind lr, $3  }
0x3a: {  	_ = 	snop  }
0x3b: {  	_ = 	snop  }
0x3c: {  	p2 =	seq.s32 s10, $0x1;
	s10 =	sld [smem:$0x3FA7]  }
0x3d: {  	_ =	shalt  }
0x3e: {  	_ =	shalt  }
0x3f: {  	_ =	shalt  }
0x40: {  	_ =	shalt  }
0x41: {  	_ =	shalt  }
0x42: {  	_ =	shalt  }
0x43: {  	_ =	shalt  }
0x44: {  	_ =	shalt  }
0x45: {  	_ =	shalt  }
0x46: {  	_ =	shalt  }
0x47: {  	_ =	shalt  }
0x48: {  	_ =	shalt  }
0x49: {  	_ =	shalt  }
0x4a: {  	_ =	shalt  }
0x4b: {  	_ =	shalt  }
0x4c: {  	_ =	shalt  }
0x4d: {  	_ =	shalt  }
0x4e: {  	_ =	shalt  }
0x4f: {  	_ =	shalt  }
0x50: {  	_ =	shalt  }
0x51: {  	_ =	shalt  }
0x52: {  	_ =	shalt  }
0x53: {  	_ =	shalt  }
0x54: {  	_ =	shalt  }
0x55: {  	_ =	shalt  }
0x56: {  	_ =	shalt  }
0x57: {  	_ =	shalt  }
0x58: {  	_ =	shalt  }
0x59: {  	_ =	shalt  }
0x5a: {  	_ =	shalt  }
0x5b: {  	_ =	shalt  }
0x5c: {  	_ =	shalt  }
0x5d: {  	_ =	shalt  }
0x5e: {  	_ =	shalt  }
0x5f: {  	_ =	shalt  }
0x60: {  	_ =	shalt  }
0x61: {  	_ =	shalt  }
0x62: {  	_ =	shalt  }
0x63: {  	_ =	shalt  }
0x64: {  	_ =	shalt  }
0x65: {  	_ =	shalt  }
0x66: {  	_ =	shalt  }
0x67: {  	_ =	shalt  }
0x68: {  	_ =	shalt  }
0x69: {  	_ =	shalt  }
0x6a: {  	_ =	shalt  }
0x6b: {  	_ =	shalt  }
0x6c: {  	_ =	shalt  }
0x6d: {  	_ =	shalt  }
0x6e: {  	_ =	shalt  }
0x6f: {  	_ =	shalt  }
0x70: {  	_ =	shalt  }
0x71: {  	_ =	shalt  }
0x72: {  	_ =	shalt  }
0x73: {  	_ =	shalt  }
0x74: {  	_ =	shalt  }
0x75: {  	_ =	shalt  }
0x76: {  	_ =	shalt  }
0x77: {  	_ =	shalt  }
0x78: {  	_ =	shalt  }
0x79: {  	_ =	shalt  }
0x7a: {  	_ =	shalt  }
0x7b: {  	_ =	shalt  }
0x7c: {  	_ =	shalt  }
0x7d: {  	_ =	shalt  }
0x7e: {  	_ =	shalt  }
0x7f: {  	_ =	shalt  }
0x80: {  	_ =	shalt  }
0x81: {  	_ =	shalt  }
0x82: {  	_ =	shalt  }
0x83: {  	_ =	shalt  }
0x84: {  	_ =	shalt  }
0x85: {  	_ =	shalt  }
0x86: {  	_ =	shalt  }
0x87: {  	_ =	shalt  }
.Lfunc_end0:
.L_simem_size_0:
called_computation_lowered:
.L_overlay_start_0:
0x88: {  	s2 =	sld [smem:$0x3FD9]  }
0x89: {  	s3 =	sld [smem:$0x3FFE];
	_ =	sdelay $0x1  }
0x8a: {  	s1 =	srdreg.scid  }
0x8b: {  	s0 =	sand.u32 $0x1, s1  }
0x8c: {  	s14 =	sshll.u32 s0, $0xA;
	s2 =	sadd.s32 s3, s2  }
0x8d: {  	s2 =	sadd.s32 s2, s14  }
0x8e: {  	[smem:$0x3FB3] =	sst s2  }
0x8f: {  	_ = 	snop  }
0x90: {  	s2 =	sld [smem:$0x3FD0];
	_ =	sdelay $0x2  }
0x91: {  	s15 =	simm.s32 $0xA;
	s4 =	simm.s32 $0x10  }
0x92: {  	[smem:s4], [sflag:s15] =	dma.local [hbm:s2], $0x1  }
0x93: {  	_ =	swait.eq [sflag:s15], $0x1  }
0x94: {  	[sflag:s15] =	ssyncset.done $0x0  }
0x95: {  	s16 =	sld [smem:$0x10];
	[sflag:s15] =	ssyncadd.s32 $0xFFFFFFFF  }
0x96: {  	s17 =	sld [smem:$0x11];
	(tm) =	ssettm $0x1  }
0x97: {  	s18 =	sld [smem:$0x3FFB];
	_ =	sdelay $0x3  }
0x98: {  	_ =	strace s18  }
0x99: {  	s4 =	sld [smem:$0x3FFC];
	_ =	sdelay $0x3  }
0x9a: {  	_ =	strace s4  }
0x9b: {  	s4 =	sld [smem:$0x3FFD];
	_ =	sdelay $0x3  }
0x9c: {  	_ =	strace s4  }
0x9d: {  	_ =	strace $0x8FFFFFFF  }
0x9e: {  	s19 =	sld [smem:$0x3FDB];
	_ =	sdelay $0x1  }
0x9f: {  	s5 =	simm.s32 $_scs_section_size  }
0xa0: {  	s6 =	simm.s32 $_size__tile_overlayer_lowered;
	s7 =	simm.s32 $_tile_overlayer_lowered  }
0xa1: {  	s22 =	simm.s32 $0x1BFF;
	s21 =	sshll.u32 s7, $0x1;
	s4 =	sadd.s32 s5, s19  }
0xa2: {  	s8 =	simm.s32 $0x0;
	s20 =	sshll.u32 s6, $0x1;
	s6 =	sadd.s32 s21, s4  }
0xa3: {  	[timem:s8], [sflag:s22] =	dma.local [hbm:s6], s20  }
0xa4: {  	_ =	swait.ge [sflag:s22], s20  }
0xa5: {  	s5 =	ssub.s32 $0x0, s20;
	[sflag:s22] =	ssyncset.done $0x0  }
0xa6: {  	[sflag:s22] =	ssyncadd.s32 s5;
	_ =	sdelay $0x1  }
0xa7: {  	s23 =	simm.s32 $0x1B8B  }
0xa8: {  	_ =	swait.ge [sflag:s23], $0x1  }
0xa9: {  	[sflag:s23] =	ssyncset.done $0x0  }
0xaa: {  	s25 =	simm.s32 $0x1B8E;
	s24 =	sld [smem:$0x3FFE];
	[sflag:s23] =	ssyncadd.s32 $0xFFFFFFFF  }
0xab: {  	s26 =	simm.s32 $execute0_lowered;
	[smem:$0x3FD2] =	sst s25  }
0xac: {  	s6 =	sshll.u32 s26, $0x1;
	_ =	strace $0x80000046;
	[dreg:$0x1] =	wrdreg $0xFFFFFFFF  }
0xad: {  	s28 =	simm.s32 $_size_execute0_lowered;
	s4 =	sadd.s32 s4, s6;
	[dreg:$0x0] =	wrdreg $0x0  }
0xae: {  	s6 =	sshll.u32 s28, $0x1;
	[dreg:$0x2] =	wrdreg s4  }
0xaf: {  	[dreg:$0x3] =	wrdreg s6  }
0xb0: {  	[dreg:$0x4] =	wrdreg $0xC0  }
0xb1: {  	_ =	task [dreg:s8], $0x5FFFF  }
0xb2: {  	[dreg:$0x1] =	wrdreg $0xFFFFFFFF  }
0xb3: {  	[dreg:$0x0] =	wrdreg $0x60  }
0xb4: {  	[dreg:$0x2] =	wrdreg s16  }
0xb5: {  	[dreg:$0x3] =	wrdreg s24  }
0xb6: {  	[dreg:$0x4] =	wrdreg s17  }
0xb7: {  	[dreg:$0x5] =	wrdreg $0x9  }
0xb8: {  	_ =	task.clear_ibuf [dreg:s8], $0x6FFFF;
	_ =	strace $0x90000046  }
0xb9: {  	s29 =	simm.s32 $0x9;
	_ =	strace $0x80000048  }
0xba: {  	_ =	swait.ge [sflag:s29], $0x1  }
0xbb: {  	[sflag:s29] =	ssyncadd.s32 $0xFFFFFFFF  }
0xbc: {  	_ =	strace $0x90000048  }
0xbd: {  	_ =	sfence  }
0xbe: {  	s30 =	sld [smem:$0x0];
	_ =	sdelay $0x2  }
0xbf: {  	s31 =	sshll.u32 s1, $0xD;
	s1 =	sshrl.u32 s1, $0x2  }
0xc0: {  	s3 =	sand.u32 $0x4000, s31;
	s1 =	sadd.s32 s1, s30  }
0xc1: {  	s0 =	sor.u32 s3, s0;
	s1 =	sshll.u32 s1, $0x11  }
0xc2: {  	s0 =	sor.u32 s1, s0  }
0xc3: {  	s0 =	sadd.s32 $0x8F2B, s0  }
0xc4: {  	[sflag:s0] =	ssyncadd.remote.s32 $0x1  }
0xc5: {  	_ =	sfence.sel $0xFFFF  }
0xc6: {  	[dreg:$0x0] =	wrdreg $0xFFFFFFFF;
	(pc) =	sbr.abs _section_cstart, $3  }
0xc7: {  	[dreg:$0x1] =	wrdreg $0xFFFFFFFF  }
0xc8: {  	_ =	task.clear_ibuf [dreg:s8], $0x2FFFF;
	_ =	strace $0x9FFFFFFF  }
0xc9: {  	(tm) =	ssettm $0x7FFFFFFF  }
tec
execute0_lowered:
.L_overlay_start_1:
0x0: {  	(tag) =	ssettag $0x1  }
0x1: {  	s25 =	rddreg [dreg:$0x0]  }
0x2: {  	s0 =	rddreg [dreg:$0x1];
	s3 =	simm.s32 $0x0;
	s1 =	srdreg.scid  }
0x3: {  	s2 =	stileid.u32;
	s28 =	simm.s32 $0x15100;
	s10 =	simm.s32 $0x40  }
0x4: {  	s31 =	simm.s32 $0x8000;
	s30 =	simm.s32 $0x17B80;
	s11 =	simm.s32 $0x9  }
0x5: {  	[smem:$0x7FF] =	sst s3;
	s5 =	sadd.s32 $0x60600, s0;
	s6 =	sadd.s32 $0x88600, s0  }
0x6: {  	s7 =	sadd.s32 $0xB0600, s0;
	s1 =	sand.u32 $0x1, s1;
	s2 =	sshll.u32 s2, $0x1  }
0x7: {  	s8 =	sadd.s32 $0x6600, s0;
	s9 =	sadd.s32 $0xB600, s0;
	s4 =	sadd.s32 $0x6000, s0  }
0x8: {  	s17 =	sadd.s32 $0x5A00, s0;
	s13 =	sadd.s32 $0xDD600, s0;
	s14 =	sadd.s32 $0x35D600, s0  }
0x9: {  	s15 =	sadd.s32 $0x5DD600, s0;
	s16 =	sadd.s32 $0xD8600, s0;
	s2 =	sor.u32 s1, s2  }
0xa: {  	_ =	strace $0x80000047;
	[dreg:$0x4] =	wrdreg s4;
	s12 =	smul.u32 $0x1400, s2  }
0xb: {  	[dreg:$0x5] =	wrdreg s17;
	s1 =	ssub.s32 $0x2, s1;
	s17 =	simm.s32 $0x17980  }
0xc: {  	s4 =	simm.s32 $0x0;
	s18 =	sshrl.u32 s1, $0x1;
	s26 =	sor.u32 $0x80, s12  }
0xd: {  	v0 =	vlaneseq.u32;
	s20 =	ssub.s32 s1, s18;
	s29 =	sor.u32 $0xC0, s12;
	[dreg:$0xa] =	wrdreg s26  }
0xe: {  	v0 =	vmul.u32 $0x8, v0;
	s19 =	sshrl.u32 s12, $0x3;
	s0 =	smax.u32 s20, $0x1;
	[dreg:$0xb] =	wrdreg s29  }
0xf: {  	s21 =	sor.u32 $0x8, s19;
	s22 =	sadd.s32 s8, s19;
	[dreg:$0xc] =	wrdreg s0  }
0x10: {  	v1 =	vimm.f32 $0.0e+00;
	v2 =	vor.u32 $0x1, v0;
	v3 =	vor.u32 $0x2, v0;
	s23 =	sadd.s32 s9, s19;
	s26 =	simm.s32 $0x12900;
	[dreg:$0x6] =	wrdreg s22  }
0x11: {  	v4 =	vor.u32 $0x80, v0;
	v5 =	vor.u32 $0x81, v0;
	v6 =	vor.u32 $0x82, v0;
	[dreg:$0x7] =	wrdreg s23;
	s24 =	sadd.s32 s8, s21;
	s1 =	sadd.s32 s9, s21  }
0x12: {  	v7 =	vor.u32 $0x100, v0;
	v8 =	vor.u32 $0x101, v0;
	v9 =	vor.u32 $0x102, v0;
	s21 =	simm.s32 $0xB;
	s22 =	simm.s32 $0xC;
	[dreg:$0x8] =	wrdreg s24  }
0x13: {  	v10 =	vor.u32 $0x180, v0;
	v11 =	vor.u32 $0x181, v0;
	v12 =	vor.u32 $0x182, v0;
	[dreg:$0x9] =	wrdreg s1;
	s24 =	simm.s32 $0x10100;
	s1 =	simm.s32 $0xA  }
.LBB2_1:
0x14: {  	[dreg:$0xd] =	wrdreg s4  }
0x15: {  	s0 =	rddreg [dreg:$0x4];
	s2 =	simm.s32 $0x15  }
0x16: {  	[tilespmem:s24], [sflag:$0x15] =	stream.linear.gather [hbm4b:s0+s3], $0x2800, $0x38;
	[tilespmem:$0x17D80] =	vst v63  }
0x17: {  	_ =	swait.ge [sflag:s2], $0x2800  }
0x18: {  	[sflag:s2] =	ssyncset.done $0x0  }
0x19: {  	s23 =	rddreg [dreg:$0x5];
	[sflag:s2] =	ssyncadd.s32 $0xFFFFD800  }
0x1a: {  	[tilespmem:s26], [sflag:$0x15] =	stream.linear.gather [hbm4b:s23+s3], $0x2800, $0x38;
	[tilespmem:$0x17D80] =	vst v63  }
0x1b: {  	_ =	swait.ge [sflag:s2], $0x2800  }
0x1c: {  	[sflag:s2] =	ssyncset.done $0x0  }
0x1d: {  	[sflag:s2] =	ssyncadd.s32 $0xFFFFD800  }
0x1e: {  	s29 =	rddreg [dreg:$0x2]  }
0x1f: {  	[tilespmem:s28], [sflag:$0x15] =	stream.linear.gather [hbm4b:s29+s3], $0x2800, $0x38;
	[tilespmem:$0x17D80] =	vst v63  }
0x20: {  	_ =	swait.ge [sflag:s2], $0x2800  }
0x21: {  	[sflag:s2] =	ssyncset.done $0x0  }
0x22: {  	s18 =	simm.s32 $0x0;
	s0 =	simm.s32 $0x40;
	[sflag:s2] =	ssyncadd.s32 $0xFFFFD800  }
.LBB2_2:
0x23: {  	p0 =	sne.s32 s0, $0x7C0;
	[tilespmem:s18+$0x17980] =	vst v1;
	s19 =	smov.u32 s0;
	s0 =	sadd.s32 $0x40, s0  }
.Ltmp0:
0x24: {  	[tilespmem:s18+$0x17B80] =	vst v1;
	(pc) =	sbr.rel @p0 .LBB2_2-.Ltmp0, $2  }
0x25: {  	_ =	sdelay $0x2  }
0x26: {  	s18 =	sshra.s32 s19, $0x2  }
0x27: {  	[tilespmem:s18+$0x17980] =	vst v1  }
0x28: {  	[tilespmem:s18+$0x17B80] =	vst v1;
	s20 =	simm.s32 $0x0;
	s0 =	rddreg [dreg:$0x6];
	s2 =	simm.s32 $0x10000  }
0x29: {  	[tilespmem:s2], [sflag:$0x1] =	stream.linear.gather [hbm4b:s0+s20], $0x40, $0x38;
	[tilespmem:$0x17D80] =	vst v63  }
0x2a: {  	s19 =	rddreg [dreg:$0x7];
	s4 =	simm.s32 $0x10040  }
0x2b: {  	[tilespmem:s4], [sflag:$0x2] =	stream.linear.gather [hbm4b:s19+s20], $0x40, $0x38;
	[tilespmem:$0x17D80] =	vst v63  }
0x2c: {  	s23 =	rddreg [dreg:$0x8];
	s29 =	simm.s32 $0x10080  }
0x2d: {  	[tilespmem:s29], [sflag:$0x3] =	stream.linear.gather [hbm4b:s23+s20], $0x40, $0x38;
	[tilespmem:$0x17D80] =	vst v63  }
0x2e: {  	s19 =	rddreg [dreg:$0x9];
	s23 =	simm.s32 $0x100C0;
	s29 =	simm.s32 $0x1  }
0x2f: {  	[tilespmem:s23], [sflag:$0x4] =	stream.linear.gather [hbm4b:s19+s20], $0x40, $0x38;
	[tilespmem:$0x17D80] =	vst v63  }
0x30: {  	_ =	swait.ge [sflag:s29], $0x40  }
0x31: {  	[sflag:s29] =	ssyncset.done $0x0  }
0x32: {  	s18 =	simm.s32 $0x2;
	[sflag:s29] =	ssyncadd.s32 $0xFFFFFFC0  }
0x33: {  	_ =	swait.ge [sflag:s18], $0x40  }
0x34: {  	[sflag:s18] =	ssyncset.done $0x0  }
0x35: {  	[sflag:s18] =	ssyncadd.s32 $0xFFFFFFC0  }
0x36: {  	[tilespmem:s20], [sflag:$0x5] =	stream.indirect.gather [hbm4b:s25+s10], $0x80, s2, s10, $0xb8;
	[tilespmem:$0x17D80] =	vst v63  }
0x37: {  	s19 =	simm.s32 $0x2000  }
0x38: {  	[tilespmem:s19], [sflag:$0x6] =	stream.indirect.gather [hbm4b:s5+s10], $0x80, s2, s10, $0xb8;
	[tilespmem:$0x17D80] =	vst v63  }
0x39: {  	s23 =	simm.s32 $0x4000  }
0x3a: {  	[tilespmem:s23], [sflag:$0x7] =	stream.indirect.gather [hbm4b:s6+s10], $0x80, s4, s10, $0xb8;
	[tilespmem:$0x17D80] =	vst v63  }
0x3b: {  	s29 =	simm.s32 $0x6000;
	s2 =	simm.s32 $0xA000  }
0x3c: {  	[tilespmem:s29], [sflag:$0x8] =	stream.indirect.gather [hbm4b:s7+s10], $0x80, s4, s10, $0xb8;
	[tilespmem:$0x17D80] =	vst v63  }
.LBB2_4:
0x3d: {  	v13 =	vld [tilespmem:$0x10000]  }
0x3e: {  	v14 =	vld [tilespmem:$0x10040];
	_ =	sdelay $0x6  }
0x3f: {  	v15 =	vld.idx.msk [tilespmem:v13+s24+$0x0], $0xffff  }
0x40: {  	v16 =	vld.idx.msk [tilespmem:v14+s24+$0x0], $0xffff  }
0x41: {  	v17 =	vld.idx.msk [tilespmem:v13+s26+$0x0], $0xffff  }
0x42: {  	v18 =	vld.idx.msk [tilespmem:v14+s26+$0x0], $0xffff  }
0x43: {  	v13 =	vld.idx.msk [tilespmem:v13+s28+$0x0], $0xffff  }
0x44: {  	v14 =	vld.idx.msk [tilespmem:v14+s28+$0x0], $0xffff;
	_ =	sdelay $0x2  }
0x45: {  	v15 =	vsub.f32 v15, v16;
	v16 =	vsub.f32 v17, v18;
	_ =	sdelay $0x1  }
0x46: {  	v13 =	vsub.f32 v13, v14;
	v14 =	vmul.f32 v15, v15;
	v17 =	vmul.f32 v16, v16;
	_ =	sdelay $0x1  }
0x47: {  	v14 =	vadd.f32 v17, v14;
	v17 =	vmul.f32 v13, v13;
	_ =	sdelay $0x1  }
0x48: {  	v14 =	vadd.f32 v17, v14;
	_ =	sdelay $0x1  }
0x49: {  	[tilespmem:$0x17900] =	vst v14  }
0x4a: {  	[tilespmem:v0+s17+$0x0] =	vst.idx.msk $0xffff, v15  }
0x4b: {  	[tilespmem:v2+s17+$0x0] =	vst.idx.msk $0xffff, v16  }
0x4c: {  	[tilespmem:v3+s17+$0x0] =	vst.idx.msk $0xffff, v13  }
0x4d: {  	v13 =	vld [tilespmem:$0x10010]  }
0x4e: {  	v14 =	vld [tilespmem:$0x10050];
	_ =	sdelay $0x6  }
0x4f: {  	v15 =	vld.idx.msk [tilespmem:v13+s24+$0x0], $0xffff  }
0x50: {  	v16 =	vld.idx.msk [tilespmem:v14+s24+$0x0], $0xffff  }
0x51: {  	v17 =	vld.idx.msk [tilespmem:v13+s26+$0x0], $0xffff  }
0x52: {  	v18 =	vld.idx.msk [tilespmem:v14+s26+$0x0], $0xffff  }
0x53: {  	v13 =	vld.idx.msk [tilespmem:v13+s28+$0x0], $0xffff  }
0x54: {  	v14 =	vld.idx.msk [tilespmem:v14+s28+$0x0], $0xffff;
	_ =	sdelay $0x2  }
0x55: {  	v15 =	vsub.f32 v15, v16;
	v16 =	vsub.f32 v17, v18;
	_ =	sdelay $0x1  }
0x56: {  	v13 =	vsub.f32 v13, v14;
	v14 =	vmul.f32 v15, v15;
	v17 =	vmul.f32 v16, v16;
	_ =	sdelay $0x1  }
0x57: {  	v14 =	vadd.f32 v17, v14;
	v17 =	vmul.f32 v13, v13;
	_ =	sdelay $0x1  }
0x58: {  	v14 =	vadd.f32 v17, v14;
	_ =	sdelay $0x1  }
0x59: {  	[tilespmem:$0x17910] =	vst v14  }
0x5a: {  	[tilespmem:v4+s17+$0x0] =	vst.idx.msk $0xffff, v15  }
0x5b: {  	[tilespmem:v5+s17+$0x0] =	vst.idx.msk $0xffff, v16  }
0x5c: {  	[tilespmem:v6+s17+$0x0] =	vst.idx.msk $0xffff, v13  }
0x5d: {  	v13 =	vld [tilespmem:$0x10020]  }
0x5e: {  	v14 =	vld [tilespmem:$0x10060];
	_ =	sdelay $0x6  }
0x5f: {  	v15 =	vld.idx.msk [tilespmem:v13+s24+$0x0], $0xffff  }
0x60: {  	v16 =	vld.idx.msk [tilespmem:v14+s24+$0x0], $0xffff  }
0x61: {  	v17 =	vld.idx.msk [tilespmem:v13+s26+$0x0], $0xffff  }
0x62: {  	v18 =	vld.idx.msk [tilespmem:v14+s26+$0x0], $0xffff  }
0x63: {  	v13 =	vld.idx.msk [tilespmem:v13+s28+$0x0], $0xffff  }
0x64: {  	v14 =	vld.idx.msk [tilespmem:v14+s28+$0x0], $0xffff;
	_ =	sdelay $0x2  }
0x65: {  	v15 =	vsub.f32 v15, v16;
	v16 =	vsub.f32 v17, v18;
	_ =	sdelay $0x1  }
0x66: {  	v13 =	vsub.f32 v13, v14;
	v14 =	vmul.f32 v15, v15;
	v17 =	vmul.f32 v16, v16;
	_ =	sdelay $0x1  }
0x67: {  	v14 =	vadd.f32 v17, v14;
	v17 =	vmul.f32 v13, v13;
	_ =	sdelay $0x1  }
0x68: {  	v14 =	vadd.f32 v17, v14;
	_ =	sdelay $0x1  }
0x69: {  	[tilespmem:$0x17920] =	vst v14  }
0x6a: {  	[tilespmem:v7+s17+$0x0] =	vst.idx.msk $0xffff, v15  }
0x6b: {  	[tilespmem:v8+s17+$0x0] =	vst.idx.msk $0xffff, v16  }
0x6c: {  	[tilespmem:v9+s17+$0x0] =	vst.idx.msk $0xffff, v13  }
0x6d: {  	v13 =	vld [tilespmem:$0x10030]  }
0x6e: {  	v14 =	vld [tilespmem:$0x10070];
	_ =	sdelay $0x6  }
0x6f: {  	v15 =	vld.idx.msk [tilespmem:v13+s24+$0x0], $0xffff  }
0x70: {  	v16 =	vld.idx.msk [tilespmem:v14+s24+$0x0], $0xffff  }
0x71: {  	v17 =	vld.idx.msk [tilespmem:v13+s26+$0x0], $0xffff  }
0x72: {  	v18 =	vld.idx.msk [tilespmem:v14+s26+$0x0], $0xffff  }
0x73: {  	v13 =	vld.idx.msk [tilespmem:v13+s28+$0x0], $0xffff  }
0x74: {  	v14 =	vld.idx.msk [tilespmem:v14+s28+$0x0], $0xffff;
	_ =	sdelay $0x2  }
0x75: {  	v15 =	vsub.f32 v15, v16;
	v16 =	vsub.f32 v17, v18;
	_ =	sdelay $0x1  }
0x76: {  	v13 =	vsub.f32 v13, v14;
	v14 =	vmul.f32 v15, v15;
	v17 =	vmul.f32 v16, v16;
	_ =	sdelay $0x1  }
0x77: {  	v14 =	vadd.f32 v17, v14;
	v17 =	vmul.f32 v13, v13;
	_ =	sdelay $0x1  }
0x78: {  	v14 =	vadd.f32 v17, v14;
	_ =	sdelay $0x1  }
0x79: {  	[tilespmem:$0x17930] =	vst v14  }
0x7a: {  	[tilespmem:v10+s17+$0x0] =	vst.idx.msk $0xffff, v15  }
0x7b: {  	[tilespmem:v11+s17+$0x0] =	vst.idx.msk $0xffff, v16  }
0x7c: {  	s0 =	simm.s32 $0x3;
	[tilespmem:v12+s17+$0x0] =	vst.idx.msk $0xffff, v13  }
0x7d: {  	_ =	swait.ge [sflag:s0], $0x40  }
0x7e: {  	[sflag:s0] =	ssyncset.done $0x0  }
0x7f: {  	s18 =	simm.s32 $0x4;
	[sflag:s0] =	ssyncadd.s32 $0xFFFFFFC0  }
0x80: {  	_ =	swait.ge [sflag:s18], $0x40  }
0x81: {  	p0 =	seq.s32 s20, $0x0;
	[sflag:s18] =	ssyncset.done $0x0  }
0x82: {  	s0 =	simm.s32 @!p0 $0x11;
	[sflag:s18] =	ssyncadd.s32 $0xFFFFFFC0  }
0x83: {  	_ =	swait.ge @!p0 [sflag:s0], $0x2000  }
0x84: {  	[sflag:s0] =	ssyncset.done @!p0 $0x0  }
0x85: {  	[sflag:s0] =	ssyncadd.s32 @!p0 $0xFFFFE000;
	s0 =	simm.s32 @!p0 $0x12  }
0x86: {  	_ =	swait.ge @!p0 [sflag:s0], $0x2000  }
0x87: {  	[sflag:s0] =	ssyncset.done @!p0 $0x0  }
0x88: {  	[sflag:s0] =	ssyncadd.s32 @!p0 $0xFFFFE000;
	s0 =	simm.s32 @!p0 $0x13  }
0x89: {  	_ =	swait.ge @!p0 [sflag:s0], $0x200  }
0x8a: {  	[sflag:s0] =	ssyncset.done @!p0 $0x0  }
0x8b: {  	[sflag:s0] =	ssyncadd.s32 @!p0 $0xFFFFFE00;
	s0 =	simm.s32 @!p0 $0x14  }
0x8c: {  	_ =	swait.ge @!p0 [sflag:s0], $0x40  }
0x8d: {  	[sflag:s0] =	ssyncset.done @!p0 $0x0  }
0x8e: {  	s19 =	simm.s32 $0x10080;
	[sflag:s0] =	ssyncadd.s32 @!p0 $0xFFFFFFC0  }
0x8f: {  	[tilespmem:s31], [sflag:$0x9] =	stream.indirect.gather [hbm4b:s25+s10], $0x80, s19, s10, $0xb8;
	[tilespmem:$0x17D80] =	vst v63  }
0x90: {  	_ = 	snop  }
0x91: {  	[tilespmem:s2], [sflag:$0xA] =	stream.indirect.gather [hbm4b:s5+s10], $0x80, s19, s10, $0xb8;
	[tilespmem:$0x17D80] =	vst v63  }
0x92: {  	s29 =	smov.u32 s25;
	s23 =	simm.s32 $0x100C0;
	s25 =	simm.s32 $0xC000  }
0x93: {  	[tilespmem:s25], [sflag:$0xB] =	stream.indirect.gather [hbm4b:s6+s10], $0x80, s23, s10, $0xb8;
	[tilespmem:$0x17D80] =	vst v63  }
0x94: {  	s4 =	simm.s32 $0xE000;
	s18 =	simm.s32 $0x5  }
0x95: {  	[tilespmem:s4], [sflag:$0xC] =	stream.indirect.gather [hbm4b:s7+s10], $0x80, s23, s10, $0xb8;
	[tilespmem:$0x17D80] =	vst v63  }
0x96: {  	_ =	swait.ge [sflag:s18], $0x2000  }
0x97: {  	[sflag:s18] =	ssyncset.done $0x0  }
0x98: {  	s19 =	simm.s32 $0x6;
	[sflag:s18] =	ssyncadd.s32 $0xFFFFE000  }
0x99: {  	_ =	swait.ge [sflag:s19], $0x2000  }
0x9a: {  	[sflag:s19] =	ssyncset.done $0x0  }
0x9b: {  	s23 =	simm.s32 $0x7;
	[sflag:s19] =	ssyncadd.s32 $0xFFFFE000  }
0x9c: {  	_ =	swait.ge [sflag:s23], $0x2000  }
0x9d: {  	[sflag:s23] =	ssyncset.done $0x0  }
0x9e: {  	s25 =	simm.s32 $0x8;
	[sflag:s23] =	ssyncadd.s32 $0xFFFFE000  }
0x9f: {  	_ =	swait.ge [sflag:s25], $0x2000  }
0xa0: {  	[sflag:s25] =	ssyncset.done $0x0  }
0xa1: {  	s0 =	simm.s32 $0x0;
	[sflag:s25] =	ssyncadd.s32 $0xFFFFE000  }
0xa2: {  	v19 =	vld [tilespmem:s0+$0x4000]  }
0xa3: {  	v20 =	vld [tilespmem:s0+$0x6000]  }
0xa4: {  	v21 =	vld [tilespmem:s0+$0x4010]  }
0xa5: {  	v22 =	vld [tilespmem:s0+$0x6010]  }
0xa6: {  	v23 =	vld [tilespmem:s0+$0x4020]  }
0xa7: {  	v24 =	vld [tilespmem:s0+$0x6020]  }
0xa8: {  	v25 =	vld [tilespmem:s0+$0x4030]  }
0xa9: {  	v26 =	vld [tilespmem:s0+$0x6030]  }
0xaa: {  	v27 =	vld [tilespmem:s0+$0x4040]  }
0xab: {  	v28 =	vld [tilespmem:s0+$0x6040]  }
0xac: {  	v18 =	vld [tilespmem:s0+$0x4050]  }
0xad: {  	v17 =	vld [tilespmem:s0+$0x6050]  }
0xae: {  	v16 =	vld [tilespmem:s0+$0x4060]  }
0xaf: {  	v15 =	vld [tilespmem:s0+$0x6060]  }
0xb0: {  	v14 =	vld [tilespmem:s0+$0x4070]  }
0xb1: {  	v13 =	vld [tilespmem:s0+$0x6070]  }
0xb2: {  	v29 =	vld [tilespmem:s0+$0x0]  }
0xb3: {  	v30 =	vld [tilespmem:s0+$0x2000]  }
0xb4: {  	v31 =	vld [tilespmem:s0+$0x10]  }
0xb5: {  	v32 =	vld [tilespmem:s0+$0x2010]  }
0xb6: {  	v33 =	vld [tilespmem:s0+$0x20]  }
0xb7: {  	v60 =	vld [tilespmem:s0+$0x2020];
	v19 =	vadd.f32 v19, v29  }
0xb8: {  	v34 =	vld [tilespmem:s0+$0x30];
	v20 =	vadd.f32 v20, v30  }
0xb9: {  	v61 =	vld [tilespmem:s0+$0x2030];
	[tilespmem:s0+$0x0] =	vst v19;
	v19 =	vadd.f32 v21, v31  }
0xba: {  	v62 =	vld [tilespmem:s0+$0x40];
	[tilespmem:s0+$0x2000] =	vst v20;
	v20 =	vadd.f32 v22, v32  }
0xbb: {  	v63 =	vld [tilespmem:s0+$0x2040];
	[tilespmem:s0+$0x10] =	vst v19;
	v19 =	vadd.f32 v23, v33  }
0xbc: {  	v21 =	vadd.f32 v24, v60;
	[tilespmem:s0+$0x2010] =	vst v20;
	v20 =	vld [tilespmem:s0+$0x50]  }
0xbd: {  	v22 =	vadd.f32 v25, v34;
	[tilespmem:s0+$0x20] =	vst v19;
	v19 =	vld [tilespmem:s0+$0x2050]  }
0xbe: {  	s31 =	sshll.u32 s20, $0x7;
	[tilespmem:s0+$0x2020] =	vst v21;
	v21 =	vld [tilespmem:s0+$0x60];
	v23 =	vadd.f32 v26, v61  }
0xbf: {  	s18 =	sadd.s32 s31, s12;
	v25 =	vadd.f32 v27, v62;
	[tilespmem:s0+$0x30] =	vst v22;
	v22 =	vld [tilespmem:s0+$0x2060]  }
0xc0: {  	s23 =	sadd.s32 $0x40, s18;
	s18 =	simm.s32 $0x200;
	v24 =	vadd.f32 v28, v63;
	[tilespmem:s0+$0x2030] =	vst v23;
	v23 =	vld [tilespmem:s0+$0x70]  }
.LBB2_5:
0xc1: {  	s19 =	sshra.s32 s18, $0x2;
	p0 =	sne.s32 s18, $0x7E00;
	[tilespmem:s0+$0x40] =	vst v25;
	v18 =	vadd.f32 v18, v20;
	v20 =	vld [tilespmem:s0+$0x2070]  }
0xc2: {  	v25 =	vld [tilespmem:s19+$0x4000];
	[tilespmem:s0+$0x2040] =	vst v24;
	v17 =	vadd.f32 v17, v19  }
0xc3: {  	v19 =	vld [tilespmem:s19+$0x6000];
	[tilespmem:s0+$0x50] =	vst v18;
	v16 =	vadd.f32 v16, v21  }
0xc4: {  	v21 =	vld [tilespmem:s19+$0x4010];
	[tilespmem:s0+$0x2050] =	vst v17;
	v15 =	vadd.f32 v15, v22  }
0xc5: {  	v22 =	vld [tilespmem:s19+$0x6010];
	[tilespmem:s0+$0x60] =	vst v16;
	v14 =	vadd.f32 v14, v23  }
0xc6: {  	v23 =	vld [tilespmem:s19+$0x4020];
	[tilespmem:s0+$0x2060] =	vst v15;
	v13 =	vadd.f32 v13, v20  }
0xc7: {  	v20 =	vld [tilespmem:s19+$0x6020];
	[tilespmem:s0+$0x70] =	vst v14  }
0xc8: {  	v24 =	vld [tilespmem:s19+$0x4030];
	[tilespmem:s0+$0x2070] =	vst v13;
	s0 =	smov.u32 s19  }
0xc9: {  	v26 =	vld [tilespmem:s0+$0x6030]  }
0xca: {  	v27 =	vld [tilespmem:s0+$0x4040]  }
0xcb: {  	v28 =	vld [tilespmem:s0+$0x6040]  }
0xcc: {  	v18 =	vld [tilespmem:s0+$0x4050]  }
0xcd: {  	v17 =	vld [tilespmem:s0+$0x6050]  }
0xce: {  	v16 =	vld [tilespmem:s0+$0x4060]  }
0xcf: {  	v15 =	vld [tilespmem:s0+$0x6060]  }
0xd0: {  	v14 =	vld [tilespmem:s0+$0x4070]  }
0xd1: {  	v13 =	vld [tilespmem:s0+$0x6070]  }
0xd2: {  	v29 =	vld [tilespmem:s0+$0x0]  }
0xd3: {  	v30 =	vld [tilespmem:s0+$0x2000]  }
0xd4: {  	v31 =	vld [tilespmem:s0+$0x10]  }
0xd5: {  	v32 =	vld [tilespmem:s0+$0x2010]  }
0xd6: {  	v33 =	vld [tilespmem:s0+$0x20]  }
0xd7: {  	v25 =	vadd.f32 v25, v29;
	v29 =	vld [tilespmem:s0+$0x2020]  }
0xd8: {  	v19 =	vadd.f32 v19, v30;
	v30 =	vld [tilespmem:s0+$0x30]  }
0xd9: {  	[tilespmem:s0+$0x0] =	vst v25;
	v21 =	vadd.f32 v21, v31;
	v25 =	vld [tilespmem:s0+$0x2030]  }
0xda: {  	[tilespmem:s0+$0x2000] =	vst v19;
	v19 =	vadd.f32 v22, v32;
	v22 =	vld [tilespmem:s0+$0x40]  }
0xdb: {  	[tilespmem:s0+$0x10] =	vst v21;
	v21 =	vadd.f32 v23, v33;
	v23 =	vld [tilespmem:s0+$0x2040]  }
.Ltmp1:
0xdc: {  	[tilespmem:s0+$0x2010] =	vst v19;
	v29 =	vadd.f32 v20, v29;
	v20 =	vld [tilespmem:s0+$0x50];
	(pc) =	sbr.rel @p0 .LBB2_5-.Ltmp1, $4  }
0xdd: {  	[tilespmem:s0+$0x20] =	vst v21;
	v24 =	vadd.f32 v24, v30;
	v19 =	vld [tilespmem:s0+$0x2050]  }
0xde: {  	[tilespmem:s0+$0x2020] =	vst v29;
	v26 =	vadd.f32 v26, v25;
	v21 =	vld [tilespmem:s0+$0x60]  }
0xdf: {  	[tilespmem:s0+$0x30] =	vst v24;
	v25 =	vadd.f32 v27, v22;
	v22 =	vld [tilespmem:s0+$0x2060]  }
0xe0: {  	s18 =	sadd.s32 $0x200, s18;
	[tilespmem:s0+$0x2030] =	vst v26;
	v24 =	vadd.f32 v28, v23;
	v23 =	vld [tilespmem:s0+$0x70]  }
0xe1: {  	[tilespmem:s0+$0x40] =	vst v25;
	v18 =	vadd.f32 v18, v20;
	v20 =	vld [tilespmem:s0+$0x2070]  }
0xe2: {  	[tilespmem:s0+$0x2040] =	vst v24;
	v17 =	vadd.f32 v17, v19  }
0xe3: {  	[tilespmem:s0+$0x50] =	vst v18;
	v16 =	vadd.f32 v16, v21  }
0xe4: {  	[tilespmem:s0+$0x2050] =	vst v17;
	v15 =	vadd.f32 v15, v22  }
0xe5: {  	p0 =	seq.s32 s20, $0x27;
	s2 =	rddreg [dreg:$0xa];
	[tilespmem:s0+$0x60] =	vst v16;
	v14 =	vadd.f32 v14, v23  }
0xe6: {  	s18 =	sadd.s32 @!p0 s31, s2;
	[tilespmem:s0+$0x2060] =	vst v15;
	v13 =	vadd.f32 v13, v20  }
0xe7: {  	s4 =	sshrl.u32 @!p0 s18, $0x3;
	[tilespmem:s0+$0x70] =	vst v14  }
0xe8: {  	s19 =	simm.s32 @!p0 $0x0;
	s18 =	simm.s32 @!p0 $0x10000;
	[tilespmem:s0+$0x2070] =	vst v13;
	s0 =	sadd.s32 @!p0 s8, s4  }
0xe9: {  	[tilespmem:s18], [sflag:$0x1] =	stream.linear.gather @!p0 [hbm4b:s0+s19], $0x40, $0x38;
	[tilespmem:$0x17D80] =	vst v63  }
0xea: {  	s4 =	sadd.s32 @!p0 s9, s4;
	s0 =	simm.s32 @!p0 $0x10040  }
0xeb: {  	[tilespmem:s0], [sflag:$0x2] =	stream.linear.gather @!p0 [hbm4b:s4+s19], $0x40, $0x38;
	[tilespmem:$0x17D80] =	vst v63  }
0xec: {  	s4 =	sadd.s32 s12, s31  }
0xed: {  	s2 =	sshll.u32 s4, $0x4  }
0xee: {  	s25 =	sadd.s32 s13, s2  }
0xef: {  	[hbm4b:s25+s3] =	stream.linear.scatter [tilespmem:s3], [sflag:$0xD], $0x2000, $0x38;
	[tilespmem:$0x17D80] =	vst v63  }
0xf0: {  	s2 =	sadd.s32 s14, s2;
	s25 =	simm.s32 $0x2000  }
0xf1: {  	[hbm4b:s2+s3] =	stream.linear.scatter [tilespmem:s25], [sflag:$0xE], $0x2000, $0x38;
	[tilespmem:$0x17D80] =	vst v63  }
0xf2: {  	s25 =	sadd.s32 s15, s4;
	s4 =	sshrl.u32 s4, $0x3  }
0xf3: {  	[hbm4b:s25+s3] =	stream.linear.scatter [tilespmem:s17], [sflag:$0xF], $0x200, $0x38;
	[tilespmem:$0x17D80] =	vst v63  }
0xf4: {  	s2 =	sadd.s32 s16, s4;
	s25 =	simm.s32 $0x17900  }
0xf5: {  	[hbm4b:s2+s3] =	stream.linear.scatter [tilespmem:s25], [sflag:$0x10], $0x40, $0x38;
	[tilespmem:$0x17D80] =	vst v63  }
0xf6: {  	v13 =	vld [tilespmem:$0x10080]  }
0xf7: {  	v14 =	vld [tilespmem:$0x100C0];
	_ =	sdelay $0x6  }
0xf8: {  	v15 =	vld.idx.msk [tilespmem:v13+s24+$0x0], $0xffff  }
0xf9: {  	v16 =	vld.idx.msk [tilespmem:v14+s24+$0x0], $0xffff  }
0xfa: {  	v17 =	vld.idx.msk [tilespmem:v13+s26+$0x0], $0xffff  }
0xfb: {  	v18 =	vld.idx.msk [tilespmem:v14+s26+$0x0], $0xffff  }
0xfc: {  	v13 =	vld.idx.msk [tilespmem:v13+s28+$0x0], $0xffff  }
0xfd: {  	v14 =	vld.idx.msk [tilespmem:v14+s28+$0x0], $0xffff;
	_ =	sdelay $0x2  }
0xfe: {  	v15 =	vsub.f32 v15, v16;
	v16 =	vsub.f32 v17, v18;
	_ =	sdelay $0x1  }
0xff: {  	v13 =	vsub.f32 v13, v14;
	v14 =	vmul.f32 v15, v15;
	v17 =	vmul.f32 v16, v16;
	_ =	sdelay $0x1  }
0x100: {  	v14 =	vadd.f32 v17, v14;
	v17 =	vmul.f32 v13, v13;
	_ =	sdelay $0x1  }
0x101: {  	v14 =	vadd.f32 v17, v14;
	_ =	sdelay $0x1  }
0x102: {  	[tilespmem:$0x17940] =	vst v14  }
0x103: {  	[tilespmem:v0+s30+$0x0] =	vst.idx.msk $0xffff, v15  }
0x104: {  	[tilespmem:v2+s30+$0x0] =	vst.idx.msk $0xffff, v16  }
0x105: {  	[tilespmem:v3+s30+$0x0] =	vst.idx.msk $0xffff, v13  }
0x106: {  	v13 =	vld [tilespmem:$0x10090]  }
0x107: {  	v14 =	vld [tilespmem:$0x100D0];
	_ =	sdelay $0x6  }
0x108: {  	v15 =	vld.idx.msk [tilespmem:v13+s24+$0x0], $0xffff  }
0x109: {  	v16 =	vld.idx.msk [tilespmem:v14+s24+$0x0], $0xffff  }
0x10a: {  	v17 =	vld.idx.msk [tilespmem:v13+s26+$0x0], $0xffff  }
0x10b: {  	v18 =	vld.idx.msk [tilespmem:v14+s26+$0x0], $0xffff  }
0x10c: {  	v13 =	vld.idx.msk [tilespmem:v13+s28+$0x0], $0xffff  }
0x10d: {  	v14 =	vld.idx.msk [tilespmem:v14+s28+$0x0], $0xffff;
	_ =	sdelay $0x2  }
0x10e: {  	v15 =	vsub.f32 v15, v16;
	v16 =	vsub.f32 v17, v18;
	_ =	sdelay $0x1  }
0x10f: {  	v13 =	vsub.f32 v13, v14;
	v14 =	vmul.f32 v15, v15;
	v17 =	vmul.f32 v16, v16;
	_ =	sdelay $0x1  }
0x110: {  	v14 =	vadd.f32 v17, v14;
	v17 =	vmul.f32 v13, v13;
	_ =	sdelay $0x1  }
0x111: {  	v14 =	vadd.f32 v17, v14;
	_ =	sdelay $0x1  }
0x112: {  	[tilespmem:$0x17950] =	vst v14  }
0x113: {  	[tilespmem:v4+s30+$0x0] =	vst.idx.msk $0xffff, v15  }
0x114: {  	[tilespmem:v5+s30+$0x0] =	vst.idx.msk $0xffff, v16  }
0x115: {  	[tilespmem:v6+s30+$0x0] =	vst.idx.msk $0xffff, v13  }
0x116: {  	v13 =	vld [tilespmem:$0x100A0]  }
0x117: {  	v14 =	vld [tilespmem:$0x100E0];
	_ =	sdelay $0x6  }
0x118: {  	v15 =	vld.idx.msk [tilespmem:v13+s24+$0x0], $0xffff  }
0x119: {  	v16 =	vld.idx.msk [tilespmem:v14+s24+$0x0], $0xffff  }
0x11a: {  	v17 =	vld.idx.msk [tilespmem:v13+s26+$0x0], $0xffff  }
0x11b: {  	v18 =	vld.idx.msk [tilespmem:v14+s26+$0x0], $0xffff  }
0x11c: {  	v13 =	vld.idx.msk [tilespmem:v13+s28+$0x0], $0xffff  }
0x11d: {  	v14 =	vld.idx.msk [tilespmem:v14+s28+$0x0], $0xffff;
	_ =	sdelay $0x2  }
0x11e: {  	v15 =	vsub.f32 v15, v16;
	v16 =	vsub.f32 v17, v18;
	_ =	sdelay $0x1  }
0x11f: {  	v13 =	vsub.f32 v13, v14;
	v14 =	vmul.f32 v15, v15;
	v17 =	vmul.f32 v16, v16;
	_ =	sdelay $0x1  }
0x120: {  	v14 =	vadd.f32 v17, v14;
	v17 =	vmul.f32 v13, v13;
	_ =	sdelay $0x1  }
0x121: {  	v14 =	vadd.f32 v17, v14;
	_ =	sdelay $0x1  }
0x122: {  	[tilespmem:$0x17960] =	vst v14  }
0x123: {  	[tilespmem:v7+s30+$0x0] =	vst.idx.msk $0xffff, v15  }
0x124: {  	[tilespmem:v8+s30+$0x0] =	vst.idx.msk $0xffff, v16  }
0x125: {  	[tilespmem:v9+s30+$0x0] =	vst.idx.msk $0xffff, v13  }
0x126: {  	v13 =	vld [tilespmem:$0x100B0]  }
0x127: {  	v14 =	vld [tilespmem:$0x100F0];
	_ =	sdelay $0x6  }
0x128: {  	v15 =	vld.idx.msk [tilespmem:v13+s24+$0x0], $0xffff  }
0x129: {  	v16 =	vld.idx.msk [tilespmem:v14+s24+$0x0], $0xffff  }
0x12a: {  	v17 =	vld.idx.msk [tilespmem:v13+s26+$0x0], $0xffff  }
0x12b: {  	v18 =	vld.idx.msk [tilespmem:v14+s26+$0x0], $0xffff  }
0x12c: {  	v13 =	vld.idx.msk [tilespmem:v13+s28+$0x0], $0xffff  }
0x12d: {  	v14 =	vld.idx.msk [tilespmem:v14+s28+$0x0], $0xffff;
	_ =	sdelay $0x2  }
0x12e: {  	v15 =	vsub.f32 v15, v16;
	v16 =	vsub.f32 v17, v18;
	_ =	sdelay $0x1  }
0x12f: {  	v13 =	vsub.f32 v13, v14;
	v14 =	vmul.f32 v15, v15;
	v17 =	vmul.f32 v16, v16;
	_ =	sdelay $0x1  }
0x130: {  	v14 =	vadd.f32 v17, v14;
	v17 =	vmul.f32 v13, v13;
	_ =	sdelay $0x1  }
0x131: {  	v14 =	vadd.f32 v17, v14;
	_ =	sdelay $0x1  }
0x132: {  	[tilespmem:$0x17970] =	vst v14  }
0x133: {  	[tilespmem:v10+s30+$0x0] =	vst.idx.msk $0xffff, v15  }
0x134: {  	[tilespmem:v11+s30+$0x0] =	vst.idx.msk $0xffff, v16  }
0x135: {  	s2 =	simm.s32 @!p0 $0x1;
	[tilespmem:v12+s30+$0x0] =	vst.idx.msk $0xffff, v13  }
0x136: {  	_ =	swait.ge @!p0 [sflag:s2], $0x40  }
0x137: {  	[sflag:s2] =	ssyncset.done @!p0 $0x0  }
0x138: {  	[sflag:s2] =	ssyncadd.s32 @!p0 $0xFFFFFFC0;
	s2 =	simm.s32 @!p0 $0x2  }
0x139: {  	_ =	swait.ge @!p0 [sflag:s2], $0x40  }
0x13a: {  	[sflag:s2] =	ssyncset.done @!p0 $0x0  }
0x13b: {  	[sflag:s2] =	ssyncadd.s32 @!p0 $0xFFFFFFC0;
	s2 =	simm.s32 @!p0 $0xD  }
0x13c: {  	_ =	swait.ge @!p0 [sflag:s2], $0x2000  }
0x13d: {  	[sflag:s2] =	ssyncset.done @!p0 $0x0  }
0x13e: {  	[sflag:s2] =	ssyncadd.s32 @!p0 $0xFFFFE000;
	s2 =	simm.s32 @!p0 $0xE  }
0x13f: {  	_ =	swait.ge @!p0 [sflag:s2], $0x2000  }
0x140: {  	[sflag:s2] =	ssyncset.done @!p0 $0x0  }
0x141: {  	[sflag:s2] =	ssyncadd.s32 @!p0 $0xFFFFE000;
	s2 =	simm.s32 @!p0 $0xF  }
0x142: {  	_ =	swait.ge @!p0 [sflag:s2], $0x200  }
0x143: {  	[sflag:s2] =	ssyncset.done @!p0 $0x0  }
0x144: {  	[sflag:s2] =	ssyncadd.s32 @!p0 $0xFFFFFE00;
	s2 =	simm.s32 @!p0 $0x10  }
0x145: {  	_ =	swait.ge @!p0 [sflag:s2], $0x40  }
0x146: {  	[sflag:s2] =	ssyncset.done @!p0 $0x0  }
0x147: {  	[sflag:s2] =	ssyncadd.s32 @!p0 $0xFFFFFFC0;
	s2 =	simm.s32 @!p0 $0x40  }
0x148: {  	[tilespmem:s19], [sflag:$0x5] =	stream.indirect.gather @!p0 [hbm4b:s29+s2], $0x80, s18, s2, $0xb8;
	[tilespmem:$0x17D80] =	vst v63  }
0x149: {  	s4 =	simm.s32 @!p0 $0x2000  }
0x14a: {  	[tilespmem:s4], [sflag:$0x6] =	stream.indirect.gather @!p0 [hbm4b:s5+s2], $0x80, s18, s2, $0xb8;
	[tilespmem:$0x17D80] =	vst v63  }
0x14b: {  	s4 =	simm.s32 @!p0 $0x4000  }
0x14c: {  	[tilespmem:s4], [sflag:$0x7] =	stream.indirect.gather @!p0 [hbm4b:s6+s2], $0x80, s0, s2, $0xb8;
	[tilespmem:$0x17D80] =	vst v63  }
0x14d: {  	s4 =	simm.s32 @!p0 $0x6000  }
0x14e: {  	[tilespmem:s4], [sflag:$0x8] =	stream.indirect.gather @!p0 [hbm4b:s7+s2], $0x80, s0, s2, $0xb8;
	[tilespmem:$0x17D80] =	vst v63  }
0x14f: {  	_ =	swait.ge [sflag:s11], $0x2000  }
0x150: {  	[sflag:s11] =	ssyncset.done $0x0  }
0x151: {  	[sflag:s11] =	ssyncadd.s32 $0xFFFFE000  }
0x152: {  	_ =	swait.ge [sflag:s1], $0x2000  }
0x153: {  	[sflag:s1] =	ssyncset.done $0x0  }
0x154: {  	[sflag:s1] =	ssyncadd.s32 $0xFFFFE000  }
0x155: {  	_ =	swait.ge [sflag:s21], $0x2000  }
0x156: {  	[sflag:s21] =	ssyncset.done $0x0  }
0x157: {  	[sflag:s21] =	ssyncadd.s32 $0xFFFFE000  }
0x158: {  	_ =	swait.ge [sflag:s22], $0x2000  }
0x159: {  	[sflag:s22] =	ssyncset.done $0x0  }
0x15a: {  	s0 =	simm.s32 $0x0;
	[sflag:s22] =	ssyncadd.s32 $0xFFFFE000  }
0x15b: {  	v19 =	vld [tilespmem:s0+$0xC000]  }
0x15c: {  	v20 =	vld [tilespmem:s0+$0xE000]  }
0x15d: {  	v21 =	vld [tilespmem:s0+$0xC010]  }
0x15e: {  	v22 =	vld [tilespmem:s0+$0xE010]  }
0x15f: {  	v23 =	vld [tilespmem:s0+$0xC020]  }
0x160: {  	v24 =	vld [tilespmem:s0+$0xE020]  }
0x161: {  	v25 =	vld [tilespmem:s0+$0xC030]  }
0x162: {  	v26 =	vld [tilespmem:s0+$0xE030]  }
0x163: {  	v27 =	vld [tilespmem:s0+$0xC040]  }
0x164: {  	v28 =	vld [tilespmem:s0+$0xE040]  }
0x165: {  	v18 =	vld [tilespmem:s0+$0xC050]  }
0x166: {  	v17 =	vld [tilespmem:s0+$0xE050]  }
0x167: {  	v16 =	vld [tilespmem:s0+$0xC060]  }
0x168: {  	v15 =	vld [tilespmem:s0+$0xE060]  }
0x169: {  	v14 =	vld [tilespmem:s0+$0xC070]  }
0x16a: {  	v13 =	vld [tilespmem:s0+$0xE070]  }
0x16b: {  	v29 =	vld [tilespmem:s0+$0x8000]  }
0x16c: {  	v30 =	vld [tilespmem:s0+$0xA000]  }
0x16d: {  	v31 =	vld [tilespmem:s0+$0x8010]  }
0x16e: {  	v32 =	vld [tilespmem:s0+$0xA010]  }
0x16f: {  	v33 =	vld [tilespmem:s0+$0x8020]  }
0x170: {  	v60 =	vld [tilespmem:s0+$0xA020];
	v19 =	vadd.f32 v19, v29  }
0x171: {  	v34 =	vld [tilespmem:s0+$0x8030];
	v20 =	vadd.f32 v20, v30  }
0x172: {  	v61 =	vld [tilespmem:s0+$0xA030];
	[tilespmem:s0+$0x8000] =	vst v19;
	v19 =	vadd.f32 v21, v31  }
0x173: {  	v62 =	vld [tilespmem:s0+$0x8040];
	[tilespmem:s0+$0xA000] =	vst v20;
	v20 =	vadd.f32 v22, v32  }
0x174: {  	v63 =	vld [tilespmem:s0+$0xA040];
	[tilespmem:s0+$0x8010] =	vst v19;
	v19 =	vadd.f32 v23, v33  }
0x175: {  	v21 =	vadd.f32 v24, v60;
	[tilespmem:s0+$0xA010] =	vst v20;
	v20 =	vld [tilespmem:s0+$0x8050]  }
0x176: {  	v22 =	vadd.f32 v25, v34;
	[tilespmem:s0+$0x8020] =	vst v19;
	v19 =	vld [tilespmem:s0+$0xA050]  }
0x177: {  	[tilespmem:s0+$0xA020] =	vst v21;
	v21 =	vld [tilespmem:s0+$0x8060];
	v23 =	vadd.f32 v26, v61  }
0x178: {  	v25 =	vadd.f32 v27, v62;
	[tilespmem:s0+$0x8030] =	vst v22;
	v22 =	vld [tilespmem:s0+$0xA060]  }
0x179: {  	s25 =	smov.u32 s29;
	s18 =	simm.s32 $0x200;
	v24 =	vadd.f32 v28, v63;
	[tilespmem:s0+$0xA030] =	vst v23;
	v23 =	vld [tilespmem:s0+$0x8070]  }
.LBB2_7:
0x17a: {  	s2 =	sshra.s32 s18, $0x2;
	p1 =	sne.s32 s18, $0x7E00;
	[tilespmem:s0+$0x8040] =	vst v25;
	v18 =	vadd.f32 v18, v20;
	v20 =	vld [tilespmem:s0+$0xA070]  }
0x17b: {  	v25 =	vld [tilespmem:s2+$0xC000];
	[tilespmem:s0+$0xA040] =	vst v24;
	v17 =	vadd.f32 v17, v19  }
0x17c: {  	v19 =	vld [tilespmem:s2+$0xE000];
	[tilespmem:s0+$0x8050] =	vst v18;
	v16 =	vadd.f32 v16, v21  }
0x17d: {  	v21 =	vld [tilespmem:s2+$0xC010];
	[tilespmem:s0+$0xA050] =	vst v17;
	v15 =	vadd.f32 v15, v22  }
0x17e: {  	v22 =	vld [tilespmem:s2+$0xE010];
	[tilespmem:s0+$0x8060] =	vst v16;
	v14 =	vadd.f32 v14, v23  }
0x17f: {  	v23 =	vld [tilespmem:s2+$0xC020];
	[tilespmem:s0+$0xA060] =	vst v15;
	v13 =	vadd.f32 v13, v20  }
0x180: {  	v20 =	vld [tilespmem:s2+$0xE020];
	[tilespmem:s0+$0x8070] =	vst v14  }
0x181: {  	v24 =	vld [tilespmem:s2+$0xC030];
	[tilespmem:s0+$0xA070] =	vst v13;
	s0 =	smov.u32 s2  }
0x182: {  	v26 =	vld [tilespmem:s0+$0xE030]  }
0x183: {  	v27 =	vld [tilespmem:s0+$0xC040]  }
0x184: {  	v28 =	vld [tilespmem:s0+$0xE040]  }
0x185: {  	v18 =	vld [tilespmem:s0+$0xC050]  }
0x186: {  	v17 =	vld [tilespmem:s0+$0xE050]  }
0x187: {  	v16 =	vld [tilespmem:s0+$0xC060]  }
0x188: {  	v15 =	vld [tilespmem:s0+$0xE060]  }
0x189: {  	v14 =	vld [tilespmem:s0+$0xC070]  }
0x18a: {  	v13 =	vld [tilespmem:s0+$0xE070]  }
0x18b: {  	v29 =	vld [tilespmem:s0+$0x8000]  }
0x18c: {  	v30 =	vld [tilespmem:s0+$0xA000]  }
0x18d: {  	v31 =	vld [tilespmem:s0+$0x8010]  }
0x18e: {  	v32 =	vld [tilespmem:s0+$0xA010]  }
0x18f: {  	v33 =	vld [tilespmem:s0+$0x8020]  }
0x190: {  	v25 =	vadd.f32 v25, v29;
	v29 =	vld [tilespmem:s0+$0xA020]  }
0x191: {  	v19 =	vadd.f32 v19, v30;
	v30 =	vld [tilespmem:s0+$0x8030]  }
0x192: {  	[tilespmem:s0+$0x8000] =	vst v25;
	v21 =	vadd.f32 v21, v31;
	v25 =	vld [tilespmem:s0+$0xA030]  }
0x193: {  	[tilespmem:s0+$0xA000] =	vst v19;
	v19 =	vadd.f32 v22, v32;
	v22 =	vld [tilespmem:s0+$0x8040]  }
0x194: {  	[tilespmem:s0+$0x8010] =	vst v21;
	v21 =	vadd.f32 v23, v33;
	v23 =	vld [tilespmem:s0+$0xA040]  }
.Ltmp2:
0x195: {  	[tilespmem:s0+$0xA010] =	vst v19;
	v29 =	vadd.f32 v20, v29;
	v20 =	vld [tilespmem:s0+$0x8050];
	(pc) =	sbr.rel @p1 .LBB2_7-.Ltmp2, $4  }
0x196: {  	[tilespmem:s0+$0x8020] =	vst v21;
	v24 =	vadd.f32 v24, v30;
	v19 =	vld [tilespmem:s0+$0xA050]  }
0x197: {  	[tilespmem:s0+$0xA020] =	vst v29;
	v26 =	vadd.f32 v26, v25;
	v21 =	vld [tilespmem:s0+$0x8060]  }
0x198: {  	[tilespmem:s0+$0x8030] =	vst v24;
	v25 =	vadd.f32 v27, v22;
	v22 =	vld [tilespmem:s0+$0xA060]  }
0x199: {  	s18 =	sadd.s32 $0x200, s18;
	[tilespmem:s0+$0xA030] =	vst v26;
	v24 =	vadd.f32 v28, v23;
	v23 =	vld [tilespmem:s0+$0x8070]  }
0x19a: {  	[tilespmem:s0+$0x8040] =	vst v25;
	v18 =	vadd.f32 v18, v20;
	v63 =	vld [tilespmem:s0+$0xA070]  }
0x19b: {  	[tilespmem:s0+$0xA040] =	vst v24;
	v17 =	vadd.f32 v17, v19  }
0x19c: {  	[tilespmem:s0+$0x8050] =	vst v18;
	v16 =	vadd.f32 v16, v21  }
0x19d: {  	[tilespmem:s0+$0xA050] =	vst v17;
	v15 =	vadd.f32 v15, v22  }
0x19e: {  	s2 =	rddreg [dreg:$0xb];
	[tilespmem:s0+$0x8060] =	vst v16;
	v14 =	vadd.f32 v14, v23  }
0x19f: {  	s2 =	sadd.s32 @!p0 s31, s2;
	[tilespmem:s0+$0xA060] =	vst v15;
	v13 =	vadd.f32 v13, v63  }
0x1a0: {  	s2 =	sshrl.u32 @!p0 s2, $0x3;
	[tilespmem:s0+$0x8070] =	vst v14  }
0x1a1: {  	s4 =	simm.s32 @!p0 $0x0;
	s18 =	simm.s32 @!p0 $0x10080;
	[tilespmem:s0+$0xA070] =	vst v13;
	s0 =	sadd.s32 @!p0 s8, s2  }
0x1a2: {  	[tilespmem:s18], [sflag:$0x3] =	stream.linear.gather @!p0 [hbm4b:s0+s4], $0x40, $0x38;
	[tilespmem:$0x17D80] =	vst v63  }
0x1a3: {  	s0 =	sadd.s32 @!p0 s9, s2;
	s2 =	simm.s32 @!p0 $0x100C0  }
0x1a4: {  	[tilespmem:s2], [sflag:$0x4] =	stream.linear.gather @!p0 [hbm4b:s0+s4], $0x40, $0x38;
	[tilespmem:$0x17D80] =	vst v63  }
0x1a5: {  	s4 =	sshll.u32 s23, $0x4  }
0x1a6: {  	s0 =	sand.u32 $0x1FFFFC00, s4  }
0x1a7: {  	s20 =	sadd.s32 $0x1, s20;
	s31 =	simm.s32 $0x8000;
	s18 =	sadd.s32 s13, s0  }
0x1a8: {  	[hbm4b:s18+s3] =	stream.linear.scatter [tilespmem:s31], [sflag:$0x11], $0x2000, $0x38;
	[tilespmem:$0x17D80] =	vst v63  }
0x1a9: {  	s2 =	simm.s32 $0xA000;
	p0 =	sne.s32 s20, $0x28;
	s0 =	sadd.s32 s14, s0  }
0x1aa: {  	[hbm4b:s0+s3] =	stream.linear.scatter [tilespmem:s2], [sflag:$0x12], $0x2000, $0x38;
	[tilespmem:$0x17D80] =	vst v63  }
.Ltmp3:
0x1ab: {  	_ = 	snop;
	(pc) =	sbr.rel @p0 .LBB2_4-.Ltmp3, $4  }
0x1ac: {  	s19 =	sadd.s32 s15, s23;
	s23 =	sshrl.u32 s23, $0x3  }
0x1ad: {  	[hbm4b:s19+s3] =	stream.linear.scatter [tilespmem:s30], [sflag:$0x13], $0x200, $0x38;
	[tilespmem:$0x17D80] =	vst v63  }
0x1ae: {  	s29 =	simm.s32 $0x17940;
	s0 =	sadd.s32 s16, s23  }
0x1af: {  	[hbm4b:s0+s3] =	stream.linear.scatter [tilespmem:s29], [sflag:$0x14], $0x40, $0x38;
	[tilespmem:$0x17D80] =	vst v63  }
0x1b0: {  	s0 =	simm.s32 $0xD  }
0x1b1: {  	_ =	swait.ge [sflag:s0], $0x2000  }
0x1b2: {  	[sflag:s0] =	ssyncset.done $0x0  }
0x1b3: {  	s2 =	simm.s32 $0xE;
	[sflag:s0] =	ssyncadd.s32 $0xFFFFE000  }
0x1b4: {  	_ =	swait.ge [sflag:s2], $0x2000  }
0x1b5: {  	[sflag:s2] =	ssyncset.done $0x0  }
0x1b6: {  	s4 =	simm.s32 $0xF;
	[sflag:s2] =	ssyncadd.s32 $0xFFFFE000  }
0x1b7: {  	_ =	swait.ge [sflag:s4], $0x200  }
0x1b8: {  	[sflag:s4] =	ssyncset.done $0x0  }
0x1b9: {  	s18 =	simm.s32 $0x10;
	[sflag:s4] =	ssyncadd.s32 $0xFFFFFE00  }
0x1ba: {  	_ =	swait.ge [sflag:s18], $0x40  }
0x1bb: {  	[sflag:s18] =	ssyncset.done $0x0  }
0x1bc: {  	s19 =	simm.s32 $0x11;
	[sflag:s18] =	ssyncadd.s32 $0xFFFFFFC0  }
0x1bd: {  	_ =	swait.ge [sflag:s19], $0x2000  }
0x1be: {  	[sflag:s19] =	ssyncset.done $0x0  }
0x1bf: {  	s20 =	simm.s32 $0x12;
	[sflag:s19] =	ssyncadd.s32 $0xFFFFE000  }
0x1c0: {  	_ =	swait.ge [sflag:s20], $0x2000  }
0x1c1: {  	[sflag:s20] =	ssyncset.done $0x0  }
0x1c2: {  	s23 =	simm.s32 $0x13;
	[sflag:s20] =	ssyncadd.s32 $0xFFFFE000  }
0x1c3: {  	_ =	swait.ge [sflag:s23], $0x200  }
0x1c4: {  	[sflag:s23] =	ssyncset.done $0x0  }
0x1c5: {  	s2 =	simm.s32 $0x14;
	[sflag:s23] =	ssyncadd.s32 $0xFFFFFE00  }
0x1c6: {  	_ =	swait.ge [sflag:s2], $0x40  }
0x1c7: {  	s4 =	rddreg [dreg:$0xd]  }
0x1c8: {  	s29 =	rddreg [dreg:$0xc];
	s4 =	sadd.s32 $0x1, s4  }
0x1c9: {  	p0 =	sne.s32 s4, s29  }
.Ltmp4:
0x1ca: {  	_ = 	snop;
	(pc) =	sbr.rel @p0 .LBB2_1-.Ltmp4, $3  }
0x1cb: {  	_ =	sdelay $0x1  }
0x1cc: {  	[sflag:s2] =	ssyncset.done $0x0  }
0x1cd: {  	[sflag:s2] =	ssyncadd.s32 $0xFFFFFFC0  }
0x1ce: {  	_ =	sfence.sel $0x180000  }
0x1cf: {  	[bflag:$0x0] =	sbarrier.arrive $0xFFFF  }
0x1d0: {  	_ =	strace $0x90000047  }
0x1d1: {  	s0 =	stileid.u32;
	[bflag:$0x2] =	sbarrier.arrive $0xFFFF  }
0x1d2: {  	p0 =	sne.s32 s0, $0x0;
	s0 =	rddreg [dreg:$0x3]  }
0x1d3: {  	s0 =	sadd.s32 @!p0 $0x100000, s0  }
0x1d4: {  	[sflag:s0] =	ssyncadd.tile.s32 @!p0 $0x1;
	_ =	shalt  }
.Lfunc_end2:
_tile_overlayer_lowered:
.L_overlay_start_2:
0x1d5: {  	(tag) =	ssettag $0x2  }
0x1d6: {  	s0 =	rddreg [dreg:$0x0];
	s2 =	stileid.u32  }
0x1d7: {  	s1 =	rddreg [dreg:$0x1];
	p0 =	sne.s32 s2, $0x0  }
0x1d8: {  	s3 =	rddreg [dreg:$0x2];
	[bflag:$0x3] =	sbarrier.arrive $0xFFFF;
	s2 =	simm.s32 @!p0 $0x1C15  }
0x1d9: {  	[timem:s3], [sflag:s2] =	dma.local @!p0 [hbm:s0], s1  }
0x1da: {  	s0 =	simm.s32 @!p0 $0x15  }
0x1db: {  	_ =	swait.ge @!p0 [sflag:s0], s1  }
0x1dc: {  	s1 =	ssub.s32 @!p0 $0x0, s1;
	[sflag:s0] =	ssyncset.done @!p0 $0x0  }
0x1dd: {  	[sflag:s0] =	ssyncadd.s32 @!p0 s1  }
0x1de: {  	[bflag:$0x3] =	sbarrier.arrive $0xFFFF  }
0x1df: {  	_ =	shalt  }

</sc_bundles>
